<compile_context>
chip_gen: v7x
topology: tpu7x:2x2x1
jax: 0.10.2.dev20260603
libtpu: 0.0.44.dev20260713+nightly
codegen_flags: <defaults>
</compile_context>

<pallas_src>
import functools
import math

import jax
import jax.numpy as jnp
from jax import lax
from jax.experimental import pallas as pl
from jax.experimental.pallas import tpu as pltpu
from jax.experimental.pallas import tpu_sc as plsc

D = 32
L = 16
CH = 128
SCALE = math.sqrt(D)


def _body(n_ch, w_hbm, i_hbm, out_hbm, idx_v, buf, gsem, ssem):
  nc = 2
  wid = lax.axis_index("s") * nc + lax.axis_index("c")

  pltpu.sync_copy(i_hbm.at[pl.ds(wid * n_ch, n_ch)], idx_v)

  def chunk(j, carry):
    pltpu.async_copy(w_hbm.at[idx_v.at[j]], buf, gsem).wait()

    for i in range(CH):
      buf[i, pl.ds(0, L)] = buf[i, pl.ds(0, L)] * SCALE
      buf[i, pl.ds(L, L)] = buf[i, pl.ds(L, L)] * SCALE

    row0 = (wid * n_ch + j) * CH
    pltpu.async_copy(buf, out_hbm.at[pl.ds(row0, CH)], ssem).wait()
    return carry

  lax.fori_loop(0, n_ch, chunk, 0, unroll=False)


def kernel(x, weight):
  B0, S = x.shape
  B = B0 * S
  nw = 32
  n_ch = B // (nw * CH)
  assert B % (nw * CH) == 0

  idx = x.reshape(B // CH, CH).astype(jnp.int32)

  mesh = plsc.VectorSubcoreMesh(core_axis_name="c", subcore_axis_name="s")
  k = pl.kernel(
      functools.partial(_body, n_ch),
      out_type=jax.ShapeDtypeStruct((B, D), jnp.float32),
      mesh=mesh,
      scratch_types=[
          pltpu.VMEM((n_ch, CH), jnp.int32),
          pltpu.VMEM((CH, D), jnp.float32),
          pltpu.SemaphoreType.DMA,
          pltpu.SemaphoreType.DMA,
      ],
      compiler_params=pltpu.CompilerParams(use_tc_tiling_on_sc=False),
  )
  out = k(weight, idx)
  return out.reshape(B0, S, D)

# --- scband reference (transcript-rebuilt; emitter-appended) ---
"""Pipeline reference for scband-genre-embedding-29008209118041 (READ-ONLY COPY).

The authoritative reference and input builder live on the scoring server;
editing this copy changes nothing except your own understanding.
"""

import jax, jax.numpy as jnp
import numpy as np
import math

LEN_GENRE = 1000000
D_MODEL = 32

def setup_inputs(seed: int = 0) -> dict:
    key = jax.random.key(seed)
    k1, k2 = jax.random.split(key)
    x = jax.random.randint(k1, (16384, 50), 0, LEN_GENRE, dtype=jnp.int64)
    # nn.Embedding default init: N(0, 1)
    weight = jax.random.normal(k2, (LEN_GENRE, D_MODEL), dtype=jnp.float32)
    return {"x": x, "weight": weight}

def reference(x, weight):
    emb = jnp.take(weight, x, axis=0)
    return emb * math.sqrt(weight.shape[1])

if __name__ == "__main__":
    import jax
    _d = setup_inputs()
    print(jax.jit(kernel)(*tuple(_d.values())))

</pallas_src>

<mosaic_0001>
#map = affine_map<(d0, d1) -> (0, 0)>
module attributes {stable_mosaic.version = 14 : i64} {
  func.func @_body(%arg0: i32, %arg1: i32, %arg2: memref<1000000x32xf32, #tpu.memory_space<hbm>>, %arg3: memref<6400x128xi32, #tpu.memory_space<hbm>>, %arg4: memref<819200x32xf32, #tpu.memory_space<hbm>>, %arg5: memref<200x128xi32, #tpu.memory_space<vmem>>, %arg6: memref<128x32xf32, #tpu.memory_space<vmem>>, %arg7: memref<!tpu.dma_semaphore, #tpu.memory_space<semaphore_mem>>, %arg8: memref<!tpu.dma_semaphore, #tpu.memory_space<semaphore_mem>>) attributes {dimension_semantics = [#tpu.dimension_semantics<core_parallel>, #tpu.dimension_semantics<subcore_parallel>], iteration_bounds = array<i64: 2, 16>, scalar_prefetch = 0 : i64, scratch_operands = 4 : i64, tpu.core_type = #tpu.core_type<sc_vector_subcore>, window_params = [{transform_indices = #map}, {transform_indices = #map}, {transform_indices = #map}]} {
    %mul3A = arith.constant 2 : i32
    %mul3A_0 = arith.muli %arg1, %mul3A : i32
    %add3A = arith.addi %mul3A_0, %arg0 : i32
    %mul3A_1 = arith.constant 200 : i32
    %mul3A_2 = arith.muli %add3A, %mul3A_1 : i32
    "tpu.region"() ({
      %run_scoped3A = tpu.sem_alloc : memref<!tpu.dma_semaphore, #tpu.memory_space<semaphore_mem>>
      %dma_start3A = arith.constant 0 : i32
      %dma_start3A_8 = tpu.memref_slice %arg3[%mul3A_2, %dma_start3A] : memref<6400x128xi32, #tpu.memory_space<hbm>> -> memref<200x128xi32, #tpu.memory_space<hbm>>
      %dma_start3A_9 = arith.constant 0 : i32
      %dma_start3A_10 = tpu.memref_slice %arg3[%mul3A_2, %dma_start3A_9] : memref<6400x128xi32, #tpu.memory_space<hbm>> -> memref<200x128xi32, #tpu.memory_space<hbm>>
      tpu.enqueue_dma source(%dma_start3A_10 : memref<200x128xi32, #tpu.memory_space<hbm>>) target(%arg5 : memref<200x128xi32, #tpu.memory_space<vmem>>) target_semaphore(%run_scoped3A : memref<!tpu.dma_semaphore, #tpu.memory_space<semaphore_mem>>)
      %dma_wait3A = arith.constant 0 : i32
      %dma_wait3A_11 = tpu.memref_slice %arg3[%mul3A_2, %dma_wait3A] : memref<6400x128xi32, #tpu.memory_space<hbm>> -> memref<200x128xi32, #tpu.memory_space<hbm>>
      %dma_wait3A_12 = arith.constant 0 : i32
      %dma_wait3A_13 = tpu.memref_slice %arg3[%mul3A_2, %dma_wait3A_12] : memref<6400x128xi32, #tpu.memory_space<hbm>> -> memref<200x128xi32, #tpu.memory_space<hbm>>
      tpu.wait_dma2 semaphore(%run_scoped3A : memref<!tpu.dma_semaphore, #tpu.memory_space<semaphore_mem>>) src(%dma_wait3A_13 : memref<200x128xi32, #tpu.memory_space<hbm>>) dst(%arg5 : memref<200x128xi32, #tpu.memory_space<vmem>>)
      tpu.yield
    }) : () -> ()
    %scan3A = arith.constant 0 : i32
    %scan3A_3 = arith.constant 0 : i32
    %scan3A_4 = arith.constant 200 : i32
    %scan3A_5 = arith.addi %scan3A_3, %scan3A_4 : i32
    %scan3A_6 = arith.constant 1 : i32
    scf.for %scan3A_8 = %scan3A_3 to %scan3A_5 step %scan3A_6  : i32 {
      %dma_start3A = arith.constant 0 : i32
      %dma_start3A_9 = tpu.memref_slice %arg5[%scan3A_8, %dma_start3A] : memref<200x128xi32, #tpu.memory_space<vmem>> -> memref<1x128xi32, #tpu.memory_space<vmem>>
      %dma_start3A_10 = tpu.memref_squeeze %dma_start3A_9 : memref<1x128xi32, #tpu.memory_space<vmem>> -> memref<128xi32, #tpu.memory_space<vmem>>
      %dma_start3A_11 = arith.constant 0 : i32
      %dma_start3A_12 = arith.constant 0 : i32
      %dma_start3A_13 = tpu.memref_slice %arg2[%dma_start3A_11, %dma_start3A_12] : memref<1000000x32xf32, #tpu.memory_space<hbm>> -> memref<1000000x32xf32, #tpu.memory_space<hbm>>
      tpu.enqueue_indirect_dma source(%dma_start3A_13 : memref<1000000x32xf32, #tpu.memory_space<hbm>>) target(%arg6 : memref<128x32xf32, #tpu.memory_space<vmem>>) offsets(%dma_start3A_10 : memref<128xi32, #tpu.memory_space<vmem>>) semaphore(%arg7 : memref<!tpu.dma_semaphore, #tpu.memory_space<semaphore_mem>>)
      %dma_wait3A = arith.constant 0 : i32
      %dma_wait3A_14 = tpu.memref_slice %arg5[%scan3A_8, %dma_wait3A] : memref<200x128xi32, #tpu.memory_space<vmem>> -> memref<1x128xi32, #tpu.memory_space<vmem>>
      %dma_wait3A_15 = tpu.memref_squeeze %dma_wait3A_14 : memref<1x128xi32, #tpu.memory_space<vmem>> -> memref<128xi32, #tpu.memory_space<vmem>>
      %dma_wait3A_16 = arith.constant 0 : i32
      %dma_wait3A_17 = arith.constant 0 : i32
      %dma_wait3A_18 = tpu.memref_slice %arg2[%dma_wait3A_16, %dma_wait3A_17] : memref<1000000x32xf32, #tpu.memory_space<hbm>> -> memref<1000000x32xf32, #tpu.memory_space<hbm>>
      tpu.wait_indirect_dma semaphore(%arg7 : memref<!tpu.dma_semaphore, #tpu.memory_space<semaphore_mem>>) src(%dma_wait3A_18 : memref<1000000x32xf32, #tpu.memory_space<hbm>>) dst(%arg6 : memref<128x32xf32, #tpu.memory_space<vmem>>)
      %get3A = arith.constant 0 : i32
      %get3A_19 = arith.index_cast %get3A : i32 to index
      %get3A_20 = arith.constant 0 : index
      %get3A_21 = tpu.vector_load %arg6[%get3A_19, %get3A_20] {strides = array<i32>} : memref<128x32xf32, #tpu.memory_space<vmem>>, vector<1x16xf32>,
      %get3A_22 = vector.shape_cast %get3A_21 : vector<1x16xf32> to vector<16xf32>
      %mul3A_23 = arith.constant 5.65685415 : f32
      %mul3A_24 = vector.broadcast %mul3A_23 : f32 to vector<16xf32>
      %mul3A_25 = arith.mulf %get3A_22, %mul3A_24 : vector<16xf32>
      %swap3A = arith.constant 0 : i32
      %swap3A_26 = arith.index_cast %swap3A : i32 to index
      %swap3A_27 = arith.constant 0 : index
      %swap3A_28 = tpu.vector_load %arg6[%swap3A_26, %swap3A_27] {strides = array<i32>} : memref<128x32xf32, #tpu.memory_space<vmem>>, vector<1x16xf32>,
      %swap3A_29 = vector.shape_cast %swap3A_28 : vector<1x16xf32> to vector<16xf32>
      %swap3A_30 = vector.shape_cast %mul3A_25 : vector<16xf32> to vector<1x16xf32>
      tpu.vector_store %arg6[%swap3A_26, %swap3A_27], %swap3A_30 {strides = array<i32>} : memref<128x32xf32, #tpu.memory_space<vmem>>, vector<1x16xf32>,
      %get3A_31 = arith.constant 0 : i32
      %get3A_32 = arith.index_cast %get3A_31 : i32 to index
      %get3A_33 = arith.constant 16 : index
      %get3A_34 = tpu.vector_load %arg6[%get3A_32, %get3A_33] {strides = array<i32>} : memref<128x32xf32, #tpu.memory_space<vmem>>, vector<1x16xf32>,
      %get3A_35 = vector.shape_cast %get3A_34 : vector<1x16xf32> to vector<16xf32>
      %mul3A_36 = arith.constant 5.65685415 : f32
      %mul3A_37 = vector.broadcast %mul3A_36 : f32 to vector<16xf32>
      %mul3A_38 = arith.mulf %get3A_35, %mul3A_37 : vector<16xf32>
      %swap3A_39 = arith.constant 0 : i32
      %swap3A_40 = arith.index_cast %swap3A_39 : i32 to index
      %swap3A_41 = arith.constant 16 : index
      %swap3A_42 = tpu.vector_load %arg6[%swap3A_40, %swap3A_41] {strides = array<i32>} : memref<128x32xf32, #tpu.memory_space<vmem>>, vector<1x16xf32>,
      %swap3A_43 = vector.shape_cast %swap3A_42 : vector<1x16xf32> to vector<16xf32>
      %swap3A_44 = vector.shape_cast %mul3A_38 : vector<16xf32> to vector<1x16xf32>
      tpu.vector_store %arg6[%swap3A_40, %swap3A_41], %swap3A_44 {strides = array<i32>} : memref<128x32xf32, #tpu.memory_space<vmem>>, vector<1x16xf32>,
      %get3A_45 = arith.constant 1 : i32
      %get3A_46 = arith.index_cast %get3A_45 : i32 to index
      %get3A_47 = arith.constant 0 : index
      %get3A_48 = tpu.vector_load %arg6[%get3A_46, %get3A_47] {strides = array<i32>} : memref<128x32xf32, #tpu.memory_space<vmem>>, vector<1x16xf32>,
      %get3A_49 = vector.shape_cast %get3A_48 : vector<1x16xf32> to vector<16xf32>
      %mul3A_50 = arith.constant 5.65685415 : f32
      %mul3A_51 = vector.broadcast %mul3A_50 : f32 to vector<16xf32>
      %mul3A_52 = arith.mulf %get3A_49, %mul3A_51 : vector<16xf32>
      %swap3A_53 = arith.constant 1 : i32
      %swap3A_54 = arith.index_cast %swap3A_53 : i32 to index
      %swap3A_55 = arith.constant 0 : index
      %swap3A_56 = tpu.vector_load %arg6[%swap3A_54, %swap3A_55] {strides = array<i32>} : memref<128x32xf32, #tpu.memory_space<vmem>>, vector<1x16xf32>,
      %swap3A_57 = vector.shape_cast %swap3A_56 : vector<1x16xf32> to vector<16xf32>
      %swap3A_58 = vector.shape_cast %mul3A_52 : vector<16xf32> to vector<1x16xf32>
      tpu.vector_store %arg6[%swap3A_54, %swap3A_55], %swap3A_58 {strides = array<i32>} : memref<128x32xf32, #tpu.memory_space<vmem>>, vector<1x16xf32>,
      %get3A_59 = arith.constant 1 : i32
      %get3A_60 = arith.index_cast %get3A_59 : i32 to index
      %get3A_61 = arith.constant 16 : index
      %get3A_62 = tpu.vector_load %arg6[%get3A_60, %get3A_61] {strides = array<i32>} : memref<128x32xf32, #tpu.memory_space<vmem>>, vector<1x16xf32>,
      %get3A_63 = vector.shape_cast %get3A_62 : vector<1x16xf32> to vector<16xf32>
      %mul3A_64 = arith.constant 5.65685415 : f32
      %mul3A_65 = vector.broadcast %mul3A_64 : f32 to vector<16xf32>
      %mul3A_66 = arith.mulf %get3A_63, %mul3A_65 : vector<16xf32>
      %swap3A_67 = arith.constant 1 : i32
      %swap3A_68 = arith.index_cast %swap3A_67 : i32 to index
      %swap3A_69 = arith.constant 16 : index
      %swap3A_70 = tpu.vector_load %arg6[%swap3A_68, %swap3A_69] {strides = array<i32>} : memref<128x32xf32, #tpu.memory_space<vmem>>, vector<1x16xf32>,
      %swap3A_71 = vector.shape_cast %swap3A_70 : vector<1x16xf32> to vector<16xf32>
      %swap3A_72 = vector.shape_cast %mul3A_66 : vector<16xf32> to vector<1x16xf32>
      tpu.vector_store %arg6[%swap3A_68, %swap3A_69], %swap3A_72 {strides = array<i32>} : memref<128x32xf32, #tpu.memory_space<vmem>>, vector<1x16xf32>,
      %get3A_73 = arith.constant 2 : i32
      %get3A_74 = arith.index_cast %get3A_73 : i32 to index
      %get3A_75 = arith.constant 0 : index
      %get3A_76 = tpu.vector_load %arg6[%get3A_74, %get3A_75] {strides = array<i32>} : memref<128x32xf32, #tpu.memory_space<vmem>>, vector<1x16xf32>,
      %get3A_77 = vector.shape_cast %get3A_76 : vector<1x16xf32> to vector<16xf32>
      %mul3A_78 = arith.constant 5.65685415 : f32
      %mul3A_79 = vector.broadcast %mul3A_78 : f32 to vector<16xf32>
      %mul3A_80 = arith.mulf %get3A_77, %mul3A_79 : vector<16xf32>
      %swap3A_81 = arith.constant 2 : i32
      %swap3A_82 = arith.index_cast %swap3A_81 : i32 to index
      %swap3A_83 = arith.constant 0 : index
      %swap3A_84 = tpu.vector_load %arg6[%swap3A_82, %swap3A_83] {strides = array<i32>} : memref<128x32xf32, #tpu.memory_space<vmem>>, vector<1x16xf32>,
      %swap3A_85 = vector.shape_cast %swap3A_84 : vector<1x16xf32> to vector<16xf32>
      %swap3A_86 = vector.shape_cast %mul3A_80 : vector<16xf32> to vector<1x16xf32>
      tpu.vector_store %arg6[%swap3A_82, %swap3A_83], %swap3A_86 {strides = array<i32>} : memref<128x32xf32, #tpu.memory_space<vmem>>, vector<1x16xf32>,
      %get3A_87 = arith.constant 2 : i32
      %get3A_88 = arith.index_cast %get3A_87 : i32 to index
      %get3A_89 = arith.constant 16 : index
      %get3A_90 = tpu.vector_load %arg6[%get3A_88, %get3A_89] {strides = array<i32>} : memref<128x32xf32, #tpu.memory_space<vmem>>, vector<1x16xf32>,
      %get3A_91 = vector.shape_cast %get3A_90 : vector<1x16xf32> to vector<16xf32>
      %mul3A_92 = arith.constant 5.65685415 : f32
      %mul3A_93 = vector.broadcast %mul3A_92 : f32 to vector<16xf32>
      %mul3A_94 = arith.mulf %get3A_91, %mul3A_93 : vector<16xf32>
      %swap3A_95 = arith.constant 2 : i32
      %swap3A_96 = arith.index_cast %swap3A_95 : i32 to index
      %swap3A_97 = arith.constant 16 : index
      %swap3A_98 = tpu.vector_load %arg6[%swap3A_96, %swap3A_97] {strides = array<i32>} : memref<128x32xf32, #tpu.memory_space<vmem>>, vector<1x16xf32>,
      %swap3A_99 = vector.shape_cast %swap3A_98 : vector<1x16xf32> to vector<16xf32>
      %swap3A_100 = vector.shape_cast %mul3A_94 : vector<16xf32> to vector<1x16xf32>
      tpu.vector_store %arg6[%swap3A_96, %swap3A_97], %swap3A_100 {strides = array<i32>} : memref<128x32xf32, #tpu.memory_space<vmem>>, vector<1x16xf32>,
      %get3A_101 = arith.constant 3 : i32
      %get3A_102 = arith.index_cast %get3A_101 : i32 to index
      %get3A_103 = arith.constant 0 : index
      %get3A_104 = tpu.vector_load %arg6[%get3A_102, %get3A_103] {strides = array<i32>} : memref<128x32xf32, #tpu.memory_space<vmem>>, vector<1x16xf32>,
      %get3A_105 = vector.shape_cast %get3A_104 : vector<1x16xf32> to vector<16xf32>
      %mul3A_106 = arith.constant 5.65685415 : f32
      %mul3A_107 = vector.broadcast %mul3A_106 : f32 to vector<16xf32>
      %mul3A_108 = arith.mulf %get3A_105, %mul3A_107 : vector<16xf32>
      %swap3A_109 = arith.constant 3 : i32
      %swap3A_110 = arith.index_cast %swap3A_109 : i32 to index
      %swap3A_111 = arith.constant 0 : index
      %swap3A_112 = tpu.vector_load %arg6[%swap3A_110, %swap3A_111] {strides = array<i32>} : memref<128x32xf32, #tpu.memory_space<vmem>>, vector<1x16xf32>,
      %swap3A_113 = vector.shape_cast %swap3A_112 : vector<1x16xf32> to vector<16xf32>
      %swap3A_114 = vector.shape_cast %mul3A_108 : vector<16xf32> to vector<1x16xf32>
      tpu.vector_store %arg6[%swap3A_110, %swap3A_111], %swap3A_114 {strides = array<i32>} : memref<128x32xf32, #tpu.memory_space<vmem>>, vector<1x16xf32>,
      %get3A_115 = arith.constant 3 : i32
      %get3A_116 = arith.index_cast %get3A_115 : i32 to index
      %get3A_117 = arith.constant 16 : index
      %get3A_118 = tpu.vector_load %arg6[%get3A_116, %get3A_117] {strides = array<i32>} : memref<128x32xf32, #tpu.memory_space<vmem>>, vector<1x16xf32>,
      %get3A_119 = vector.shape_cast %get3A_118 : vector<1x16xf32> to vector<16xf32>
      %mul3A_120 = arith.constant 5.65685415 : f32
      %mul3A_121 = vector.broadcast %mul3A_120 : f32 to vector<16xf32>
      %mul3A_122 = arith.mulf %get3A_119, %mul3A_121 : vector<16xf32>
      %swap3A_123 = arith.constant 3 : i32
      %swap3A_124 = arith.index_cast %swap3A_123 : i32 to index
      %swap3A_125 = arith.constant 16 : index
      %swap3A_126 = tpu.vector_load %arg6[%swap3A_124, %swap3A_125] {strides = array<i32>} : memref<128x32xf32, #tpu.memory_space<vmem>>, vector<1x16xf32>,
      %swap3A_127 = vector.shape_cast %swap3A_126 : vector<1x16xf32> to vector<16xf32>
      %swap3A_128 = vector.shape_cast %mul3A_122 : vector<16xf32> to vector<1x16xf32>
      tpu.vector_store %arg6[%swap3A_124, %swap3A_125], %swap3A_128 {strides = array<i32>} : memref<128x32xf32, #tpu.memory_space<vmem>>, vector<1x16xf32>,
      %get3A_129 = arith.constant 4 : i32
      %get3A_130 = arith.index_cast %get3A_129 : i32 to index
      %get3A_131 = arith.constant 0 : index
      %get3A_132 = tpu.vector_load %arg6[%get3A_130, %get3A_131] {strides = array<i32>} : memref<128x32xf32, #tpu.memory_space<vmem>>, vector<1x16xf32>,
      %get3A_133 = vector.shape_cast %get3A_132 : vector<1x16xf32> to vector<16xf32>
      %mul3A_134 = arith.constant 5.65685415 : f32
      %mul3A_135 = vector.broadcast %mul3A_134 : f32 to vector<16xf32>
      %mul3A_136 = arith.mulf %get3A_133, %mul3A_135 : vector<16xf32>
      %swap3A_137 = arith.constant 4 : i32
      %swap3A_138 = arith.index_cast %swap3A_137 : i32 to index
      %swap3A_139 = arith.constant 0 : index
      %swap3A_140 = tpu.vector_load %arg6[%swap3A_138, %swap3A_139] {strides = array<i32>} : memref<128x32xf32, #tpu.memory_space<vmem>>, vector<1x16xf32>,
      %swap3A_141 = vector.shape_cast %swap3A_140 : vector<1x16xf32> to vector<16xf32>
      %swap3A_142 = vector.shape_cast %mul3A_136 : vector<16xf32> to vector<1x16xf32>
      tpu.vector_store %arg6[%swap3A_138, %swap3A_139], %swap3A_142 {strides = array<i32>} : memref<128x32xf32, #tpu.memory_space<vmem>>, vector<1x16xf32>,
      %get3A_143 = arith.constant 4 : i32
      %get3A_144 = arith.index_cast %get3A_143 : i32 to index
      %get3A_145 = arith.constant 16 : index
      %get3A_146 = tpu.vector_load %arg6[%get3A_144, %get3A_145] {strides = array<i32>} : memref<128x32xf32, #tpu.memory_space<vmem>>, vector<1x16xf32>,
      %get3A_147 = vector.shape_cast %get3A_146 : vector<1x16xf32> to vector<16xf32>
      %mul3A_148 = arith.constant 5.65685415 : f32
      %mul3A_149 = vector.broadcast %mul3A_148 : f32 to vector<16xf32>
      %mul3A_150 = arith.mulf %get3A_147, %mul3A_149 : vector<16xf32>
      %swap3A_151 = arith.constant 4 : i32
      %swap3A_152 = arith.index_cast %swap3A_151 : i32 to index
      %swap3A_153 = arith.constant 16 : index
      %swap3A_154 = tpu.vector_load %arg6[%swap3A_152, %swap3A_153] {strides = array<i32>} : memref<128x32xf32, #tpu.memory_space<vmem>>, vector<1x16xf32>,
      %swap3A_155 = vector.shape_cast %swap3A_154 : vector<1x16xf32> to vector<16xf32>
      %swap3A_156 = vector.shape_cast %mul3A_150 : vector<16xf32> to vector<1x16xf32>
      tpu.vector_store %arg6[%swap3A_152, %swap3A_153], %swap3A_156 {strides = array<i32>} : memref<128x32xf32, #tpu.memory_space<vmem>>, vector<1x16xf32>,
      %get3A_157 = arith.constant 5 : i32
      %get3A_158 = arith.index_cast %get3A_157 : i32 to index
      %get3A_159 = arith.constant 0 : index
      %get3A_160 = tpu.vector_load %arg6[%get3A_158, %get3A_159] {strides = array<i32>} : memref<128x32xf32, #tpu.memory_space<vmem>>, vector<1x16xf32>,
      %get3A_161 = vector.shape_cast %get3A_160 : vector<1x16xf32> to vector<16xf32>
      %mul3A_162 = arith.constant 5.65685415 : f32
      %mul3A_163 = vector.broadcast %mul3A_162 : f32 to vector<16xf32>
      %mul3A_164 = arith.mulf %get3A_161, %mul3A_163 : vector<16xf32>
      %swap3A_165 = arith.constant 5 : i32
      %swap3A_166 = arith.index_cast %swap3A_165 : i32 to index
      %swap3A_167 = arith.constant 0 : index
      %swap3A_168 = tpu.vector_load %arg6[%swap3A_166, %swap3A_167] {strides = array<i32>} : memref<128x32xf32, #tpu.memory_space<vmem>>, vector<1x16xf32>,
      %swap3A_169 = vector.shape_cast %swap3A_168 : vector<1x16xf32> to vector<16xf32>
      %swap3A_170 = vector.shape_cast %mul3A_164 : vector<16xf32> to vector<1x16xf32>
      tpu.vector_store %arg6[%swap3A_166, %swap3A_167], %swap3A_170 {strides = array<i32>} : memref<128x32xf32, #tpu.memory_space<vmem>>, vector<1x16xf32>,
      %get3A_171 = arith.constant 5 : i32
      %get3A_172 = arith.index_cast %get3A_171 : i32 to index
      %get3A_173 = arith.constant 16 : index
      %get3A_174 = tpu.vector_load %arg6[%get3A_172, %get3A_173] {strides = array<i32>} : memref<128x32xf32, #tpu.memory_space<vmem>>, vector<1x16xf32>,
      %get3A_175 = vector.shape_cast %get3A_174 : vector<1x16xf32> to vector<16xf32>
      %mul3A_176 = arith.constant 5.65685415 : f32
      %mul3A_177 = vector.broadcast %mul3A_176 : f32 to vector<16xf32>
      %mul3A_178 = arith.mulf %get3A_175, %mul3A_177 : vector<16xf32>
      %swap3A_179 = arith.constant 5 : i32
      %swap3A_180 = arith.index_cast %swap3A_179 : i32 to index
      %swap3A_181 = arith.constant 16 : index
      %swap3A_182 = tpu.vector_load %arg6[%swap3A_180, %swap3A_181] {strides = array<i32>} : memref<128x32xf32, #tpu.memory_space<vmem>>, vector<1x16xf32>,
      %swap3A_183 = vector.shape_cast %swap3A_182 : vector<1x16xf32> to vector<16xf32>
      %swap3A_184 = vector.shape_cast %mul3A_178 : vector<16xf32> to vector<1x16xf32>
      tpu.vector_store %arg6[%swap3A_180, %swap3A_181], %swap3A_184 {strides = array<i32>} : memref<128x32xf32, #tpu.memory_space<vmem>>, vector<1x16xf32>,
      %get3A_185 = arith.constant 6 : i32
      %get3A_186 = arith.index_cast %get3A_185 : i32 to index
      %get3A_187 = arith.constant 0 : index
      %get3A_188 = tpu.vector_load %arg6[%get3A_186, %get3A_187] {strides = array<i32>} : memref<128x32xf32, #tpu.memory_space<vmem>>, vector<1x16xf32>,
      %get3A_189 = vector.shape_cast %get3A_188 : vector<1x16xf32> to vector<16xf32>
      %mul3A_190 = arith.constant 5.65685415 : f32
      %mul3A_191 = vector.broadcast %mul3A_190 : f32 to vector<16xf32>
      %mul3A_192 = arith.mulf %get3A_189, %mul3A_191 : vector<16xf32>
      %swap3A_193 = arith.constant 6 : i32
      %swap3A_194 = arith.index_cast %swap3A_193 : i32 to index
      %swap3A_195 = arith.constant 0 : index
      %swap3A_196 = tpu.vector_load %arg6[%swap3A_194, %swap3A_195] {strides = array<i32>} : memref<128x32xf32, #tpu.memory_space<vmem>>, vector<1x16xf32>,
      %swap3A_197 = vector.shape_cast %swap3A_196 : vector<1x16xf32> to vector<16xf32>
      %swap3A_198 = vector.shape_cast %mul3A_192 : vector<16xf32> to vector<1x16xf32>
      tpu.vector_store %arg6[%swap3A_194, %swap3A_195], %swap3A_198 {strides = array<i32>} : memref<128x32xf32, #tpu.memory_space<vmem>>, vector<1x16xf32>,
      %get3A_199 = arith.constant 6 : i32
      %get3A_200 = arith.index_cast %get3A_199 : i32 to index
      %get3A_201 = arith.constant 16 : index
      %get3A_202 = tpu.vector_load %arg6[%get3A_200, %get3A_201] {strides = array<i32>} : memref<128x32xf32, #tpu.memory_space<vmem>>, vector<1x16xf32>,
      %get3A_203 = vector.shape_cast %get3A_202 : vector<1x16xf32> to vector<16xf32>
      %mul3A_204 = arith.constant 5.65685415 : f32
      %mul3A_205 = vector.broadcast %mul3A_204 : f32 to vector<16xf32>
      %mul3A_206 = arith.mulf %get3A_203, %mul3A_205 : vector<16xf32>
      %swap3A_207 = arith.constant 6 : i32
      %swap3A_208 = arith.index_cast %swap3A_207 : i32 to index
      %swap3A_209 = arith.constant 16 : index
      %swap3A_210 = tpu.vector_load %arg6[%swap3A_208, %swap3A_209] {strides = array<i32>} : memref<128x32xf32, #tpu.memory_space<vmem>>, vector<1x16xf32>,
      %swap3A_211 = vector.shape_cast %swap3A_210 : vector<1x16xf32> to vector<16xf32>
      %swap3A_212 = vector.shape_cast %mul3A_206 : vector<16xf32> to vector<1x16xf32>
      tpu.vector_store %arg6[%swap3A_208, %swap3A_209], %swap3A_212 {strides = array<i32>} : memref<128x32xf32, #tpu.memory_space<vmem>>, vector<1x16xf32>,
      %get3A_213 = arith.constant 7 : i32
      %get3A_214 = arith.index_cast %get3A_213 : i32 to index
      %get3A_215 = arith.constant 0 : index
      %get3A_216 = tpu.vector_load %arg6[%get3A_214, %get3A_215] {strides = array<i32>} : memref<128x32xf32, #tpu.memory_space<vmem>>, vector<1x16xf32>,
      %get3A_217 = vector.shape_cast %get3A_216 : vector<1x16xf32> to vector<16xf32>
      %mul3A_218 = arith.constant 5.65685415 : f32
      %mul3A_219 = vector.broadcast %mul3A_218 : f32 to vector<16xf32>
      %mul3A_220 = arith.mulf %get3A_217, %mul3A_219 : vector<16xf32>
      %swap3A_221 = arith.constant 7 : i32
      %swap3A_222 = arith.index_cast %swap3A_221 : i32 to index
      %swap3A_223 = arith.constant 0 : index
      %swap3A_224 = tpu.vector_load %arg6[%swap3A_222, %swap3A_223] {strides = array<i32>} : memref<128x32xf32, #tpu.memory_space<vmem>>, vector<1x16xf32>,
      %swap3A_225 = vector.shape_cast %swap3A_224 : vector<1x16xf32> to vector<16xf32>
      %swap3A_226 = vector.shape_cast %mul3A_220 : vector<16xf32> to vector<1x16xf32>
      tpu.vector_store %arg6[%swap3A_222, %swap3A_223], %swap3A_226 {strides = array<i32>} : memref<128x32xf32, #tpu.memory_space<vmem>>, vector<1x16xf32>,
      %get3A_227 = arith.constant 7 : i32
      %get3A_228 = arith.index_cast %get3A_227 : i32 to index
      %get3A_229 = arith.constant 16 : index
      %get3A_230 = tpu.vector_load %arg6[%get3A_228, %get3A_229] {strides = array<i32>} : memref<128x32xf32, #tpu.memory_space<vmem>>, vector<1x16xf32>,
      %get3A_231 = vector.shape_cast %get3A_230 : vector<1x16xf32> to vector<16xf32>
      %mul3A_232 = arith.constant 5.65685415 : f32
      %mul3A_233 = vector.broadcast %mul3A_232 : f32 to vector<16xf32>
      %mul3A_234 = arith.mulf %get3A_231, %mul3A_233 : vector<16xf32>
      %swap3A_235 = arith.constant 7 : i32
      %swap3A_236 = arith.index_cast %swap3A_235 : i32 to index
      %swap3A_237 = arith.constant 16 : index
      %swap3A_238 = tpu.vector_load %arg6[%swap3A_236, %swap3A_237] {strides = array<i32>} : memref<128x32xf32, #tpu.memory_space<vmem>>, vector<1x16xf32>,
      %swap3A_239 = vector.shape_cast %swap3A_238 : vector<1x16xf32> to vector<16xf32>
      %swap3A_240 = vector.shape_cast %mul3A_234 : vector<16xf32> to vector<1x16xf32>
      tpu.vector_store %arg6[%swap3A_236, %swap3A_237], %swap3A_240 {strides = array<i32>} : memref<128x32xf32, #tpu.memory_space<vmem>>, vector<1x16xf32>,
      %get3A_241 = arith.constant 8 : i32
      %get3A_242 = arith.index_cast %get3A_241 : i32 to index
      %get3A_243 = arith.constant 0 : index
      %get3A_244 = tpu.vector_load %arg6[%get3A_242, %get3A_243] {strides = array<i32>} : memref<128x32xf32, #tpu.memory_space<vmem>>, vector<1x16xf32>,
      %get3A_245 = vector.shape_cast %get3A_244 : vector<1x16xf32> to vector<16xf32>
      %mul3A_246 = arith.constant 5.65685415 : f32
      %mul3A_247 = vector.broadcast %mul3A_246 : f32 to vector<16xf32>
      %mul3A_248 = arith.mulf %get3A_245, %mul3A_247 : vector<16xf32>
      %swap3A_249 = arith.constant 8 : i32
      %swap3A_250 = arith.index_cast %swap3A_249 : i32 to index
      %swap3A_251 = arith.constant 0 : index
      %swap3A_252 = tpu.vector_load %arg6[%swap3A_250, %swap3A_251] {strides = array<i32>} : memref<128x32xf32, #tpu.memory_space<vmem>>, vector<1x16xf32>,
      %swap3A_253 = vector.shape_cast %swap3A_252 : vector<1x16xf32> to vector<16xf32>
      %swap3A_254 = vector.shape_cast %mul3A_248 : vector<16xf32> to vector<1x16xf32>
      tpu.vector_store %arg6[%swap3A_250, %swap3A_251], %swap3A_254 {strides = array<i32>} : memref<128x32xf32, #tpu.memory_space<vmem>>, vector<1x16xf32>,
      %get3A_255 = arith.constant 8 : i32
      %get3A_256 = arith.index_cast %get3A_255 : i32 to index
      %get3A_257 = arith.constant 16 : index
      %get3A_258 = tpu.vector_load %arg6[%get3A_256, %get3A_257] {strides = array<i32>} : memref<128x32xf32, #tpu.memory_space<vmem>>, vector<1x16xf32>,
      %get3A_259 = vector.shape_cast %get3A_258 : vector<1x16xf32> to vector<16xf32>
      %mul3A_260 = arith.constant 5.65685415 : f32
      %mul3A_261 = vector.broadcast %mul3A_260 : f32 to vector<16xf32>
      %mul3A_262 = arith.mulf %get3A_259, %mul3A_261 : vector<16xf32>
      %swap3A_263 = arith.constant 8 : i32
      %swap3A_264 = arith.index_cast %swap3A_263 : i32 to index
      %swap3A_265 = arith.constant 16 : index
      %swap3A_266 = tpu.vector_load %arg6[%swap3A_264, %swap3A_265] {strides = array<i32>} : memref<128x32xf32, #tpu.memory_space<vmem>>, vector<1x16xf32>,
      %swap3A_267 = vector.shape_cast %swap3A_266 : vector<1x16xf32> to vector<16xf32>
      %swap3A_268 = vector.shape_cast %mul3A_262 : vector<16xf32> to vector<1x16xf32>
      tpu.vector_store %arg6[%swap3A_264, %swap3A_265], %swap3A_268 {strides = array<i32>} : memref<128x32xf32, #tpu.memory_space<vmem>>, vector<1x16xf32>,
      %get3A_269 = arith.constant 9 : i32
      %get3A_270 = arith.index_cast %get3A_269 : i32 to index
      %get3A_271 = arith.constant 0 : index
      %get3A_272 = tpu.vector_load %arg6[%get3A_270, %get3A_271] {strides = array<i32>} : memref<128x32xf32, #tpu.memory_space<vmem>>, vector<1x16xf32>,
      %get3A_273 = vector.shape_cast %get3A_272 : vector<1x16xf32> to vector<16xf32>
      %mul3A_274 = arith.constant 5.65685415 : f32
      %mul3A_275 = vector.broadcast %mul3A_274 : f32 to vector<16xf32>
      %mul3A_276 = arith.mulf %get3A_273, %mul3A_275 : vector<16xf32>
      %swap3A_277 = arith.constant 9 : i32
      %swap3A_278 = arith.index_cast %swap3A_277 : i32 to index
      %swap3A_279 = arith.constant 0 : index
      %swap3A_280 = tpu.vector_load %arg6[%swap3A_278, %swap3A_279] {strides = array<i32>} : memref<128x32xf32, #tpu.memory_space<vmem>>, vector<1x16xf32>,
      %swap3A_281 = vector.shape_cast %swap3A_280 : vector<1x16xf32> to vector<16xf32>
      %swap3A_282 = vector.shape_cast %mul3A_276 : vector<16xf32> to vector<1x16xf32>
      tpu.vector_store %arg6[%swap3A_278, %swap3A_279], %swap3A_282 {strides = array<i32>} : memref<128x32xf32, #tpu.memory_space<vmem>>, vector<1x16xf32>,
      %get3A_283 = arith.constant 9 : i32
      %get3A_284 = arith.index_cast %get3A_283 : i32 to index
      %get3A_285 = arith.constant 16 : index
      %get3A_286 = tpu.vector_load %arg6[%get3A_284, %get3A_285] {strides = array<i32>} : memref<128x32xf32, #tpu.memory_space<vmem>>, vector<1x16xf32>,
      %get3A_287 = vector.shape_cast %get3A_286 : vector<1x16xf32> to vector<16xf32>
      %mul3A_288 = arith.constant 5.65685415 : f32
      %mul3A_289 = vector.broadcast %mul3A_288 : f32 to vector<16xf32>
      %mul3A_290 = arith.mulf %get3A_287, %mul3A_289 : vector<16xf32>
      %swap3A_291 = arith.constant 9 : i32
      %swap3A_292 = arith.index_cast %swap3A_291 : i32 to index
      %swap3A_293 = arith.constant 16 : index
      %swap3A_294 = tpu.vector_load %arg6[%swap3A_292, %swap3A_293] {strides = array<i32>} : memref<128x32xf32, #tpu.memory_space<vmem>>, vector<1x16xf32>,
      %swap3A_295 = vector.shape_cast %swap3A_294 : vector<1x16xf32> to vector<16xf32>
      %swap3A_296 = vector.shape_cast %mul3A_290 : vector<16xf32> to vector<1x16xf32>
      tpu.vector_store %arg6[%swap3A_292, %swap3A_293], %swap3A_296 {strides = array<i32>} : memref<128x32xf32, #tpu.memory_space<vmem>>, vector<1x16xf32>,
      %get3A_297 = arith.constant 10 : i32
      %get3A_298 = arith.index_cast %get3A_297 : i32 to index
      %get3A_299 = arith.constant 0 : index
      %get3A_300 = tpu.vector_load %arg6[%get3A_298, %get3A_299] {strides = array<i32>} : memref<128x32xf32, #tpu.memory_space<vmem>>, vector<1x16xf32>,
      %get3A_301 = vector.shape_cast %get3A_300 : vector<1x16xf32> to vector<16xf32>
      %mul3A_302 = arith.constant 5.65685415 : f32
      %mul3A_303 = vector.broadcast %mul3A_302 : f32 to vector<16xf32>
      %mul3A_304 = arith.mulf %get3A_301, %mul3A_303 : vector<16xf32>
      %swap3A_305 = arith.constant 10 : i32
      %swap3A_306 = arith.index_cast %swap3A_305 : i32 to index
      %swap3A_307 = arith.constant 0 : index
      %swap3A_308 = tpu.vector_load %arg6[%swap3A_306, %swap3A_307] {strides = array<i32>} : memref<128x32xf32, #tpu.memory_space<vmem>>, vector<1x16xf32>,
      %swap3A_309 = vector.shape_cast %swap3A_308 : vector<1x16xf32> to vector<16xf32>
      %swap3A_310 = vector.shape_cast %mul3A_304 : vector<16xf32> to vector<1x16xf32>
      tpu.vector_store %arg6[%swap3A_306, %swap3A_307], %swap3A_310 {strides = array<i32>} : memref<128x32xf32, #tpu.memory_space<vmem>>, vector<1x16xf32>,
      %get3A_311 = arith.constant 10 : i32
      %get3A_312 = arith.index_cast %get3A_311 : i32 to index
      %get3A_313 = arith.constant 16 : index
      %get3A_314 = tpu.vector_load %arg6[%get3A_312, %get3A_313] {strides = array<i32>} : memref<128x32xf32, #tpu.memory_space<vmem>>, vector<1x16xf32>,
      %get3A_315 = vector.shape_cast %get3A_314 : vector<1x16xf32> to vector<16xf32>
      %mul3A_316 = arith.constant 5.65685415 : f32
      %mul3A_317 = vector.broadcast %mul3A_316 : f32 to vector<16xf32>
      %mul3A_318 = arith.mulf %get3A_315, %mul3A_317 : vector<16xf32>
      %swap3A_319 = arith.constant 10 : i32
      %swap3A_320 = arith.index_cast %swap3A_319 : i32 to index
      %swap3A_321 = arith.constant 16 : index
      %swap3A_322 = tpu.vector_load %arg6[%swap3A_320, %swap3A_321] {strides = array<i32>} : memref<128x32xf32, #tpu.memory_space<vmem>>, vector<1x16xf32>,
      %swap3A_323 = vector.shape_cast %swap3A_322 : vector<1x16xf32> to vector<16xf32>
      %swap3A_324 = vector.shape_cast %mul3A_318 : vector<16xf32> to vector<1x16xf32>
      tpu.vector_store %arg6[%swap3A_320, %swap3A_321], %swap3A_324 {strides = array<i32>} : memref<128x32xf32, #tpu.memory_space<vmem>>, vector<1x16xf32>,
      %get3A_325 = arith.constant 11 : i32
      %get3A_326 = arith.index_cast %get3A_325 : i32 to index
      %get3A_327 = arith.constant 0 : index
      %get3A_328 = tpu.vector_load %arg6[%get3A_326, %get3A_327] {strides = array<i32>} : memref<128x32xf32, #tpu.memory_space<vmem>>, vector<1x16xf32>,
      %get3A_329 = vector.shape_cast %get3A_328 : vector<1x16xf32> to vector<16xf32>
      %mul3A_330 = arith.constant 5.65685415 : f32
      %mul3A_331 = vector.broadcast %mul3A_330 : f32 to vector<16xf32>
      %mul3A_332 = arith.mulf %get3A_329, %mul3A_331 : vector<16xf32>
      %swap3A_333 = arith.constant 11 : i32
      %swap3A_334 = arith.index_cast %swap3A_333 : i32 to index
      %swap3A_335 = arith.constant 0 : index
      %swap3A_336 = tpu.vector_load %arg6[%swap3A_334, %swap3A_335] {strides = array<i32>} : memref<128x32xf32, #tpu.memory_space<vmem>>, vector<1x16xf32>,
      %swap3A_337 = vector.shape_cast %swap3A_336 : vector<1x16xf32> to vector<16xf32>
      %swap3A_338 = vector.shape_cast %mul3A_332 : vector<16xf32> to vector<1x16xf32>
      tpu.vector_store %arg6[%swap3A_334, %swap3A_335], %swap3A_338 {strides = array<i32>} : memref<128x32xf32, #tpu.memory_space<vmem>>, vector<1x16xf32>,
      %get3A_339 = arith.constant 11 : i32
      %get3A_340 = arith.index_cast %get3A_339 : i32 to index
      %get3A_341 = arith.constant 16 : index
      %get3A_342 = tpu.vector_load %arg6[%get3A_340, %get3A_341] {strides = array<i32>} : memref<128x32xf32, #tpu.memory_space<vmem>>, vector<1x16xf32>,
      %get3A_343 = vector.shape_cast %get3A_342 : vector<1x16xf32> to vector<16xf32>
      %mul3A_344 = arith.constant 5.65685415 : f32
      %mul3A_345 = vector.broadcast %mul3A_344 : f32 to vector<16xf32>
      %mul3A_346 = arith.mulf %get3A_343, %mul3A_345 : vector<16xf32>
      %swap3A_347 = arith.constant 11 : i32
      %swap3A_348 = arith.index_cast %swap3A_347 : i32 to index
      %swap3A_349 = arith.constant 16 : index
      %swap3A_350 = tpu.vector_load %arg6[%swap3A_348, %swap3A_349] {strides = array<i32>} : memref<128x32xf32, #tpu.memory_space<vmem>>, vector<1x16xf32>,
      %swap3A_351 = vector.shape_cast %swap3A_350 : vector<1x16xf32> to vector<16xf32>
      %swap3A_352 = vector.shape_cast %mul3A_346 : vector<16xf32> to vector<1x16xf32>
      tpu.vector_store %arg6[%swap3A_348, %swap3A_349], %swap3A_352 {strides = array<i32>} : memref<128x32xf32, #tpu.memory_space<vmem>>, vector<1x16xf32>,
      %get3A_353 = arith.constant 12 : i32
      %get3A_354 = arith.index_cast %get3A_353 : i32 to index
      %get3A_355 = arith.constant 0 : index
      %get3A_356 = tpu.vector_load %arg6[%get3A_354, %get3A_355] {strides = array<i32>} : memref<128x32xf32, #tpu.memory_space<vmem>>, vector<1x16xf32>,
      %get3A_357 = vector.shape_cast %get3A_356 : vector<1x16xf32> to vector<16xf32>
      %mul3A_358 = arith.constant 5.65685415 : f32
      %mul3A_359 = vector.broadcast %mul3A_358 : f32 to vector<16xf32>
      %mul3A_360 = arith.mulf %get3A_357, %mul3A_359 : vector<16xf32>
      %swap3A_361 = arith.constant 12 : i32
      %swap3A_362 = arith.index_cast %swap3A_361 : i32 to index
      %swap3A_363 = arith.constant 0 : index
      %swap3A_364 = tpu.vector_load %arg6[%swap3A_362, %swap3A_363] {strides = array<i32>} : memref<128x32xf32, #tpu.memory_space<vmem>>, vector<1x16xf32>,
      %swap3A_365 = vector.shape_cast %swap3A_364 : vector<1x16xf32> to vector<16xf32>
      %swap3A_366 = vector.shape_cast %mul3A_360 : vector<16xf32> to vector<1x16xf32>
      tpu.vector_store %arg6[%swap3A_362, %swap3A_363], %swap3A_366 {strides = array<i32>} : memref<128x32xf32, #tpu.memory_space<vmem>>, vector<1x16xf32>,
      %get3A_367 = arith.constant 12 : i32
      %get3A_368 = arith.index_cast %get3A_367 : i32 to index
      %get3A_369 = arith.constant 16 : index
      %get3A_370 = tpu.vector_load %arg6[%get3A_368, %get3A_369] {strides = array<i32>} : memref<128x32xf32, #tpu.memory_space<vmem>>, vector<1x16xf32>,
      %get3A_371 = vector.shape_cast %get3A_370 : vector<1x16xf32> to vector<16xf32>
      %mul3A_372 = arith.constant 5.65685415 : f32
      %mul3A_373 = vector.broadcast %mul3A_372 : f32 to vector<16xf32>
      %mul3A_374 = arith.mulf %get3A_371, %mul3A_373 : vector<16xf32>
      %swap3A_375 = arith.constant 12 : i32
      %swap3A_376 = arith.index_cast %swap3A_375 : i32 to index
      %swap3A_377 = arith.constant 16 : index
      %swap3A_378 = tpu.vector_load %arg6[%swap3A_376, %swap3A_377] {strides = array<i32>} : memref<128x32xf32, #tpu.memory_space<vmem>>, vector<1x16xf32>,
      %swap3A_379 = vector.shape_cast %swap3A_378 : vector<1x16xf32> to vector<16xf32>
      %swap3A_380 = vector.shape_cast %mul3A_374 : vector<16xf32> to vector<1x16xf32>
      tpu.vector_store %arg6[%swap3A_376, %swap3A_377], %swap3A_380 {strides = array<i32>} : memref<128x32xf32, #tpu.memory_space<vmem>>, vector<1x16xf32>,
      %get3A_381 = arith.constant 13 : i32
      %get3A_382 = arith.index_cast %get3A_381 : i32 to index
      %get3A_383 = arith.constant 0 : index
      %get3A_384 = tpu.vector_load %arg6[%get3A_382, %get3A_383] {strides = array<i32>} : memref<128x32xf32, #tpu.memory_space<vmem>>, vector<1x16xf32>,
      %get3A_385 = vector.shape_cast %get3A_384 : vector<1x16xf32> to vector<16xf32>
      %mul3A_386 = arith.constant 5.65685415 : f32
      %mul3A_387 = vector.broadcast %mul3A_386 : f32 to vector<16xf32>
      %mul3A_388 = arith.mulf %get3A_385, %mul3A_387 : vector<16xf32>
      %swap3A_389 = arith.constant 13 : i32
      %swap3A_390 = arith.index_cast %swap3A_389 : i32 to index
      %swap3A_391 = arith.constant 0 : index
      %swap3A_392 = tpu.vector_load %arg6[%swap3A_390, %swap3A_391] {strides = array<i32>} : memref<128x32xf32, #tpu.memory_space<vmem>>, vector<1x16xf32>,
      %swap3A_393 = vector.shape_cast %swap3A_392 : vector<1x16xf32> to vector<16xf32>
      %swap3A_394 = vector.shape_cast %mul3A_388 : vector<16xf32> to vector<1x16xf32>
      tpu.vector_store %arg6[%swap3A_390, %swap3A_391], %swap3A_394 {strides = array<i32>} : memref<128x32xf32, #tpu.memory_space<vmem>>, vector<1x16xf32>,
      %get3A_395 = arith.constant 13 : i32
      %get3A_396 = arith.index_cast %get3A_395 : i32 to index
      %get3A_397 = arith.constant 16 : index
      %get3A_398 = tpu.vector_load %arg6[%get3A_396, %get3A_397] {strides = array<i32>} : memref<128x32xf32, #tpu.memory_space<vmem>>, vector<1x16xf32>,
      %get3A_399 = vector.shape_cast %get3A_398 : vector<1x16xf32> to vector<16xf32>
      %mul3A_400 = arith.constant 5.65685415 : f32
      %mul3A_401 = vector.broadcast %mul3A_400 : f32 to vector<16xf32>
      %mul3A_402 = arith.mulf %get3A_399, %mul3A_401 : vector<16xf32>
      %swap3A_403 = arith.constant 13 : i32
      %swap3A_404 = arith.index_cast %swap3A_403 : i32 to index
      %swap3A_405 = arith.constant 16 : index
      %swap3A_406 = tpu.vector_load %arg6[%swap3A_404, %swap3A_405] {strides = array<i32>} : memref<128x32xf32, #tpu.memory_space<vmem>>, vector<1x16xf32>,
      %swap3A_407 = vector.shape_cast %swap3A_406 : vector<1x16xf32> to vector<16xf32>
      %swap3A_408 = vector.shape_cast %mul3A_402 : vector<16xf32> to vector<1x16xf32>
      tpu.vector_store %arg6[%swap3A_404, %swap3A_405], %swap3A_408 {strides = array<i32>} : memref<128x32xf32, #tpu.memory_space<vmem>>, vector<1x16xf32>,
      %get3A_409 = arith.constant 14 : i32
      %get3A_410 = arith.index_cast %get3A_409 : i32 to index
      %get3A_411 = arith.constant 0 : index
      %get3A_412 = tpu.vector_load %arg6[%get3A_410, %get3A_411] {strides = array<i32>} : memref<128x32xf32, #tpu.memory_space<vmem>>, vector<1x16xf32>,
      %get3A_413 = vector.shape_cast %get3A_412 : vector<1x16xf32> to vector<16xf32>
      %mul3A_414 = arith.constant 5.65685415 : f32
      %mul3A_415 = vector.broadcast %mul3A_414 : f32 to vector<16xf32>
      %mul3A_416 = arith.mulf %get3A_413, %mul3A_415 : vector<16xf32>
      %swap3A_417 = arith.constant 14 : i32
      %swap3A_418 = arith.index_cast %swap3A_417 : i32 to index
      %swap3A_419 = arith.constant 0 : index
      %swap3A_420 = tpu.vector_load %arg6[%swap3A_418, %swap3A_419] {strides = array<i32>} : memref<128x32xf32, #tpu.memory_space<vmem>>, vector<1x16xf32>,
      %swap3A_421 = vector.shape_cast %swap3A_420 : vector<1x16xf32> to vector<16xf32>
      %swap3A_422 = vector.shape_cast %mul3A_416 : vector<16xf32> to vector<1x16xf32>
      tpu.vector_store %arg6[%swap3A_418, %swap3A_419], %swap3A_422 {strides = array<i32>} : memref<128x32xf32, #tpu.memory_space<vmem>>, vector<1x16xf32>,
      %get3A_423 = arith.constant 14 : i32
      %get3A_424 = arith.index_cast %get3A_423 : i32 to index
      %get3A_425 = arith.constant 16 : index
      %get3A_426 = tpu.vector_load %arg6[%get3A_424, %get3A_425] {strides = array<i32>} : memref<128x32xf32, #tpu.memory_space<vmem>>, vector<1x16xf32>,
      %get3A_427 = vector.shape_cast %get3A_426 : vector<1x16xf32> to vector<16xf32>
      %mul3A_428 = arith.constant 5.65685415 : f32
      %mul3A_429 = vector.broadcast %mul3A_428 : f32 to vector<16xf32>
      %mul3A_430 = arith.mulf %get3A_427, %mul3A_429 : vector<16xf32>
      %swap3A_431 = arith.constant 14 : i32
      %swap3A_432 = arith.index_cast %swap3A_431 : i32 to index
      %swap3A_433 = arith.constant 16 : index
      %swap3A_434 = tpu.vector_load %arg6[%swap3A_432, %swap3A_433] {strides = array<i32>} : memref<128x32xf32, #tpu.memory_space<vmem>>, vector<1x16xf32>,
      %swap3A_435 = vector.shape_cast %swap3A_434 : vector<1x16xf32> to vector<16xf32>
      %swap3A_436 = vector.shape_cast %mul3A_430 : vector<16xf32> to vector<1x16xf32>
      tpu.vector_store %arg6[%swap3A_432, %swap3A_433], %swap3A_436 {strides = array<i32>} : memref<128x32xf32, #tpu.memory_space<vmem>>, vector<1x16xf32>,
      %get3A_437 = arith.constant 15 : i32
      %get3A_438 = arith.index_cast %get3A_437 : i32 to index
      %get3A_439 = arith.constant 0 : index
      %get3A_440 = tpu.vector_load %arg6[%get3A_438, %get3A_439] {strides = array<i32>} : memref<128x32xf32, #tpu.memory_space<vmem>>, vector<1x16xf32>,
      %get3A_441 = vector.shape_cast %get3A_440 : vector<1x16xf32> to vector<16xf32>
      %mul3A_442 = arith.constant 5.65685415 : f32
      %mul3A_443 = vector.broadcast %mul3A_442 : f32 to vector<16xf32>
      %mul3A_444 = arith.mulf %get3A_441, %mul3A_443 : vector<16xf32>
      %swap3A_445 = arith.constant 15 : i32
      %swap3A_446 = arith.index_cast %swap3A_445 : i32 to index
      %swap3A_447 = arith.constant 0 : index
      %swap3A_448 = tpu.vector_load %arg6[%swap3A_446, %swap3A_447] {strides = array<i32>} : memref<128x32xf32, #tpu.memory_space<vmem>>, vector<1x16xf32>,
      %swap3A_449 = vector.shape_cast %swap3A_448 : vector<1x16xf32> to vector<16xf32>
      %swap3A_450 = vector.shape_cast %mul3A_444 : vector<16xf32> to vector<1x16xf32>
      tpu.vector_store %arg6[%swap3A_446, %swap3A_447], %swap3A_450 {strides = array<i32>} : memref<128x32xf32, #tpu.memory_space<vmem>>, vector<1x16xf32>,
      %get3A_451 = arith.constant 15 : i32
      %get3A_452 = arith.index_cast %get3A_451 : i32 to index
      %get3A_453 = arith.constant 16 : index
      %get3A_454 = tpu.vector_load %arg6[%get3A_452, %get3A_453] {strides = array<i32>} : memref<128x32xf32, #tpu.memory_space<vmem>>, vector<1x16xf32>,
      %get3A_455 = vector.shape_cast %get3A_454 : vector<1x16xf32> to vector<16xf32>
      %mul3A_456 = arith.constant 5.65685415 : f32
      %mul3A_457 = vector.broadcast %mul3A_456 : f32 to vector<16xf32>
      %mul3A_458 = arith.mulf %get3A_455, %mul3A_457 : vector<16xf32>
      %swap3A_459 = arith.constant 15 : i32
      %swap3A_460 = arith.index_cast %swap3A_459 : i32 to index
      %swap3A_461 = arith.constant 16 : index
      %swap3A_462 = tpu.vector_load %arg6[%swap3A_460, %swap3A_461] {strides = array<i32>} : memref<128x32xf32, #tpu.memory_space<vmem>>, vector<1x16xf32>,
      %swap3A_463 = vector.shape_cast %swap3A_462 : vector<1x16xf32> to vector<16xf32>
      %swap3A_464 = vector.shape_cast %mul3A_458 : vector<16xf32> to vector<1x16xf32>
      tpu.vector_store %arg6[%swap3A_460, %swap3A_461], %swap3A_464 {strides = array<i32>} : memref<128x32xf32, #tpu.memory_space<vmem>>, vector<1x16xf32>,
      %get3A_465 = arith.constant 16 : i32
      %get3A_466 = arith.index_cast %get3A_465 : i32 to index
      %get3A_467 = arith.constant 0 : index
      %get3A_468 = tpu.vector_load %arg6[%get3A_466, %get3A_467] {strides = array<i32>} : memref<128x32xf32, #tpu.memory_space<vmem>>, vector<1x16xf32>,
      %get3A_469 = vector.shape_cast %get3A_468 : vector<1x16xf32> to vector<16xf32>
      %mul3A_470 = arith.constant 5.65685415 : f32
      %mul3A_471 = vector.broadcast %mul3A_470 : f32 to vector<16xf32>
      %mul3A_472 = arith.mulf %get3A_469, %mul3A_471 : vector<16xf32>
      %swap3A_473 = arith.constant 16 : i32
      %swap3A_474 = arith.index_cast %swap3A_473 : i32 to index
      %swap3A_475 = arith.constant 0 : index
      %swap3A_476 = tpu.vector_load %arg6[%swap3A_474, %swap3A_475] {strides = array<i32>} : memref<128x32xf32, #tpu.memory_space<vmem>>, vector<1x16xf32>,
      %swap3A_477 = vector.shape_cast %swap3A_476 : vector<1x16xf32> to vector<16xf32>
      %swap3A_478 = vector.shape_cast %mul3A_472 : vector<16xf32> to vector<1x16xf32>
      tpu.vector_store %arg6[%swap3A_474, %swap3A_475], %swap3A_478 {strides = array<i32>} : memref<128x32xf32, #tpu.memory_space<vmem>>, vector<1x16xf32>,
      %get3A_479 = arith.constant 16 : i32
      %get3A_480 = arith.index_cast %get3A_479 : i32 to index
      %get3A_481 = arith.constant 16 : index
      %get3A_482 = tpu.vector_load %arg6[%get3A_480, %get3A_481] {strides = array<i32>} : memref<128x32xf32, #tpu.memory_space<vmem>>, vector<1x16xf32>,
      %get3A_483 = vector.shape_cast %get3A_482 : vector<1x16xf32> to vector<16xf32>
      %mul3A_484 = arith.constant 5.65685415 : f32
      %mul3A_485 = vector.broadcast %mul3A_484 : f32 to vector<16xf32>
      %mul3A_486 = arith.mulf %get3A_483, %mul3A_485 : vector<16xf32>
      %swap3A_487 = arith.constant 16 : i32
      %swap3A_488 = arith.index_cast %swap3A_487 : i32 to index
      %swap3A_489 = arith.constant 16 : index
      %swap3A_490 = tpu.vector_load %arg6[%swap3A_488, %swap3A_489] {strides = array<i32>} : memref<128x32xf32, #tpu.memory_space<vmem>>, vector<1x16xf32>,
      %swap3A_491 = vector.shape_cast %swap3A_490 : vector<1x16xf32> to vector<16xf32>
      %swap3A_492 = vector.shape_cast %mul3A_486 : vector<16xf32> to vector<1x16xf32>
      tpu.vector_store %arg6[%swap3A_488, %swap3A_489], %swap3A_492 {strides = array<i32>} : memref<128x32xf32, #tpu.memory_space<vmem>>, vector<1x16xf32>,
      %get3A_493 = arith.constant 17 : i32
      %get3A_494 = arith.index_cast %get3A_493 : i32 to index
      %get3A_495 = arith.constant 0 : index
      %get3A_496 = tpu.vector_load %arg6[%get3A_494, %get3A_495] {strides = array<i32>} : memref<128x32xf32, #tpu.memory_space<vmem>>, vector<1x16xf32>,
      %get3A_497 = vector.shape_cast %get3A_496 : vector<1x16xf32> to vector<16xf32>
      %mul3A_498 = arith.constant 5.65685415 : f32
      %mul3A_499 = vector.broadcast %mul3A_498 : f32 to vector<16xf32>
      %mul3A_500 = arith.mulf %get3A_497, %mul3A_499 : vector<16xf32>
      %swap3A_501 = arith.constant 17 : i32
      %swap3A_502 = arith.index_cast %swap3A_501 : i32 to index
      %swap3A_503 = arith.constant 0 : index
      %swap3A_504 = tpu.vector_load %arg6[%swap3A_502, %swap3A_503] {strides = array<i32>} : memref<128x32xf32, #tpu.memory_space<vmem>>, vector<1x16xf32>,
      %swap3A_505 = vector.shape_cast %swap3A_504 : vector<1x16xf32> to vector<16xf32>
      %swap3A_506 = vector.shape_cast %mul3A_500 : vector<16xf32> to vector<1x16xf32>
      tpu.vector_store %arg6[%swap3A_502, %swap3A_503], %swap3A_506 {strides = array<i32>} : memref<128x32xf32, #tpu.memory_space<vmem>>, vector<1x16xf32>,
      %get3A_507 = arith.constant 17 : i32
      %get3A_508 = arith.index_cast %get3A_507 : i32 to index
      %get3A_509 = arith.constant 16 : index
      %get3A_510 = tpu.vector_load %arg6[%get3A_508, %get3A_509] {strides = array<i32>} : memref<128x32xf32, #tpu.memory_space<vmem>>, vector<1x16xf32>,
      %get3A_511 = vector.shape_cast %get3A_510 : vector<1x16xf32> to vector<16xf32>
      %mul3A_512 = arith.constant 5.65685415 : f32
      %mul3A_513 = vector.broadcast %mul3A_512 : f32 to vector<16xf32>
      %mul3A_514 = arith.mulf %get3A_511, %mul3A_513 : vector<16xf32>
      %swap3A_515 = arith.constant 17 : i32
      %swap3A_516 = arith.index_cast %swap3A_515 : i32 to index
      %swap3A_517 = arith.constant 16 : index
      %swap3A_518 = tpu.vector_load %arg6[%swap3A_516, %swap3A_517] {strides = array<i32>} : memref<128x32xf32, #tpu.memory_space<vmem>>, vector<1x16xf32>,
      %swap3A_519 = vector.shape_cast %swap3A_518 : vector<1x16xf32> to vector<16xf32>
      %swap3A_520 = vector.shape_cast %mul3A_514 : vector<16xf32> to vector<1x16xf32>
      tpu.vector_store %arg6[%swap3A_516, %swap3A_517], %swap3A_520 {strides = array<i32>} : memref<128x32xf32, #tpu.memory_space<vmem>>, vector<1x16xf32>,
      %get3A_521 = arith.constant 18 : i32
      %get3A_522 = arith.index_cast %get3A_521 : i32 to index
      %get3A_523 = arith.constant 0 : index
      %get3A_524 = tpu.vector_load %arg6[%get3A_522, %get3A_523] {strides = array<i32>} : memref<128x32xf32, #tpu.memory_space<vmem>>, vector<1x16xf32>,
      %get3A_525 = vector.shape_cast %get3A_524 : vector<1x16xf32> to vector<16xf32>
      %mul3A_526 = arith.constant 5.65685415 : f32
      %mul3A_527 = vector.broadcast %mul3A_526 : f32 to vector<16xf32>
      %mul3A_528 = arith.mulf %get3A_525, %mul3A_527 : vector<16xf32>
      %swap3A_529 = arith.constant 18 : i32
      %swap3A_530 = arith.index_cast %swap3A_529 : i32 to index
      %swap3A_531 = arith.constant 0 : index
      %swap3A_532 = tpu.vector_load %arg6[%swap3A_530, %swap3A_531] {strides = array<i32>} : memref<128x32xf32, #tpu.memory_space<vmem>>, vector<1x16xf32>,
      %swap3A_533 = vector.shape_cast %swap3A_532 : vector<1x16xf32> to vector<16xf32>
      %swap3A_534 = vector.shape_cast %mul3A_528 : vector<16xf32> to vector<1x16xf32>
      tpu.vector_store %arg6[%swap3A_530, %swap3A_531], %swap3A_534 {strides = array<i32>} : memref<128x32xf32, #tpu.memory_space<vmem>>, vector<1x16xf32>,
      %get3A_535 = arith.constant 18 : i32
      %get3A_536 = arith.index_cast %get3A_535 : i32 to index
      %get3A_537 = arith.constant 16 : index
      %get3A_538 = tpu.vector_load %arg6[%get3A_536, %get3A_537] {strides = array<i32>} : memref<128x32xf32, #tpu.memory_space<vmem>>, vector<1x16xf32>,
      %get3A_539 = vector.shape_cast %get3A_538 : vector<1x16xf32> to vector<16xf32>
      %mul3A_540 = arith.constant 5.65685415 : f32
      %mul3A_541 = vector.broadcast %mul3A_540 : f32 to vector<16xf32>
      %mul3A_542 = arith.mulf %get3A_539, %mul3A_541 : vector<16xf32>
      %swap3A_543 = arith.constant 18 : i32
      %swap3A_544 = arith.index_cast %swap3A_543 : i32 to index
      %swap3A_545 = arith.constant 16 : index
      %swap3A_546 = tpu.vector_load %arg6[%swap3A_544, %swap3A_545] {strides = array<i32>} : memref<128x32xf32, #tpu.memory_space<vmem>>, vector<1x16xf32>,
      %swap3A_547 = vector.shape_cast %swap3A_546 : vector<1x16xf32> to vector<16xf32>
      %swap3A_548 = vector.shape_cast %mul3A_542 : vector<16xf32> to vector<1x16xf32>
      tpu.vector_store %arg6[%swap3A_544, %swap3A_545], %swap3A_548 {strides = array<i32>} : memref<128x32xf32, #tpu.memory_space<vmem>>, vector<1x16xf32>,
      %get3A_549 = arith.constant 19 : i32
      %get3A_550 = arith.index_cast %get3A_549 : i32 to index
      %get3A_551 = arith.constant 0 : index
      %get3A_552 = tpu.vector_load %arg6[%get3A_550, %get3A_551] {strides = array<i32>} : memref<128x32xf32, #tpu.memory_space<vmem>>, vector<1x16xf32>,
      %get3A_553 = vector.shape_cast %get3A_552 : vector<1x16xf32> to vector<16xf32>
      %mul3A_554 = arith.constant 5.65685415 : f32
      %mul3A_555 = vector.broadcast %mul3A_554 : f32 to vector<16xf32>
      %mul3A_556 = arith.mulf %get3A_553, %mul3A_555 : vector<16xf32>
      %swap3A_557 = arith.constant 19 : i32
      %swap3A_558 = arith.index_cast %swap3A_557 : i32 to index
      %swap3A_559 = arith.constant 0 : index
      %swap3A_560 = tpu.vector_load %arg6[%swap3A_558, %swap3A_559] {strides = array<i32>} : memref<128x32xf32, #tpu.memory_space<vmem>>, vector<1x16xf32>,
      %swap3A_561 = vector.shape_cast %swap3A_560 : vector<1x16xf32> to vector<16xf32>
      %swap3A_562 = vector.shape_cast %mul3A_556 : vector<16xf32> to vector<1x16xf32>
      tpu.vector_store %arg6[%swap3A_558, %swap3A_559], %swap3A_562 {strides = array<i32>} : memref<128x32xf32, #tpu.memory_space<vmem>>, vector<1x16xf32>,
      %get3A_563 = arith.constant 19 : i32
      %get3A_564 = arith.index_cast %get3A_563 : i32 to index
      %get3A_565 = arith.constant 16 : index
      %get3A_566 = tpu.vector_load %arg6[%get3A_564, %get3A_565] {strides = array<i32>} : memref<128x32xf32, #tpu.memory_space<vmem>>, vector<1x16xf32>,
      %get3A_567 = vector.shape_cast %get3A_566 : vector<1x16xf32> to vector<16xf32>
      %mul3A_568 = arith.constant 5.65685415 : f32
      %mul3A_569 = vector.broadcast %mul3A_568 : f32 to vector<16xf32>
      %mul3A_570 = arith.mulf %get3A_567, %mul3A_569 : vector<16xf32>
      %swap3A_571 = arith.constant 19 : i32
      %swap3A_572 = arith.index_cast %swap3A_571 : i32 to index
      %swap3A_573 = arith.constant 16 : index
      %swap3A_574 = tpu.vector_load %arg6[%swap3A_572, %swap3A_573] {strides = array<i32>} : memref<128x32xf32, #tpu.memory_space<vmem>>, vector<1x16xf32>,
      %swap3A_575 = vector.shape_cast %swap3A_574 : vector<1x16xf32> to vector<16xf32>
      %swap3A_576 = vector.shape_cast %mul3A_570 : vector<16xf32> to vector<1x16xf32>
      tpu.vector_store %arg6[%swap3A_572, %swap3A_573], %swap3A_576 {strides = array<i32>} : memref<128x32xf32, #tpu.memory_space<vmem>>, vector<1x16xf32>,
      %get3A_577 = arith.constant 20 : i32
      %get3A_578 = arith.index_cast %get3A_577 : i32 to index
      %get3A_579 = arith.constant 0 : index
      %get3A_580 = tpu.vector_load %arg6[%get3A_578, %get3A_579] {strides = array<i32>} : memref<128x32xf32, #tpu.memory_space<vmem>>, vector<1x16xf32>,
      %get3A_581 = vector.shape_cast %get3A_580 : vector<1x16xf32> to vector<16xf32>
      %mul3A_582 = arith.constant 5.65685415 : f32
      %mul3A_583 = vector.broadcast %mul3A_582 : f32 to vector<16xf32>
      %mul3A_584 = arith.mulf %get3A_581, %mul3A_583 : vector<16xf32>
      %swap3A_585 = arith.constant 20 : i32
      %swap3A_586 = arith.index_cast %swap3A_585 : i32 to index
      %swap3A_587 = arith.constant 0 : index
      %swap3A_588 = tpu.vector_load %arg6[%swap3A_586, %swap3A_587] {strides = array<i32>} : memref<128x32xf32, #tpu.memory_space<vmem>>, vector<1x16xf32>,
      %swap3A_589 = vector.shape_cast %swap3A_588 : vector<1x16xf32> to vector<16xf32>
      %swap3A_590 = vector.shape_cast %mul3A_584 : vector<16xf32> to vector<1x16xf32>
      tpu.vector_store %arg6[%swap3A_586, %swap3A_587], %swap3A_590 {strides = array<i32>} : memref<128x32xf32, #tpu.memory_space<vmem>>, vector<1x16xf32>,
      %get3A_591 = arith.constant 20 : i32
      %get3A_592 = arith.index_cast %get3A_591 : i32 to index
      %get3A_593 = arith.constant 16 : index
      %get3A_594 = tpu.vector_load %arg6[%get3A_592, %get3A_593] {strides = array<i32>} : memref<128x32xf32, #tpu.memory_space<vmem>>, vector<1x16xf32>,
      %get3A_595 = vector.shape_cast %get3A_594 : vector<1x16xf32> to vector<16xf32>
      %mul3A_596 = arith.constant 5.65685415 : f32
      %mul3A_597 = vector.broadcast %mul3A_596 : f32 to vector<16xf32>
      %mul3A_598 = arith.mulf %get3A_595, %mul3A_597 : vector<16xf32>
      %swap3A_599 = arith.constant 20 : i32
      %swap3A_600 = arith.index_cast %swap3A_599 : i32 to index
      %swap3A_601 = arith.constant 16 : index
      %swap3A_602 = tpu.vector_load %arg6[%swap3A_600, %swap3A_601] {strides = array<i32>} : memref<128x32xf32, #tpu.memory_space<vmem>>, vector<1x16xf32>,
      %swap3A_603 = vector.shape_cast %swap3A_602 : vector<1x16xf32> to vector<16xf32>
      %swap3A_604 = vector.shape_cast %mul3A_598 : vector<16xf32> to vector<1x16xf32>
      tpu.vector_store %arg6[%swap3A_600, %swap3A_601], %swap3A_604 {strides = array<i32>} : memref<128x32xf32, #tpu.memory_space<vmem>>, vector<1x16xf32>,
      %get3A_605 = arith.constant 21 : i32
      %get3A_606 = arith.index_cast %get3A_605 : i32 to index
      %get3A_607 = arith.constant 0 : index
      %get3A_608 = tpu.vector_load %arg6[%get3A_606, %get3A_607] {strides = array<i32>} : memref<128x32xf32, #tpu.memory_space<vmem>>, vector<1x16xf32>,
      %get3A_609 = vector.shape_cast %get3A_608 : vector<1x16xf32> to vector<16xf32>
      %mul3A_610 = arith.constant 5.65685415 : f32
      %mul3A_611 = vector.broadcast %mul3A_610 : f32 to vector<16xf32>
      %mul3A_612 = arith.mulf %get3A_609, %mul3A_611 : vector<16xf32>
      %swap3A_613 = arith.constant 21 : i32
      %swap3A_614 = arith.index_cast %swap3A_613 : i32 to index
      %swap3A_615 = arith.constant 0 : index
      %swap3A_616 = tpu.vector_load %arg6[%swap3A_614, %swap3A_615] {strides = array<i32>} : memref<128x32xf32, #tpu.memory_space<vmem>>, vector<1x16xf32>,
      %swap3A_617 = vector.shape_cast %swap3A_616 : vector<1x16xf32> to vector<16xf32>
      %swap3A_618 = vector.shape_cast %mul3A_612 : vector<16xf32> to vector<1x16xf32>
      tpu.vector_store %arg6[%swap3A_614, %swap3A_615], %swap3A_618 {strides = array<i32>} : memref<128x32xf32, #tpu.memory_space<vmem>>, vector<1x16xf32>,
      %get3A_619 = arith.constant 21 : i32
      %get3A_620 = arith.index_cast %get3A_619 : i32 to index
      %get3A_621 = arith.constant 16 : index
      %get3A_622 = tpu.vector_load %arg6[%get3A_620, %get3A_621] {strides = array<i32>} : memref<128x32xf32, #tpu.memory_space<vmem>>, vector<1x16xf32>,
      %get3A_623 = vector.shape_cast %get3A_622 : vector<1x16xf32> to vector<16xf32>
      %mul3A_624 = arith.constant 5.65685415 : f32
      %mul3A_625 = vector.broadcast %mul3A_624 : f32 to vector<16xf32>
      %mul3A_626 = arith.mulf %get3A_623, %mul3A_625 : vector<16xf32>
      %swap3A_627 = arith.constant 21 : i32
      %swap3A_628 = arith.index_cast %swap3A_627 : i32 to index
      %swap3A_629 = arith.constant 16 : index
      %swap3A_630 = tpu.vector_load %arg6[%swap3A_628, %swap3A_629] {strides = array<i32>} : memref<128x32xf32, #tpu.memory_space<vmem>>, vector<1x16xf32>,
      %swap3A_631 = vector.shape_cast %swap3A_630 : vector<1x16xf32> to vector<16xf32>
      %swap3A_632 = vector.shape_cast %mul3A_626 : vector<16xf32> to vector<1x16xf32>
      tpu.vector_store %arg6[%swap3A_628, %swap3A_629], %swap3A_632 {strides = array<i32>} : memref<128x32xf32, #tpu.memory_space<vmem>>, vector<1x16xf32>,
      %get3A_633 = arith.constant 22 : i32
      %get3A_634 = arith.index_cast %get3A_633 : i32 to index
      %get3A_635 = arith.constant 0 : index
      %get3A_636 = tpu.vector_load %arg6[%get3A_634, %get3A_635] {strides = array<i32>} : memref<128x32xf32, #tpu.memory_space<vmem>>, vector<1x16xf32>,
      %get3A_637 = vector.shape_cast %get3A_636 : vector<1x16xf32> to vector<16xf32>
      %mul3A_638 = arith.constant 5.65685415 : f32
      %mul3A_639 = vector.broadcast %mul3A_638 : f32 to vector<16xf32>
      %mul3A_640 = arith.mulf %get3A_637, %mul3A_639 : vector<16xf32>
      %swap3A_641 = arith.constant 22 : i32
      %swap3A_642 = arith.index_cast %swap3A_641 : i32 to index
      %swap3A_643 = arith.constant 0 : index
      %swap3A_644 = tpu.vector_load %arg6[%swap3A_642, %swap3A_643] {strides = array<i32>} : memref<128x32xf32, #tpu.memory_space<vmem>>, vector<1x16xf32>,
      %swap3A_645 = vector.shape_cast %swap3A_644 : vector<1x16xf32> to vector<16xf32>
      %swap3A_646 = vector.shape_cast %mul3A_640 : vector<16xf32> to vector<1x16xf32>
      tpu.vector_store %arg6[%swap3A_642, %swap3A_643], %swap3A_646 {strides = array<i32>} : memref<128x32xf32, #tpu.memory_space<vmem>>, vector<1x16xf32>,
      %get3A_647 = arith.constant 22 : i32
      %get3A_648 = arith.index_cast %get3A_647 : i32 to index
      %get3A_649 = arith.constant 16 : index
      %get3A_650 = tpu.vector_load %arg6[%get3A_648, %get3A_649] {strides = array<i32>} : memref<128x32xf32, #tpu.memory_space<vmem>>, vector<1x16xf32>,
      %get3A_651 = vector.shape_cast %get3A_650 : vector<1x16xf32> to vector<16xf32>
      %mul3A_652 = arith.constant 5.65685415 : f32
      %mul3A_653 = vector.broadcast %mul3A_652 : f32 to vector<16xf32>
      %mul3A_654 = arith.mulf %get3A_651, %mul3A_653 : vector<16xf32>
      %swap3A_655 = arith.constant 22 : i32
      %swap3A_656 = arith.index_cast %swap3A_655 : i32 to index
      %swap3A_657 = arith.constant 16 : index
      %swap3A_658 = tpu.vector_load %arg6[%swap3A_656, %swap3A_657] {strides = array<i32>} : memref<128x32xf32, #tpu.memory_space<vmem>>, vector<1x16xf32>,
      %swap3A_659 = vector.shape_cast %swap3A_658 : vector<1x16xf32> to vector<16xf32>
      %swap3A_660 = vector.shape_cast %mul3A_654 : vector<16xf32> to vector<1x16xf32>
      tpu.vector_store %arg6[%swap3A_656, %swap3A_657], %swap3A_660 {strides = array<i32>} : memref<128x32xf32, #tpu.memory_space<vmem>>, vector<1x16xf32>,
      %get3A_661 = arith.constant 23 : i32
      %get3A_662 = arith.index_cast %get3A_661 : i32 to index
      %get3A_663 = arith.constant 0 : index
      %get3A_664 = tpu.vector_load %arg6[%get3A_662, %get3A_663] {strides = array<i32>} : memref<128x32xf32, #tpu.memory_space<vmem>>, vector<1x16xf32>,
      %get3A_665 = vector.shape_cast %get3A_664 : vector<1x16xf32> to vector<16xf32>
      %mul3A_666 = arith.constant 5.65685415 : f32
      %mul3A_667 = vector.broadcast %mul3A_666 : f32 to vector<16xf32>
      %mul3A_668 = arith.mulf %get3A_665, %mul3A_667 : vector<16xf32>
      %swap3A_669 = arith.constant 23 : i32
      %swap3A_670 = arith.index_cast %swap3A_669 : i32 to index
      %swap3A_671 = arith.constant 0 : index
      %swap3A_672 = tpu.vector_load %arg6[%swap3A_670, %swap3A_671] {strides = array<i32>} : memref<128x32xf32, #tpu.memory_space<vmem>>, vector<1x16xf32>,
      %swap3A_673 = vector.shape_cast %swap3A_672 : vector<1x16xf32> to vector<16xf32>
      %swap3A_674 = vector.shape_cast %mul3A_668 : vector<16xf32> to vector<1x16xf32>
      tpu.vector_store %arg6[%swap3A_670, %swap3A_671], %swap3A_674 {strides = array<i32>} : memref<128x32xf32, #tpu.memory_space<vmem>>, vector<1x16xf32>,
      %get3A_675 = arith.constant 23 : i32
      %get3A_676 = arith.index_cast %get3A_675 : i32 to index
      %get3A_677 = arith.constant 16 : index
      %get3A_678 = tpu.vector_load %arg6[%get3A_676, %get3A_677] {strides = array<i32>} : memref<128x32xf32, #tpu.memory_space<vmem>>, vector<1x16xf32>,
      %get3A_679 = vector.shape_cast %get3A_678 : vector<1x16xf32> to vector<16xf32>
      %mul3A_680 = arith.constant 5.65685415 : f32
      %mul3A_681 = vector.broadcast %mul3A_680 : f32 to vector<16xf32>
      %mul3A_682 = arith.mulf %get3A_679, %mul3A_681 : vector<16xf32>
      %swap3A_683 = arith.constant 23 : i32
      %swap3A_684 = arith.index_cast %swap3A_683 : i32 to index
      %swap3A_685 = arith.constant 16 : index
      %swap3A_686 = tpu.vector_load %arg6[%swap3A_684, %swap3A_685] {strides = array<i32>} : memref<128x32xf32, #tpu.memory_space<vmem>>, vector<1x16xf32>,
      %swap3A_687 = vector.shape_cast %swap3A_686 : vector<1x16xf32> to vector<16xf32>
      %swap3A_688 = vector.shape_cast %mul3A_682 : vector<16xf32> to vector<1x16xf32>
      tpu.vector_store %arg6[%swap3A_684, %swap3A_685], %swap3A_688 {strides = array<i32>} : memref<128x32xf32, #tpu.memory_space<vmem>>, vector<1x16xf32>,
      %get3A_689 = arith.constant 24 : i32
      %get3A_690 = arith.index_cast %get3A_689 : i32 to index
      %get3A_691 = arith.constant 0 : index
      %get3A_692 = tpu.vector_load %arg6[%get3A_690, %get3A_691] {strides = array<i32>} : memref<128x32xf32, #tpu.memory_space<vmem>>, vector<1x16xf32>,
      %get3A_693 = vector.shape_cast %get3A_692 : vector<1x16xf32> to vector<16xf32>
      %mul3A_694 = arith.constant 5.65685415 : f32
      %mul3A_695 = vector.broadcast %mul3A_694 : f32 to vector<16xf32>
      %mul3A_696 = arith.mulf %get3A_693, %mul3A_695 : vector<16xf32>
      %swap3A_697 = arith.constant 24 : i32
      %swap3A_698 = arith.index_cast %swap3A_697 : i32 to index
      %swap3A_699 = arith.constant 0 : index
      %swap3A_700 = tpu.vector_load %arg6[%swap3A_698, %swap3A_699] {strides = array<i32>} : memref<128x32xf32, #tpu.memory_space<vmem>>, vector<1x16xf32>,
      %swap3A_701 = vector.shape_cast %swap3A_700 : vector<1x16xf32> to vector<16xf32>
      %swap3A_702 = vector.shape_cast %mul3A_696 : vector<16xf32> to vector<1x16xf32>
      tpu.vector_store %arg6[%swap3A_698, %swap3A_699], %swap3A_702 {strides = array<i32>} : memref<128x32xf32, #tpu.memory_space<vmem>>, vector<1x16xf32>,
      %get3A_703 = arith.constant 24 : i32
      %get3A_704 = arith.index_cast %get3A_703 : i32 to index
      %get3A_705 = arith.constant 16 : index
      %get3A_706 = tpu.vector_load %arg6[%get3A_704, %get3A_705] {strides = array<i32>} : memref<128x32xf32, #tpu.memory_space<vmem>>, vector<1x16xf32>,
      %get3A_707 = vector.shape_cast %get3A_706 : vector<1x16xf32> to vector<16xf32>
      %mul3A_708 = arith.constant 5.65685415 : f32
      %mul3A_709 = vector.broadcast %mul3A_708 : f32 to vector<16xf32>
      %mul3A_710 = arith.mulf %get3A_707, %mul3A_709 : vector<16xf32>
      %swap3A_711 = arith.constant 24 : i32
      %swap3A_712 = arith.index_cast %swap3A_711 : i32 to index
      %swap3A_713 = arith.constant 16 : index
      %swap3A_714 = tpu.vector_load %arg6[%swap3A_712, %swap3A_713] {strides = array<i32>} : memref<128x32xf32, #tpu.memory_space<vmem>>, vector<1x16xf32>,
      %swap3A_715 = vector.shape_cast %swap3A_714 : vector<1x16xf32> to vector<16xf32>
      %swap3A_716 = vector.shape_cast %mul3A_710 : vector<16xf32> to vector<1x16xf32>
      tpu.vector_store %arg6[%swap3A_712, %swap3A_713], %swap3A_716 {strides = array<i32>} : memref<128x32xf32, #tpu.memory_space<vmem>>, vector<1x16xf32>,
      %get3A_717 = arith.constant 25 : i32
      %get3A_718 = arith.index_cast %get3A_717 : i32 to index
      %get3A_719 = arith.constant 0 : index
      %get3A_720 = tpu.vector_load %arg6[%get3A_718, %get3A_719] {strides = array<i32>} : memref<128x32xf32, #tpu.memory_space<vmem>>, vector<1x16xf32>,
      %get3A_721 = vector.shape_cast %get3A_720 : vector<1x16xf32> to vector<16xf32>
      %mul3A_722 = arith.constant 5.65685415 : f32
      %mul3A_723 = vector.broadcast %mul3A_722 : f32 to vector<16xf32>
      %mul3A_724 = arith.mulf %get3A_721, %mul3A_723 : vector<16xf32>
      %swap3A_725 = arith.constant 25 : i32
      %swap3A_726 = arith.index_cast %swap3A_725 : i32 to index
      %swap3A_727 = arith.constant 0 : index
      %swap3A_728 = tpu.vector_load %arg6[%swap3A_726, %swap3A_727] {strides = array<i32>} : memref<128x32xf32, #tpu.memory_space<vmem>>, vector<1x16xf32>,
      %swap3A_729 = vector.shape_cast %swap3A_728 : vector<1x16xf32> to vector<16xf32>
      %swap3A_730 = vector.shape_cast %mul3A_724 : vector<16xf32> to vector<1x16xf32>
      tpu.vector_store %arg6[%swap3A_726, %swap3A_727], %swap3A_730 {strides = array<i32>} : memref<128x32xf32, #tpu.memory_space<vmem>>, vector<1x16xf32>,
      %get3A_731 = arith.constant 25 : i32
      %get3A_732 = arith.index_cast %get3A_731 : i32 to index
      %get3A_733 = arith.constant 16 : index
      %get3A_734 = tpu.vector_load %arg6[%get3A_732, %get3A_733] {strides = array<i32>} : memref<128x32xf32, #tpu.memory_space<vmem>>, vector<1x16xf32>,
      %get3A_735 = vector.shape_cast %get3A_734 : vector<1x16xf32> to vector<16xf32>
      %mul3A_736 = arith.constant 5.65685415 : f32
      %mul3A_737 = vector.broadcast %mul3A_736 : f32 to vector<16xf32>
      %mul3A_738 = arith.mulf %get3A_735, %mul3A_737 : vector<16xf32>
      %swap3A_739 = arith.constant 25 : i32
      %swap3A_740 = arith.index_cast %swap3A_739 : i32 to index
      %swap3A_741 = arith.constant 16 : index
      %swap3A_742 = tpu.vector_load %arg6[%swap3A_740, %swap3A_741] {strides = array<i32>} : memref<128x32xf32, #tpu.memory_space<vmem>>, vector<1x16xf32>,
      %swap3A_743 = vector.shape_cast %swap3A_742 : vector<1x16xf32> to vector<16xf32>
      %swap3A_744 = vector.shape_cast %mul3A_738 : vector<16xf32> to vector<1x16xf32>
      tpu.vector_store %arg6[%swap3A_740, %swap3A_741], %swap3A_744 {strides = array<i32>} : memref<128x32xf32, #tpu.memory_space<vmem>>, vector<1x16xf32>,
      %get3A_745 = arith.constant 26 : i32
      %get3A_746 = arith.index_cast %get3A_745 : i32 to index
      %get3A_747 = arith.constant 0 : index
      %get3A_748 = tpu.vector_load %arg6[%get3A_746, %get3A_747] {strides = array<i32>} : memref<128x32xf32, #tpu.memory_space<vmem>>, vector<1x16xf32>,
      %get3A_749 = vector.shape_cast %get3A_748 : vector<1x16xf32> to vector<16xf32>
      %mul3A_750 = arith.constant 5.65685415 : f32
      %mul3A_751 = vector.broadcast %mul3A_750 : f32 to vector<16xf32>
      %mul3A_752 = arith.mulf %get3A_749, %mul3A_751 : vector<16xf32>
      %swap3A_753 = arith.constant 26 : i32
      %swap3A_754 = arith.index_cast %swap3A_753 : i32 to index
      %swap3A_755 = arith.constant 0 : index
      %swap3A_756 = tpu.vector_load %arg6[%swap3A_754, %swap3A_755] {strides = array<i32>} : memref<128x32xf32, #tpu.memory_space<vmem>>, vector<1x16xf32>,
      %swap3A_757 = vector.shape_cast %swap3A_756 : vector<1x16xf32> to vector<16xf32>
      %swap3A_758 = vector.shape_cast %mul3A_752 : vector<16xf32> to vector<1x16xf32>
      tpu.vector_store %arg6[%swap3A_754, %swap3A_755], %swap3A_758 {strides = array<i32>} : memref<128x32xf32, #tpu.memory_space<vmem>>, vector<1x16xf32>,
      %get3A_759 = arith.constant 26 : i32
      %get3A_760 = arith.index_cast %get3A_759 : i32 to index
      %get3A_761 = arith.constant 16 : index
      %get3A_762 = tpu.vector_load %arg6[%get3A_760, %get3A_761] {strides = array<i32>} : memref<128x32xf32, #tpu.memory_space<vmem>>, vector<1x16xf32>,
      %get3A_763 = vector.shape_cast %get3A_762 : vector<1x16xf32> to vector<16xf32>
      %mul3A_764 = arith.constant 5.65685415 : f32
      %mul3A_765 = vector.broadcast %mul3A_764 : f32 to vector<16xf32>
      %mul3A_766 = arith.mulf %get3A_763, %mul3A_765 : vector<16xf32>
      %swap3A_767 = arith.constant 26 : i32
      %swap3A_768 = arith.index_cast %swap3A_767 : i32 to index
      %swap3A_769 = arith.constant 16 : index
      %swap3A_770 = tpu.vector_load %arg6[%swap3A_768, %swap3A_769] {strides = array<i32>} : memref<128x32xf32, #tpu.memory_space<vmem>>, vector<1x16xf32>,
      %swap3A_771 = vector.shape_cast %swap3A_770 : vector<1x16xf32> to vector<16xf32>
      %swap3A_772 = vector.shape_cast %mul3A_766 : vector<16xf32> to vector<1x16xf32>
      tpu.vector_store %arg6[%swap3A_768, %swap3A_769], %swap3A_772 {strides = array<i32>} : memref<128x32xf32, #tpu.memory_space<vmem>>, vector<1x16xf32>,
      %get3A_773 = arith.constant 27 : i32
      %get3A_774 = arith.index_cast %get3A_773 : i32 to index
      %get3A_775 = arith.constant 0 : index
      %get3A_776 = tpu.vector_load %arg6[%get3A_774, %get3A_775] {strides = array<i32>} : memref<128x32xf32, #tpu.memory_space<vmem>>, vector<1x16xf32>,
      %get3A_777 = vector.shape_cast %get3A_776 : vector<1x16xf32> to vector<16xf32>
      %mul3A_778 = arith.constant 5.65685415 : f32
      %mul3A_779 = vector.broadcast %mul3A_778 : f32 to vector<16xf32>
      %mul3A_780 = arith.mulf %get3A_777, %mul3A_779 : vector<16xf32>
      %swap3A_781 = arith.constant 27 : i32
      %swap3A_782 = arith.index_cast %swap3A_781 : i32 to index
      %swap3A_783 = arith.constant 0 : index
      %swap3A_784 = tpu.vector_load %arg6[%swap3A_782, %swap3A_783] {strides = array<i32>} : memref<128x32xf32, #tpu.memory_space<vmem>>, vector<1x16xf32>,
      %swap3A_785 = vector.shape_cast %swap3A_784 : vector<1x16xf32> to vector<16xf32>
      %swap3A_786 = vector.shape_cast %mul3A_780 : vector<16xf32> to vector<1x16xf32>
      tpu.vector_store %arg6[%swap3A_782, %swap3A_783], %swap3A_786 {strides = array<i32>} : memref<128x32xf32, #tpu.memory_space<vmem>>, vector<1x16xf32>,
      %get3A_787 = arith.constant 27 : i32
      %get3A_788 = arith.index_cast %get3A_787 : i32 to index
      %get3A_789 = arith.constant 16 : index
      %get3A_790 = tpu.vector_load %arg6[%get3A_788, %get3A_789] {strides = array<i32>} : memref<128x32xf32, #tpu.memory_space<vmem>>, vector<1x16xf32>,
      %get3A_791 = vector.shape_cast %get3A_790 : vector<1x16xf32> to vector<16xf32>
      %mul3A_792 = arith.constant 5.65685415 : f32
      %mul3A_793 = vector.broadcast %mul3A_792 : f32 to vector<16xf32>
      %mul3A_794 = arith.mulf %get3A_791, %mul3A_793 : vector<16xf32>
      %swap3A_795 = arith.constant 27 : i32
      %swap3A_796 = arith.index_cast %swap3A_795 : i32 to index
      %swap3A_797 = arith.constant 16 : index
      %swap3A_798 = tpu.vector_load %arg6[%swap3A_796, %swap3A_797] {strides = array<i32>} : memref<128x32xf32, #tpu.memory_space<vmem>>, vector<1x16xf32>,
      %swap3A_799 = vector.shape_cast %swap3A_798 : vector<1x16xf32> to vector<16xf32>
      %swap3A_800 = vector.shape_cast %mul3A_794 : vector<16xf32> to vector<1x16xf32>
      tpu.vector_store %arg6[%swap3A_796, %swap3A_797], %swap3A_800 {strides = array<i32>} : memref<128x32xf32, #tpu.memory_space<vmem>>, vector<1x16xf32>,
      %get3A_801 = arith.constant 28 : i32
      %get3A_802 = arith.index_cast %get3A_801 : i32 to index
      %get3A_803 = arith.constant 0 : index
      %get3A_804 = tpu.vector_load %arg6[%get3A_802, %get3A_803] {strides = array<i32>} : memref<128x32xf32, #tpu.memory_space<vmem>>, vector<1x16xf32>,
      %get3A_805 = vector.shape_cast %get3A_804 : vector<1x16xf32> to vector<16xf32>
      %mul3A_806 = arith.constant 5.65685415 : f32
      %mul3A_807 = vector.broadcast %mul3A_806 : f32 to vector<16xf32>
      %mul3A_808 = arith.mulf %get3A_805, %mul3A_807 : vector<16xf32>
      %swap3A_809 = arith.constant 28 : i32
      %swap3A_810 = arith.index_cast %swap3A_809 : i32 to index
      %swap3A_811 = arith.constant 0 : index
      %swap3A_812 = tpu.vector_load %arg6[%swap3A_810, %swap3A_811] {strides = array<i32>} : memref<128x32xf32, #tpu.memory_space<vmem>>, vector<1x16xf32>,
      %swap3A_813 = vector.shape_cast %swap3A_812 : vector<1x16xf32> to vector<16xf32>
      %swap3A_814 = vector.shape_cast %mul3A_808 : vector<16xf32> to vector<1x16xf32>
      tpu.vector_store %arg6[%swap3A_810, %swap3A_811], %swap3A_814 {strides = array<i32>} : memref<128x32xf32, #tpu.memory_space<vmem>>, vector<1x16xf32>,
      %get3A_815 = arith.constant 28 : i32
      %get3A_816 = arith.index_cast %get3A_815 : i32 to index
      %get3A_817 = arith.constant 16 : index
      %get3A_818 = tpu.vector_load %arg6[%get3A_816, %get3A_817] {strides = array<i32>} : memref<128x32xf32, #tpu.memory_space<vmem>>, vector<1x16xf32>,
      %get3A_819 = vector.shape_cast %get3A_818 : vector<1x16xf32> to vector<16xf32>
      %mul3A_820 = arith.constant 5.65685415 : f32
      %mul3A_821 = vector.broadcast %mul3A_820 : f32 to vector<16xf32>
      %mul3A_822 = arith.mulf %get3A_819, %mul3A_821 : vector<16xf32>
      %swap3A_823 = arith.constant 28 : i32
      %swap3A_824 = arith.index_cast %swap3A_823 : i32 to index
      %swap3A_825 = arith.constant 16 : index
      %swap3A_826 = tpu.vector_load %arg6[%swap3A_824, %swap3A_825] {strides = array<i32>} : memref<128x32xf32, #tpu.memory_space<vmem>>, vector<1x16xf32>,
      %swap3A_827 = vector.shape_cast %swap3A_826 : vector<1x16xf32> to vector<16xf32>
      %swap3A_828 = vector.shape_cast %mul3A_822 : vector<16xf32> to vector<1x16xf32>
      tpu.vector_store %arg6[%swap3A_824, %swap3A_825], %swap3A_828 {strides = array<i32>} : memref<128x32xf32, #tpu.memory_space<vmem>>, vector<1x16xf32>,
      %get3A_829 = arith.constant 29 : i32
      %get3A_830 = arith.index_cast %get3A_829 : i32 to index
      %get3A_831 = arith.constant 0 : index
      %get3A_832 = tpu.vector_load %arg6[%get3A_830, %get3A_831] {strides = array<i32>} : memref<128x32xf32, #tpu.memory_space<vmem>>, vector<1x16xf32>,
      %get3A_833 = vector.shape_cast %get3A_832 : vector<1x16xf32> to vector<16xf32>
      %mul3A_834 = arith.constant 5.65685415 : f32
      %mul3A_835 = vector.broadcast %mul3A_834 : f32 to vector<16xf32>
      %mul3A_836 = arith.mulf %get3A_833, %mul3A_835 : vector<16xf32>
      %swap3A_837 = arith.constant 29 : i32
      %swap3A_838 = arith.index_cast %swap3A_837 : i32 to index
      %swap3A_839 = arith.constant 0 : index
      %swap3A_840 = tpu.vector_load %arg6[%swap3A_838, %swap3A_839] {strides = array<i32>} : memref<128x32xf32, #tpu.memory_space<vmem>>, vector<1x16xf32>,
      %swap3A_841 = vector.shape_cast %swap3A_840 : vector<1x16xf32> to vector<16xf32>
      %swap3A_842 = vector.shape_cast %mul3A_836 : vector<16xf32> to vector<1x16xf32>
      tpu.vector_store %arg6[%swap3A_838, %swap3A_839], %swap3A_842 {strides = array<i32>} : memref<128x32xf32, #tpu.memory_space<vmem>>, vector<1x16xf32>,
      %get3A_843 = arith.constant 29 : i32
      %get3A_844 = arith.index_cast %get3A_843 : i32 to index
      %get3A_845 = arith.constant 16 : index
      %get3A_846 = tpu.vector_load %arg6[%get3A_844, %get3A_845] {strides = array<i32>} : memref<128x32xf32, #tpu.memory_space<vmem>>, vector<1x16xf32>,
      %get3A_847 = vector.shape_cast %get3A_846 : vector<1x16xf32> to vector<16xf32>
      %mul3A_848 = arith.constant 5.65685415 : f32
      %mul3A_849 = vector.broadcast %mul3A_848 : f32 to vector<16xf32>
      %mul3A_850 = arith.mulf %get3A_847, %mul3A_849 : vector<16xf32>
      %swap3A_851 = arith.constant 29 : i32
      %swap3A_852 = arith.index_cast %swap3A_851 : i32 to index
      %swap3A_853 = arith.constant 16 : index
      %swap3A_854 = tpu.vector_load %arg6[%swap3A_852, %swap3A_853] {strides = array<i32>} : memref<128x32xf32, #tpu.memory_space<vmem>>, vector<1x16xf32>,
      %swap3A_855 = vector.shape_cast %swap3A_854 : vector<1x16xf32> to vector<16xf32>
      %swap3A_856 = vector.shape_cast %mul3A_850 : vector<16xf32> to vector<1x16xf32>
      tpu.vector_store %arg6[%swap3A_852, %swap3A_853], %swap3A_856 {strides = array<i32>} : memref<128x32xf32, #tpu.memory_space<vmem>>, vector<1x16xf32>,
      %get3A_857 = arith.constant 30 : i32
      %get3A_858 = arith.index_cast %get3A_857 : i32 to index
      %get3A_859 = arith.constant 0 : index
      %get3A_860 = tpu.vector_load %arg6[%get3A_858, %get3A_859] {strides = array<i32>} : memref<128x32xf32, #tpu.memory_space<vmem>>, vector<1x16xf32>,
      %get3A_861 = vector.shape_cast %get3A_860 : vector<1x16xf32> to vector<16xf32>
      %mul3A_862 = arith.constant 5.65685415 : f32
      %mul3A_863 = vector.broadcast %mul3A_862 : f32 to vector<16xf32>
      %mul3A_864 = arith.mulf %get3A_861, %mul3A_863 : vector<16xf32>
      %swap3A_865 = arith.constant 30 : i32
      %swap3A_866 = arith.index_cast %swap3A_865 : i32 to index
      %swap3A_867 = arith.constant 0 : index
      %swap3A_868 = tpu.vector_load %arg6[%swap3A_866, %swap3A_867] {strides = array<i32>} : memref<128x32xf32, #tpu.memory_space<vmem>>, vector<1x16xf32>,
      %swap3A_869 = vector.shape_cast %swap3A_868 : vector<1x16xf32> to vector<16xf32>
      %swap3A_870 = vector.shape_cast %mul3A_864 : vector<16xf32> to vector<1x16xf32>
      tpu.vector_store %arg6[%swap3A_866, %swap3A_867], %swap3A_870 {strides = array<i32>} : memref<128x32xf32, #tpu.memory_space<vmem>>, vector<1x16xf32>,
      %get3A_871 = arith.constant 30 : i32
      %get3A_872 = arith.index_cast %get3A_871 : i32 to index
      %get3A_873 = arith.constant 16 : index
      %get3A_874 = tpu.vector_load %arg6[%get3A_872, %get3A_873] {strides = array<i32>} : memref<128x32xf32, #tpu.memory_space<vmem>>, vector<1x16xf32>,
      %get3A_875 = vector.shape_cast %get3A_874 : vector<1x16xf32> to vector<16xf32>
      %mul3A_876 = arith.constant 5.65685415 : f32
      %mul3A_877 = vector.broadcast %mul3A_876 : f32 to vector<16xf32>
      %mul3A_878 = arith.mulf %get3A_875, %mul3A_877 : vector<16xf32>
      %swap3A_879 = arith.constant 30 : i32
      %swap3A_880 = arith.index_cast %swap3A_879 : i32 to index
      %swap3A_881 = arith.constant 16 : index
      %swap3A_882 = tpu.vector_load %arg6[%swap3A_880, %swap3A_881] {strides = array<i32>} : memref<128x32xf32, #tpu.memory_space<vmem>>, vector<1x16xf32>,
      %swap3A_883 = vector.shape_cast %swap3A_882 : vector<1x16xf32> to vector<16xf32>
      %swap3A_884 = vector.shape_cast %mul3A_878 : vector<16xf32> to vector<1x16xf32>
      tpu.vector_store %arg6[%swap3A_880, %swap3A_881], %swap3A_884 {strides = array<i32>} : memref<128x32xf32, #tpu.memory_space<vmem>>, vector<1x16xf32>,
      %get3A_885 = arith.constant 31 : i32
      %get3A_886 = arith.index_cast %get3A_885 : i32 to index
      %get3A_887 = arith.constant 0 : index
      %get3A_888 = tpu.vector_load %arg6[%get3A_886, %get3A_887] {strides = array<i32>} : memref<128x32xf32, #tpu.memory_space<vmem>>, vector<1x16xf32>,
      %get3A_889 = vector.shape_cast %get3A_888 : vector<1x16xf32> to vector<16xf32>
      %mul3A_890 = arith.constant 5.65685415 : f32
      %mul3A_891 = vector.broadcast %mul3A_890 : f32 to vector<16xf32>
      %mul3A_892 = arith.mulf %get3A_889, %mul3A_891 : vector<16xf32>
      %swap3A_893 = arith.constant 31 : i32
      %swap3A_894 = arith.index_cast %swap3A_893 : i32 to index
      %swap3A_895 = arith.constant 0 : index
      %swap3A_896 = tpu.vector_load %arg6[%swap3A_894, %swap3A_895] {strides = array<i32>} : memref<128x32xf32, #tpu.memory_space<vmem>>, vector<1x16xf32>,
      %swap3A_897 = vector.shape_cast %swap3A_896 : vector<1x16xf32> to vector<16xf32>
      %swap3A_898 = vector.shape_cast %mul3A_892 : vector<16xf32> to vector<1x16xf32>
      tpu.vector_store %arg6[%swap3A_894, %swap3A_895], %swap3A_898 {strides = array<i32>} : memref<128x32xf32, #tpu.memory_space<vmem>>, vector<1x16xf32>,
      %get3A_899 = arith.constant 31 : i32
      %get3A_900 = arith.index_cast %get3A_899 : i32 to index
      %get3A_901 = arith.constant 16 : index
      %get3A_902 = tpu.vector_load %arg6[%get3A_900, %get3A_901] {strides = array<i32>} : memref<128x32xf32, #tpu.memory_space<vmem>>, vector<1x16xf32>,
      %get3A_903 = vector.shape_cast %get3A_902 : vector<1x16xf32> to vector<16xf32>
      %mul3A_904 = arith.constant 5.65685415 : f32
      %mul3A_905 = vector.broadcast %mul3A_904 : f32 to vector<16xf32>
      %mul3A_906 = arith.mulf %get3A_903, %mul3A_905 : vector<16xf32>
      %swap3A_907 = arith.constant 31 : i32
      %swap3A_908 = arith.index_cast %swap3A_907 : i32 to index
      %swap3A_909 = arith.constant 16 : index
      %swap3A_910 = tpu.vector_load %arg6[%swap3A_908, %swap3A_909] {strides = array<i32>} : memref<128x32xf32, #tpu.memory_space<vmem>>, vector<1x16xf32>,
      %swap3A_911 = vector.shape_cast %swap3A_910 : vector<1x16xf32> to vector<16xf32>
      %swap3A_912 = vector.shape_cast %mul3A_906 : vector<16xf32> to vector<1x16xf32>
      tpu.vector_store %arg6[%swap3A_908, %swap3A_909], %swap3A_912 {strides = array<i32>} : memref<128x32xf32, #tpu.memory_space<vmem>>, vector<1x16xf32>,
      %get3A_913 = arith.constant 32 : i32
      %get3A_914 = arith.index_cast %get3A_913 : i32 to index
      %get3A_915 = arith.constant 0 : index
      %get3A_916 = tpu.vector_load %arg6[%get3A_914, %get3A_915] {strides = array<i32>} : memref<128x32xf32, #tpu.memory_space<vmem>>, vector<1x16xf32>,
      %get3A_917 = vector.shape_cast %get3A_916 : vector<1x16xf32> to vector<16xf32>
      %mul3A_918 = arith.constant 5.65685415 : f32
      %mul3A_919 = vector.broadcast %mul3A_918 : f32 to vector<16xf32>
      %mul3A_920 = arith.mulf %get3A_917, %mul3A_919 : vector<16xf32>
      %swap3A_921 = arith.constant 32 : i32
      %swap3A_922 = arith.index_cast %swap3A_921 : i32 to index
      %swap3A_923 = arith.constant 0 : index
      %swap3A_924 = tpu.vector_load %arg6[%swap3A_922, %swap3A_923] {strides = array<i32>} : memref<128x32xf32, #tpu.memory_space<vmem>>, vector<1x16xf32>,
      %swap3A_925 = vector.shape_cast %swap3A_924 : vector<1x16xf32> to vector<16xf32>
      %swap3A_926 = vector.shape_cast %mul3A_920 : vector<16xf32> to vector<1x16xf32>
      tpu.vector_store %arg6[%swap3A_922, %swap3A_923], %swap3A_926 {strides = array<i32>} : memref<128x32xf32, #tpu.memory_space<vmem>>, vector<1x16xf32>,
      %get3A_927 = arith.constant 32 : i32
      %get3A_928 = arith.index_cast %get3A_927 : i32 to index
      %get3A_929 = arith.constant 16 : index
      %get3A_930 = tpu.vector_load %arg6[%get3A_928, %get3A_929] {strides = array<i32>} : memref<128x32xf32, #tpu.memory_space<vmem>>, vector<1x16xf32>,
      %get3A_931 = vector.shape_cast %get3A_930 : vector<1x16xf32> to vector<16xf32>
      %mul3A_932 = arith.constant 5.65685415 : f32
      %mul3A_933 = vector.broadcast %mul3A_932 : f32 to vector<16xf32>
      %mul3A_934 = arith.mulf %get3A_931, %mul3A_933 : vector<16xf32>
      %swap3A_935 = arith.constant 32 : i32
      %swap3A_936 = arith.index_cast %swap3A_935 : i32 to index
      %swap3A_937 = arith.constant 16 : index
      %swap3A_938 = tpu.vector_load %arg6[%swap3A_936, %swap3A_937] {strides = array<i32>} : memref<128x32xf32, #tpu.memory_space<vmem>>, vector<1x16xf32>,
      %swap3A_939 = vector.shape_cast %swap3A_938 : vector<1x16xf32> to vector<16xf32>
      %swap3A_940 = vector.shape_cast %mul3A_934 : vector<16xf32> to vector<1x16xf32>
      tpu.vector_store %arg6[%swap3A_936, %swap3A_937], %swap3A_940 {strides = array<i32>} : memref<128x32xf32, #tpu.memory_space<vmem>>, vector<1x16xf32>,
      %get3A_941 = arith.constant 33 : i32
      %get3A_942 = arith.index_cast %get3A_941 : i32 to index
      %get3A_943 = arith.constant 0 : index
      %get3A_944 = tpu.vector_load %arg6[%get3A_942, %get3A_943] {strides = array<i32>} : memref<128x32xf32, #tpu.memory_space<vmem>>, vector<1x16xf32>,
      %get3A_945 = vector.shape_cast %get3A_944 : vector<1x16xf32> to vector<16xf32>
      %mul3A_946 = arith.constant 5.65685415 : f32
      %mul3A_947 = vector.broadcast %mul3A_946 : f32 to vector<16xf32>
      %mul3A_948 = arith.mulf %get3A_945, %mul3A_947 : vector<16xf32>
      %swap3A_949 = arith.constant 33 : i32
      %swap3A_950 = arith.index_cast %swap3A_949 : i32 to index
      %swap3A_951 = arith.constant 0 : index
      %swap3A_952 = tpu.vector_load %arg6[%swap3A_950, %swap3A_951] {strides = array<i32>} : memref<128x32xf32, #tpu.memory_space<vmem>>, vector<1x16xf32>,
      %swap3A_953 = vector.shape_cast %swap3A_952 : vector<1x16xf32> to vector<16xf32>
      %swap3A_954 = vector.shape_cast %mul3A_948 : vector<16xf32> to vector<1x16xf32>
      tpu.vector_store %arg6[%swap3A_950, %swap3A_951], %swap3A_954 {strides = array<i32>} : memref<128x32xf32, #tpu.memory_space<vmem>>, vector<1x16xf32>,
      %get3A_955 = arith.constant 33 : i32
      %get3A_956 = arith.index_cast %get3A_955 : i32 to index
      %get3A_957 = arith.constant 16 : index
      %get3A_958 = tpu.vector_load %arg6[%get3A_956, %get3A_957] {strides = array<i32>} : memref<128x32xf32, #tpu.memory_space<vmem>>, vector<1x16xf32>,
      %get3A_959 = vector.shape_cast %get3A_958 : vector<1x16xf32> to vector<16xf32>
      %mul3A_960 = arith.constant 5.65685415 : f32
      %mul3A_961 = vector.broadcast %mul3A_960 : f32 to vector<16xf32>
      %mul3A_962 = arith.mulf %get3A_959, %mul3A_961 : vector<16xf32>
      %swap3A_963 = arith.constant 33 : i32
      %swap3A_964 = arith.index_cast %swap3A_963 : i32 to index
      %swap3A_965 = arith.constant 16 : index
      %swap3A_966 = tpu.vector_load %arg6[%swap3A_964, %swap3A_965] {strides = array<i32>} : memref<128x32xf32, #tpu.memory_space<vmem>>, vector<1x16xf32>,
      %swap3A_967 = vector.shape_cast %swap3A_966 : vector<1x16xf32> to vector<16xf32>
      %swap3A_968 = vector.shape_cast %mul3A_962 : vector<16xf32> to vector<1x16xf32>
      tpu.vector_store %arg6[%swap3A_964, %swap3A_965], %swap3A_968 {strides = array<i32>} : memref<128x32xf32, #tpu.memory_space<vmem>>, vector<1x16xf32>,
      %get3A_969 = arith.constant 34 : i32
      %get3A_970 = arith.index_cast %get3A_969 : i32 to index
      %get3A_971 = arith.constant 0 : index
      %get3A_972 = tpu.vector_load %arg6[%get3A_970, %get3A_971] {strides = array<i32>} : memref<128x32xf32, #tpu.memory_space<vmem>>, vector<1x16xf32>,
      %get3A_973 = vector.shape_cast %get3A_972 : vector<1x16xf32> to vector<16xf32>
      %mul3A_974 = arith.constant 5.65685415 : f32
      %mul3A_975 = vector.broadcast %mul3A_974 : f32 to vector<16xf32>
      %mul3A_976 = arith.mulf %get3A_973, %mul3A_975 : vector<16xf32>
      %swap3A_977 = arith.constant 34 : i32
      %swap3A_978 = arith.index_cast %swap3A_977 : i32 to index
      %swap3A_979 = arith.constant 0 : index
      %swap3A_980 = tpu.vector_load %arg6[%swap3A_978, %swap3A_979] {strides = array<i32>} : memref<128x32xf32, #tpu.memory_space<vmem>>, vector<1x16xf32>,
      %swap3A_981 = vector.shape_cast %swap3A_980 : vector<1x16xf32> to vector<16xf32>
      %swap3A_982 = vector.shape_cast %mul3A_976 : vector<16xf32> to vector<1x16xf32>
      tpu.vector_store %arg6[%swap3A_978, %swap3A_979], %swap3A_982 {strides = array<i32>} : memref<128x32xf32, #tpu.memory_space<vmem>>, vector<1x16xf32>,
      %get3A_983 = arith.constant 34 : i32
      %get3A_984 = arith.index_cast %get3A_983 : i32 to index
      %get3A_985 = arith.constant 16 : index
      %get3A_986 = tpu.vector_load %arg6[%get3A_984, %get3A_985] {strides = array<i32>} : memref<128x32xf32, #tpu.memory_space<vmem>>, vector<1x16xf32>,
      %get3A_987 = vector.shape_cast %get3A_986 : vector<1x16xf32> to vector<16xf32>
      %mul3A_988 = arith.constant 5.65685415 : f32
      %mul3A_989 = vector.broadcast %mul3A_988 : f32 to vector<16xf32>
      %mul3A_990 = arith.mulf %get3A_987, %mul3A_989 : vector<16xf32>
      %swap3A_991 = arith.constant 34 : i32
      %swap3A_992 = arith.index_cast %swap3A_991 : i32 to index
      %swap3A_993 = arith.constant 16 : index
      %swap3A_994 = tpu.vector_load %arg6[%swap3A_992, %swap3A_993] {strides = array<i32>} : memref<128x32xf32, #tpu.memory_space<vmem>>, vector<1x16xf32>,
      %swap3A_995 = vector.shape_cast %swap3A_994 : vector<1x16xf32> to vector<16xf32>
      %swap3A_996 = vector.shape_cast %mul3A_990 : vector<16xf32> to vector<1x16xf32>
      tpu.vector_store %arg6[%swap3A_992, %swap3A_993], %swap3A_996 {strides = array<i32>} : memref<128x32xf32, #tpu.memory_space<vmem>>, vector<1x16xf32>,
      %get3A_997 = arith.constant 35 : i32
      %get3A_998 = arith.index_cast %get3A_997 : i32 to index
      %get3A_999 = arith.constant 0 : index
      %get3A_1000 = tpu.vector_load %arg6[%get3A_998, %get3A_999] {strides = array<i32>} : memref<128x32xf32, #tpu.memory_space<vmem>>, vector<1x16xf32>,
      %get3A_1001 = vector.shape_cast %get3A_1000 : vector<1x16xf32> to vector<16xf32>
      %mul3A_1002 = arith.constant 5.65685415 : f32
      %mul3A_1003 = vector.broadcast %mul3A_1002 : f32 to vector<16xf32>
      %mul3A_1004 = arith.mulf %get3A_1001, %mul3A_1003 : vector<16xf32>
      %swap3A_1005 = arith.constant 35 : i32
      %swap3A_1006 = arith.index_cast %swap3A_1005 : i32 to index
      %swap3A_1007 = arith.constant 0 : index
      %swap3A_1008 = tpu.vector_load %arg6[%swap3A_1006, %swap3A_1007] {strides = array<i32>} : memref<128x32xf32, #tpu.memory_space<vmem>>, vector<1x16xf32>,
      %swap3A_1009 = vector.shape_cast %swap3A_1008 : vector<1x16xf32> to vector<16xf32>
      %swap3A_1010 = vector.shape_cast %mul3A_1004 : vector<16xf32> to vector<1x16xf32>
      tpu.vector_store %arg6[%swap3A_1006, %swap3A_1007], %swap3A_1010 {strides = array<i32>} : memref<128x32xf32, #tpu.memory_space<vmem>>, vector<1x16xf32>,
      %get3A_1011 = arith.constant 35 : i32
      %get3A_1012 = arith.index_cast %get3A_1011 : i32 to index
      %get3A_1013 = arith.constant 16 : index
      %get3A_1014 = tpu.vector_load %arg6[%get3A_1012, %get3A_1013] {strides = array<i32>} : memref<128x32xf32, #tpu.memory_space<vmem>>, vector<1x16xf32>,
      %get3A_1015 = vector.shape_cast %get3A_1014 : vector<1x16xf32> to vector<16xf32>
      %mul3A_1016 = arith.constant 5.65685415 : f32
      %mul3A_1017 = vector.broadcast %mul3A_1016 : f32 to vector<16xf32>
      %mul3A_1018 = arith.mulf %get3A_1015, %mul3A_1017 : vector<16xf32>
      %swap3A_1019 = arith.constant 35 : i32
      %swap3A_1020 = arith.index_cast %swap3A_1019 : i32 to index
      %swap3A_1021 = arith.constant 16 : index
      %swap3A_1022 = tpu.vector_load %arg6[%swap3A_1020, %swap3A_1021] {strides = array<i32>} : memref<128x32xf32, #tpu.memory_space<vmem>>, vector<1x16xf32>,
      %swap3A_1023 = vector.shape_cast %swap3A_1022 : vector<1x16xf32> to vector<16xf32>
      %swap3A_1024 = vector.shape_cast %mul3A_1018 : vector<16xf32> to vector<1x16xf32>
      tpu.vector_store %arg6[%swap3A_1020, %swap3A_1021], %swap3A_1024 {strides = array<i32>} : memref<128x32xf32, #tpu.memory_space<vmem>>, vector<1x16xf32>,
      %get3A_1025 = arith.constant 36 : i32
      %get3A_1026 = arith.index_cast %get3A_1025 : i32 to index
      %get3A_1027 = arith.constant 0 : index
      %get3A_1028 = tpu.vector_load %arg6[%get3A_1026, %get3A_1027] {strides = array<i32>} : memref<128x32xf32, #tpu.memory_space<vmem>>, vector<1x16xf32>,
      %get3A_1029 = vector.shape_cast %get3A_1028 : vector<1x16xf32> to vector<16xf32>
      %mul3A_1030 = arith.constant 5.65685415 : f32
      %mul3A_1031 = vector.broadcast %mul3A_1030 : f32 to vector<16xf32>
      %mul3A_1032 = arith.mulf %get3A_1029, %mul3A_1031 : vector<16xf32>
      %swap3A_1033 = arith.constant 36 : i32
      %swap3A_1034 = arith.index_cast %swap3A_1033 : i32 to index
      %swap3A_1035 = arith.constant 0 : index
      %swap3A_1036 = tpu.vector_load %arg6[%swap3A_1034, %swap3A_1035] {strides = array<i32>} : memref<128x32xf32, #tpu.memory_space<vmem>>, vector<1x16xf32>,
      %swap3A_1037 = vector.shape_cast %swap3A_1036 : vector<1x16xf32> to vector<16xf32>
      %swap3A_1038 = vector.shape_cast %mul3A_1032 : vector<16xf32> to vector<1x16xf32>
      tpu.vector_store %arg6[%swap3A_1034, %swap3A_1035], %swap3A_1038 {strides = array<i32>} : memref<128x32xf32, #tpu.memory_space<vmem>>, vector<1x16xf32>,
      %get3A_1039 = arith.constant 36 : i32
      %get3A_1040 = arith.index_cast %get3A_1039 : i32 to index
      %get3A_1041 = arith.constant 16 : index
      %get3A_1042 = tpu.vector_load %arg6[%get3A_1040, %get3A_1041] {strides = array<i32>} : memref<128x32xf32, #tpu.memory_space<vmem>>, vector<1x16xf32>,
      %get3A_1043 = vector.shape_cast %get3A_1042 : vector<1x16xf32> to vector<16xf32>
      %mul3A_1044 = arith.constant 5.65685415 : f32
      %mul3A_1045 = vector.broadcast %mul3A_1044 : f32 to vector<16xf32>
      %mul3A_1046 = arith.mulf %get3A_1043, %mul3A_1045 : vector<16xf32>
      %swap3A_1047 = arith.constant 36 : i32
      %swap3A_1048 = arith.index_cast %swap3A_1047 : i32 to index
      %swap3A_1049 = arith.constant 16 : index
      %swap3A_1050 = tpu.vector_load %arg6[%swap3A_1048, %swap3A_1049] {strides = array<i32>} : memref<128x32xf32, #tpu.memory_space<vmem>>, vector<1x16xf32>,
      %swap3A_1051 = vector.shape_cast %swap3A_1050 : vector<1x16xf32> to vector<16xf32>
      %swap3A_1052 = vector.shape_cast %mul3A_1046 : vector<16xf32> to vector<1x16xf32>
      tpu.vector_store %arg6[%swap3A_1048, %swap3A_1049], %swap3A_1052 {strides = array<i32>} : memref<128x32xf32, #tpu.memory_space<vmem>>, vector<1x16xf32>,
      %get3A_1053 = arith.constant 37 : i32
      %get3A_1054 = arith.index_cast %get3A_1053 : i32 to index
      %get3A_1055 = arith.constant 0 : index
      %get3A_1056 = tpu.vector_load %arg6[%get3A_1054, %get3A_1055] {strides = array<i32>} : memref<128x32xf32, #tpu.memory_space<vmem>>, vector<1x16xf32>,
      %get3A_1057 = vector.shape_cast %get3A_1056 : vector<1x16xf32> to vector<16xf32>
      %mul3A_1058 = arith.constant 5.65685415 : f32
      %mul3A_1059 = vector.broadcast %mul3A_1058 : f32 to vector<16xf32>
      %mul3A_1060 = arith.mulf %get3A_1057, %mul3A_1059 : vector<16xf32>
      %swap3A_1061 = arith.constant 37 : i32
      %swap3A_1062 = arith.index_cast %swap3A_1061 : i32 to index
      %swap3A_1063 = arith.constant 0 : index
      %swap3A_1064 = tpu.vector_load %arg6[%swap3A_1062, %swap3A_1063] {strides = array<i32>} : memref<128x32xf32, #tpu.memory_space<vmem>>, vector<1x16xf32>,
      %swap3A_1065 = vector.shape_cast %swap3A_1064 : vector<1x16xf32> to vector<16xf32>
      %swap3A_1066 = vector.shape_cast %mul3A_1060 : vector<16xf32> to vector<1x16xf32>
      tpu.vector_store %arg6[%swap3A_1062, %swap3A_1063], %swap3A_1066 {strides = array<i32>} : memref<128x32xf32, #tpu.memory_space<vmem>>, vector<1x16xf32>,
      %get3A_1067 = arith.constant 37 : i32
      %get3A_1068 = arith.index_cast %get3A_1067 : i32 to index
      %get3A_1069 = arith.constant 16 : index
      %get3A_1070 = tpu.vector_load %arg6[%get3A_1068, %get3A_1069] {strides = array<i32>} : memref<128x32xf32, #tpu.memory_space<vmem>>, vector<1x16xf32>,
      %get3A_1071 = vector.shape_cast %get3A_1070 : vector<1x16xf32> to vector<16xf32>
      %mul3A_1072 = arith.constant 5.65685415 : f32
      %mul3A_1073 = vector.broadcast %mul3A_1072 : f32 to vector<16xf32>
      %mul3A_1074 = arith.mulf %get3A_1071, %mul3A_1073 : vector<16xf32>
      %swap3A_1075 = arith.constant 37 : i32
      %swap3A_1076 = arith.index_cast %swap3A_1075 : i32 to index
      %swap3A_1077 = arith.constant 16 : index
      %swap3A_1078 = tpu.vector_load %arg6[%swap3A_1076, %swap3A_1077] {strides = array<i32>} : memref<128x32xf32, #tpu.memory_space<vmem>>, vector<1x16xf32>,
      %swap3A_1079 = vector.shape_cast %swap3A_1078 : vector<1x16xf32> to vector<16xf32>
      %swap3A_1080 = vector.shape_cast %mul3A_1074 : vector<16xf32> to vector<1x16xf32>
      tpu.vector_store %arg6[%swap3A_1076, %swap3A_1077], %swap3A_1080 {strides = array<i32>} : memref<128x32xf32, #tpu.memory_space<vmem>>, vector<1x16xf32>,
      %get3A_1081 = arith.constant 38 : i32
      %get3A_1082 = arith.index_cast %get3A_1081 : i32 to index
      %get3A_1083 = arith.constant 0 : index
      %get3A_1084 = tpu.vector_load %arg6[%get3A_1082, %get3A_1083] {strides = array<i32>} : memref<128x32xf32, #tpu.memory_space<vmem>>, vector<1x16xf32>,
      %get3A_1085 = vector.shape_cast %get3A_1084 : vector<1x16xf32> to vector<16xf32>
      %mul3A_1086 = arith.constant 5.65685415 : f32
      %mul3A_1087 = vector.broadcast %mul3A_1086 : f32 to vector<16xf32>
      %mul3A_1088 = arith.mulf %get3A_1085, %mul3A_1087 : vector<16xf32>
      %swap3A_1089 = arith.constant 38 : i32
      %swap3A_1090 = arith.index_cast %swap3A_1089 : i32 to index
      %swap3A_1091 = arith.constant 0 : index
      %swap3A_1092 = tpu.vector_load %arg6[%swap3A_1090, %swap3A_1091] {strides = array<i32>} : memref<128x32xf32, #tpu.memory_space<vmem>>, vector<1x16xf32>,
      %swap3A_1093 = vector.shape_cast %swap3A_1092 : vector<1x16xf32> to vector<16xf32>
      %swap3A_1094 = vector.shape_cast %mul3A_1088 : vector<16xf32> to vector<1x16xf32>
      tpu.vector_store %arg6[%swap3A_1090, %swap3A_1091], %swap3A_1094 {strides = array<i32>} : memref<128x32xf32, #tpu.memory_space<vmem>>, vector<1x16xf32>,
      %get3A_1095 = arith.constant 38 : i32
      %get3A_1096 = arith.index_cast %get3A_1095 : i32 to index
      %get3A_1097 = arith.constant 16 : index
      %get3A_1098 = tpu.vector_load %arg6[%get3A_1096, %get3A_1097] {strides = array<i32>} : memref<128x32xf32, #tpu.memory_space<vmem>>, vector<1x16xf32>,
      %get3A_1099 = vector.shape_cast %get3A_1098 : vector<1x16xf32> to vector<16xf32>
      %mul3A_1100 = arith.constant 5.65685415 : f32
      %mul3A_1101 = vector.broadcast %mul3A_1100 : f32 to vector<16xf32>
      %mul3A_1102 = arith.mulf %get3A_1099, %mul3A_1101 : vector<16xf32>
      %swap3A_1103 = arith.constant 38 : i32
      %swap3A_1104 = arith.index_cast %swap3A_1103 : i32 to index
      %swap3A_1105 = arith.constant 16 : index
      %swap3A_1106 = tpu.vector_load %arg6[%swap3A_1104, %swap3A_1105] {strides = array<i32>} : memref<128x32xf32, #tpu.memory_space<vmem>>, vector<1x16xf32>,
      %swap3A_1107 = vector.shape_cast %swap3A_1106 : vector<1x16xf32> to vector<16xf32>
      %swap3A_1108 = vector.shape_cast %mul3A_1102 : vector<16xf32> to vector<1x16xf32>
      tpu.vector_store %arg6[%swap3A_1104, %swap3A_1105], %swap3A_1108 {strides = array<i32>} : memref<128x32xf32, #tpu.memory_space<vmem>>, vector<1x16xf32>,
      %get3A_1109 = arith.constant 39 : i32
      %get3A_1110 = arith.index_cast %get3A_1109 : i32 to index
      %get3A_1111 = arith.constant 0 : index
      %get3A_1112 = tpu.vector_load %arg6[%get3A_1110, %get3A_1111] {strides = array<i32>} : memref<128x32xf32, #tpu.memory_space<vmem>>, vector<1x16xf32>,
      %get3A_1113 = vector.shape_cast %get3A_1112 : vector<1x16xf32> to vector<16xf32>
      %mul3A_1114 = arith.constant 5.65685415 : f32
      %mul3A_1115 = vector.broadcast %mul3A_1114 : f32 to vector<16xf32>
      %mul3A_1116 = arith.mulf %get3A_1113, %mul3A_1115 : vector<16xf32>
      %swap3A_1117 = arith.constant 39 : i32
      %swap3A_1118 = arith.index_cast %swap3A_1117 : i32 to index
      %swap3A_1119 = arith.constant 0 : index
      %swap3A_1120 = tpu.vector_load %arg6[%swap3A_1118, %swap3A_1119] {strides = array<i32>} : memref<128x32xf32, #tpu.memory_space<vmem>>, vector<1x16xf32>,
      %swap3A_1121 = vector.shape_cast %swap3A_1120 : vector<1x16xf32> to vector<16xf32>
      %swap3A_1122 = vector.shape_cast %mul3A_1116 : vector<16xf32> to vector<1x16xf32>
      tpu.vector_store %arg6[%swap3A_1118, %swap3A_1119], %swap3A_1122 {strides = array<i32>} : memref<128x32xf32, #tpu.memory_space<vmem>>, vector<1x16xf32>,
      %get3A_1123 = arith.constant 39 : i32
      %get3A_1124 = arith.index_cast %get3A_1123 : i32 to index
      %get3A_1125 = arith.constant 16 : index
      %get3A_1126 = tpu.vector_load %arg6[%get3A_1124, %get3A_1125] {strides = array<i32>} : memref<128x32xf32, #tpu.memory_space<vmem>>, vector<1x16xf32>,
      %get3A_1127 = vector.shape_cast %get3A_1126 : vector<1x16xf32> to vector<16xf32>
      %mul3A_1128 = arith.constant 5.65685415 : f32
      %mul3A_1129 = vector.broadcast %mul3A_1128 : f32 to vector<16xf32>
      %mul3A_1130 = arith.mulf %get3A_1127, %mul3A_1129 : vector<16xf32>
      %swap3A_1131 = arith.constant 39 : i32
      %swap3A_1132 = arith.index_cast %swap3A_1131 : i32 to index
      %swap3A_1133 = arith.constant 16 : index
      %swap3A_1134 = tpu.vector_load %arg6[%swap3A_1132, %swap3A_1133] {strides = array<i32>} : memref<128x32xf32, #tpu.memory_space<vmem>>, vector<1x16xf32>,
      %swap3A_1135 = vector.shape_cast %swap3A_1134 : vector<1x16xf32> to vector<16xf32>
      %swap3A_1136 = vector.shape_cast %mul3A_1130 : vector<16xf32> to vector<1x16xf32>
      tpu.vector_store %arg6[%swap3A_1132, %swap3A_1133], %swap3A_1136 {strides = array<i32>} : memref<128x32xf32, #tpu.memory_space<vmem>>, vector<1x16xf32>,
      %get3A_1137 = arith.constant 40 : i32
      %get3A_1138 = arith.index_cast %get3A_1137 : i32 to index
      %get3A_1139 = arith.constant 0 : index
      %get3A_1140 = tpu.vector_load %arg6[%get3A_1138, %get3A_1139] {strides = array<i32>} : memref<128x32xf32, #tpu.memory_space<vmem>>, vector<1x16xf32>,
      %get3A_1141 = vector.shape_cast %get3A_1140 : vector<1x16xf32> to vector<16xf32>
      %mul3A_1142 = arith.constant 5.65685415 : f32
      %mul3A_1143 = vector.broadcast %mul3A_1142 : f32 to vector<16xf32>
      %mul3A_1144 = arith.mulf %get3A_1141, %mul3A_1143 : vector<16xf32>
      %swap3A_1145 = arith.constant 40 : i32
      %swap3A_1146 = arith.index_cast %swap3A_1145 : i32 to index
      %swap3A_1147 = arith.constant 0 : index
      %swap3A_1148 = tpu.vector_load %arg6[%swap3A_1146, %swap3A_1147] {strides = array<i32>} : memref<128x32xf32, #tpu.memory_space<vmem>>, vector<1x16xf32>,
      %swap3A_1149 = vector.shape_cast %swap3A_1148 : vector<1x16xf32> to vector<16xf32>
      %swap3A_1150 = vector.shape_cast %mul3A_1144 : vector<16xf32> to vector<1x16xf32>
      tpu.vector_store %arg6[%swap3A_1146, %swap3A_1147], %swap3A_1150 {strides = array<i32>} : memref<128x32xf32, #tpu.memory_space<vmem>>, vector<1x16xf32>,
      %get3A_1151 = arith.constant 40 : i32
      %get3A_1152 = arith.index_cast %get3A_1151 : i32 to index
      %get3A_1153 = arith.constant 16 : index
      %get3A_1154 = tpu.vector_load %arg6[%get3A_1152, %get3A_1153] {strides = array<i32>} : memref<128x32xf32, #tpu.memory_space<vmem>>, vector<1x16xf32>,
      %get3A_1155 = vector.shape_cast %get3A_1154 : vector<1x16xf32> to vector<16xf32>
      %mul3A_1156 = arith.constant 5.65685415 : f32
      %mul3A_1157 = vector.broadcast %mul3A_1156 : f32 to vector<16xf32>
      %mul3A_1158 = arith.mulf %get3A_1155, %mul3A_1157 : vector<16xf32>
      %swap3A_1159 = arith.constant 40 : i32
      %swap3A_1160 = arith.index_cast %swap3A_1159 : i32 to index
      %swap3A_1161 = arith.constant 16 : index
      %swap3A_1162 = tpu.vector_load %arg6[%swap3A_1160, %swap3A_1161] {strides = array<i32>} : memref<128x32xf32, #tpu.memory_space<vmem>>, vector<1x16xf32>,
      %swap3A_1163 = vector.shape_cast %swap3A_1162 : vector<1x16xf32> to vector<16xf32>
      %swap3A_1164 = vector.shape_cast %mul3A_1158 : vector<16xf32> to vector<1x16xf32>
      tpu.vector_store %arg6[%swap3A_1160, %swap3A_1161], %swap3A_1164 {strides = array<i32>} : memref<128x32xf32, #tpu.memory_space<vmem>>, vector<1x16xf32>,
      %get3A_1165 = arith.constant 41 : i32
      %get3A_1166 = arith.index_cast %get3A_1165 : i32 to index
      %get3A_1167 = arith.constant 0 : index
      %get3A_1168 = tpu.vector_load %arg6[%get3A_1166, %get3A_1167] {strides = array<i32>} : memref<128x32xf32, #tpu.memory_space<vmem>>, vector<1x16xf32>,
      %get3A_1169 = vector.shape_cast %get3A_1168 : vector<1x16xf32> to vector<16xf32>
      %mul3A_1170 = arith.constant 5.65685415 : f32
      %mul3A_1171 = vector.broadcast %mul3A_1170 : f32 to vector<16xf32>
      %mul3A_1172 = arith.mulf %get3A_1169, %mul3A_1171 : vector<16xf32>
      %swap3A_1173 = arith.constant 41 : i32
      %swap3A_1174 = arith.index_cast %swap3A_1173 : i32 to index
      %swap3A_1175 = arith.constant 0 : index
      %swap3A_1176 = tpu.vector_load %arg6[%swap3A_1174, %swap3A_1175] {strides = array<i32>} : memref<128x32xf32, #tpu.memory_space<vmem>>, vector<1x16xf32>,
      %swap3A_1177 = vector.shape_cast %swap3A_1176 : vector<1x16xf32> to vector<16xf32>
      %swap3A_1178 = vector.shape_cast %mul3A_1172 : vector<16xf32> to vector<1x16xf32>
      tpu.vector_store %arg6[%swap3A_1174, %swap3A_1175], %swap3A_1178 {strides = array<i32>} : memref<128x32xf32, #tpu.memory_space<vmem>>, vector<1x16xf32>,
      %get3A_1179 = arith.constant 41 : i32
      %get3A_1180 = arith.index_cast %get3A_1179 : i32 to index
      %get3A_1181 = arith.constant 16 : index
      %get3A_1182 = tpu.vector_load %arg6[%get3A_1180, %get3A_1181] {strides = array<i32>} : memref<128x32xf32, #tpu.memory_space<vmem>>, vector<1x16xf32>,
      %get3A_1183 = vector.shape_cast %get3A_1182 : vector<1x16xf32> to vector<16xf32>
      %mul3A_1184 = arith.constant 5.65685415 : f32
      %mul3A_1185 = vector.broadcast %mul3A_1184 : f32 to vector<16xf32>
      %mul3A_1186 = arith.mulf %get3A_1183, %mul3A_1185 : vector<16xf32>
      %swap3A_1187 = arith.constant 41 : i32
      %swap3A_1188 = arith.index_cast %swap3A_1187 : i32 to index
      %swap3A_1189 = arith.constant 16 : index
      %swap3A_1190 = tpu.vector_load %arg6[%swap3A_1188, %swap3A_1189] {strides = array<i32>} : memref<128x32xf32, #tpu.memory_space<vmem>>, vector<1x16xf32>,
      %swap3A_1191 = vector.shape_cast %swap3A_1190 : vector<1x16xf32> to vector<16xf32>
      %swap3A_1192 = vector.shape_cast %mul3A_1186 : vector<16xf32> to vector<1x16xf32>
      tpu.vector_store %arg6[%swap3A_1188, %swap3A_1189], %swap3A_1192 {strides = array<i32>} : memref<128x32xf32, #tpu.memory_space<vmem>>, vector<1x16xf32>,
      %get3A_1193 = arith.constant 42 : i32
      %get3A_1194 = arith.index_cast %get3A_1193 : i32 to index
      %get3A_1195 = arith.constant 0 : index
      %get3A_1196 = tpu.vector_load %arg6[%get3A_1194, %get3A_1195] {strides = array<i32>} : memref<128x32xf32, #tpu.memory_space<vmem>>, vector<1x16xf32>,
      %get3A_1197 = vector.shape_cast %get3A_1196 : vector<1x16xf32> to vector<16xf32>
      %mul3A_1198 = arith.constant 5.65685415 : f32
      %mul3A_1199 = vector.broadcast %mul3A_1198 : f32 to vector<16xf32>
      %mul3A_1200 = arith.mulf %get3A_1197, %mul3A_1199 : vector<16xf32>
      %swap3A_1201 = arith.constant 42 : i32
      %swap3A_1202 = arith.index_cast %swap3A_1201 : i32 to index
      %swap3A_1203 = arith.constant 0 : index
      %swap3A_1204 = tpu.vector_load %arg6[%swap3A_1202, %swap3A_1203] {strides = array<i32>} : memref<128x32xf32, #tpu.memory_space<vmem>>, vector<1x16xf32>,
      %swap3A_1205 = vector.shape_cast %swap3A_1204 : vector<1x16xf32> to vector<16xf32>
      %swap3A_1206 = vector.shape_cast %mul3A_1200 : vector<16xf32> to vector<1x16xf32>
      tpu.vector_store %arg6[%swap3A_1202, %swap3A_1203], %swap3A_1206 {strides = array<i32>} : memref<128x32xf32, #tpu.memory_space<vmem>>, vector<1x16xf32>,
      %get3A_1207 = arith.constant 42 : i32
      %get3A_1208 = arith.index_cast %get3A_1207 : i32 to index
      %get3A_1209 = arith.constant 16 : index
      %get3A_1210 = tpu.vector_load %arg6[%get3A_1208, %get3A_1209] {strides = array<i32>} : memref<128x32xf32, #tpu.memory_space<vmem>>, vector<1x16xf32>,
      %get3A_1211 = vector.shape_cast %get3A_1210 : vector<1x16xf32> to vector<16xf32>
      %mul3A_1212 = arith.constant 5.65685415 : f32
      %mul3A_1213 = vector.broadcast %mul3A_1212 : f32 to vector<16xf32>
      %mul3A_1214 = arith.mulf %get3A_1211, %mul3A_1213 : vector<16xf32>
      %swap3A_1215 = arith.constant 42 : i32
      %swap3A_1216 = arith.index_cast %swap3A_1215 : i32 to index
      %swap3A_1217 = arith.constant 16 : index
      %swap3A_1218 = tpu.vector_load %arg6[%swap3A_1216, %swap3A_1217] {strides = array<i32>} : memref<128x32xf32, #tpu.memory_space<vmem>>, vector<1x16xf32>,
      %swap3A_1219 = vector.shape_cast %swap3A_1218 : vector<1x16xf32> to vector<16xf32>
      %swap3A_1220 = vector.shape_cast %mul3A_1214 : vector<16xf32> to vector<1x16xf32>
      tpu.vector_store %arg6[%swap3A_1216, %swap3A_1217], %swap3A_1220 {strides = array<i32>} : memref<128x32xf32, #tpu.memory_space<vmem>>, vector<1x16xf32>,
      %get3A_1221 = arith.constant 43 : i32
      %get3A_1222 = arith.index_cast %get3A_1221 : i32 to index
      %get3A_1223 = arith.constant 0 : index
      %get3A_1224 = tpu.vector_load %arg6[%get3A_1222, %get3A_1223] {strides = array<i32>} : memref<128x32xf32, #tpu.memory_space<vmem>>, vector<1x16xf32>,
      %get3A_1225 = vector.shape_cast %get3A_1224 : vector<1x16xf32> to vector<16xf32>
      %mul3A_1226 = arith.constant 5.65685415 : f32
      %mul3A_1227 = vector.broadcast %mul3A_1226 : f32 to vector<16xf32>
      %mul3A_1228 = arith.mulf %get3A_1225, %mul3A_1227 : vector<16xf32>
      %swap3A_1229 = arith.constant 43 : i32
      %swap3A_1230 = arith.index_cast %swap3A_1229 : i32 to index
      %swap3A_1231 = arith.constant 0 : index
      %swap3A_1232 = tpu.vector_load %arg6[%swap3A_1230, %swap3A_1231] {strides = array<i32>} : memref<128x32xf32, #tpu.memory_space<vmem>>, vector<1x16xf32>,
      %swap3A_1233 = vector.shape_cast %swap3A_1232 : vector<1x16xf32> to vector<16xf32>
      %swap3A_1234 = vector.shape_cast %mul3A_1228 : vector<16xf32> to vector<1x16xf32>
      tpu.vector_store %arg6[%swap3A_1230, %swap3A_1231], %swap3A_1234 {strides = array<i32>} : memref<128x32xf32, #tpu.memory_space<vmem>>, vector<1x16xf32>,
      %get3A_1235 = arith.constant 43 : i32
      %get3A_1236 = arith.index_cast %get3A_1235 : i32 to index
      %get3A_1237 = arith.constant 16 : index
      %get3A_1238 = tpu.vector_load %arg6[%get3A_1236, %get3A_1237] {strides = array<i32>} : memref<128x32xf32, #tpu.memory_space<vmem>>, vector<1x16xf32>,
      %get3A_1239 = vector.shape_cast %get3A_1238 : vector<1x16xf32> to vector<16xf32>
      %mul3A_1240 = arith.constant 5.65685415 : f32
      %mul3A_1241 = vector.broadcast %mul3A_1240 : f32 to vector<16xf32>
      %mul3A_1242 = arith.mulf %get3A_1239, %mul3A_1241 : vector<16xf32>
      %swap3A_1243 = arith.constant 43 : i32
      %swap3A_1244 = arith.index_cast %swap3A_1243 : i32 to index
      %swap3A_1245 = arith.constant 16 : index
      %swap3A_1246 = tpu.vector_load %arg6[%swap3A_1244, %swap3A_1245] {strides = array<i32>} : memref<128x32xf32, #tpu.memory_space<vmem>>, vector<1x16xf32>,
      %swap3A_1247 = vector.shape_cast %swap3A_1246 : vector<1x16xf32> to vector<16xf32>
      %swap3A_1248 = vector.shape_cast %mul3A_1242 : vector<16xf32> to vector<1x16xf32>
      tpu.vector_store %arg6[%swap3A_1244, %swap3A_1245], %swap3A_1248 {strides = array<i32>} : memref<128x32xf32, #tpu.memory_space<vmem>>, vector<1x16xf32>,
      %get3A_1249 = arith.constant 44 : i32
      %get3A_1250 = arith.index_cast %get3A_1249 : i32 to index
      %get3A_1251 = arith.constant 0 : index
      %get3A_1252 = tpu.vector_load %arg6[%get3A_1250, %get3A_1251] {strides = array<i32>} : memref<128x32xf32, #tpu.memory_space<vmem>>, vector<1x16xf32>,
      %get3A_1253 = vector.shape_cast %get3A_1252 : vector<1x16xf32> to vector<16xf32>
      %mul3A_1254 = arith.constant 5.65685415 : f32
      %mul3A_1255 = vector.broadcast %mul3A_1254 : f32 to vector<16xf32>
      %mul3A_1256 = arith.mulf %get3A_1253, %mul3A_1255 : vector<16xf32>
      %swap3A_1257 = arith.constant 44 : i32
      %swap3A_1258 = arith.index_cast %swap3A_1257 : i32 to index
      %swap3A_1259 = arith.constant 0 : index
      %swap3A_1260 = tpu.vector_load %arg6[%swap3A_1258, %swap3A_1259] {strides = array<i32>} : memref<128x32xf32, #tpu.memory_space<vmem>>, vector<1x16xf32>,
      %swap3A_1261 = vector.shape_cast %swap3A_1260 : vector<1x16xf32> to vector<16xf32>
      %swap3A_1262 = vector.shape_cast %mul3A_1256 : vector<16xf32> to vector<1x16xf32>
      tpu.vector_store %arg6[%swap3A_1258, %swap3A_1259], %swap3A_1262 {strides = array<i32>} : memref<128x32xf32, #tpu.memory_space<vmem>>, vector<1x16xf32>,
      %get3A_1263 = arith.constant 44 : i32
      %get3A_1264 = arith.index_cast %get3A_1263 : i32 to index
      %get3A_1265 = arith.constant 16 : index
      %get3A_1266 = tpu.vector_load %arg6[%get3A_1264, %get3A_1265] {strides = array<i32>} : memref<128x32xf32, #tpu.memory_space<vmem>>, vector<1x16xf32>,
      %get3A_1267 = vector.shape_cast %get3A_1266 : vector<1x16xf32> to vector<16xf32>
      %mul3A_1268 = arith.constant 5.65685415 : f32
      %mul3A_1269 = vector.broadcast %mul3A_1268 : f32 to vector<16xf32>
      %mul3A_1270 = arith.mulf %get3A_1267, %mul3A_1269 : vector<16xf32>
      %swap3A_1271 = arith.constant 44 : i32
      %swap3A_1272 = arith.index_cast %swap3A_1271 : i32 to index
      %swap3A_1273 = arith.constant 16 : index
      %swap3A_1274 = tpu.vector_load %arg6[%swap3A_1272, %swap3A_1273] {strides = array<i32>} : memref<128x32xf32, #tpu.memory_space<vmem>>, vector<1x16xf32>,
      %swap3A_1275 = vector.shape_cast %swap3A_1274 : vector<1x16xf32> to vector<16xf32>
      %swap3A_1276 = vector.shape_cast %mul3A_1270 : vector<16xf32> to vector<1x16xf32>
      tpu.vector_store %arg6[%swap3A_1272, %swap3A_1273], %swap3A_1276 {strides = array<i32>} : memref<128x32xf32, #tpu.memory_space<vmem>>, vector<1x16xf32>,
      %get3A_1277 = arith.constant 45 : i32
      %get3A_1278 = arith.index_cast %get3A_1277 : i32 to index
      %get3A_1279 = arith.constant 0 : index
      %get3A_1280 = tpu.vector_load %arg6[%get3A_1278, %get3A_1279] {strides = array<i32>} : memref<128x32xf32, #tpu.memory_space<vmem>>, vector<1x16xf32>,
      %get3A_1281 = vector.shape_cast %get3A_1280 : vector<1x16xf32> to vector<16xf32>
      %mul3A_1282 = arith.constant 5.65685415 : f32
      %mul3A_1283 = vector.broadcast %mul3A_1282 : f32 to vector<16xf32>
      %mul3A_1284 = arith.mulf %get3A_1281, %mul3A_1283 : vector<16xf32>
      %swap3A_1285 = arith.constant 45 : i32
      %swap3A_1286 = arith.index_cast %swap3A_1285 : i32 to index
      %swap3A_1287 = arith.constant 0 : index
      %swap3A_1288 = tpu.vector_load %arg6[%swap3A_1286, %swap3A_1287] {strides = array<i32>} : memref<128x32xf32, #tpu.memory_space<vmem>>, vector<1x16xf32>,
      %swap3A_1289 = vector.shape_cast %swap3A_1288 : vector<1x16xf32> to vector<16xf32>
      %swap3A_1290 = vector.shape_cast %mul3A_1284 : vector<16xf32> to vector<1x16xf32>
      tpu.vector_store %arg6[%swap3A_1286, %swap3A_1287], %swap3A_1290 {strides = array<i32>} : memref<128x32xf32, #tpu.memory_space<vmem>>, vector<1x16xf32>,
      %get3A_1291 = arith.constant 45 : i32
      %get3A_1292 = arith.index_cast %get3A_1291 : i32 to index
      %get3A_1293 = arith.constant 16 : index
      %get3A_1294 = tpu.vector_load %arg6[%get3A_1292, %get3A_1293] {strides = array<i32>} : memref<128x32xf32, #tpu.memory_space<vmem>>, vector<1x16xf32>,
      %get3A_1295 = vector.shape_cast %get3A_1294 : vector<1x16xf32> to vector<16xf32>
      %mul3A_1296 = arith.constant 5.65685415 : f32
      %mul3A_1297 = vector.broadcast %mul3A_1296 : f32 to vector<16xf32>
      %mul3A_1298 = arith.mulf %get3A_1295, %mul3A_1297 : vector<16xf32>
      %swap3A_1299 = arith.constant 45 : i32
      %swap3A_1300 = arith.index_cast %swap3A_1299 : i32 to index
      %swap3A_1301 = arith.constant 16 : index
      %swap3A_1302 = tpu.vector_load %arg6[%swap3A_1300, %swap3A_1301] {strides = array<i32>} : memref<128x32xf32, #tpu.memory_space<vmem>>, vector<1x16xf32>,
      %swap3A_1303 = vector.shape_cast %swap3A_1302 : vector<1x16xf32> to vector<16xf32>
      %swap3A_1304 = vector.shape_cast %mul3A_1298 : vector<16xf32> to vector<1x16xf32>
      tpu.vector_store %arg6[%swap3A_1300, %swap3A_1301], %swap3A_1304 {strides = array<i32>} : memref<128x32xf32, #tpu.memory_space<vmem>>, vector<1x16xf32>,
      %get3A_1305 = arith.constant 46 : i32
      %get3A_1306 = arith.index_cast %get3A_1305 : i32 to index
      %get3A_1307 = arith.constant 0 : index
      %get3A_1308 = tpu.vector_load %arg6[%get3A_1306, %get3A_1307] {strides = array<i32>} : memref<128x32xf32, #tpu.memory_space<vmem>>, vector<1x16xf32>,
      %get3A_1309 = vector.shape_cast %get3A_1308 : vector<1x16xf32> to vector<16xf32>
      %mul3A_1310 = arith.constant 5.65685415 : f32
      %mul3A_1311 = vector.broadcast %mul3A_1310 : f32 to vector<16xf32>
      %mul3A_1312 = arith.mulf %get3A_1309, %mul3A_1311 : vector<16xf32>
      %swap3A_1313 = arith.constant 46 : i32
      %swap3A_1314 = arith.index_cast %swap3A_1313 : i32 to index
      %swap3A_1315 = arith.constant 0 : index
      %swap3A_1316 = tpu.vector_load %arg6[%swap3A_1314, %swap3A_1315] {strides = array<i32>} : memref<128x32xf32, #tpu.memory_space<vmem>>, vector<1x16xf32>,
      %swap3A_1317 = vector.shape_cast %swap3A_1316 : vector<1x16xf32> to vector<16xf32>
      %swap3A_1318 = vector.shape_cast %mul3A_1312 : vector<16xf32> to vector<1x16xf32>
      tpu.vector_store %arg6[%swap3A_1314, %swap3A_1315], %swap3A_1318 {strides = array<i32>} : memref<128x32xf32, #tpu.memory_space<vmem>>, vector<1x16xf32>,
      %get3A_1319 = arith.constant 46 : i32
      %get3A_1320 = arith.index_cast %get3A_1319 : i32 to index
      %get3A_1321 = arith.constant 16 : index
      %get3A_1322 = tpu.vector_load %arg6[%get3A_1320, %get3A_1321] {strides = array<i32>} : memref<128x32xf32, #tpu.memory_space<vmem>>, vector<1x16xf32>,
      %get3A_1323 = vector.shape_cast %get3A_1322 : vector<1x16xf32> to vector<16xf32>
      %mul3A_1324 = arith.constant 5.65685415 : f32
      %mul3A_1325 = vector.broadcast %mul3A_1324 : f32 to vector<16xf32>
      %mul3A_1326 = arith.mulf %get3A_1323, %mul3A_1325 : vector<16xf32>
      %swap3A_1327 = arith.constant 46 : i32
      %swap3A_1328 = arith.index_cast %swap3A_1327 : i32 to index
      %swap3A_1329 = arith.constant 16 : index
      %swap3A_1330 = tpu.vector_load %arg6[%swap3A_1328, %swap3A_1329] {strides = array<i32>} : memref<128x32xf32, #tpu.memory_space<vmem>>, vector<1x16xf32>,
      %swap3A_1331 = vector.shape_cast %swap3A_1330 : vector<1x16xf32> to vector<16xf32>
      %swap3A_1332 = vector.shape_cast %mul3A_1326 : vector<16xf32> to vector<1x16xf32>
      tpu.vector_store %arg6[%swap3A_1328, %swap3A_1329], %swap3A_1332 {strides = array<i32>} : memref<128x32xf32, #tpu.memory_space<vmem>>, vector<1x16xf32>,
      %get3A_1333 = arith.constant 47 : i32
      %get3A_1334 = arith.index_cast %get3A_1333 : i32 to index
      %get3A_1335 = arith.constant 0 : index
      %get3A_1336 = tpu.vector_load %arg6[%get3A_1334, %get3A_1335] {strides = array<i32>} : memref<128x32xf32, #tpu.memory_space<vmem>>, vector<1x16xf32>,
      %get3A_1337 = vector.shape_cast %get3A_1336 : vector<1x16xf32> to vector<16xf32>
      %mul3A_1338 = arith.constant 5.65685415 : f32
      %mul3A_1339 = vector.broadcast %mul3A_1338 : f32 to vector<16xf32>
      %mul3A_1340 = arith.mulf %get3A_1337, %mul3A_1339 : vector<16xf32>
      %swap3A_1341 = arith.constant 47 : i32
      %swap3A_1342 = arith.index_cast %swap3A_1341 : i32 to index
      %swap3A_1343 = arith.constant 0 : index
      %swap3A_1344 = tpu.vector_load %arg6[%swap3A_1342, %swap3A_1343] {strides = array<i32>} : memref<128x32xf32, #tpu.memory_space<vmem>>, vector<1x16xf32>,
      %swap3A_1345 = vector.shape_cast %swap3A_1344 : vector<1x16xf32> to vector<16xf32>
      %swap3A_1346 = vector.shape_cast %mul3A_1340 : vector<16xf32> to vector<1x16xf32>
      tpu.vector_store %arg6[%swap3A_1342, %swap3A_1343], %swap3A_1346 {strides = array<i32>} : memref<128x32xf32, #tpu.memory_space<vmem>>, vector<1x16xf32>,
      %get3A_1347 = arith.constant 47 : i32
      %get3A_1348 = arith.index_cast %get3A_1347 : i32 to index
      %get3A_1349 = arith.constant 16 : index
      %get3A_1350 = tpu.vector_load %arg6[%get3A_1348, %get3A_1349] {strides = array<i32>} : memref<128x32xf32, #tpu.memory_space<vmem>>, vector<1x16xf32>,
      %get3A_1351 = vector.shape_cast %get3A_1350 : vector<1x16xf32> to vector<16xf32>
      %mul3A_1352 = arith.constant 5.65685415 : f32
      %mul3A_1353 = vector.broadcast %mul3A_1352 : f32 to vector<16xf32>
      %mul3A_1354 = arith.mulf %get3A_1351, %mul3A_1353 : vector<16xf32>
      %swap3A_1355 = arith.constant 47 : i32
      %swap3A_1356 = arith.index_cast %swap3A_1355 : i32 to index
      %swap3A_1357 = arith.constant 16 : index
      %swap3A_1358 = tpu.vector_load %arg6[%swap3A_1356, %swap3A_1357] {strides = array<i32>} : memref<128x32xf32, #tpu.memory_space<vmem>>, vector<1x16xf32>,
      %swap3A_1359 = vector.shape_cast %swap3A_1358 : vector<1x16xf32> to vector<16xf32>
      %swap3A_1360 = vector.shape_cast %mul3A_1354 : vector<16xf32> to vector<1x16xf32>
      tpu.vector_store %arg6[%swap3A_1356, %swap3A_1357], %swap3A_1360 {strides = array<i32>} : memref<128x32xf32, #tpu.memory_space<vmem>>, vector<1x16xf32>,
      %get3A_1361 = arith.constant 48 : i32
      %get3A_1362 = arith.index_cast %get3A_1361 : i32 to index
      %get3A_1363 = arith.constant 0 : index
      %get3A_1364 = tpu.vector_load %arg6[%get3A_1362, %get3A_1363] {strides = array<i32>} : memref<128x32xf32, #tpu.memory_space<vmem>>, vector<1x16xf32>,
      %get3A_1365 = vector.shape_cast %get3A_1364 : vector<1x16xf32> to vector<16xf32>
      %mul3A_1366 = arith.constant 5.65685415 : f32
      %mul3A_1367 = vector.broadcast %mul3A_1366 : f32 to vector<16xf32>
      %mul3A_1368 = arith.mulf %get3A_1365, %mul3A_1367 : vector<16xf32>
      %swap3A_1369 = arith.constant 48 : i32
      %swap3A_1370 = arith.index_cast %swap3A_1369 : i32 to index
      %swap3A_1371 = arith.constant 0 : index
      %swap3A_1372 = tpu.vector_load %arg6[%swap3A_1370, %swap3A_1371] {strides = array<i32>} : memref<128x32xf32, #tpu.memory_space<vmem>>, vector<1x16xf32>,
      %swap3A_1373 = vector.shape_cast %swap3A_1372 : vector<1x16xf32> to vector<16xf32>
      %swap3A_1374 = vector.shape_cast %mul3A_1368 : vector<16xf32> to vector<1x16xf32>
      tpu.vector_store %arg6[%swap3A_1370, %swap3A_1371], %swap3A_1374 {strides = array<i32>} : memref<128x32xf32, #tpu.memory_space<vmem>>, vector<1x16xf32>,
      %get3A_1375 = arith.constant 48 : i32
      %get3A_1376 = arith.index_cast %get3A_1375 : i32 to index
      %get3A_1377 = arith.constant 16 : index
      %get3A_1378 = tpu.vector_load %arg6[%get3A_1376, %get3A_1377] {strides = array<i32>} : memref<128x32xf32, #tpu.memory_space<vmem>>, vector<1x16xf32>,
      %get3A_1379 = vector.shape_cast %get3A_1378 : vector<1x16xf32> to vector<16xf32>
      %mul3A_1380 = arith.constant 5.65685415 : f32
      %mul3A_1381 = vector.broadcast %mul3A_1380 : f32 to vector<16xf32>
      %mul3A_1382 = arith.mulf %get3A_1379, %mul3A_1381 : vector<16xf32>
      %swap3A_1383 = arith.constant 48 : i32
      %swap3A_1384 = arith.index_cast %swap3A_1383 : i32 to index
      %swap3A_1385 = arith.constant 16 : index
      %swap3A_1386 = tpu.vector_load %arg6[%swap3A_1384, %swap3A_1385] {strides = array<i32>} : memref<128x32xf32, #tpu.memory_space<vmem>>, vector<1x16xf32>,
      %swap3A_1387 = vector.shape_cast %swap3A_1386 : vector<1x16xf32> to vector<16xf32>
      %swap3A_1388 = vector.shape_cast %mul3A_1382 : vector<16xf32> to vector<1x16xf32>
      tpu.vector_store %arg6[%swap3A_1384, %swap3A_1385], %swap3A_1388 {strides = array<i32>} : memref<128x32xf32, #tpu.memory_space<vmem>>, vector<1x16xf32>,
      %get3A_1389 = arith.constant 49 : i32
      %get3A_1390 = arith.index_cast %get3A_1389 : i32 to index
      %get3A_1391 = arith.constant 0 : index
      %get3A_1392 = tpu.vector_load %arg6[%get3A_1390, %get3A_1391] {strides = array<i32>} : memref<128x32xf32, #tpu.memory_space<vmem>>, vector<1x16xf32>,
      %get3A_1393 = vector.shape_cast %get3A_1392 : vector<1x16xf32> to vector<16xf32>
      %mul3A_1394 = arith.constant 5.65685415 : f32
      %mul3A_1395 = vector.broadcast %mul3A_1394 : f32 to vector<16xf32>
      %mul3A_1396 = arith.mulf %get3A_1393, %mul3A_1395 : vector<16xf32>
      %swap3A_1397 = arith.constant 49 : i32
      %swap3A_1398 = arith.index_cast %swap3A_1397 : i32 to index
      %swap3A_1399 = arith.constant 0 : index
      %swap3A_1400 = tpu.vector_load %arg6[%swap3A_1398, %swap3A_1399] {strides = array<i32>} : memref<128x32xf32, #tpu.memory_space<vmem>>, vector<1x16xf32>,
      %swap3A_1401 = vector.shape_cast %swap3A_1400 : vector<1x16xf32> to vector<16xf32>
      %swap3A_1402 = vector.shape_cast %mul3A_1396 : vector<16xf32> to vector<1x16xf32>
      tpu.vector_store %arg6[%swap3A_1398, %swap3A_1399], %swap3A_1402 {strides = array<i32>} : memref<128x32xf32, #tpu.memory_space<vmem>>, vector<1x16xf32>,
      %get3A_1403 = arith.constant 49 : i32
      %get3A_1404 = arith.index_cast %get3A_1403 : i32 to index
      %get3A_1405 = arith.constant 16 : index
      %get3A_1406 = tpu.vector_load %arg6[%get3A_1404, %get3A_1405] {strides = array<i32>} : memref<128x32xf32, #tpu.memory_space<vmem>>, vector<1x16xf32>,
      %get3A_1407 = vector.shape_cast %get3A_1406 : vector<1x16xf32> to vector<16xf32>
      %mul3A_1408 = arith.constant 5.65685415 : f32
      %mul3A_1409 = vector.broadcast %mul3A_1408 : f32 to vector<16xf32>
      %mul3A_1410 = arith.mulf %get3A_1407, %mul3A_1409 : vector<16xf32>
      %swap3A_1411 = arith.constant 49 : i32
      %swap3A_1412 = arith.index_cast %swap3A_1411 : i32 to index
      %swap3A_1413 = arith.constant 16 : index
      %swap3A_1414 = tpu.vector_load %arg6[%swap3A_1412, %swap3A_1413] {strides = array<i32>} : memref<128x32xf32, #tpu.memory_space<vmem>>, vector<1x16xf32>,
      %swap3A_1415 = vector.shape_cast %swap3A_1414 : vector<1x16xf32> to vector<16xf32>
      %swap3A_1416 = vector.shape_cast %mul3A_1410 : vector<16xf32> to vector<1x16xf32>
      tpu.vector_store %arg6[%swap3A_1412, %swap3A_1413], %swap3A_1416 {strides = array<i32>} : memref<128x32xf32, #tpu.memory_space<vmem>>, vector<1x16xf32>,
      %get3A_1417 = arith.constant 50 : i32
      %get3A_1418 = arith.index_cast %get3A_1417 : i32 to index
      %get3A_1419 = arith.constant 0 : index
      %get3A_1420 = tpu.vector_load %arg6[%get3A_1418, %get3A_1419] {strides = array<i32>} : memref<128x32xf32, #tpu.memory_space<vmem>>, vector<1x16xf32>,
      %get3A_1421 = vector.shape_cast %get3A_1420 : vector<1x16xf32> to vector<16xf32>
      %mul3A_1422 = arith.constant 5.65685415 : f32
      %mul3A_1423 = vector.broadcast %mul3A_1422 : f32 to vector<16xf32>
      %mul3A_1424 = arith.mulf %get3A_1421, %mul3A_1423 : vector<16xf32>
      %swap3A_1425 = arith.constant 50 : i32
      %swap3A_1426 = arith.index_cast %swap3A_1425 : i32 to index
      %swap3A_1427 = arith.constant 0 : index
      %swap3A_1428 = tpu.vector_load %arg6[%swap3A_1426, %swap3A_1427] {strides = array<i32>} : memref<128x32xf32, #tpu.memory_space<vmem>>, vector<1x16xf32>,
      %swap3A_1429 = vector.shape_cast %swap3A_1428 : vector<1x16xf32> to vector<16xf32>
      %swap3A_1430 = vector.shape_cast %mul3A_1424 : vector<16xf32> to vector<1x16xf32>
      tpu.vector_store %arg6[%swap3A_1426, %swap3A_1427], %swap3A_1430 {strides = array<i32>} : memref<128x32xf32, #tpu.memory_space<vmem>>, vector<1x16xf32>,
      %get3A_1431 = arith.constant 50 : i32
      %get3A_1432 = arith.index_cast %get3A_1431 : i32 to index
      %get3A_1433 = arith.constant 16 : index
      %get3A_1434 = tpu.vector_load %arg6[%get3A_1432, %get3A_1433] {strides = array<i32>} : memref<128x32xf32, #tpu.memory_space<vmem>>, vector<1x16xf32>,
      %get3A_1435 = vector.shape_cast %get3A_1434 : vector<1x16xf32> to vector<16xf32>
      %mul3A_1436 = arith.constant 5.65685415 : f32
      %mul3A_1437 = vector.broadcast %mul3A_1436 : f32 to vector<16xf32>
      %mul3A_1438 = arith.mulf %get3A_1435, %mul3A_1437 : vector<16xf32>
      %swap3A_1439 = arith.constant 50 : i32
      %swap3A_1440 = arith.index_cast %swap3A_1439 : i32 to index
      %swap3A_1441 = arith.constant 16 : index
      %swap3A_1442 = tpu.vector_load %arg6[%swap3A_1440, %swap3A_1441] {strides = array<i32>} : memref<128x32xf32, #tpu.memory_space<vmem>>, vector<1x16xf32>,
      %swap3A_1443 = vector.shape_cast %swap3A_1442 : vector<1x16xf32> to vector<16xf32>
      %swap3A_1444 = vector.shape_cast %mul3A_1438 : vector<16xf32> to vector<1x16xf32>
      tpu.vector_store %arg6[%swap3A_1440, %swap3A_1441], %swap3A_1444 {strides = array<i32>} : memref<128x32xf32, #tpu.memory_space<vmem>>, vector<1x16xf32>,
      %get3A_1445 = arith.constant 51 : i32
      %get3A_1446 = arith.index_cast %get3A_1445 : i32 to index
      %get3A_1447 = arith.constant 0 : index
      %get3A_1448 = tpu.vector_load %arg6[%get3A_1446, %get3A_1447] {strides = array<i32>} : memref<128x32xf32, #tpu.memory_space<vmem>>, vector<1x16xf32>,
      %get3A_1449 = vector.shape_cast %get3A_1448 : vector<1x16xf32> to vector<16xf32>
      %mul3A_1450 = arith.constant 5.65685415 : f32
      %mul3A_1451 = vector.broadcast %mul3A_1450 : f32 to vector<16xf32>
      %mul3A_1452 = arith.mulf %get3A_1449, %mul3A_1451 : vector<16xf32>
      %swap3A_1453 = arith.constant 51 : i32
      %swap3A_1454 = arith.index_cast %swap3A_1453 : i32 to index
      %swap3A_1455 = arith.constant 0 : index
      %swap3A_1456 = tpu.vector_load %arg6[%swap3A_1454, %swap3A_1455] {strides = array<i32>} : memref<128x32xf32, #tpu.memory_space<vmem>>, vector<1x16xf32>,
      %swap3A_1457 = vector.shape_cast %swap3A_1456 : vector<1x16xf32> to vector<16xf32>
      %swap3A_1458 = vector.shape_cast %mul3A_1452 : vector<16xf32> to vector<1x16xf32>
      tpu.vector_store %arg6[%swap3A_1454, %swap3A_1455], %swap3A_1458 {strides = array<i32>} : memref<128x32xf32, #tpu.memory_space<vmem>>, vector<1x16xf32>,
      %get3A_1459 = arith.constant 51 : i32
      %get3A_1460 = arith.index_cast %get3A_1459 : i32 to index
      %get3A_1461 = arith.constant 16 : index
      %get3A_1462 = tpu.vector_load %arg6[%get3A_1460, %get3A_1461] {strides = array<i32>} : memref<128x32xf32, #tpu.memory_space<vmem>>, vector<1x16xf32>,
      %get3A_1463 = vector.shape_cast %get3A_1462 : vector<1x16xf32> to vector<16xf32>
      %mul3A_1464 = arith.constant 5.65685415 : f32
      %mul3A_1465 = vector.broadcast %mul3A_1464 : f32 to vector<16xf32>
      %mul3A_1466 = arith.mulf %get3A_1463, %mul3A_1465 : vector<16xf32>
      %swap3A_1467 = arith.constant 51 : i32
      %swap3A_1468 = arith.index_cast %swap3A_1467 : i32 to index
      %swap3A_1469 = arith.constant 16 : index
      %swap3A_1470 = tpu.vector_load %arg6[%swap3A_1468, %swap3A_1469] {strides = array<i32>} : memref<128x32xf32, #tpu.memory_space<vmem>>, vector<1x16xf32>,
      %swap3A_1471 = vector.shape_cast %swap3A_1470 : vector<1x16xf32> to vector<16xf32>
      %swap3A_1472 = vector.shape_cast %mul3A_1466 : vector<16xf32> to vector<1x16xf32>
      tpu.vector_store %arg6[%swap3A_1468, %swap3A_1469], %swap3A_1472 {strides = array<i32>} : memref<128x32xf32, #tpu.memory_space<vmem>>, vector<1x16xf32>,
      %get3A_1473 = arith.constant 52 : i32
      %get3A_1474 = arith.index_cast %get3A_1473 : i32 to index
      %get3A_1475 = arith.constant 0 : index
      %get3A_1476 = tpu.vector_load %arg6[%get3A_1474, %get3A_1475] {strides = array<i32>} : memref<128x32xf32, #tpu.memory_space<vmem>>, vector<1x16xf32>,
      %get3A_1477 = vector.shape_cast %get3A_1476 : vector<1x16xf32> to vector<16xf32>
      %mul3A_1478 = arith.constant 5.65685415 : f32
      %mul3A_1479 = vector.broadcast %mul3A_1478 : f32 to vector<16xf32>
      %mul3A_1480 = arith.mulf %get3A_1477, %mul3A_1479 : vector<16xf32>
      %swap3A_1481 = arith.constant 52 : i32
      %swap3A_1482 = arith.index_cast %swap3A_1481 : i32 to index
      %swap3A_1483 = arith.constant 0 : index
      %swap3A_1484 = tpu.vector_load %arg6[%swap3A_1482, %swap3A_1483] {strides = array<i32>} : memref<128x32xf32, #tpu.memory_space<vmem>>, vector<1x16xf32>,
      %swap3A_1485 = vector.shape_cast %swap3A_1484 : vector<1x16xf32> to vector<16xf32>
      %swap3A_1486 = vector.shape_cast %mul3A_1480 : vector<16xf32> to vector<1x16xf32>
      tpu.vector_store %arg6[%swap3A_1482, %swap3A_1483], %swap3A_1486 {strides = array<i32>} : memref<128x32xf32, #tpu.memory_space<vmem>>, vector<1x16xf32>,
      %get3A_1487 = arith.constant 52 : i32
      %get3A_1488 = arith.index_cast %get3A_1487 : i32 to index
      %get3A_1489 = arith.constant 16 : index
      %get3A_1490 = tpu.vector_load %arg6[%get3A_1488, %get3A_1489] {strides = array<i32>} : memref<128x32xf32, #tpu.memory_space<vmem>>, vector<1x16xf32>,
      %get3A_1491 = vector.shape_cast %get3A_1490 : vector<1x16xf32> to vector<16xf32>
      %mul3A_1492 = arith.constant 5.65685415 : f32
      %mul3A_1493 = vector.broadcast %mul3A_1492 : f32 to vector<16xf32>
      %mul3A_1494 = arith.mulf %get3A_1491, %mul3A_1493 : vector<16xf32>
      %swap3A_1495 = arith.constant 52 : i32
      %swap3A_1496 = arith.index_cast %swap3A_1495 : i32 to index
      %swap3A_1497 = arith.constant 16 : index
      %swap3A_1498 = tpu.vector_load %arg6[%swap3A_1496, %swap3A_1497] {strides = array<i32>} : memref<128x32xf32, #tpu.memory_space<vmem>>, vector<1x16xf32>,
      %swap3A_1499 = vector.shape_cast %swap3A_1498 : vector<1x16xf32> to vector<16xf32>
      %swap3A_1500 = vector.shape_cast %mul3A_1494 : vector<16xf32> to vector<1x16xf32>
      tpu.vector_store %arg6[%swap3A_1496, %swap3A_1497], %swap3A_1500 {strides = array<i32>} : memref<128x32xf32, #tpu.memory_space<vmem>>, vector<1x16xf32>,
      %get3A_1501 = arith.constant 53 : i32
      %get3A_1502 = arith.index_cast %get3A_1501 : i32 to index
      %get3A_1503 = arith.constant 0 : index
      %get3A_1504 = tpu.vector_load %arg6[%get3A_1502, %get3A_1503] {strides = array<i32>} : memref<128x32xf32, #tpu.memory_space<vmem>>, vector<1x16xf32>,
      %get3A_1505 = vector.shape_cast %get3A_1504 : vector<1x16xf32> to vector<16xf32>
      %mul3A_1506 = arith.constant 5.65685415 : f32
      %mul3A_1507 = vector.broadcast %mul3A_1506 : f32 to vector<16xf32>
      %mul3A_1508 = arith.mulf %get3A_1505, %mul3A_1507 : vector<16xf32>
      %swap3A_1509 = arith.constant 53 : i32
      %swap3A_1510 = arith.index_cast %swap3A_1509 : i32 to index
      %swap3A_1511 = arith.constant 0 : index
      %swap3A_1512 = tpu.vector_load %arg6[%swap3A_1510, %swap3A_1511] {strides = array<i32>} : memref<128x32xf32, #tpu.memory_space<vmem>>, vector<1x16xf32>,
      %swap3A_1513 = vector.shape_cast %swap3A_1512 : vector<1x16xf32> to vector<16xf32>
      %swap3A_1514 = vector.shape_cast %mul3A_1508 : vector<16xf32> to vector<1x16xf32>
      tpu.vector_store %arg6[%swap3A_1510, %swap3A_1511], %swap3A_1514 {strides = array<i32>} : memref<128x32xf32, #tpu.memory_space<vmem>>, vector<1x16xf32>,
      %get3A_1515 = arith.constant 53 : i32
      %get3A_1516 = arith.index_cast %get3A_1515 : i32 to index
      %get3A_1517 = arith.constant 16 : index
      %get3A_1518 = tpu.vector_load %arg6[%get3A_1516, %get3A_1517] {strides = array<i32>} : memref<128x32xf32, #tpu.memory_space<vmem>>, vector<1x16xf32>,
      %get3A_1519 = vector.shape_cast %get3A_1518 : vector<1x16xf32> to vector<16xf32>
      %mul3A_1520 = arith.constant 5.65685415 : f32
      %mul3A_1521 = vector.broadcast %mul3A_1520 : f32 to vector<16xf32>
      %mul3A_1522 = arith.mulf %get3A_1519, %mul3A_1521 : vector<16xf32>
      %swap3A_1523 = arith.constant 53 : i32
      %swap3A_1524 = arith.index_cast %swap3A_1523 : i32 to index
      %swap3A_1525 = arith.constant 16 : index
      %swap3A_1526 = tpu.vector_load %arg6[%swap3A_1524, %swap3A_1525] {strides = array<i32>} : memref<128x32xf32, #tpu.memory_space<vmem>>, vector<1x16xf32>,
      %swap3A_1527 = vector.shape_cast %swap3A_1526 : vector<1x16xf32> to vector<16xf32>
      %swap3A_1528 = vector.shape_cast %mul3A_1522 : vector<16xf32> to vector<1x16xf32>
      tpu.vector_store %arg6[%swap3A_1524, %swap3A_1525], %swap3A_1528 {strides = array<i32>} : memref<128x32xf32, #tpu.memory_space<vmem>>, vector<1x16xf32>,
      %get3A_1529 = arith.constant 54 : i32
      %get3A_1530 = arith.index_cast %get3A_1529 : i32 to index
      %get3A_1531 = arith.constant 0 : index
      %get3A_1532 = tpu.vector_load %arg6[%get3A_1530, %get3A_1531] {strides = array<i32>} : memref<128x32xf32, #tpu.memory_space<vmem>>, vector<1x16xf32>,
      %get3A_1533 = vector.shape_cast %get3A_1532 : vector<1x16xf32> to vector<16xf32>
      %mul3A_1534 = arith.constant 5.65685415 : f32
      %mul3A_1535 = vector.broadcast %mul3A_1534 : f32 to vector<16xf32>
      %mul3A_1536 = arith.mulf %get3A_1533, %mul3A_1535 : vector<16xf32>
      %swap3A_1537 = arith.constant 54 : i32
      %swap3A_1538 = arith.index_cast %swap3A_1537 : i32 to index
      %swap3A_1539 = arith.constant 0 : index
      %swap3A_1540 = tpu.vector_load %arg6[%swap3A_1538, %swap3A_1539] {strides = array<i32>} : memref<128x32xf32, #tpu.memory_space<vmem>>, vector<1x16xf32>,
      %swap3A_1541 = vector.shape_cast %swap3A_1540 : vector<1x16xf32> to vector<16xf32>
      %swap3A_1542 = vector.shape_cast %mul3A_1536 : vector<16xf32> to vector<1x16xf32>
      tpu.vector_store %arg6[%swap3A_1538, %swap3A_1539], %swap3A_1542 {strides = array<i32>} : memref<128x32xf32, #tpu.memory_space<vmem>>, vector<1x16xf32>,
      %get3A_1543 = arith.constant 54 : i32
      %get3A_1544 = arith.index_cast %get3A_1543 : i32 to index
      %get3A_1545 = arith.constant 16 : index
      %get3A_1546 = tpu.vector_load %arg6[%get3A_1544, %get3A_1545] {strides = array<i32>} : memref<128x32xf32, #tpu.memory_space<vmem>>, vector<1x16xf32>,
      %get3A_1547 = vector.shape_cast %get3A_1546 : vector<1x16xf32> to vector<16xf32>
      %mul3A_1548 = arith.constant 5.65685415 : f32
      %mul3A_1549 = vector.broadcast %mul3A_1548 : f32 to vector<16xf32>
      %mul3A_1550 = arith.mulf %get3A_1547, %mul3A_1549 : vector<16xf32>
      %swap3A_1551 = arith.constant 54 : i32
      %swap3A_1552 = arith.index_cast %swap3A_1551 : i32 to index
      %swap3A_1553 = arith.constant 16 : index
      %swap3A_1554 = tpu.vector_load %arg6[%swap3A_1552, %swap3A_1553] {strides = array<i32>} : memref<128x32xf32, #tpu.memory_space<vmem>>, vector<1x16xf32>,
      %swap3A_1555 = vector.shape_cast %swap3A_1554 : vector<1x16xf32> to vector<16xf32>
      %swap3A_1556 = vector.shape_cast %mul3A_1550 : vector<16xf32> to vector<1x16xf32>
      tpu.vector_store %arg6[%swap3A_1552, %swap3A_1553], %swap3A_1556 {strides = array<i32>} : memref<128x32xf32, #tpu.memory_space<vmem>>, vector<1x16xf32>,
      %get3A_1557 = arith.constant 55 : i32
      %get3A_1558 = arith.index_cast %get3A_1557 : i32 to index
      %get3A_1559 = arith.constant 0 : index
      %get3A_1560 = tpu.vector_load %arg6[%get3A_1558, %get3A_1559] {strides = array<i32>} : memref<128x32xf32, #tpu.memory_space<vmem>>, vector<1x16xf32>,
      %get3A_1561 = vector.shape_cast %get3A_1560 : vector<1x16xf32> to vector<16xf32>
      %mul3A_1562 = arith.constant 5.65685415 : f32
      %mul3A_1563 = vector.broadcast %mul3A_1562 : f32 to vector<16xf32>
      %mul3A_1564 = arith.mulf %get3A_1561, %mul3A_1563 : vector<16xf32>
      %swap3A_1565 = arith.constant 55 : i32
      %swap3A_1566 = arith.index_cast %swap3A_1565 : i32 to index
      %swap3A_1567 = arith.constant 0 : index
      %swap3A_1568 = tpu.vector_load %arg6[%swap3A_1566, %swap3A_1567] {strides = array<i32>} : memref<128x32xf32, #tpu.memory_space<vmem>>, vector<1x16xf32>,
      %swap3A_1569 = vector.shape_cast %swap3A_1568 : vector<1x16xf32> to vector<16xf32>
      %swap3A_1570 = vector.shape_cast %mul3A_1564 : vector<16xf32> to vector<1x16xf32>
      tpu.vector_store %arg6[%swap3A_1566, %swap3A_1567], %swap3A_1570 {strides = array<i32>} : memref<128x32xf32, #tpu.memory_space<vmem>>, vector<1x16xf32>,
      %get3A_1571 = arith.constant 55 : i32
      %get3A_1572 = arith.index_cast %get3A_1571 : i32 to index
      %get3A_1573 = arith.constant 16 : index
      %get3A_1574 = tpu.vector_load %arg6[%get3A_1572, %get3A_1573] {strides = array<i32>} : memref<128x32xf32, #tpu.memory_space<vmem>>, vector<1x16xf32>,
      %get3A_1575 = vector.shape_cast %get3A_1574 : vector<1x16xf32> to vector<16xf32>
      %mul3A_1576 = arith.constant 5.65685415 : f32
      %mul3A_1577 = vector.broadcast %mul3A_1576 : f32 to vector<16xf32>
      %mul3A_1578 = arith.mulf %get3A_1575, %mul3A_1577 : vector<16xf32>
      %swap3A_1579 = arith.constant 55 : i32
      %swap3A_1580 = arith.index_cast %swap3A_1579 : i32 to index
      %swap3A_1581 = arith.constant 16 : index
      %swap3A_1582 = tpu.vector_load %arg6[%swap3A_1580, %swap3A_1581] {strides = array<i32>} : memref<128x32xf32, #tpu.memory_space<vmem>>, vector<1x16xf32>,
      %swap3A_1583 = vector.shape_cast %swap3A_1582 : vector<1x16xf32> to vector<16xf32>
      %swap3A_1584 = vector.shape_cast %mul3A_1578 : vector<16xf32> to vector<1x16xf32>
      tpu.vector_store %arg6[%swap3A_1580, %swap3A_1581], %swap3A_1584 {strides = array<i32>} : memref<128x32xf32, #tpu.memory_space<vmem>>, vector<1x16xf32>,
      %get3A_1585 = arith.constant 56 : i32
      %get3A_1586 = arith.index_cast %get3A_1585 : i32 to index
      %get3A_1587 = arith.constant 0 : index
      %get3A_1588 = tpu.vector_load %arg6[%get3A_1586, %get3A_1587] {strides = array<i32>} : memref<128x32xf32, #tpu.memory_space<vmem>>, vector<1x16xf32>,
      %get3A_1589 = vector.shape_cast %get3A_1588 : vector<1x16xf32> to vector<16xf32>
      %mul3A_1590 = arith.constant 5.65685415 : f32
      %mul3A_1591 = vector.broadcast %mul3A_1590 : f32 to vector<16xf32>
      %mul3A_1592 = arith.mulf %get3A_1589, %mul3A_1591 : vector<16xf32>
      %swap3A_1593 = arith.constant 56 : i32
      %swap3A_1594 = arith.index_cast %swap3A_1593 : i32 to index
      %swap3A_1595 = arith.constant 0 : index
      %swap3A_1596 = tpu.vector_load %arg6[%swap3A_1594, %swap3A_1595] {strides = array<i32>} : memref<128x32xf32, #tpu.memory_space<vmem>>, vector<1x16xf32>,
      %swap3A_1597 = vector.shape_cast %swap3A_1596 : vector<1x16xf32> to vector<16xf32>
      %swap3A_1598 = vector.shape_cast %mul3A_1592 : vector<16xf32> to vector<1x16xf32>
      tpu.vector_store %arg6[%swap3A_1594, %swap3A_1595], %swap3A_1598 {strides = array<i32>} : memref<128x32xf32, #tpu.memory_space<vmem>>, vector<1x16xf32>,
      %get3A_1599 = arith.constant 56 : i32
      %get3A_1600 = arith.index_cast %get3A_1599 : i32 to index
      %get3A_1601 = arith.constant 16 : index
      %get3A_1602 = tpu.vector_load %arg6[%get3A_1600, %get3A_1601] {strides = array<i32>} : memref<128x32xf32, #tpu.memory_space<vmem>>, vector<1x16xf32>,
      %get3A_1603 = vector.shape_cast %get3A_1602 : vector<1x16xf32> to vector<16xf32>
      %mul3A_1604 = arith.constant 5.65685415 : f32
      %mul3A_1605 = vector.broadcast %mul3A_1604 : f32 to vector<16xf32>
      %mul3A_1606 = arith.mulf %get3A_1603, %mul3A_1605 : vector<16xf32>
      %swap3A_1607 = arith.constant 56 : i32
      %swap3A_1608 = arith.index_cast %swap3A_1607 : i32 to index
      %swap3A_1609 = arith.constant 16 : index
      %swap3A_1610 = tpu.vector_load %arg6[%swap3A_1608, %swap3A_1609] {strides = array<i32>} : memref<128x32xf32, #tpu.memory_space<vmem>>, vector<1x16xf32>,
      %swap3A_1611 = vector.shape_cast %swap3A_1610 : vector<1x16xf32> to vector<16xf32>
      %swap3A_1612 = vector.shape_cast %mul3A_1606 : vector<16xf32> to vector<1x16xf32>
      tpu.vector_store %arg6[%swap3A_1608, %swap3A_1609], %swap3A_1612 {strides = array<i32>} : memref<128x32xf32, #tpu.memory_space<vmem>>, vector<1x16xf32>,
      %get3A_1613 = arith.constant 57 : i32
      %get3A_1614 = arith.index_cast %get3A_1613 : i32 to index
      %get3A_1615 = arith.constant 0 : index
      %get3A_1616 = tpu.vector_load %arg6[%get3A_1614, %get3A_1615] {strides = array<i32>} : memref<128x32xf32, #tpu.memory_space<vmem>>, vector<1x16xf32>,
      %get3A_1617 = vector.shape_cast %get3A_1616 : vector<1x16xf32> to vector<16xf32>
      %mul3A_1618 = arith.constant 5.65685415 : f32
      %mul3A_1619 = vector.broadcast %mul3A_1618 : f32 to vector<16xf32>
      %mul3A_1620 = arith.mulf %get3A_1617, %mul3A_1619 : vector<16xf32>
      %swap3A_1621 = arith.constant 57 : i32
      %swap3A_1622 = arith.index_cast %swap3A_1621 : i32 to index
      %swap3A_1623 = arith.constant 0 : index
      %swap3A_1624 = tpu.vector_load %arg6[%swap3A_1622, %swap3A_1623] {strides = array<i32>} : memref<128x32xf32, #tpu.memory_space<vmem>>, vector<1x16xf32>,
      %swap3A_1625 = vector.shape_cast %swap3A_1624 : vector<1x16xf32> to vector<16xf32>
      %swap3A_1626 = vector.shape_cast %mul3A_1620 : vector<16xf32> to vector<1x16xf32>
      tpu.vector_store %arg6[%swap3A_1622, %swap3A_1623], %swap3A_1626 {strides = array<i32>} : memref<128x32xf32, #tpu.memory_space<vmem>>, vector<1x16xf32>,
      %get3A_1627 = arith.constant 57 : i32
      %get3A_1628 = arith.index_cast %get3A_1627 : i32 to index
      %get3A_1629 = arith.constant 16 : index
      %get3A_1630 = tpu.vector_load %arg6[%get3A_1628, %get3A_1629] {strides = array<i32>} : memref<128x32xf32, #tpu.memory_space<vmem>>, vector<1x16xf32>,
      %get3A_1631 = vector.shape_cast %get3A_1630 : vector<1x16xf32> to vector<16xf32>
      %mul3A_1632 = arith.constant 5.65685415 : f32
      %mul3A_1633 = vector.broadcast %mul3A_1632 : f32 to vector<16xf32>
      %mul3A_1634 = arith.mulf %get3A_1631, %mul3A_1633 : vector<16xf32>
      %swap3A_1635 = arith.constant 57 : i32
      %swap3A_1636 = arith.index_cast %swap3A_1635 : i32 to index
      %swap3A_1637 = arith.constant 16 : index
      %swap3A_1638 = tpu.vector_load %arg6[%swap3A_1636, %swap3A_1637] {strides = array<i32>} : memref<128x32xf32, #tpu.memory_space<vmem>>, vector<1x16xf32>,
      %swap3A_1639 = vector.shape_cast %swap3A_1638 : vector<1x16xf32> to vector<16xf32>
      %swap3A_1640 = vector.shape_cast %mul3A_1634 : vector<16xf32> to vector<1x16xf32>
      tpu.vector_store %arg6[%swap3A_1636, %swap3A_1637], %swap3A_1640 {strides = array<i32>} : memref<128x32xf32, #tpu.memory_space<vmem>>, vector<1x16xf32>,
      %get3A_1641 = arith.constant 58 : i32
      %get3A_1642 = arith.index_cast %get3A_1641 : i32 to index
      %get3A_1643 = arith.constant 0 : index
      %get3A_1644 = tpu.vector_load %arg6[%get3A_1642, %get3A_1643] {strides = array<i32>} : memref<128x32xf32, #tpu.memory_space<vmem>>, vector<1x16xf32>,
      %get3A_1645 = vector.shape_cast %get3A_1644 : vector<1x16xf32> to vector<16xf32>
      %mul3A_1646 = arith.constant 5.65685415 : f32
      %mul3A_1647 = vector.broadcast %mul3A_1646 : f32 to vector<16xf32>
      %mul3A_1648 = arith.mulf %get3A_1645, %mul3A_1647 : vector<16xf32>
      %swap3A_1649 = arith.constant 58 : i32
      %swap3A_1650 = arith.index_cast %swap3A_1649 : i32 to index
      %swap3A_1651 = arith.constant 0 : index
      %swap3A_1652 = tpu.vector_load %arg6[%swap3A_1650, %swap3A_1651] {strides = array<i32>} : memref<128x32xf32, #tpu.memory_space<vmem>>, vector<1x16xf32>,
      %swap3A_1653 = vector.shape_cast %swap3A_1652 : vector<1x16xf32> to vector<16xf32>
      %swap3A_1654 = vector.shape_cast %mul3A_1648 : vector<16xf32> to vector<1x16xf32>
      tpu.vector_store %arg6[%swap3A_1650, %swap3A_1651], %swap3A_1654 {strides = array<i32>} : memref<128x32xf32, #tpu.memory_space<vmem>>, vector<1x16xf32>,
      %get3A_1655 = arith.constant 58 : i32
      %get3A_1656 = arith.index_cast %get3A_1655 : i32 to index
      %get3A_1657 = arith.constant 16 : index
      %get3A_1658 = tpu.vector_load %arg6[%get3A_1656, %get3A_1657] {strides = array<i32>} : memref<128x32xf32, #tpu.memory_space<vmem>>, vector<1x16xf32>,
      %get3A_1659 = vector.shape_cast %get3A_1658 : vector<1x16xf32> to vector<16xf32>
      %mul3A_1660 = arith.constant 5.65685415 : f32
      %mul3A_1661 = vector.broadcast %mul3A_1660 : f32 to vector<16xf32>
      %mul3A_1662 = arith.mulf %get3A_1659, %mul3A_1661 : vector<16xf32>
      %swap3A_1663 = arith.constant 58 : i32
      %swap3A_1664 = arith.index_cast %swap3A_1663 : i32 to index
      %swap3A_1665 = arith.constant 16 : index
      %swap3A_1666 = tpu.vector_load %arg6[%swap3A_1664, %swap3A_1665] {strides = array<i32>} : memref<128x32xf32, #tpu.memory_space<vmem>>, vector<1x16xf32>,
      %swap3A_1667 = vector.shape_cast %swap3A_1666 : vector<1x16xf32> to vector<16xf32>
      %swap3A_1668 = vector.shape_cast %mul3A_1662 : vector<16xf32> to vector<1x16xf32>
      tpu.vector_store %arg6[%swap3A_1664, %swap3A_1665], %swap3A_1668 {strides = array<i32>} : memref<128x32xf32, #tpu.memory_space<vmem>>, vector<1x16xf32>,
      %get3A_1669 = arith.constant 59 : i32
      %get3A_1670 = arith.index_cast %get3A_1669 : i32 to index
      %get3A_1671 = arith.constant 0 : index
      %get3A_1672 = tpu.vector_load %arg6[%get3A_1670, %get3A_1671] {strides = array<i32>} : memref<128x32xf32, #tpu.memory_space<vmem>>, vector<1x16xf32>,
      %get3A_1673 = vector.shape_cast %get3A_1672 : vector<1x16xf32> to vector<16xf32>
      %mul3A_1674 = arith.constant 5.65685415 : f32
      %mul3A_1675 = vector.broadcast %mul3A_1674 : f32 to vector<16xf32>
      %mul3A_1676 = arith.mulf %get3A_1673, %mul3A_1675 : vector<16xf32>
      %swap3A_1677 = arith.constant 59 : i32
      %swap3A_1678 = arith.index_cast %swap3A_1677 : i32 to index
      %swap3A_1679 = arith.constant 0 : index
      %swap3A_1680 = tpu.vector_load %arg6[%swap3A_1678, %swap3A_1679] {strides = array<i32>} : memref<128x32xf32, #tpu.memory_space<vmem>>, vector<1x16xf32>,
      %swap3A_1681 = vector.shape_cast %swap3A_1680 : vector<1x16xf32> to vector<16xf32>
      %swap3A_1682 = vector.shape_cast %mul3A_1676 : vector<16xf32> to vector<1x16xf32>
      tpu.vector_store %arg6[%swap3A_1678, %swap3A_1679], %swap3A_1682 {strides = array<i32>} : memref<128x32xf32, #tpu.memory_space<vmem>>, vector<1x16xf32>,
      %get3A_1683 = arith.constant 59 : i32
      %get3A_1684 = arith.index_cast %get3A_1683 : i32 to index
      %get3A_1685 = arith.constant 16 : index
      %get3A_1686 = tpu.vector_load %arg6[%get3A_1684, %get3A_1685] {strides = array<i32>} : memref<128x32xf32, #tpu.memory_space<vmem>>, vector<1x16xf32>,
      %get3A_1687 = vector.shape_cast %get3A_1686 : vector<1x16xf32> to vector<16xf32>
      %mul3A_1688 = arith.constant 5.65685415 : f32
      %mul3A_1689 = vector.broadcast %mul3A_1688 : f32 to vector<16xf32>
      %mul3A_1690 = arith.mulf %get3A_1687, %mul3A_1689 : vector<16xf32>
      %swap3A_1691 = arith.constant 59 : i32
      %swap3A_1692 = arith.index_cast %swap3A_1691 : i32 to index
      %swap3A_1693 = arith.constant 16 : index
      %swap3A_1694 = tpu.vector_load %arg6[%swap3A_1692, %swap3A_1693] {strides = array<i32>} : memref<128x32xf32, #tpu.memory_space<vmem>>, vector<1x16xf32>,
      %swap3A_1695 = vector.shape_cast %swap3A_1694 : vector<1x16xf32> to vector<16xf32>
      %swap3A_1696 = vector.shape_cast %mul3A_1690 : vector<16xf32> to vector<1x16xf32>
      tpu.vector_store %arg6[%swap3A_1692, %swap3A_1693], %swap3A_1696 {strides = array<i32>} : memref<128x32xf32, #tpu.memory_space<vmem>>, vector<1x16xf32>,
      %get3A_1697 = arith.constant 60 : i32
      %get3A_1698 = arith.index_cast %get3A_1697 : i32 to index
      %get3A_1699 = arith.constant 0 : index
      %get3A_1700 = tpu.vector_load %arg6[%get3A_1698, %get3A_1699] {strides = array<i32>} : memref<128x32xf32, #tpu.memory_space<vmem>>, vector<1x16xf32>,
      %get3A_1701 = vector.shape_cast %get3A_1700 : vector<1x16xf32> to vector<16xf32>
      %mul3A_1702 = arith.constant 5.65685415 : f32
      %mul3A_1703 = vector.broadcast %mul3A_1702 : f32 to vector<16xf32>
      %mul3A_1704 = arith.mulf %get3A_1701, %mul3A_1703 : vector<16xf32>
      %swap3A_1705 = arith.constant 60 : i32
      %swap3A_1706 = arith.index_cast %swap3A_1705 : i32 to index
      %swap3A_1707 = arith.constant 0 : index
      %swap3A_1708 = tpu.vector_load %arg6[%swap3A_1706, %swap3A_1707] {strides = array<i32>} : memref<128x32xf32, #tpu.memory_space<vmem>>, vector<1x16xf32>,
      %swap3A_1709 = vector.shape_cast %swap3A_1708 : vector<1x16xf32> to vector<16xf32>
      %swap3A_1710 = vector.shape_cast %mul3A_1704 : vector<16xf32> to vector<1x16xf32>
      tpu.vector_store %arg6[%swap3A_1706, %swap3A_1707], %swap3A_1710 {strides = array<i32>} : memref<128x32xf32, #tpu.memory_space<vmem>>, vector<1x16xf32>,
      %get3A_1711 = arith.constant 60 : i32
      %get3A_1712 = arith.index_cast %get3A_1711 : i32 to index
      %get3A_1713 = arith.constant 16 : index
      %get3A_1714 = tpu.vector_load %arg6[%get3A_1712, %get3A_1713] {strides = array<i32>} : memref<128x32xf32, #tpu.memory_space<vmem>>, vector<1x16xf32>,
      %get3A_1715 = vector.shape_cast %get3A_1714 : vector<1x16xf32> to vector<16xf32>
      %mul3A_1716 = arith.constant 5.65685415 : f32
      %mul3A_1717 = vector.broadcast %mul3A_1716 : f32 to vector<16xf32>
      %mul3A_1718 = arith.mulf %get3A_1715, %mul3A_1717 : vector<16xf32>
      %swap3A_1719 = arith.constant 60 : i32
      %swap3A_1720 = arith.index_cast %swap3A_1719 : i32 to index
      %swap3A_1721 = arith.constant 16 : index
      %swap3A_1722 = tpu.vector_load %arg6[%swap3A_1720, %swap3A_1721] {strides = array<i32>} : memref<128x32xf32, #tpu.memory_space<vmem>>, vector<1x16xf32>,
      %swap3A_1723 = vector.shape_cast %swap3A_1722 : vector<1x16xf32> to vector<16xf32>
      %swap3A_1724 = vector.shape_cast %mul3A_1718 : vector<16xf32> to vector<1x16xf32>
      tpu.vector_store %arg6[%swap3A_1720, %swap3A_1721], %swap3A_1724 {strides = array<i32>} : memref<128x32xf32, #tpu.memory_space<vmem>>, vector<1x16xf32>,
      %get3A_1725 = arith.constant 61 : i32
      %get3A_1726 = arith.index_cast %get3A_1725 : i32 to index
      %get3A_1727 = arith.constant 0 : index
      %get3A_1728 = tpu.vector_load %arg6[%get3A_1726, %get3A_1727] {strides = array<i32>} : memref<128x32xf32, #tpu.memory_space<vmem>>, vector<1x16xf32>,
      %get3A_1729 = vector.shape_cast %get3A_1728 : vector<1x16xf32> to vector<16xf32>
      %mul3A_1730 = arith.constant 5.65685415 : f32
      %mul3A_1731 = vector.broadcast %mul3A_1730 : f32 to vector<16xf32>
      %mul3A_1732 = arith.mulf %get3A_1729, %mul3A_1731 : vector<16xf32>
      %swap3A_1733 = arith.constant 61 : i32
      %swap3A_1734 = arith.index_cast %swap3A_1733 : i32 to index
      %swap3A_1735 = arith.constant 0 : index
      %swap3A_1736 = tpu.vector_load %arg6[%swap3A_1734, %swap3A_1735] {strides = array<i32>} : memref<128x32xf32, #tpu.memory_space<vmem>>, vector<1x16xf32>,
      %swap3A_1737 = vector.shape_cast %swap3A_1736 : vector<1x16xf32> to vector<16xf32>
      %swap3A_1738 = vector.shape_cast %mul3A_1732 : vector<16xf32> to vector<1x16xf32>
      tpu.vector_store %arg6[%swap3A_1734, %swap3A_1735], %swap3A_1738 {strides = array<i32>} : memref<128x32xf32, #tpu.memory_space<vmem>>, vector<1x16xf32>,
      %get3A_1739 = arith.constant 61 : i32
      %get3A_1740 = arith.index_cast %get3A_1739 : i32 to index
      %get3A_1741 = arith.constant 16 : index
      %get3A_1742 = tpu.vector_load %arg6[%get3A_1740, %get3A_1741] {strides = array<i32>} : memref<128x32xf32, #tpu.memory_space<vmem>>, vector<1x16xf32>,
      %get3A_1743 = vector.shape_cast %get3A_1742 : vector<1x16xf32> to vector<16xf32>
      %mul3A_1744 = arith.constant 5.65685415 : f32
      %mul3A_1745 = vector.broadcast %mul3A_1744 : f32 to vector<16xf32>
      %mul3A_1746 = arith.mulf %get3A_1743, %mul3A_1745 : vector<16xf32>
      %swap3A_1747 = arith.constant 61 : i32
      %swap3A_1748 = arith.index_cast %swap3A_1747 : i32 to index
      %swap3A_1749 = arith.constant 16 : index
      %swap3A_1750 = tpu.vector_load %arg6[%swap3A_1748, %swap3A_1749] {strides = array<i32>} : memref<128x32xf32, #tpu.memory_space<vmem>>, vector<1x16xf32>,
      %swap3A_1751 = vector.shape_cast %swap3A_1750 : vector<1x16xf32> to vector<16xf32>
      %swap3A_1752 = vector.shape_cast %mul3A_1746 : vector<16xf32> to vector<1x16xf32>
      tpu.vector_store %arg6[%swap3A_1748, %swap3A_1749], %swap3A_1752 {strides = array<i32>} : memref<128x32xf32, #tpu.memory_space<vmem>>, vector<1x16xf32>,
      %get3A_1753 = arith.constant 62 : i32
      %get3A_1754 = arith.index_cast %get3A_1753 : i32 to index
      %get3A_1755 = arith.constant 0 : index
      %get3A_1756 = tpu.vector_load %arg6[%get3A_1754, %get3A_1755] {strides = array<i32>} : memref<128x32xf32, #tpu.memory_space<vmem>>, vector<1x16xf32>,
      %get3A_1757 = vector.shape_cast %get3A_1756 : vector<1x16xf32> to vector<16xf32>
      %mul3A_1758 = arith.constant 5.65685415 : f32
      %mul3A_1759 = vector.broadcast %mul3A_1758 : f32 to vector<16xf32>
      %mul3A_1760 = arith.mulf %get3A_1757, %mul3A_1759 : vector<16xf32>
      %swap3A_1761 = arith.constant 62 : i32
      %swap3A_1762 = arith.index_cast %swap3A_1761 : i32 to index
      %swap3A_1763 = arith.constant 0 : index
      %swap3A_1764 = tpu.vector_load %arg6[%swap3A_1762, %swap3A_1763] {strides = array<i32>} : memref<128x32xf32, #tpu.memory_space<vmem>>, vector<1x16xf32>,
      %swap3A_1765 = vector.shape_cast %swap3A_1764 : vector<1x16xf32> to vector<16xf32>
      %swap3A_1766 = vector.shape_cast %mul3A_1760 : vector<16xf32> to vector<1x16xf32>
      tpu.vector_store %arg6[%swap3A_1762, %swap3A_1763], %swap3A_1766 {strides = array<i32>} : memref<128x32xf32, #tpu.memory_space<vmem>>, vector<1x16xf32>,
      %get3A_1767 = arith.constant 62 : i32
      %get3A_1768 = arith.index_cast %get3A_1767 : i32 to index
      %get3A_1769 = arith.constant 16 : index
      %get3A_1770 = tpu.vector_load %arg6[%get3A_1768, %get3A_1769] {strides = array<i32>} : memref<128x32xf32, #tpu.memory_space<vmem>>, vector<1x16xf32>,
      %get3A_1771 = vector.shape_cast %get3A_1770 : vector<1x16xf32> to vector<16xf32>
      %mul3A_1772 = arith.constant 5.65685415 : f32
      %mul3A_1773 = vector.broadcast %mul3A_1772 : f32 to vector<16xf32>
      %mul3A_1774 = arith.mulf %get3A_1771, %mul3A_1773 : vector<16xf32>
      %swap3A_1775 = arith.constant 62 : i32
      %swap3A_1776 = arith.index_cast %swap3A_1775 : i32 to index
      %swap3A_1777 = arith.constant 16 : index
      %swap3A_1778 = tpu.vector_load %arg6[%swap3A_1776, %swap3A_1777] {strides = array<i32>} : memref<128x32xf32, #tpu.memory_space<vmem>>, vector<1x16xf32>,
      %swap3A_1779 = vector.shape_cast %swap3A_1778 : vector<1x16xf32> to vector<16xf32>
      %swap3A_1780 = vector.shape_cast %mul3A_1774 : vector<16xf32> to vector<1x16xf32>
      tpu.vector_store %arg6[%swap3A_1776, %swap3A_1777], %swap3A_1780 {strides = array<i32>} : memref<128x32xf32, #tpu.memory_space<vmem>>, vector<1x16xf32>,
      %get3A_1781 = arith.constant 63 : i32
      %get3A_1782 = arith.index_cast %get3A_1781 : i32 to index
      %get3A_1783 = arith.constant 0 : index
      %get3A_1784 = tpu.vector_load %arg6[%get3A_1782, %get3A_1783] {strides = array<i32>} : memref<128x32xf32, #tpu.memory_space<vmem>>, vector<1x16xf32>,
      %get3A_1785 = vector.shape_cast %get3A_1784 : vector<1x16xf32> to vector<16xf32>
      %mul3A_1786 = arith.constant 5.65685415 : f32
      %mul3A_1787 = vector.broadcast %mul3A_1786 : f32 to vector<16xf32>
      %mul3A_1788 = arith.mulf %get3A_1785, %mul3A_1787 : vector<16xf32>
      %swap3A_1789 = arith.constant 63 : i32
      %swap3A_1790 = arith.index_cast %swap3A_1789 : i32 to index
      %swap3A_1791 = arith.constant 0 : index
      %swap3A_1792 = tpu.vector_load %arg6[%swap3A_1790, %swap3A_1791] {strides = array<i32>} : memref<128x32xf32, #tpu.memory_space<vmem>>, vector<1x16xf32>,
      %swap3A_1793 = vector.shape_cast %swap3A_1792 : vector<1x16xf32> to vector<16xf32>
      %swap3A_1794 = vector.shape_cast %mul3A_1788 : vector<16xf32> to vector<1x16xf32>
      tpu.vector_store %arg6[%swap3A_1790, %swap3A_1791], %swap3A_1794 {strides = array<i32>} : memref<128x32xf32, #tpu.memory_space<vmem>>, vector<1x16xf32>,
      %get3A_1795 = arith.constant 63 : i32
      %get3A_1796 = arith.index_cast %get3A_1795 : i32 to index
      %get3A_1797 = arith.constant 16 : index
      %get3A_1798 = tpu.vector_load %arg6[%get3A_1796, %get3A_1797] {strides = array<i32>} : memref<128x32xf32, #tpu.memory_space<vmem>>, vector<1x16xf32>,
      %get3A_1799 = vector.shape_cast %get3A_1798 : vector<1x16xf32> to vector<16xf32>
      %mul3A_1800 = arith.constant 5.65685415 : f32
      %mul3A_1801 = vector.broadcast %mul3A_1800 : f32 to vector<16xf32>
      %mul3A_1802 = arith.mulf %get3A_1799, %mul3A_1801 : vector<16xf32>
      %swap3A_1803 = arith.constant 63 : i32
      %swap3A_1804 = arith.index_cast %swap3A_1803 : i32 to index
      %swap3A_1805 = arith.constant 16 : index
      %swap3A_1806 = tpu.vector_load %arg6[%swap3A_1804, %swap3A_1805] {strides = array<i32>} : memref<128x32xf32, #tpu.memory_space<vmem>>, vector<1x16xf32>,
      %swap3A_1807 = vector.shape_cast %swap3A_1806 : vector<1x16xf32> to vector<16xf32>
      %swap3A_1808 = vector.shape_cast %mul3A_1802 : vector<16xf32> to vector<1x16xf32>
      tpu.vector_store %arg6[%swap3A_1804, %swap3A_1805], %swap3A_1808 {strides = array<i32>} : memref<128x32xf32, #tpu.memory_space<vmem>>, vector<1x16xf32>,
      %get3A_1809 = arith.constant 64 : i32
      %get3A_1810 = arith.index_cast %get3A_1809 : i32 to index
      %get3A_1811 = arith.constant 0 : index
      %get3A_1812 = tpu.vector_load %arg6[%get3A_1810, %get3A_1811] {strides = array<i32>} : memref<128x32xf32, #tpu.memory_space<vmem>>, vector<1x16xf32>,
      %get3A_1813 = vector.shape_cast %get3A_1812 : vector<1x16xf32> to vector<16xf32>
      %mul3A_1814 = arith.constant 5.65685415 : f32
      %mul3A_1815 = vector.broadcast %mul3A_1814 : f32 to vector<16xf32>
      %mul3A_1816 = arith.mulf %get3A_1813, %mul3A_1815 : vector<16xf32>
      %swap3A_1817 = arith.constant 64 : i32
      %swap3A_1818 = arith.index_cast %swap3A_1817 : i32 to index
      %swap3A_1819 = arith.constant 0 : index
      %swap3A_1820 = tpu.vector_load %arg6[%swap3A_1818, %swap3A_1819] {strides = array<i32>} : memref<128x32xf32, #tpu.memory_space<vmem>>, vector<1x16xf32>,
      %swap3A_1821 = vector.shape_cast %swap3A_1820 : vector<1x16xf32> to vector<16xf32>
      %swap3A_1822 = vector.shape_cast %mul3A_1816 : vector<16xf32> to vector<1x16xf32>
      tpu.vector_store %arg6[%swap3A_1818, %swap3A_1819], %swap3A_1822 {strides = array<i32>} : memref<128x32xf32, #tpu.memory_space<vmem>>, vector<1x16xf32>,
      %get3A_1823 = arith.constant 64 : i32
      %get3A_1824 = arith.index_cast %get3A_1823 : i32 to index
      %get3A_1825 = arith.constant 16 : index
      %get3A_1826 = tpu.vector_load %arg6[%get3A_1824, %get3A_1825] {strides = array<i32>} : memref<128x32xf32, #tpu.memory_space<vmem>>, vector<1x16xf32>,
      %get3A_1827 = vector.shape_cast %get3A_1826 : vector<1x16xf32> to vector<16xf32>
      %mul3A_1828 = arith.constant 5.65685415 : f32
      %mul3A_1829 = vector.broadcast %mul3A_1828 : f32 to vector<16xf32>
      %mul3A_1830 = arith.mulf %get3A_1827, %mul3A_1829 : vector<16xf32>
      %swap3A_1831 = arith.constant 64 : i32
      %swap3A_1832 = arith.index_cast %swap3A_1831 : i32 to index
      %swap3A_1833 = arith.constant 16 : index
      %swap3A_1834 = tpu.vector_load %arg6[%swap3A_1832, %swap3A_1833] {strides = array<i32>} : memref<128x32xf32, #tpu.memory_space<vmem>>, vector<1x16xf32>,
      %swap3A_1835 = vector.shape_cast %swap3A_1834 : vector<1x16xf32> to vector<16xf32>
      %swap3A_1836 = vector.shape_cast %mul3A_1830 : vector<16xf32> to vector<1x16xf32>
      tpu.vector_store %arg6[%swap3A_1832, %swap3A_1833], %swap3A_1836 {strides = array<i32>} : memref<128x32xf32, #tpu.memory_space<vmem>>, vector<1x16xf32>,
      %get3A_1837 = arith.constant 65 : i32
      %get3A_1838 = arith.index_cast %get3A_1837 : i32 to index
      %get3A_1839 = arith.constant 0 : index
      %get3A_1840 = tpu.vector_load %arg6[%get3A_1838, %get3A_1839] {strides = array<i32>} : memref<128x32xf32, #tpu.memory_space<vmem>>, vector<1x16xf32>,
      %get3A_1841 = vector.shape_cast %get3A_1840 : vector<1x16xf32> to vector<16xf32>
      %mul3A_1842 = arith.constant 5.65685415 : f32
      %mul3A_1843 = vector.broadcast %mul3A_1842 : f32 to vector<16xf32>
      %mul3A_1844 = arith.mulf %get3A_1841, %mul3A_1843 : vector<16xf32>
      %swap3A_1845 = arith.constant 65 : i32
      %swap3A_1846 = arith.index_cast %swap3A_1845 : i32 to index
      %swap3A_1847 = arith.constant 0 : index
      %swap3A_1848 = tpu.vector_load %arg6[%swap3A_1846, %swap3A_1847] {strides = array<i32>} : memref<128x32xf32, #tpu.memory_space<vmem>>, vector<1x16xf32>,
      %swap3A_1849 = vector.shape_cast %swap3A_1848 : vector<1x16xf32> to vector<16xf32>
      %swap3A_1850 = vector.shape_cast %mul3A_1844 : vector<16xf32> to vector<1x16xf32>
      tpu.vector_store %arg6[%swap3A_1846, %swap3A_1847], %swap3A_1850 {strides = array<i32>} : memref<128x32xf32, #tpu.memory_space<vmem>>, vector<1x16xf32>,
      %get3A_1851 = arith.constant 65 : i32
      %get3A_1852 = arith.index_cast %get3A_1851 : i32 to index
      %get3A_1853 = arith.constant 16 : index
      %get3A_1854 = tpu.vector_load %arg6[%get3A_1852, %get3A_1853] {strides = array<i32>} : memref<128x32xf32, #tpu.memory_space<vmem>>, vector<1x16xf32>,
      %get3A_1855 = vector.shape_cast %get3A_1854 : vector<1x16xf32> to vector<16xf32>
      %mul3A_1856 = arith.constant 5.65685415 : f32
      %mul3A_1857 = vector.broadcast %mul3A_1856 : f32 to vector<16xf32>
      %mul3A_1858 = arith.mulf %get3A_1855, %mul3A_1857 : vector<16xf32>
      %swap3A_1859 = arith.constant 65 : i32
      %swap3A_1860 = arith.index_cast %swap3A_1859 : i32 to index
      %swap3A_1861 = arith.constant 16 : index
      %swap3A_1862 = tpu.vector_load %arg6[%swap3A_1860, %swap3A_1861] {strides = array<i32>} : memref<128x32xf32, #tpu.memory_space<vmem>>, vector<1x16xf32>,
      %swap3A_1863 = vector.shape_cast %swap3A_1862 : vector<1x16xf32> to vector<16xf32>
      %swap3A_1864 = vector.shape_cast %mul3A_1858 : vector<16xf32> to vector<1x16xf32>
      tpu.vector_store %arg6[%swap3A_1860, %swap3A_1861], %swap3A_1864 {strides = array<i32>} : memref<128x32xf32, #tpu.memory_space<vmem>>, vector<1x16xf32>,
      %get3A_1865 = arith.constant 66 : i32
      %get3A_1866 = arith.index_cast %get3A_1865 : i32 to index
      %get3A_1867 = arith.constant 0 : index
      %get3A_1868 = tpu.vector_load %arg6[%get3A_1866, %get3A_1867] {strides = array<i32>} : memref<128x32xf32, #tpu.memory_space<vmem>>, vector<1x16xf32>,
      %get3A_1869 = vector.shape_cast %get3A_1868 : vector<1x16xf32> to vector<16xf32>
      %mul3A_1870 = arith.constant 5.65685415 : f32
      %mul3A_1871 = vector.broadcast %mul3A_1870 : f32 to vector<16xf32>
      %mul3A_1872 = arith.mulf %get3A_1869, %mul3A_1871 : vector<16xf32>
      %swap3A_1873 = arith.constant 66 : i32
      %swap3A_1874 = arith.index_cast %swap3A_1873 : i32 to index
      %swap3A_1875 = arith.constant 0 : index
      %swap3A_1876 = tpu.vector_load %arg6[%swap3A_1874, %swap3A_1875] {strides = array<i32>} : memref<128x32xf32, #tpu.memory_space<vmem>>, vector<1x16xf32>,
      %swap3A_1877 = vector.shape_cast %swap3A_1876 : vector<1x16xf32> to vector<16xf32>
      %swap3A_1878 = vector.shape_cast %mul3A_1872 : vector<16xf32> to vector<1x16xf32>
      tpu.vector_store %arg6[%swap3A_1874, %swap3A_1875], %swap3A_1878 {strides = array<i32>} : memref<128x32xf32, #tpu.memory_space<vmem>>, vector<1x16xf32>,
      %get3A_1879 = arith.constant 66 : i32
      %get3A_1880 = arith.index_cast %get3A_1879 : i32 to index
      %get3A_1881 = arith.constant 16 : index
      %get3A_1882 = tpu.vector_load %arg6[%get3A_1880, %get3A_1881] {strides = array<i32>} : memref<128x32xf32, #tpu.memory_space<vmem>>, vector<1x16xf32>,
      %get3A_1883 = vector.shape_cast %get3A_1882 : vector<1x16xf32> to vector<16xf32>
      %mul3A_1884 = arith.constant 5.65685415 : f32
      %mul3A_1885 = vector.broadcast %mul3A_1884 : f32 to vector<16xf32>
      %mul3A_1886 = arith.mulf %get3A_1883, %mul3A_1885 : vector<16xf32>
      %swap3A_1887 = arith.constant 66 : i32
      %swap3A_1888 = arith.index_cast %swap3A_1887 : i32 to index
      %swap3A_1889 = arith.constant 16 : index
      %swap3A_1890 = tpu.vector_load %arg6[%swap3A_1888, %swap3A_1889] {strides = array<i32>} : memref<128x32xf32, #tpu.memory_space<vmem>>, vector<1x16xf32>,
      %swap3A_1891 = vector.shape_cast %swap3A_1890 : vector<1x16xf32> to vector<16xf32>
      %swap3A_1892 = vector.shape_cast %mul3A_1886 : vector<16xf32> to vector<1x16xf32>
      tpu.vector_store %arg6[%swap3A_1888, %swap3A_1889], %swap3A_1892 {strides = array<i32>} : memref<128x32xf32, #tpu.memory_space<vmem>>, vector<1x16xf32>,
      %get3A_1893 = arith.constant 67 : i32
      %get3A_1894 = arith.index_cast %get3A_1893 : i32 to index
      %get3A_1895 = arith.constant 0 : index
      %get3A_1896 = tpu.vector_load %arg6[%get3A_1894, %get3A_1895] {strides = array<i32>} : memref<128x32xf32, #tpu.memory_space<vmem>>, vector<1x16xf32>,
      %get3A_1897 = vector.shape_cast %get3A_1896 : vector<1x16xf32> to vector<16xf32>
      %mul3A_1898 = arith.constant 5.65685415 : f32
      %mul3A_1899 = vector.broadcast %mul3A_1898 : f32 to vector<16xf32>
      %mul3A_1900 = arith.mulf %get3A_1897, %mul3A_1899 : vector<16xf32>
      %swap3A_1901 = arith.constant 67 : i32
      %swap3A_1902 = arith.index_cast %swap3A_1901 : i32 to index
      %swap3A_1903 = arith.constant 0 : index
      %swap3A_1904 = tpu.vector_load %arg6[%swap3A_1902, %swap3A_1903] {strides = array<i32>} : memref<128x32xf32, #tpu.memory_space<vmem>>, vector<1x16xf32>,
      %swap3A_1905 = vector.shape_cast %swap3A_1904 : vector<1x16xf32> to vector<16xf32>
      %swap3A_1906 = vector.shape_cast %mul3A_1900 : vector<16xf32> to vector<1x16xf32>
      tpu.vector_store %arg6[%swap3A_1902, %swap3A_1903], %swap3A_1906 {strides = array<i32>} : memref<128x32xf32, #tpu.memory_space<vmem>>, vector<1x16xf32>,
      %get3A_1907 = arith.constant 67 : i32
      %get3A_1908 = arith.index_cast %get3A_1907 : i32 to index
      %get3A_1909 = arith.constant 16 : index
      %get3A_1910 = tpu.vector_load %arg6[%get3A_1908, %get3A_1909] {strides = array<i32>} : memref<128x32xf32, #tpu.memory_space<vmem>>, vector<1x16xf32>,
      %get3A_1911 = vector.shape_cast %get3A_1910 : vector<1x16xf32> to vector<16xf32>
      %mul3A_1912 = arith.constant 5.65685415 : f32
      %mul3A_1913 = vector.broadcast %mul3A_1912 : f32 to vector<16xf32>
      %mul3A_1914 = arith.mulf %get3A_1911, %mul3A_1913 : vector<16xf32>
      %swap3A_1915 = arith.constant 67 : i32
      %swap3A_1916 = arith.index_cast %swap3A_1915 : i32 to index
      %swap3A_1917 = arith.constant 16 : index
      %swap3A_1918 = tpu.vector_load %arg6[%swap3A_1916, %swap3A_1917] {strides = array<i32>} : memref<128x32xf32, #tpu.memory_space<vmem>>, vector<1x16xf32>,
      %swap3A_1919 = vector.shape_cast %swap3A_1918 : vector<1x16xf32> to vector<16xf32>
      %swap3A_1920 = vector.shape_cast %mul3A_1914 : vector<16xf32> to vector<1x16xf32>
      tpu.vector_store %arg6[%swap3A_1916, %swap3A_1917], %swap3A_1920 {strides = array<i32>} : memref<128x32xf32, #tpu.memory_space<vmem>>, vector<1x16xf32>,
      %get3A_1921 = arith.constant 68 : i32
      %get3A_1922 = arith.index_cast %get3A_1921 : i32 to index
      %get3A_1923 = arith.constant 0 : index
      %get3A_1924 = tpu.vector_load %arg6[%get3A_1922, %get3A_1923] {strides = array<i32>} : memref<128x32xf32, #tpu.memory_space<vmem>>, vector<1x16xf32>,
      %get3A_1925 = vector.shape_cast %get3A_1924 : vector<1x16xf32> to vector<16xf32>
      %mul3A_1926 = arith.constant 5.65685415 : f32
      %mul3A_1927 = vector.broadcast %mul3A_1926 : f32 to vector<16xf32>
      %mul3A_1928 = arith.mulf %get3A_1925, %mul3A_1927 : vector<16xf32>
      %swap3A_1929 = arith.constant 68 : i32
      %swap3A_1930 = arith.index_cast %swap3A_1929 : i32 to index
      %swap3A_1931 = arith.constant 0 : index
      %swap3A_1932 = tpu.vector_load %arg6[%swap3A_1930, %swap3A_1931] {strides = array<i32>} : memref<128x32xf32, #tpu.memory_space<vmem>>, vector<1x16xf32>,
      %swap3A_1933 = vector.shape_cast %swap3A_1932 : vector<1x16xf32> to vector<16xf32>
      %swap3A_1934 = vector.shape_cast %mul3A_1928 : vector<16xf32> to vector<1x16xf32>
      tpu.vector_store %arg6[%swap3A_1930, %swap3A_1931], %swap3A_1934 {strides = array<i32>} : memref<128x32xf32, #tpu.memory_space<vmem>>, vector<1x16xf32>,
      %get3A_1935 = arith.constant 68 : i32
      %get3A_1936 = arith.index_cast %get3A_1935 : i32 to index
      %get3A_1937 = arith.constant 16 : index
      %get3A_1938 = tpu.vector_load %arg6[%get3A_1936, %get3A_1937] {strides = array<i32>} : memref<128x32xf32, #tpu.memory_space<vmem>>, vector<1x16xf32>,
      %get3A_1939 = vector.shape_cast %get3A_1938 : vector<1x16xf32> to vector<16xf32>
      %mul3A_1940 = arith.constant 5.65685415 : f32
      %mul3A_1941 = vector.broadcast %mul3A_1940 : f32 to vector<16xf32>
      %mul3A_1942 = arith.mulf %get3A_1939, %mul3A_1941 : vector<16xf32>
      %swap3A_1943 = arith.constant 68 : i32
      %swap3A_1944 = arith.index_cast %swap3A_1943 : i32 to index
      %swap3A_1945 = arith.constant 16 : index
      %swap3A_1946 = tpu.vector_load %arg6[%swap3A_1944, %swap3A_1945] {strides = array<i32>} : memref<128x32xf32, #tpu.memory_space<vmem>>, vector<1x16xf32>,
      %swap3A_1947 = vector.shape_cast %swap3A_1946 : vector<1x16xf32> to vector<16xf32>
      %swap3A_1948 = vector.shape_cast %mul3A_1942 : vector<16xf32> to vector<1x16xf32>
      tpu.vector_store %arg6[%swap3A_1944, %swap3A_1945], %swap3A_1948 {strides = array<i32>} : memref<128x32xf32, #tpu.memory_space<vmem>>, vector<1x16xf32>,
      %get3A_1949 = arith.constant 69 : i32
      %get3A_1950 = arith.index_cast %get3A_1949 : i32 to index
      %get3A_1951 = arith.constant 0 : index
      %get3A_1952 = tpu.vector_load %arg6[%get3A_1950, %get3A_1951] {strides = array<i32>} : memref<128x32xf32, #tpu.memory_space<vmem>>, vector<1x16xf32>,
      %get3A_1953 = vector.shape_cast %get3A_1952 : vector<1x16xf32> to vector<16xf32>
      %mul3A_1954 = arith.constant 5.65685415 : f32
      %mul3A_1955 = vector.broadcast %mul3A_1954 : f32 to vector<16xf32>
      %mul3A_1956 = arith.mulf %get3A_1953, %mul3A_1955 : vector<16xf32>
      %swap3A_1957 = arith.constant 69 : i32
      %swap3A_1958 = arith.index_cast %swap3A_1957 : i32 to index
      %swap3A_1959 = arith.constant 0 : index
      %swap3A_1960 = tpu.vector_load %arg6[%swap3A_1958, %swap3A_1959] {strides = array<i32>} : memref<128x32xf32, #tpu.memory_space<vmem>>, vector<1x16xf32>,
      %swap3A_1961 = vector.shape_cast %swap3A_1960 : vector<1x16xf32> to vector<16xf32>
      %swap3A_1962 = vector.shape_cast %mul3A_1956 : vector<16xf32> to vector<1x16xf32>
      tpu.vector_store %arg6[%swap3A_1958, %swap3A_1959], %swap3A_1962 {strides = array<i32>} : memref<128x32xf32, #tpu.memory_space<vmem>>, vector<1x16xf32>,
      %get3A_1963 = arith.constant 69 : i32
      %get3A_1964 = arith.index_cast %get3A_1963 : i32 to index
      %get3A_1965 = arith.constant 16 : index
      %get3A_1966 = tpu.vector_load %arg6[%get3A_1964, %get3A_1965] {strides = array<i32>} : memref<128x32xf32, #tpu.memory_space<vmem>>, vector<1x16xf32>,
      %get3A_1967 = vector.shape_cast %get3A_1966 : vector<1x16xf32> to vector<16xf32>
      %mul3A_1968 = arith.constant 5.65685415 : f32
      %mul3A_1969 = vector.broadcast %mul3A_1968 : f32 to vector<16xf32>
      %mul3A_1970 = arith.mulf %get3A_1967, %mul3A_1969 : vector<16xf32>
      %swap3A_1971 = arith.constant 69 : i32
      %swap3A_1972 = arith.index_cast %swap3A_1971 : i32 to index
      %swap3A_1973 = arith.constant 16 : index
      %swap3A_1974 = tpu.vector_load %arg6[%swap3A_1972, %swap3A_1973] {strides = array<i32>} : memref<128x32xf32, #tpu.memory_space<vmem>>, vector<1x16xf32>,
      %swap3A_1975 = vector.shape_cast %swap3A_1974 : vector<1x16xf32> to vector<16xf32>
      %swap3A_1976 = vector.shape_cast %mul3A_1970 : vector<16xf32> to vector<1x16xf32>
      tpu.vector_store %arg6[%swap3A_1972, %swap3A_1973], %swap3A_1976 {strides = array<i32>} : memref<128x32xf32, #tpu.memory_space<vmem>>, vector<1x16xf32>,
      %get3A_1977 = arith.constant 70 : i32
      %get3A_1978 = arith.index_cast %get3A_1977 : i32 to index
      %get3A_1979 = arith.constant 0 : index
      %get3A_1980 = tpu.vector_load %arg6[%get3A_1978, %get3A_1979] {strides = array<i32>} : memref<128x32xf32, #tpu.memory_space<vmem>>, vector<1x16xf32>,
      %get3A_1981 = vector.shape_cast %get3A_1980 : vector<1x16xf32> to vector<16xf32>
      %mul3A_1982 = arith.constant 5.65685415 : f32
      %mul3A_1983 = vector.broadcast %mul3A_1982 : f32 to vector<16xf32>
      %mul3A_1984 = arith.mulf %get3A_1981, %mul3A_1983 : vector<16xf32>
      %swap3A_1985 = arith.constant 70 : i32
      %swap3A_1986 = arith.index_cast %swap3A_1985 : i32 to index
      %swap3A_1987 = arith.constant 0 : index
      %swap3A_1988 = tpu.vector_load %arg6[%swap3A_1986, %swap3A_1987] {strides = array<i32>} : memref<128x32xf32, #tpu.memory_space<vmem>>, vector<1x16xf32>,
      %swap3A_1989 = vector.shape_cast %swap3A_1988 : vector<1x16xf32> to vector<16xf32>
      %swap3A_1990 = vector.shape_cast %mul3A_1984 : vector<16xf32> to vector<1x16xf32>
      tpu.vector_store %arg6[%swap3A_1986, %swap3A_1987], %swap3A_1990 {strides = array<i32>} : memref<128x32xf32, #tpu.memory_space<vmem>>, vector<1x16xf32>,
      %get3A_1991 = arith.constant 70 : i32
      %get3A_1992 = arith.index_cast %get3A_1991 : i32 to index
      %get3A_1993 = arith.constant 16 : index
      %get3A_1994 = tpu.vector_load %arg6[%get3A_1992, %get3A_1993] {strides = array<i32>} : memref<128x32xf32, #tpu.memory_space<vmem>>, vector<1x16xf32>,
      %get3A_1995 = vector.shape_cast %get3A_1994 : vector<1x16xf32> to vector<16xf32>
      %mul3A_1996 = arith.constant 5.65685415 : f32
      %mul3A_1997 = vector.broadcast %mul3A_1996 : f32 to vector<16xf32>
      %mul3A_1998 = arith.mulf %get3A_1995, %mul3A_1997 : vector<16xf32>
      %swap3A_1999 = arith.constant 70 : i32
      %swap3A_2000 = arith.index_cast %swap3A_1999 : i32 to index
      %swap3A_2001 = arith.constant 16 : index
      %swap3A_2002 = tpu.vector_load %arg6[%swap3A_2000, %swap3A_2001] {strides = array<i32>} : memref<128x32xf32, #tpu.memory_space<vmem>>, vector<1x16xf32>,
      %swap3A_2003 = vector.shape_cast %swap3A_2002 : vector<1x16xf32> to vector<16xf32>
      %swap3A_2004 = vector.shape_cast %mul3A_1998 : vector<16xf32> to vector<1x16xf32>
      tpu.vector_store %arg6[%swap3A_2000, %swap3A_2001], %swap3A_2004 {strides = array<i32>} : memref<128x32xf32, #tpu.memory_space<vmem>>, vector<1x16xf32>,
      %get3A_2005 = arith.constant 71 : i32
      %get3A_2006 = arith.index_cast %get3A_2005 : i32 to index
      %get3A_2007 = arith.constant 0 : index
      %get3A_2008 = tpu.vector_load %arg6[%get3A_2006, %get3A_2007] {strides = array<i32>} : memref<128x32xf32, #tpu.memory_space<vmem>>, vector<1x16xf32>,
      %get3A_2009 = vector.shape_cast %get3A_2008 : vector<1x16xf32> to vector<16xf32>
      %mul3A_2010 = arith.constant 5.65685415 : f32
      %mul3A_2011 = vector.broadcast %mul3A_2010 : f32 to vector<16xf32>
      %mul3A_2012 = arith.mulf %get3A_2009, %mul3A_2011 : vector<16xf32>
      %swap3A_2013 = arith.constant 71 : i32
      %swap3A_2014 = arith.index_cast %swap3A_2013 : i32 to index
      %swap3A_2015 = arith.constant 0 : index
      %swap3A_2016 = tpu.vector_load %arg6[%swap3A_2014, %swap3A_2015] {strides = array<i32>} : memref<128x32xf32, #tpu.memory_space<vmem>>, vector<1x16xf32>,
      %swap3A_2017 = vector.shape_cast %swap3A_2016 : vector<1x16xf32> to vector<16xf32>
      %swap3A_2018 = vector.shape_cast %mul3A_2012 : vector<16xf32> to vector<1x16xf32>
      tpu.vector_store %arg6[%swap3A_2014, %swap3A_2015], %swap3A_2018 {strides = array<i32>} : memref<128x32xf32, #tpu.memory_space<vmem>>, vector<1x16xf32>,
      %get3A_2019 = arith.constant 71 : i32
      %get3A_2020 = arith.index_cast %get3A_2019 : i32 to index
      %get3A_2021 = arith.constant 16 : index
      %get3A_2022 = tpu.vector_load %arg6[%get3A_2020, %get3A_2021] {strides = array<i32>} : memref<128x32xf32, #tpu.memory_space<vmem>>, vector<1x16xf32>,
      %get3A_2023 = vector.shape_cast %get3A_2022 : vector<1x16xf32> to vector<16xf32>
      %mul3A_2024 = arith.constant 5.65685415 : f32
      %mul3A_2025 = vector.broadcast %mul3A_2024 : f32 to vector<16xf32>
      %mul3A_2026 = arith.mulf %get3A_2023, %mul3A_2025 : vector<16xf32>
      %swap3A_2027 = arith.constant 71 : i32
      %swap3A_2028 = arith.index_cast %swap3A_2027 : i32 to index
      %swap3A_2029 = arith.constant 16 : index
      %swap3A_2030 = tpu.vector_load %arg6[%swap3A_2028, %swap3A_2029] {strides = array<i32>} : memref<128x32xf32, #tpu.memory_space<vmem>>, vector<1x16xf32>,
      %swap3A_2031 = vector.shape_cast %swap3A_2030 : vector<1x16xf32> to vector<16xf32>
      %swap3A_2032 = vector.shape_cast %mul3A_2026 : vector<16xf32> to vector<1x16xf32>
      tpu.vector_store %arg6[%swap3A_2028, %swap3A_2029], %swap3A_2032 {strides = array<i32>} : memref<128x32xf32, #tpu.memory_space<vmem>>, vector<1x16xf32>,
      %get3A_2033 = arith.constant 72 : i32
      %get3A_2034 = arith.index_cast %get3A_2033 : i32 to index
      %get3A_2035 = arith.constant 0 : index
      %get3A_2036 = tpu.vector_load %arg6[%get3A_2034, %get3A_2035] {strides = array<i32>} : memref<128x32xf32, #tpu.memory_space<vmem>>, vector<1x16xf32>,
      %get3A_2037 = vector.shape_cast %get3A_2036 : vector<1x16xf32> to vector<16xf32>
      %mul3A_2038 = arith.constant 5.65685415 : f32
      %mul3A_2039 = vector.broadcast %mul3A_2038 : f32 to vector<16xf32>
      %mul3A_2040 = arith.mulf %get3A_2037, %mul3A_2039 : vector<16xf32>
      %swap3A_2041 = arith.constant 72 : i32
      %swap3A_2042 = arith.index_cast %swap3A_2041 : i32 to index
      %swap3A_2043 = arith.constant 0 : index
      %swap3A_2044 = tpu.vector_load %arg6[%swap3A_2042, %swap3A_2043] {strides = array<i32>} : memref<128x32xf32, #tpu.memory_space<vmem>>, vector<1x16xf32>,
      %swap3A_2045 = vector.shape_cast %swap3A_2044 : vector<1x16xf32> to vector<16xf32>
      %swap3A_2046 = vector.shape_cast %mul3A_2040 : vector<16xf32> to vector<1x16xf32>
      tpu.vector_store %arg6[%swap3A_2042, %swap3A_2043], %swap3A_2046 {strides = array<i32>} : memref<128x32xf32, #tpu.memory_space<vmem>>, vector<1x16xf32>,
      %get3A_2047 = arith.constant 72 : i32
      %get3A_2048 = arith.index_cast %get3A_2047 : i32 to index
      %get3A_2049 = arith.constant 16 : index
      %get3A_2050 = tpu.vector_load %arg6[%get3A_2048, %get3A_2049] {strides = array<i32>} : memref<128x32xf32, #tpu.memory_space<vmem>>, vector<1x16xf32>,
      %get3A_2051 = vector.shape_cast %get3A_2050 : vector<1x16xf32> to vector<16xf32>
      %mul3A_2052 = arith.constant 5.65685415 : f32
      %mul3A_2053 = vector.broadcast %mul3A_2052 : f32 to vector<16xf32>
      %mul3A_2054 = arith.mulf %get3A_2051, %mul3A_2053 : vector<16xf32>
      %swap3A_2055 = arith.constant 72 : i32
      %swap3A_2056 = arith.index_cast %swap3A_2055 : i32 to index
      %swap3A_2057 = arith.constant 16 : index
      %swap3A_2058 = tpu.vector_load %arg6[%swap3A_2056, %swap3A_2057] {strides = array<i32>} : memref<128x32xf32, #tpu.memory_space<vmem>>, vector<1x16xf32>,
      %swap3A_2059 = vector.shape_cast %swap3A_2058 : vector<1x16xf32> to vector<16xf32>
      %swap3A_2060 = vector.shape_cast %mul3A_2054 : vector<16xf32> to vector<1x16xf32>
      tpu.vector_store %arg6[%swap3A_2056, %swap3A_2057], %swap3A_2060 {strides = array<i32>} : memref<128x32xf32, #tpu.memory_space<vmem>>, vector<1x16xf32>,
      %get3A_2061 = arith.constant 73 : i32
      %get3A_2062 = arith.index_cast %get3A_2061 : i32 to index
      %get3A_2063 = arith.constant 0 : index
      %get3A_2064 = tpu.vector_load %arg6[%get3A_2062, %get3A_2063] {strides = array<i32>} : memref<128x32xf32, #tpu.memory_space<vmem>>, vector<1x16xf32>,
      %get3A_2065 = vector.shape_cast %get3A_2064 : vector<1x16xf32> to vector<16xf32>
      %mul3A_2066 = arith.constant 5.65685415 : f32
      %mul3A_2067 = vector.broadcast %mul3A_2066 : f32 to vector<16xf32>
      %mul3A_2068 = arith.mulf %get3A_2065, %mul3A_2067 : vector<16xf32>
      %swap3A_2069 = arith.constant 73 : i32
      %swap3A_2070 = arith.index_cast %swap3A_2069 : i32 to index
      %swap3A_2071 = arith.constant 0 : index
      %swap3A_2072 = tpu.vector_load %arg6[%swap3A_2070, %swap3A_2071] {strides = array<i32>} : memref<128x32xf32, #tpu.memory_space<vmem>>, vector<1x16xf32>,
      %swap3A_2073 = vector.shape_cast %swap3A_2072 : vector<1x16xf32> to vector<16xf32>
      %swap3A_2074 = vector.shape_cast %mul3A_2068 : vector<16xf32> to vector<1x16xf32>
      tpu.vector_store %arg6[%swap3A_2070, %swap3A_2071], %swap3A_2074 {strides = array<i32>} : memref<128x32xf32, #tpu.memory_space<vmem>>, vector<1x16xf32>,
      %get3A_2075 = arith.constant 73 : i32
      %get3A_2076 = arith.index_cast %get3A_2075 : i32 to index
      %get3A_2077 = arith.constant 16 : index
      %get3A_2078 = tpu.vector_load %arg6[%get3A_2076, %get3A_2077] {strides = array<i32>} : memref<128x32xf32, #tpu.memory_space<vmem>>, vector<1x16xf32>,
      %get3A_2079 = vector.shape_cast %get3A_2078 : vector<1x16xf32> to vector<16xf32>
      %mul3A_2080 = arith.constant 5.65685415 : f32
      %mul3A_2081 = vector.broadcast %mul3A_2080 : f32 to vector<16xf32>
      %mul3A_2082 = arith.mulf %get3A_2079, %mul3A_2081 : vector<16xf32>
      %swap3A_2083 = arith.constant 73 : i32
      %swap3A_2084 = arith.index_cast %swap3A_2083 : i32 to index
      %swap3A_2085 = arith.constant 16 : index
      %swap3A_2086 = tpu.vector_load %arg6[%swap3A_2084, %swap3A_2085] {strides = array<i32>} : memref<128x32xf32, #tpu.memory_space<vmem>>, vector<1x16xf32>,
      %swap3A_2087 = vector.shape_cast %swap3A_2086 : vector<1x16xf32> to vector<16xf32>
      %swap3A_2088 = vector.shape_cast %mul3A_2082 : vector<16xf32> to vector<1x16xf32>
      tpu.vector_store %arg6[%swap3A_2084, %swap3A_2085], %swap3A_2088 {strides = array<i32>} : memref<128x32xf32, #tpu.memory_space<vmem>>, vector<1x16xf32>,
      %get3A_2089 = arith.constant 74 : i32
      %get3A_2090 = arith.index_cast %get3A_2089 : i32 to index
      %get3A_2091 = arith.constant 0 : index
      %get3A_2092 = tpu.vector_load %arg6[%get3A_2090, %get3A_2091] {strides = array<i32>} : memref<128x32xf32, #tpu.memory_space<vmem>>, vector<1x16xf32>,
      %get3A_2093 = vector.shape_cast %get3A_2092 : vector<1x16xf32> to vector<16xf32>
      %mul3A_2094 = arith.constant 5.65685415 : f32
      %mul3A_2095 = vector.broadcast %mul3A_2094 : f32 to vector<16xf32>
      %mul3A_2096 = arith.mulf %get3A_2093, %mul3A_2095 : vector<16xf32>
      %swap3A_2097 = arith.constant 74 : i32
      %swap3A_2098 = arith.index_cast %swap3A_2097 : i32 to index
      %swap3A_2099 = arith.constant 0 : index
      %swap3A_2100 = tpu.vector_load %arg6[%swap3A_2098, %swap3A_2099] {strides = array<i32>} : memref<128x32xf32, #tpu.memory_space<vmem>>, vector<1x16xf32>,
      %swap3A_2101 = vector.shape_cast %swap3A_2100 : vector<1x16xf32> to vector<16xf32>
      %swap3A_2102 = vector.shape_cast %mul3A_2096 : vector<16xf32> to vector<1x16xf32>
      tpu.vector_store %arg6[%swap3A_2098, %swap3A_2099], %swap3A_2102 {strides = array<i32>} : memref<128x32xf32, #tpu.memory_space<vmem>>, vector<1x16xf32>,
      %get3A_2103 = arith.constant 74 : i32
      %get3A_2104 = arith.index_cast %get3A_2103 : i32 to index
      %get3A_2105 = arith.constant 16 : index
      %get3A_2106 = tpu.vector_load %arg6[%get3A_2104, %get3A_2105] {strides = array<i32>} : memref<128x32xf32, #tpu.memory_space<vmem>>, vector<1x16xf32>,
      %get3A_2107 = vector.shape_cast %get3A_2106 : vector<1x16xf32> to vector<16xf32>
      %mul3A_2108 = arith.constant 5.65685415 : f32
      %mul3A_2109 = vector.broadcast %mul3A_2108 : f32 to vector<16xf32>
      %mul3A_2110 = arith.mulf %get3A_2107, %mul3A_2109 : vector<16xf32>
      %swap3A_2111 = arith.constant 74 : i32
      %swap3A_2112 = arith.index_cast %swap3A_2111 : i32 to index
      %swap3A_2113 = arith.constant 16 : index
      %swap3A_2114 = tpu.vector_load %arg6[%swap3A_2112, %swap3A_2113] {strides = array<i32>} : memref<128x32xf32, #tpu.memory_space<vmem>>, vector<1x16xf32>,
      %swap3A_2115 = vector.shape_cast %swap3A_2114 : vector<1x16xf32> to vector<16xf32>
      %swap3A_2116 = vector.shape_cast %mul3A_2110 : vector<16xf32> to vector<1x16xf32>
      tpu.vector_store %arg6[%swap3A_2112, %swap3A_2113], %swap3A_2116 {strides = array<i32>} : memref<128x32xf32, #tpu.memory_space<vmem>>, vector<1x16xf32>,
      %get3A_2117 = arith.constant 75 : i32
      %get3A_2118 = arith.index_cast %get3A_2117 : i32 to index
      %get3A_2119 = arith.constant 0 : index
      %get3A_2120 = tpu.vector_load %arg6[%get3A_2118, %get3A_2119] {strides = array<i32>} : memref<128x32xf32, #tpu.memory_space<vmem>>, vector<1x16xf32>,
      %get3A_2121 = vector.shape_cast %get3A_2120 : vector<1x16xf32> to vector<16xf32>
      %mul3A_2122 = arith.constant 5.65685415 : f32
      %mul3A_2123 = vector.broadcast %mul3A_2122 : f32 to vector<16xf32>
      %mul3A_2124 = arith.mulf %get3A_2121, %mul3A_2123 : vector<16xf32>
      %swap3A_2125 = arith.constant 75 : i32
      %swap3A_2126 = arith.index_cast %swap3A_2125 : i32 to index
      %swap3A_2127 = arith.constant 0 : index
      %swap3A_2128 = tpu.vector_load %arg6[%swap3A_2126, %swap3A_2127] {strides = array<i32>} : memref<128x32xf32, #tpu.memory_space<vmem>>, vector<1x16xf32>,
      %swap3A_2129 = vector.shape_cast %swap3A_2128 : vector<1x16xf32> to vector<16xf32>
      %swap3A_2130 = vector.shape_cast %mul3A_2124 : vector<16xf32> to vector<1x16xf32>
      tpu.vector_store %arg6[%swap3A_2126, %swap3A_2127], %swap3A_2130 {strides = array<i32>} : memref<128x32xf32, #tpu.memory_space<vmem>>, vector<1x16xf32>,
      %get3A_2131 = arith.constant 75 : i32
      %get3A_2132 = arith.index_cast %get3A_2131 : i32 to index
      %get3A_2133 = arith.constant 16 : index
      %get3A_2134 = tpu.vector_load %arg6[%get3A_2132, %get3A_2133] {strides = array<i32>} : memref<128x32xf32, #tpu.memory_space<vmem>>, vector<1x16xf32>,
      %get3A_2135 = vector.shape_cast %get3A_2134 : vector<1x16xf32> to vector<16xf32>
      %mul3A_2136 = arith.constant 5.65685415 : f32
      %mul3A_2137 = vector.broadcast %mul3A_2136 : f32 to vector<16xf32>
      %mul3A_2138 = arith.mulf %get3A_2135, %mul3A_2137 : vector<16xf32>
      %swap3A_2139 = arith.constant 75 : i32
      %swap3A_2140 = arith.index_cast %swap3A_2139 : i32 to index
      %swap3A_2141 = arith.constant 16 : index
      %swap3A_2142 = tpu.vector_load %arg6[%swap3A_2140, %swap3A_2141] {strides = array<i32>} : memref<128x32xf32, #tpu.memory_space<vmem>>, vector<1x16xf32>,
      %swap3A_2143 = vector.shape_cast %swap3A_2142 : vector<1x16xf32> to vector<16xf32>
      %swap3A_2144 = vector.shape_cast %mul3A_2138 : vector<16xf32> to vector<1x16xf32>
      tpu.vector_store %arg6[%swap3A_2140, %swap3A_2141], %swap3A_2144 {strides = array<i32>} : memref<128x32xf32, #tpu.memory_space<vmem>>, vector<1x16xf32>,
      %get3A_2145 = arith.constant 76 : i32
      %get3A_2146 = arith.index_cast %get3A_2145 : i32 to index
      %get3A_2147 = arith.constant 0 : index
      %get3A_2148 = tpu.vector_load %arg6[%get3A_2146, %get3A_2147] {strides = array<i32>} : memref<128x32xf32, #tpu.memory_space<vmem>>, vector<1x16xf32>,
      %get3A_2149 = vector.shape_cast %get3A_2148 : vector<1x16xf32> to vector<16xf32>
      %mul3A_2150 = arith.constant 5.65685415 : f32
      %mul3A_2151 = vector.broadcast %mul3A_2150 : f32 to vector<16xf32>
      %mul3A_2152 = arith.mulf %get3A_2149, %mul3A_2151 : vector<16xf32>
      %swap3A_2153 = arith.constant 76 : i32
      %swap3A_2154 = arith.index_cast %swap3A_2153 : i32 to index
      %swap3A_2155 = arith.constant 0 : index
      %swap3A_2156 = tpu.vector_load %arg6[%swap3A_2154, %swap3A_2155] {strides = array<i32>} : memref<128x32xf32, #tpu.memory_space<vmem>>, vector<1x16xf32>,
      %swap3A_2157 = vector.shape_cast %swap3A_2156 : vector<1x16xf32> to vector<16xf32>
      %swap3A_2158 = vector.shape_cast %mul3A_2152 : vector<16xf32> to vector<1x16xf32>
      tpu.vector_store %arg6[%swap3A_2154, %swap3A_2155], %swap3A_2158 {strides = array<i32>} : memref<128x32xf32, #tpu.memory_space<vmem>>, vector<1x16xf32>,
      %get3A_2159 = arith.constant 76 : i32
      %get3A_2160 = arith.index_cast %get3A_2159 : i32 to index
      %get3A_2161 = arith.constant 16 : index
      %get3A_2162 = tpu.vector_load %arg6[%get3A_2160, %get3A_2161] {strides = array<i32>} : memref<128x32xf32, #tpu.memory_space<vmem>>, vector<1x16xf32>,
      %get3A_2163 = vector.shape_cast %get3A_2162 : vector<1x16xf32> to vector<16xf32>
      %mul3A_2164 = arith.constant 5.65685415 : f32
      %mul3A_2165 = vector.broadcast %mul3A_2164 : f32 to vector<16xf32>
      %mul3A_2166 = arith.mulf %get3A_2163, %mul3A_2165 : vector<16xf32>
      %swap3A_2167 = arith.constant 76 : i32
      %swap3A_2168 = arith.index_cast %swap3A_2167 : i32 to index
      %swap3A_2169 = arith.constant 16 : index
      %swap3A_2170 = tpu.vector_load %arg6[%swap3A_2168, %swap3A_2169] {strides = array<i32>} : memref<128x32xf32, #tpu.memory_space<vmem>>, vector<1x16xf32>,
      %swap3A_2171 = vector.shape_cast %swap3A_2170 : vector<1x16xf32> to vector<16xf32>
      %swap3A_2172 = vector.shape_cast %mul3A_2166 : vector<16xf32> to vector<1x16xf32>
      tpu.vector_store %arg6[%swap3A_2168, %swap3A_2169], %swap3A_2172 {strides = array<i32>} : memref<128x32xf32, #tpu.memory_space<vmem>>, vector<1x16xf32>,
      %get3A_2173 = arith.constant 77 : i32
      %get3A_2174 = arith.index_cast %get3A_2173 : i32 to index
      %get3A_2175 = arith.constant 0 : index
      %get3A_2176 = tpu.vector_load %arg6[%get3A_2174, %get3A_2175] {strides = array<i32>} : memref<128x32xf32, #tpu.memory_space<vmem>>, vector<1x16xf32>,
      %get3A_2177 = vector.shape_cast %get3A_2176 : vector<1x16xf32> to vector<16xf32>
      %mul3A_2178 = arith.constant 5.65685415 : f32
      %mul3A_2179 = vector.broadcast %mul3A_2178 : f32 to vector<16xf32>
      %mul3A_2180 = arith.mulf %get3A_2177, %mul3A_2179 : vector<16xf32>
      %swap3A_2181 = arith.constant 77 : i32
      %swap3A_2182 = arith.index_cast %swap3A_2181 : i32 to index
      %swap3A_2183 = arith.constant 0 : index
      %swap3A_2184 = tpu.vector_load %arg6[%swap3A_2182, %swap3A_2183] {strides = array<i32>} : memref<128x32xf32, #tpu.memory_space<vmem>>, vector<1x16xf32>,
      %swap3A_2185 = vector.shape_cast %swap3A_2184 : vector<1x16xf32> to vector<16xf32>
      %swap3A_2186 = vector.shape_cast %mul3A_2180 : vector<16xf32> to vector<1x16xf32>
      tpu.vector_store %arg6[%swap3A_2182, %swap3A_2183], %swap3A_2186 {strides = array<i32>} : memref<128x32xf32, #tpu.memory_space<vmem>>, vector<1x16xf32>,
      %get3A_2187 = arith.constant 77 : i32
      %get3A_2188 = arith.index_cast %get3A_2187 : i32 to index
      %get3A_2189 = arith.constant 16 : index
      %get3A_2190 = tpu.vector_load %arg6[%get3A_2188, %get3A_2189] {strides = array<i32>} : memref<128x32xf32, #tpu.memory_space<vmem>>, vector<1x16xf32>,
      %get3A_2191 = vector.shape_cast %get3A_2190 : vector<1x16xf32> to vector<16xf32>
      %mul3A_2192 = arith.constant 5.65685415 : f32
      %mul3A_2193 = vector.broadcast %mul3A_2192 : f32 to vector<16xf32>
      %mul3A_2194 = arith.mulf %get3A_2191, %mul3A_2193 : vector<16xf32>
      %swap3A_2195 = arith.constant 77 : i32
      %swap3A_2196 = arith.index_cast %swap3A_2195 : i32 to index
      %swap3A_2197 = arith.constant 16 : index
      %swap3A_2198 = tpu.vector_load %arg6[%swap3A_2196, %swap3A_2197] {strides = array<i32>} : memref<128x32xf32, #tpu.memory_space<vmem>>, vector<1x16xf32>,
      %swap3A_2199 = vector.shape_cast %swap3A_2198 : vector<1x16xf32> to vector<16xf32>
      %swap3A_2200 = vector.shape_cast %mul3A_2194 : vector<16xf32> to vector<1x16xf32>
      tpu.vector_store %arg6[%swap3A_2196, %swap3A_2197], %swap3A_2200 {strides = array<i32>} : memref<128x32xf32, #tpu.memory_space<vmem>>, vector<1x16xf32>,
      %get3A_2201 = arith.constant 78 : i32
      %get3A_2202 = arith.index_cast %get3A_2201 : i32 to index
      %get3A_2203 = arith.constant 0 : index
      %get3A_2204 = tpu.vector_load %arg6[%get3A_2202, %get3A_2203] {strides = array<i32>} : memref<128x32xf32, #tpu.memory_space<vmem>>, vector<1x16xf32>,
      %get3A_2205 = vector.shape_cast %get3A_2204 : vector<1x16xf32> to vector<16xf32>
      %mul3A_2206 = arith.constant 5.65685415 : f32
      %mul3A_2207 = vector.broadcast %mul3A_2206 : f32 to vector<16xf32>
      %mul3A_2208 = arith.mulf %get3A_2205, %mul3A_2207 : vector<16xf32>
      %swap3A_2209 = arith.constant 78 : i32
      %swap3A_2210 = arith.index_cast %swap3A_2209 : i32 to index
      %swap3A_2211 = arith.constant 0 : index
      %swap3A_2212 = tpu.vector_load %arg6[%swap3A_2210, %swap3A_2211] {strides = array<i32>} : memref<128x32xf32, #tpu.memory_space<vmem>>, vector<1x16xf32>,
      %swap3A_2213 = vector.shape_cast %swap3A_2212 : vector<1x16xf32> to vector<16xf32>
      %swap3A_2214 = vector.shape_cast %mul3A_2208 : vector<16xf32> to vector<1x16xf32>
      tpu.vector_store %arg6[%swap3A_2210, %swap3A_2211], %swap3A_2214 {strides = array<i32>} : memref<128x32xf32, #tpu.memory_space<vmem>>, vector<1x16xf32>,
      %get3A_2215 = arith.constant 78 : i32
      %get3A_2216 = arith.index_cast %get3A_2215 : i32 to index
      %get3A_2217 = arith.constant 16 : index
      %get3A_2218 = tpu.vector_load %arg6[%get3A_2216, %get3A_2217] {strides = array<i32>} : memref<128x32xf32, #tpu.memory_space<vmem>>, vector<1x16xf32>,
      %get3A_2219 = vector.shape_cast %get3A_2218 : vector<1x16xf32> to vector<16xf32>
      %mul3A_2220 = arith.constant 5.65685415 : f32
      %mul3A_2221 = vector.broadcast %mul3A_2220 : f32 to vector<16xf32>
      %mul3A_2222 = arith.mulf %get3A_2219, %mul3A_2221 : vector<16xf32>
      %swap3A_2223 = arith.constant 78 : i32
      %swap3A_2224 = arith.index_cast %swap3A_2223 : i32 to index
      %swap3A_2225 = arith.constant 16 : index
      %swap3A_2226 = tpu.vector_load %arg6[%swap3A_2224, %swap3A_2225] {strides = array<i32>} : memref<128x32xf32, #tpu.memory_space<vmem>>, vector<1x16xf32>,
      %swap3A_2227 = vector.shape_cast %swap3A_2226 : vector<1x16xf32> to vector<16xf32>
      %swap3A_2228 = vector.shape_cast %mul3A_2222 : vector<16xf32> to vector<1x16xf32>
      tpu.vector_store %arg6[%swap3A_2224, %swap3A_2225], %swap3A_2228 {strides = array<i32>} : memref<128x32xf32, #tpu.memory_space<vmem>>, vector<1x16xf32>,
      %get3A_2229 = arith.constant 79 : i32
      %get3A_2230 = arith.index_cast %get3A_2229 : i32 to index
      %get3A_2231 = arith.constant 0 : index
      %get3A_2232 = tpu.vector_load %arg6[%get3A_2230, %get3A_2231] {strides = array<i32>} : memref<128x32xf32, #tpu.memory_space<vmem>>, vector<1x16xf32>,
      %get3A_2233 = vector.shape_cast %get3A_2232 : vector<1x16xf32> to vector<16xf32>
      %mul3A_2234 = arith.constant 5.65685415 : f32
      %mul3A_2235 = vector.broadcast %mul3A_2234 : f32 to vector<16xf32>
      %mul3A_2236 = arith.mulf %get3A_2233, %mul3A_2235 : vector<16xf32>
      %swap3A_2237 = arith.constant 79 : i32
      %swap3A_2238 = arith.index_cast %swap3A_2237 : i32 to index
      %swap3A_2239 = arith.constant 0 : index
      %swap3A_2240 = tpu.vector_load %arg6[%swap3A_2238, %swap3A_2239] {strides = array<i32>} : memref<128x32xf32, #tpu.memory_space<vmem>>, vector<1x16xf32>,
      %swap3A_2241 = vector.shape_cast %swap3A_2240 : vector<1x16xf32> to vector<16xf32>
      %swap3A_2242 = vector.shape_cast %mul3A_2236 : vector<16xf32> to vector<1x16xf32>
      tpu.vector_store %arg6[%swap3A_2238, %swap3A_2239], %swap3A_2242 {strides = array<i32>} : memref<128x32xf32, #tpu.memory_space<vmem>>, vector<1x16xf32>,
      %get3A_2243 = arith.constant 79 : i32
      %get3A_2244 = arith.index_cast %get3A_2243 : i32 to index
      %get3A_2245 = arith.constant 16 : index
      %get3A_2246 = tpu.vector_load %arg6[%get3A_2244, %get3A_2245] {strides = array<i32>} : memref<128x32xf32, #tpu.memory_space<vmem>>, vector<1x16xf32>,
      %get3A_2247 = vector.shape_cast %get3A_2246 : vector<1x16xf32> to vector<16xf32>
      %mul3A_2248 = arith.constant 5.65685415 : f32
      %mul3A_2249 = vector.broadcast %mul3A_2248 : f32 to vector<16xf32>
      %mul3A_2250 = arith.mulf %get3A_2247, %mul3A_2249 : vector<16xf32>
      %swap3A_2251 = arith.constant 79 : i32
      %swap3A_2252 = arith.index_cast %swap3A_2251 : i32 to index
      %swap3A_2253 = arith.constant 16 : index
      %swap3A_2254 = tpu.vector_load %arg6[%swap3A_2252, %swap3A_2253] {strides = array<i32>} : memref<128x32xf32, #tpu.memory_space<vmem>>, vector<1x16xf32>,
      %swap3A_2255 = vector.shape_cast %swap3A_2254 : vector<1x16xf32> to vector<16xf32>
      %swap3A_2256 = vector.shape_cast %mul3A_2250 : vector<16xf32> to vector<1x16xf32>
      tpu.vector_store %arg6[%swap3A_2252, %swap3A_2253], %swap3A_2256 {strides = array<i32>} : memref<128x32xf32, #tpu.memory_space<vmem>>, vector<1x16xf32>,
      %get3A_2257 = arith.constant 80 : i32
      %get3A_2258 = arith.index_cast %get3A_2257 : i32 to index
      %get3A_2259 = arith.constant 0 : index
      %get3A_2260 = tpu.vector_load %arg6[%get3A_2258, %get3A_2259] {strides = array<i32>} : memref<128x32xf32, #tpu.memory_space<vmem>>, vector<1x16xf32>,
      %get3A_2261 = vector.shape_cast %get3A_2260 : vector<1x16xf32> to vector<16xf32>
      %mul3A_2262 = arith.constant 5.65685415 : f32
      %mul3A_2263 = vector.broadcast %mul3A_2262 : f32 to vector<16xf32>
      %mul3A_2264 = arith.mulf %get3A_2261, %mul3A_2263 : vector<16xf32>
      %swap3A_2265 = arith.constant 80 : i32
      %swap3A_2266 = arith.index_cast %swap3A_2265 : i32 to index
      %swap3A_2267 = arith.constant 0 : index
      %swap3A_2268 = tpu.vector_load %arg6[%swap3A_2266, %swap3A_2267] {strides = array<i32>} : memref<128x32xf32, #tpu.memory_space<vmem>>, vector<1x16xf32>,
      %swap3A_2269 = vector.shape_cast %swap3A_2268 : vector<1x16xf32> to vector<16xf32>
      %swap3A_2270 = vector.shape_cast %mul3A_2264 : vector<16xf32> to vector<1x16xf32>
      tpu.vector_store %arg6[%swap3A_2266, %swap3A_2267], %swap3A_2270 {strides = array<i32>} : memref<128x32xf32, #tpu.memory_space<vmem>>, vector<1x16xf32>,
      %get3A_2271 = arith.constant 80 : i32
      %get3A_2272 = arith.index_cast %get3A_2271 : i32 to index
      %get3A_2273 = arith.constant 16 : index
      %get3A_2274 = tpu.vector_load %arg6[%get3A_2272, %get3A_2273] {strides = array<i32>} : memref<128x32xf32, #tpu.memory_space<vmem>>, vector<1x16xf32>,
      %get3A_2275 = vector.shape_cast %get3A_2274 : vector<1x16xf32> to vector<16xf32>
      %mul3A_2276 = arith.constant 5.65685415 : f32
      %mul3A_2277 = vector.broadcast %mul3A_2276 : f32 to vector<16xf32>
      %mul3A_2278 = arith.mulf %get3A_2275, %mul3A_2277 : vector<16xf32>
      %swap3A_2279 = arith.constant 80 : i32
      %swap3A_2280 = arith.index_cast %swap3A_2279 : i32 to index
      %swap3A_2281 = arith.constant 16 : index
      %swap3A_2282 = tpu.vector_load %arg6[%swap3A_2280, %swap3A_2281] {strides = array<i32>} : memref<128x32xf32, #tpu.memory_space<vmem>>, vector<1x16xf32>,
      %swap3A_2283 = vector.shape_cast %swap3A_2282 : vector<1x16xf32> to vector<16xf32>
      %swap3A_2284 = vector.shape_cast %mul3A_2278 : vector<16xf32> to vector<1x16xf32>
      tpu.vector_store %arg6[%swap3A_2280, %swap3A_2281], %swap3A_2284 {strides = array<i32>} : memref<128x32xf32, #tpu.memory_space<vmem>>, vector<1x16xf32>,
      %get3A_2285 = arith.constant 81 : i32
      %get3A_2286 = arith.index_cast %get3A_2285 : i32 to index
      %get3A_2287 = arith.constant 0 : index
      %get3A_2288 = tpu.vector_load %arg6[%get3A_2286, %get3A_2287] {strides = array<i32>} : memref<128x32xf32, #tpu.memory_space<vmem>>, vector<1x16xf32>,
      %get3A_2289 = vector.shape_cast %get3A_2288 : vector<1x16xf32> to vector<16xf32>
      %mul3A_2290 = arith.constant 5.65685415 : f32
      %mul3A_2291 = vector.broadcast %mul3A_2290 : f32 to vector<16xf32>
      %mul3A_2292 = arith.mulf %get3A_2289, %mul3A_2291 : vector<16xf32>
      %swap3A_2293 = arith.constant 81 : i32
      %swap3A_2294 = arith.index_cast %swap3A_2293 : i32 to index
      %swap3A_2295 = arith.constant 0 : index
      %swap3A_2296 = tpu.vector_load %arg6[%swap3A_2294, %swap3A_2295] {strides = array<i32>} : memref<128x32xf32, #tpu.memory_space<vmem>>, vector<1x16xf32>,
      %swap3A_2297 = vector.shape_cast %swap3A_2296 : vector<1x16xf32> to vector<16xf32>
      %swap3A_2298 = vector.shape_cast %mul3A_2292 : vector<16xf32> to vector<1x16xf32>
      tpu.vector_store %arg6[%swap3A_2294, %swap3A_2295], %swap3A_2298 {strides = array<i32>} : memref<128x32xf32, #tpu.memory_space<vmem>>, vector<1x16xf32>,
      %get3A_2299 = arith.constant 81 : i32
      %get3A_2300 = arith.index_cast %get3A_2299 : i32 to index
      %get3A_2301 = arith.constant 16 : index
      %get3A_2302 = tpu.vector_load %arg6[%get3A_2300, %get3A_2301] {strides = array<i32>} : memref<128x32xf32, #tpu.memory_space<vmem>>, vector<1x16xf32>,
      %get3A_2303 = vector.shape_cast %get3A_2302 : vector<1x16xf32> to vector<16xf32>
      %mul3A_2304 = arith.constant 5.65685415 : f32
      %mul3A_2305 = vector.broadcast %mul3A_2304 : f32 to vector<16xf32>
      %mul3A_2306 = arith.mulf %get3A_2303, %mul3A_2305 : vector<16xf32>
      %swap3A_2307 = arith.constant 81 : i32
      %swap3A_2308 = arith.index_cast %swap3A_2307 : i32 to index
      %swap3A_2309 = arith.constant 16 : index
      %swap3A_2310 = tpu.vector_load %arg6[%swap3A_2308, %swap3A_2309] {strides = array<i32>} : memref<128x32xf32, #tpu.memory_space<vmem>>, vector<1x16xf32>,
      %swap3A_2311 = vector.shape_cast %swap3A_2310 : vector<1x16xf32> to vector<16xf32>
      %swap3A_2312 = vector.shape_cast %mul3A_2306 : vector<16xf32> to vector<1x16xf32>
      tpu.vector_store %arg6[%swap3A_2308, %swap3A_2309], %swap3A_2312 {strides = array<i32>} : memref<128x32xf32, #tpu.memory_space<vmem>>, vector<1x16xf32>,
      %get3A_2313 = arith.constant 82 : i32
      %get3A_2314 = arith.index_cast %get3A_2313 : i32 to index
      %get3A_2315 = arith.constant 0 : index
      %get3A_2316 = tpu.vector_load %arg6[%get3A_2314, %get3A_2315] {strides = array<i32>} : memref<128x32xf32, #tpu.memory_space<vmem>>, vector<1x16xf32>,
      %get3A_2317 = vector.shape_cast %get3A_2316 : vector<1x16xf32> to vector<16xf32>
      %mul3A_2318 = arith.constant 5.65685415 : f32
      %mul3A_2319 = vector.broadcast %mul3A_2318 : f32 to vector<16xf32>
      %mul3A_2320 = arith.mulf %get3A_2317, %mul3A_2319 : vector<16xf32>
      %swap3A_2321 = arith.constant 82 : i32
      %swap3A_2322 = arith.index_cast %swap3A_2321 : i32 to index
      %swap3A_2323 = arith.constant 0 : index
      %swap3A_2324 = tpu.vector_load %arg6[%swap3A_2322, %swap3A_2323] {strides = array<i32>} : memref<128x32xf32, #tpu.memory_space<vmem>>, vector<1x16xf32>,
      %swap3A_2325 = vector.shape_cast %swap3A_2324 : vector<1x16xf32> to vector<16xf32>
      %swap3A_2326 = vector.shape_cast %mul3A_2320 : vector<16xf32> to vector<1x16xf32>
      tpu.vector_store %arg6[%swap3A_2322, %swap3A_2323], %swap3A_2326 {strides = array<i32>} : memref<128x32xf32, #tpu.memory_space<vmem>>, vector<1x16xf32>,
      %get3A_2327 = arith.constant 82 : i32
      %get3A_2328 = arith.index_cast %get3A_2327 : i32 to index
      %get3A_2329 = arith.constant 16 : index
      %get3A_2330 = tpu.vector_load %arg6[%get3A_2328, %get3A_2329] {strides = array<i32>} : memref<128x32xf32, #tpu.memory_space<vmem>>, vector<1x16xf32>,
      %get3A_2331 = vector.shape_cast %get3A_2330 : vector<1x16xf32> to vector<16xf32>
      %mul3A_2332 = arith.constant 5.65685415 : f32
      %mul3A_2333 = vector.broadcast %mul3A_2332 : f32 to vector<16xf32>
      %mul3A_2334 = arith.mulf %get3A_2331, %mul3A_2333 : vector<16xf32>
      %swap3A_2335 = arith.constant 82 : i32
      %swap3A_2336 = arith.index_cast %swap3A_2335 : i32 to index
      %swap3A_2337 = arith.constant 16 : index
      %swap3A_2338 = tpu.vector_load %arg6[%swap3A_2336, %swap3A_2337] {strides = array<i32>} : memref<128x32xf32, #tpu.memory_space<vmem>>, vector<1x16xf32>,
      %swap3A_2339 = vector.shape_cast %swap3A_2338 : vector<1x16xf32> to vector<16xf32>
      %swap3A_2340 = vector.shape_cast %mul3A_2334 : vector<16xf32> to vector<1x16xf32>
      tpu.vector_store %arg6[%swap3A_2336, %swap3A_2337], %swap3A_2340 {strides = array<i32>} : memref<128x32xf32, #tpu.memory_space<vmem>>, vector<1x16xf32>,
      %get3A_2341 = arith.constant 83 : i32
      %get3A_2342 = arith.index_cast %get3A_2341 : i32 to index
      %get3A_2343 = arith.constant 0 : index
      %get3A_2344 = tpu.vector_load %arg6[%get3A_2342, %get3A_2343] {strides = array<i32>} : memref<128x32xf32, #tpu.memory_space<vmem>>, vector<1x16xf32>,
      %get3A_2345 = vector.shape_cast %get3A_2344 : vector<1x16xf32> to vector<16xf32>
      %mul3A_2346 = arith.constant 5.65685415 : f32
      %mul3A_2347 = vector.broadcast %mul3A_2346 : f32 to vector<16xf32>
      %mul3A_2348 = arith.mulf %get3A_2345, %mul3A_2347 : vector<16xf32>
      %swap3A_2349 = arith.constant 83 : i32
      %swap3A_2350 = arith.index_cast %swap3A_2349 : i32 to index
      %swap3A_2351 = arith.constant 0 : index
      %swap3A_2352 = tpu.vector_load %arg6[%swap3A_2350, %swap3A_2351] {strides = array<i32>} : memref<128x32xf32, #tpu.memory_space<vmem>>, vector<1x16xf32>,
      %swap3A_2353 = vector.shape_cast %swap3A_2352 : vector<1x16xf32> to vector<16xf32>
      %swap3A_2354 = vector.shape_cast %mul3A_2348 : vector<16xf32> to vector<1x16xf32>
      tpu.vector_store %arg6[%swap3A_2350, %swap3A_2351], %swap3A_2354 {strides = array<i32>} : memref<128x32xf32, #tpu.memory_space<vmem>>, vector<1x16xf32>,
      %get3A_2355 = arith.constant 83 : i32
      %get3A_2356 = arith.index_cast %get3A_2355 : i32 to index
      %get3A_2357 = arith.constant 16 : index
      %get3A_2358 = tpu.vector_load %arg6[%get3A_2356, %get3A_2357] {strides = array<i32>} : memref<128x32xf32, #tpu.memory_space<vmem>>, vector<1x16xf32>,
      %get3A_2359 = vector.shape_cast %get3A_2358 : vector<1x16xf32> to vector<16xf32>
      %mul3A_2360 = arith.constant 5.65685415 : f32
      %mul3A_2361 = vector.broadcast %mul3A_2360 : f32 to vector<16xf32>
      %mul3A_2362 = arith.mulf %get3A_2359, %mul3A_2361 : vector<16xf32>
      %swap3A_2363 = arith.constant 83 : i32
      %swap3A_2364 = arith.index_cast %swap3A_2363 : i32 to index
      %swap3A_2365 = arith.constant 16 : index
      %swap3A_2366 = tpu.vector_load %arg6[%swap3A_2364, %swap3A_2365] {strides = array<i32>} : memref<128x32xf32, #tpu.memory_space<vmem>>, vector<1x16xf32>,
      %swap3A_2367 = vector.shape_cast %swap3A_2366 : vector<1x16xf32> to vector<16xf32>
      %swap3A_2368 = vector.shape_cast %mul3A_2362 : vector<16xf32> to vector<1x16xf32>
      tpu.vector_store %arg6[%swap3A_2364, %swap3A_2365], %swap3A_2368 {strides = array<i32>} : memref<128x32xf32, #tpu.memory_space<vmem>>, vector<1x16xf32>,
      %get3A_2369 = arith.constant 84 : i32
      %get3A_2370 = arith.index_cast %get3A_2369 : i32 to index
      %get3A_2371 = arith.constant 0 : index
      %get3A_2372 = tpu.vector_load %arg6[%get3A_2370, %get3A_2371] {strides = array<i32>} : memref<128x32xf32, #tpu.memory_space<vmem>>, vector<1x16xf32>,
      %get3A_2373 = vector.shape_cast %get3A_2372 : vector<1x16xf32> to vector<16xf32>
      %mul3A_2374 = arith.constant 5.65685415 : f32
      %mul3A_2375 = vector.broadcast %mul3A_2374 : f32 to vector<16xf32>
      %mul3A_2376 = arith.mulf %get3A_2373, %mul3A_2375 : vector<16xf32>
      %swap3A_2377 = arith.constant 84 : i32
      %swap3A_2378 = arith.index_cast %swap3A_2377 : i32 to index
      %swap3A_2379 = arith.constant 0 : index
      %swap3A_2380 = tpu.vector_load %arg6[%swap3A_2378, %swap3A_2379] {strides = array<i32>} : memref<128x32xf32, #tpu.memory_space<vmem>>, vector<1x16xf32>,
      %swap3A_2381 = vector.shape_cast %swap3A_2380 : vector<1x16xf32> to vector<16xf32>
      %swap3A_2382 = vector.shape_cast %mul3A_2376 : vector<16xf32> to vector<1x16xf32>
      tpu.vector_store %arg6[%swap3A_2378, %swap3A_2379], %swap3A_2382 {strides = array<i32>} : memref<128x32xf32, #tpu.memory_space<vmem>>, vector<1x16xf32>,
      %get3A_2383 = arith.constant 84 : i32
      %get3A_2384 = arith.index_cast %get3A_2383 : i32 to index
      %get3A_2385 = arith.constant 16 : index
      %get3A_2386 = tpu.vector_load %arg6[%get3A_2384, %get3A_2385] {strides = array<i32>} : memref<128x32xf32, #tpu.memory_space<vmem>>, vector<1x16xf32>,
      %get3A_2387 = vector.shape_cast %get3A_2386 : vector<1x16xf32> to vector<16xf32>
      %mul3A_2388 = arith.constant 5.65685415 : f32
      %mul3A_2389 = vector.broadcast %mul3A_2388 : f32 to vector<16xf32>
      %mul3A_2390 = arith.mulf %get3A_2387, %mul3A_2389 : vector<16xf32>
      %swap3A_2391 = arith.constant 84 : i32
      %swap3A_2392 = arith.index_cast %swap3A_2391 : i32 to index
      %swap3A_2393 = arith.constant 16 : index
      %swap3A_2394 = tpu.vector_load %arg6[%swap3A_2392, %swap3A_2393] {strides = array<i32>} : memref<128x32xf32, #tpu.memory_space<vmem>>, vector<1x16xf32>,
      %swap3A_2395 = vector.shape_cast %swap3A_2394 : vector<1x16xf32> to vector<16xf32>
      %swap3A_2396 = vector.shape_cast %mul3A_2390 : vector<16xf32> to vector<1x16xf32>
      tpu.vector_store %arg6[%swap3A_2392, %swap3A_2393], %swap3A_2396 {strides = array<i32>} : memref<128x32xf32, #tpu.memory_space<vmem>>, vector<1x16xf32>,
      %get3A_2397 = arith.constant 85 : i32
      %get3A_2398 = arith.index_cast %get3A_2397 : i32 to index
      %get3A_2399 = arith.constant 0 : index
      %get3A_2400 = tpu.vector_load %arg6[%get3A_2398, %get3A_2399] {strides = array<i32>} : memref<128x32xf32, #tpu.memory_space<vmem>>, vector<1x16xf32>,
      %get3A_2401 = vector.shape_cast %get3A_2400 : vector<1x16xf32> to vector<16xf32>
      %mul3A_2402 = arith.constant 5.65685415 : f32
      %mul3A_2403 = vector.broadcast %mul3A_2402 : f32 to vector<16xf32>
      %mul3A_2404 = arith.mulf %get3A_2401, %mul3A_2403 : vector<16xf32>
      %swap3A_2405 = arith.constant 85 : i32
      %swap3A_2406 = arith.index_cast %swap3A_2405 : i32 to index
      %swap3A_2407 = arith.constant 0 : index
      %swap3A_2408 = tpu.vector_load %arg6[%swap3A_2406, %swap3A_2407] {strides = array<i32>} : memref<128x32xf32, #tpu.memory_space<vmem>>, vector<1x16xf32>,
      %swap3A_2409 = vector.shape_cast %swap3A_2408 : vector<1x16xf32> to vector<16xf32>
      %swap3A_2410 = vector.shape_cast %mul3A_2404 : vector<16xf32> to vector<1x16xf32>
      tpu.vector_store %arg6[%swap3A_2406, %swap3A_2407], %swap3A_2410 {strides = array<i32>} : memref<128x32xf32, #tpu.memory_space<vmem>>, vector<1x16xf32>,
      %get3A_2411 = arith.constant 85 : i32
      %get3A_2412 = arith.index_cast %get3A_2411 : i32 to index
      %get3A_2413 = arith.constant 16 : index
      %get3A_2414 = tpu.vector_load %arg6[%get3A_2412, %get3A_2413] {strides = array<i32>} : memref<128x32xf32, #tpu.memory_space<vmem>>, vector<1x16xf32>,
      %get3A_2415 = vector.shape_cast %get3A_2414 : vector<1x16xf32> to vector<16xf32>
      %mul3A_2416 = arith.constant 5.65685415 : f32
      %mul3A_2417 = vector.broadcast %mul3A_2416 : f32 to vector<16xf32>
      %mul3A_2418 = arith.mulf %get3A_2415, %mul3A_2417 : vector<16xf32>
      %swap3A_2419 = arith.constant 85 : i32
      %swap3A_2420 = arith.index_cast %swap3A_2419 : i32 to index
      %swap3A_2421 = arith.constant 16 : index
      %swap3A_2422 = tpu.vector_load %arg6[%swap3A_2420, %swap3A_2421] {strides = array<i32>} : memref<128x32xf32, #tpu.memory_space<vmem>>, vector<1x16xf32>,
      %swap3A_2423 = vector.shape_cast %swap3A_2422 : vector<1x16xf32> to vector<16xf32>
      %swap3A_2424 = vector.shape_cast %mul3A_2418 : vector<16xf32> to vector<1x16xf32>
      tpu.vector_store %arg6[%swap3A_2420, %swap3A_2421], %swap3A_2424 {strides = array<i32>} : memref<128x32xf32, #tpu.memory_space<vmem>>, vector<1x16xf32>,
      %get3A_2425 = arith.constant 86 : i32
      %get3A_2426 = arith.index_cast %get3A_2425 : i32 to index
      %get3A_2427 = arith.constant 0 : index
      %get3A_2428 = tpu.vector_load %arg6[%get3A_2426, %get3A_2427] {strides = array<i32>} : memref<128x32xf32, #tpu.memory_space<vmem>>, vector<1x16xf32>,
      %get3A_2429 = vector.shape_cast %get3A_2428 : vector<1x16xf32> to vector<16xf32>
      %mul3A_2430 = arith.constant 5.65685415 : f32
      %mul3A_2431 = vector.broadcast %mul3A_2430 : f32 to vector<16xf32>
      %mul3A_2432 = arith.mulf %get3A_2429, %mul3A_2431 : vector<16xf32>
      %swap3A_2433 = arith.constant 86 : i32
      %swap3A_2434 = arith.index_cast %swap3A_2433 : i32 to index
      %swap3A_2435 = arith.constant 0 : index
      %swap3A_2436 = tpu.vector_load %arg6[%swap3A_2434, %swap3A_2435] {strides = array<i32>} : memref<128x32xf32, #tpu.memory_space<vmem>>, vector<1x16xf32>,
      %swap3A_2437 = vector.shape_cast %swap3A_2436 : vector<1x16xf32> to vector<16xf32>
      %swap3A_2438 = vector.shape_cast %mul3A_2432 : vector<16xf32> to vector<1x16xf32>
      tpu.vector_store %arg6[%swap3A_2434, %swap3A_2435], %swap3A_2438 {strides = array<i32>} : memref<128x32xf32, #tpu.memory_space<vmem>>, vector<1x16xf32>,
      %get3A_2439 = arith.constant 86 : i32
      %get3A_2440 = arith.index_cast %get3A_2439 : i32 to index
      %get3A_2441 = arith.constant 16 : index
      %get3A_2442 = tpu.vector_load %arg6[%get3A_2440, %get3A_2441] {strides = array<i32>} : memref<128x32xf32, #tpu.memory_space<vmem>>, vector<1x16xf32>,
      %get3A_2443 = vector.shape_cast %get3A_2442 : vector<1x16xf32> to vector<16xf32>
      %mul3A_2444 = arith.constant 5.65685415 : f32
      %mul3A_2445 = vector.broadcast %mul3A_2444 : f32 to vector<16xf32>
      %mul3A_2446 = arith.mulf %get3A_2443, %mul3A_2445 : vector<16xf32>
      %swap3A_2447 = arith.constant 86 : i32
      %swap3A_2448 = arith.index_cast %swap3A_2447 : i32 to index
      %swap3A_2449 = arith.constant 16 : index
      %swap3A_2450 = tpu.vector_load %arg6[%swap3A_2448, %swap3A_2449] {strides = array<i32>} : memref<128x32xf32, #tpu.memory_space<vmem>>, vector<1x16xf32>,
      %swap3A_2451 = vector.shape_cast %swap3A_2450 : vector<1x16xf32> to vector<16xf32>
      %swap3A_2452 = vector.shape_cast %mul3A_2446 : vector<16xf32> to vector<1x16xf32>
      tpu.vector_store %arg6[%swap3A_2448, %swap3A_2449], %swap3A_2452 {strides = array<i32>} : memref<128x32xf32, #tpu.memory_space<vmem>>, vector<1x16xf32>,
      %get3A_2453 = arith.constant 87 : i32
      %get3A_2454 = arith.index_cast %get3A_2453 : i32 to index
      %get3A_2455 = arith.constant 0 : index
      %get3A_2456 = tpu.vector_load %arg6[%get3A_2454, %get3A_2455] {strides = array<i32>} : memref<128x32xf32, #tpu.memory_space<vmem>>, vector<1x16xf32>,
      %get3A_2457 = vector.shape_cast %get3A_2456 : vector<1x16xf32> to vector<16xf32>
      %mul3A_2458 = arith.constant 5.65685415 : f32
      %mul3A_2459 = vector.broadcast %mul3A_2458 : f32 to vector<16xf32>
      %mul3A_2460 = arith.mulf %get3A_2457, %mul3A_2459 : vector<16xf32>
      %swap3A_2461 = arith.constant 87 : i32
      %swap3A_2462 = arith.index_cast %swap3A_2461 : i32 to index
      %swap3A_2463 = arith.constant 0 : index
      %swap3A_2464 = tpu.vector_load %arg6[%swap3A_2462, %swap3A_2463] {strides = array<i32>} : memref<128x32xf32, #tpu.memory_space<vmem>>, vector<1x16xf32>,
      %swap3A_2465 = vector.shape_cast %swap3A_2464 : vector<1x16xf32> to vector<16xf32>
      %swap3A_2466 = vector.shape_cast %mul3A_2460 : vector<16xf32> to vector<1x16xf32>
      tpu.vector_store %arg6[%swap3A_2462, %swap3A_2463], %swap3A_2466 {strides = array<i32>} : memref<128x32xf32, #tpu.memory_space<vmem>>, vector<1x16xf32>,
      %get3A_2467 = arith.constant 87 : i32
      %get3A_2468 = arith.index_cast %get3A_2467 : i32 to index
      %get3A_2469 = arith.constant 16 : index
      %get3A_2470 = tpu.vector_load %arg6[%get3A_2468, %get3A_2469] {strides = array<i32>} : memref<128x32xf32, #tpu.memory_space<vmem>>, vector<1x16xf32>,
      %get3A_2471 = vector.shape_cast %get3A_2470 : vector<1x16xf32> to vector<16xf32>
      %mul3A_2472 = arith.constant 5.65685415 : f32
      %mul3A_2473 = vector.broadcast %mul3A_2472 : f32 to vector<16xf32>
      %mul3A_2474 = arith.mulf %get3A_2471, %mul3A_2473 : vector<16xf32>
      %swap3A_2475 = arith.constant 87 : i32
      %swap3A_2476 = arith.index_cast %swap3A_2475 : i32 to index
      %swap3A_2477 = arith.constant 16 : index
      %swap3A_2478 = tpu.vector_load %arg6[%swap3A_2476, %swap3A_2477] {strides = array<i32>} : memref<128x32xf32, #tpu.memory_space<vmem>>, vector<1x16xf32>,
      %swap3A_2479 = vector.shape_cast %swap3A_2478 : vector<1x16xf32> to vector<16xf32>
      %swap3A_2480 = vector.shape_cast %mul3A_2474 : vector<16xf32> to vector<1x16xf32>
      tpu.vector_store %arg6[%swap3A_2476, %swap3A_2477], %swap3A_2480 {strides = array<i32>} : memref<128x32xf32, #tpu.memory_space<vmem>>, vector<1x16xf32>,
      %get3A_2481 = arith.constant 88 : i32
      %get3A_2482 = arith.index_cast %get3A_2481 : i32 to index
      %get3A_2483 = arith.constant 0 : index
      %get3A_2484 = tpu.vector_load %arg6[%get3A_2482, %get3A_2483] {strides = array<i32>} : memref<128x32xf32, #tpu.memory_space<vmem>>, vector<1x16xf32>,
      %get3A_2485 = vector.shape_cast %get3A_2484 : vector<1x16xf32> to vector<16xf32>
      %mul3A_2486 = arith.constant 5.65685415 : f32
      %mul3A_2487 = vector.broadcast %mul3A_2486 : f32 to vector<16xf32>
      %mul3A_2488 = arith.mulf %get3A_2485, %mul3A_2487 : vector<16xf32>
      %swap3A_2489 = arith.constant 88 : i32
      %swap3A_2490 = arith.index_cast %swap3A_2489 : i32 to index
      %swap3A_2491 = arith.constant 0 : index
      %swap3A_2492 = tpu.vector_load %arg6[%swap3A_2490, %swap3A_2491] {strides = array<i32>} : memref<128x32xf32, #tpu.memory_space<vmem>>, vector<1x16xf32>,
      %swap3A_2493 = vector.shape_cast %swap3A_2492 : vector<1x16xf32> to vector<16xf32>
      %swap3A_2494 = vector.shape_cast %mul3A_2488 : vector<16xf32> to vector<1x16xf32>
      tpu.vector_store %arg6[%swap3A_2490, %swap3A_2491], %swap3A_2494 {strides = array<i32>} : memref<128x32xf32, #tpu.memory_space<vmem>>, vector<1x16xf32>,
      %get3A_2495 = arith.constant 88 : i32
      %get3A_2496 = arith.index_cast %get3A_2495 : i32 to index
      %get3A_2497 = arith.constant 16 : index
      %get3A_2498 = tpu.vector_load %arg6[%get3A_2496, %get3A_2497] {strides = array<i32>} : memref<128x32xf32, #tpu.memory_space<vmem>>, vector<1x16xf32>,
      %get3A_2499 = vector.shape_cast %get3A_2498 : vector<1x16xf32> to vector<16xf32>
      %mul3A_2500 = arith.constant 5.65685415 : f32
      %mul3A_2501 = vector.broadcast %mul3A_2500 : f32 to vector<16xf32>
      %mul3A_2502 = arith.mulf %get3A_2499, %mul3A_2501 : vector<16xf32>
      %swap3A_2503 = arith.constant 88 : i32
      %swap3A_2504 = arith.index_cast %swap3A_2503 : i32 to index
      %swap3A_2505 = arith.constant 16 : index
      %swap3A_2506 = tpu.vector_load %arg6[%swap3A_2504, %swap3A_2505] {strides = array<i32>} : memref<128x32xf32, #tpu.memory_space<vmem>>, vector<1x16xf32>,
      %swap3A_2507 = vector.shape_cast %swap3A_2506 : vector<1x16xf32> to vector<16xf32>
      %swap3A_2508 = vector.shape_cast %mul3A_2502 : vector<16xf32> to vector<1x16xf32>
      tpu.vector_store %arg6[%swap3A_2504, %swap3A_2505], %swap3A_2508 {strides = array<i32>} : memref<128x32xf32, #tpu.memory_space<vmem>>, vector<1x16xf32>,
      %get3A_2509 = arith.constant 89 : i32
      %get3A_2510 = arith.index_cast %get3A_2509 : i32 to index
      %get3A_2511 = arith.constant 0 : index
      %get3A_2512 = tpu.vector_load %arg6[%get3A_2510, %get3A_2511] {strides = array<i32>} : memref<128x32xf32, #tpu.memory_space<vmem>>, vector<1x16xf32>,
      %get3A_2513 = vector.shape_cast %get3A_2512 : vector<1x16xf32> to vector<16xf32>
      %mul3A_2514 = arith.constant 5.65685415 : f32
      %mul3A_2515 = vector.broadcast %mul3A_2514 : f32 to vector<16xf32>
      %mul3A_2516 = arith.mulf %get3A_2513, %mul3A_2515 : vector<16xf32>
      %swap3A_2517 = arith.constant 89 : i32
      %swap3A_2518 = arith.index_cast %swap3A_2517 : i32 to index
      %swap3A_2519 = arith.constant 0 : index
      %swap3A_2520 = tpu.vector_load %arg6[%swap3A_2518, %swap3A_2519] {strides = array<i32>} : memref<128x32xf32, #tpu.memory_space<vmem>>, vector<1x16xf32>,
      %swap3A_2521 = vector.shape_cast %swap3A_2520 : vector<1x16xf32> to vector<16xf32>
      %swap3A_2522 = vector.shape_cast %mul3A_2516 : vector<16xf32> to vector<1x16xf32>
      tpu.vector_store %arg6[%swap3A_2518, %swap3A_2519], %swap3A_2522 {strides = array<i32>} : memref<128x32xf32, #tpu.memory_space<vmem>>, vector<1x16xf32>,
      %get3A_2523 = arith.constant 89 : i32
      %get3A_2524 = arith.index_cast %get3A_2523 : i32 to index
      %get3A_2525 = arith.constant 16 : index
      %get3A_2526 = tpu.vector_load %arg6[%get3A_2524, %get3A_2525] {strides = array<i32>} : memref<128x32xf32, #tpu.memory_space<vmem>>, vector<1x16xf32>,
      %get3A_2527 = vector.shape_cast %get3A_2526 : vector<1x16xf32> to vector<16xf32>
      %mul3A_2528 = arith.constant 5.65685415 : f32
      %mul3A_2529 = vector.broadcast %mul3A_2528 : f32 to vector<16xf32>
      %mul3A_2530 = arith.mulf %get3A_2527, %mul3A_2529 : vector<16xf32>
      %swap3A_2531 = arith.constant 89 : i32
      %swap3A_2532 = arith.index_cast %swap3A_2531 : i32 to index
      %swap3A_2533 = arith.constant 16 : index
      %swap3A_2534 = tpu.vector_load %arg6[%swap3A_2532, %swap3A_2533] {strides = array<i32>} : memref<128x32xf32, #tpu.memory_space<vmem>>, vector<1x16xf32>,
      %swap3A_2535 = vector.shape_cast %swap3A_2534 : vector<1x16xf32> to vector<16xf32>
      %swap3A_2536 = vector.shape_cast %mul3A_2530 : vector<16xf32> to vector<1x16xf32>
      tpu.vector_store %arg6[%swap3A_2532, %swap3A_2533], %swap3A_2536 {strides = array<i32>} : memref<128x32xf32, #tpu.memory_space<vmem>>, vector<1x16xf32>,
      %get3A_2537 = arith.constant 90 : i32
      %get3A_2538 = arith.index_cast %get3A_2537 : i32 to index
      %get3A_2539 = arith.constant 0 : index
      %get3A_2540 = tpu.vector_load %arg6[%get3A_2538, %get3A_2539] {strides = array<i32>} : memref<128x32xf32, #tpu.memory_space<vmem>>, vector<1x16xf32>,
      %get3A_2541 = vector.shape_cast %get3A_2540 : vector<1x16xf32> to vector<16xf32>
      %mul3A_2542 = arith.constant 5.65685415 : f32
      %mul3A_2543 = vector.broadcast %mul3A_2542 : f32 to vector<16xf32>
      %mul3A_2544 = arith.mulf %get3A_2541, %mul3A_2543 : vector<16xf32>
      %swap3A_2545 = arith.constant 90 : i32
      %swap3A_2546 = arith.index_cast %swap3A_2545 : i32 to index
      %swap3A_2547 = arith.constant 0 : index
      %swap3A_2548 = tpu.vector_load %arg6[%swap3A_2546, %swap3A_2547] {strides = array<i32>} : memref<128x32xf32, #tpu.memory_space<vmem>>, vector<1x16xf32>,
      %swap3A_2549 = vector.shape_cast %swap3A_2548 : vector<1x16xf32> to vector<16xf32>
      %swap3A_2550 = vector.shape_cast %mul3A_2544 : vector<16xf32> to vector<1x16xf32>
      tpu.vector_store %arg6[%swap3A_2546, %swap3A_2547], %swap3A_2550 {strides = array<i32>} : memref<128x32xf32, #tpu.memory_space<vmem>>, vector<1x16xf32>,
      %get3A_2551 = arith.constant 90 : i32
      %get3A_2552 = arith.index_cast %get3A_2551 : i32 to index
      %get3A_2553 = arith.constant 16 : index
      %get3A_2554 = tpu.vector_load %arg6[%get3A_2552, %get3A_2553] {strides = array<i32>} : memref<128x32xf32, #tpu.memory_space<vmem>>, vector<1x16xf32>,
      %get3A_2555 = vector.shape_cast %get3A_2554 : vector<1x16xf32> to vector<16xf32>
      %mul3A_2556 = arith.constant 5.65685415 : f32
      %mul3A_2557 = vector.broadcast %mul3A_2556 : f32 to vector<16xf32>
      %mul3A_2558 = arith.mulf %get3A_2555, %mul3A_2557 : vector<16xf32>
      %swap3A_2559 = arith.constant 90 : i32
      %swap3A_2560 = arith.index_cast %swap3A_2559 : i32 to index
      %swap3A_2561 = arith.constant 16 : index
      %swap3A_2562 = tpu.vector_load %arg6[%swap3A_2560, %swap3A_2561] {strides = array<i32>} : memref<128x32xf32, #tpu.memory_space<vmem>>, vector<1x16xf32>,
      %swap3A_2563 = vector.shape_cast %swap3A_2562 : vector<1x16xf32> to vector<16xf32>
      %swap3A_2564 = vector.shape_cast %mul3A_2558 : vector<16xf32> to vector<1x16xf32>
      tpu.vector_store %arg6[%swap3A_2560, %swap3A_2561], %swap3A_2564 {strides = array<i32>} : memref<128x32xf32, #tpu.memory_space<vmem>>, vector<1x16xf32>,
      %get3A_2565 = arith.constant 91 : i32
      %get3A_2566 = arith.index_cast %get3A_2565 : i32 to index
      %get3A_2567 = arith.constant 0 : index
      %get3A_2568 = tpu.vector_load %arg6[%get3A_2566, %get3A_2567] {strides = array<i32>} : memref<128x32xf32, #tpu.memory_space<vmem>>, vector<1x16xf32>,
      %get3A_2569 = vector.shape_cast %get3A_2568 : vector<1x16xf32> to vector<16xf32>
      %mul3A_2570 = arith.constant 5.65685415 : f32
      %mul3A_2571 = vector.broadcast %mul3A_2570 : f32 to vector<16xf32>
      %mul3A_2572 = arith.mulf %get3A_2569, %mul3A_2571 : vector<16xf32>
      %swap3A_2573 = arith.constant 91 : i32
      %swap3A_2574 = arith.index_cast %swap3A_2573 : i32 to index
      %swap3A_2575 = arith.constant 0 : index
      %swap3A_2576 = tpu.vector_load %arg6[%swap3A_2574, %swap3A_2575] {strides = array<i32>} : memref<128x32xf32, #tpu.memory_space<vmem>>, vector<1x16xf32>,
      %swap3A_2577 = vector.shape_cast %swap3A_2576 : vector<1x16xf32> to vector<16xf32>
      %swap3A_2578 = vector.shape_cast %mul3A_2572 : vector<16xf32> to vector<1x16xf32>
      tpu.vector_store %arg6[%swap3A_2574, %swap3A_2575], %swap3A_2578 {strides = array<i32>} : memref<128x32xf32, #tpu.memory_space<vmem>>, vector<1x16xf32>,
      %get3A_2579 = arith.constant 91 : i32
      %get3A_2580 = arith.index_cast %get3A_2579 : i32 to index
      %get3A_2581 = arith.constant 16 : index
      %get3A_2582 = tpu.vector_load %arg6[%get3A_2580, %get3A_2581] {strides = array<i32>} : memref<128x32xf32, #tpu.memory_space<vmem>>, vector<1x16xf32>,
      %get3A_2583 = vector.shape_cast %get3A_2582 : vector<1x16xf32> to vector<16xf32>
      %mul3A_2584 = arith.constant 5.65685415 : f32
      %mul3A_2585 = vector.broadcast %mul3A_2584 : f32 to vector<16xf32>
      %mul3A_2586 = arith.mulf %get3A_2583, %mul3A_2585 : vector<16xf32>
      %swap3A_2587 = arith.constant 91 : i32
      %swap3A_2588 = arith.index_cast %swap3A_2587 : i32 to index
      %swap3A_2589 = arith.constant 16 : index
      %swap3A_2590 = tpu.vector_load %arg6[%swap3A_2588, %swap3A_2589] {strides = array<i32>} : memref<128x32xf32, #tpu.memory_space<vmem>>, vector<1x16xf32>,
      %swap3A_2591 = vector.shape_cast %swap3A_2590 : vector<1x16xf32> to vector<16xf32>
      %swap3A_2592 = vector.shape_cast %mul3A_2586 : vector<16xf32> to vector<1x16xf32>
      tpu.vector_store %arg6[%swap3A_2588, %swap3A_2589], %swap3A_2592 {strides = array<i32>} : memref<128x32xf32, #tpu.memory_space<vmem>>, vector<1x16xf32>,
      %get3A_2593 = arith.constant 92 : i32
      %get3A_2594 = arith.index_cast %get3A_2593 : i32 to index
      %get3A_2595 = arith.constant 0 : index
      %get3A_2596 = tpu.vector_load %arg6[%get3A_2594, %get3A_2595] {strides = array<i32>} : memref<128x32xf32, #tpu.memory_space<vmem>>, vector<1x16xf32>,
      %get3A_2597 = vector.shape_cast %get3A_2596 : vector<1x16xf32> to vector<16xf32>
      %mul3A_2598 = arith.constant 5.65685415 : f32
      %mul3A_2599 = vector.broadcast %mul3A_2598 : f32 to vector<16xf32>
      %mul3A_2600 = arith.mulf %get3A_2597, %mul3A_2599 : vector<16xf32>
      %swap3A_2601 = arith.constant 92 : i32
      %swap3A_2602 = arith.index_cast %swap3A_2601 : i32 to index
      %swap3A_2603 = arith.constant 0 : index
      %swap3A_2604 = tpu.vector_load %arg6[%swap3A_2602, %swap3A_2603] {strides = array<i32>} : memref<128x32xf32, #tpu.memory_space<vmem>>, vector<1x16xf32>,
      %swap3A_2605 = vector.shape_cast %swap3A_2604 : vector<1x16xf32> to vector<16xf32>
      %swap3A_2606 = vector.shape_cast %mul3A_2600 : vector<16xf32> to vector<1x16xf32>
      tpu.vector_store %arg6[%swap3A_2602, %swap3A_2603], %swap3A_2606 {strides = array<i32>} : memref<128x32xf32, #tpu.memory_space<vmem>>, vector<1x16xf32>,
      %get3A_2607 = arith.constant 92 : i32
      %get3A_2608 = arith.index_cast %get3A_2607 : i32 to index
      %get3A_2609 = arith.constant 16 : index
      %get3A_2610 = tpu.vector_load %arg6[%get3A_2608, %get3A_2609] {strides = array<i32>} : memref<128x32xf32, #tpu.memory_space<vmem>>, vector<1x16xf32>,
      %get3A_2611 = vector.shape_cast %get3A_2610 : vector<1x16xf32> to vector<16xf32>
      %mul3A_2612 = arith.constant 5.65685415 : f32
      %mul3A_2613 = vector.broadcast %mul3A_2612 : f32 to vector<16xf32>
      %mul3A_2614 = arith.mulf %get3A_2611, %mul3A_2613 : vector<16xf32>
      %swap3A_2615 = arith.constant 92 : i32
      %swap3A_2616 = arith.index_cast %swap3A_2615 : i32 to index
      %swap3A_2617 = arith.constant 16 : index
      %swap3A_2618 = tpu.vector_load %arg6[%swap3A_2616, %swap3A_2617] {strides = array<i32>} : memref<128x32xf32, #tpu.memory_space<vmem>>, vector<1x16xf32>,
      %swap3A_2619 = vector.shape_cast %swap3A_2618 : vector<1x16xf32> to vector<16xf32>
      %swap3A_2620 = vector.shape_cast %mul3A_2614 : vector<16xf32> to vector<1x16xf32>
      tpu.vector_store %arg6[%swap3A_2616, %swap3A_2617], %swap3A_2620 {strides = array<i32>} : memref<128x32xf32, #tpu.memory_space<vmem>>, vector<1x16xf32>,
      %get3A_2621 = arith.constant 93 : i32
      %get3A_2622 = arith.index_cast %get3A_2621 : i32 to index
      %get3A_2623 = arith.constant 0 : index
      %get3A_2624 = tpu.vector_load %arg6[%get3A_2622, %get3A_2623] {strides = array<i32>} : memref<128x32xf32, #tpu.memory_space<vmem>>, vector<1x16xf32>,
      %get3A_2625 = vector.shape_cast %get3A_2624 : vector<1x16xf32> to vector<16xf32>
      %mul3A_2626 = arith.constant 5.65685415 : f32
      %mul3A_2627 = vector.broadcast %mul3A_2626 : f32 to vector<16xf32>
      %mul3A_2628 = arith.mulf %get3A_2625, %mul3A_2627 : vector<16xf32>
      %swap3A_2629 = arith.constant 93 : i32
      %swap3A_2630 = arith.index_cast %swap3A_2629 : i32 to index
      %swap3A_2631 = arith.constant 0 : index
      %swap3A_2632 = tpu.vector_load %arg6[%swap3A_2630, %swap3A_2631] {strides = array<i32>} : memref<128x32xf32, #tpu.memory_space<vmem>>, vector<1x16xf32>,
      %swap3A_2633 = vector.shape_cast %swap3A_2632 : vector<1x16xf32> to vector<16xf32>
      %swap3A_2634 = vector.shape_cast %mul3A_2628 : vector<16xf32> to vector<1x16xf32>
      tpu.vector_store %arg6[%swap3A_2630, %swap3A_2631], %swap3A_2634 {strides = array<i32>} : memref<128x32xf32, #tpu.memory_space<vmem>>, vector<1x16xf32>,
      %get3A_2635 = arith.constant 93 : i32
      %get3A_2636 = arith.index_cast %get3A_2635 : i32 to index
      %get3A_2637 = arith.constant 16 : index
      %get3A_2638 = tpu.vector_load %arg6[%get3A_2636, %get3A_2637] {strides = array<i32>} : memref<128x32xf32, #tpu.memory_space<vmem>>, vector<1x16xf32>,
      %get3A_2639 = vector.shape_cast %get3A_2638 : vector<1x16xf32> to vector<16xf32>
      %mul3A_2640 = arith.constant 5.65685415 : f32
      %mul3A_2641 = vector.broadcast %mul3A_2640 : f32 to vector<16xf32>
      %mul3A_2642 = arith.mulf %get3A_2639, %mul3A_2641 : vector<16xf32>
      %swap3A_2643 = arith.constant 93 : i32
      %swap3A_2644 = arith.index_cast %swap3A_2643 : i32 to index
      %swap3A_2645 = arith.constant 16 : index
      %swap3A_2646 = tpu.vector_load %arg6[%swap3A_2644, %swap3A_2645] {strides = array<i32>} : memref<128x32xf32, #tpu.memory_space<vmem>>, vector<1x16xf32>,
      %swap3A_2647 = vector.shape_cast %swap3A_2646 : vector<1x16xf32> to vector<16xf32>
      %swap3A_2648 = vector.shape_cast %mul3A_2642 : vector<16xf32> to vector<1x16xf32>
      tpu.vector_store %arg6[%swap3A_2644, %swap3A_2645], %swap3A_2648 {strides = array<i32>} : memref<128x32xf32, #tpu.memory_space<vmem>>, vector<1x16xf32>,
      %get3A_2649 = arith.constant 94 : i32
      %get3A_2650 = arith.index_cast %get3A_2649 : i32 to index
      %get3A_2651 = arith.constant 0 : index
      %get3A_2652 = tpu.vector_load %arg6[%get3A_2650, %get3A_2651] {strides = array<i32>} : memref<128x32xf32, #tpu.memory_space<vmem>>, vector<1x16xf32>,
      %get3A_2653 = vector.shape_cast %get3A_2652 : vector<1x16xf32> to vector<16xf32>
      %mul3A_2654 = arith.constant 5.65685415 : f32
      %mul3A_2655 = vector.broadcast %mul3A_2654 : f32 to vector<16xf32>
      %mul3A_2656 = arith.mulf %get3A_2653, %mul3A_2655 : vector<16xf32>
      %swap3A_2657 = arith.constant 94 : i32
      %swap3A_2658 = arith.index_cast %swap3A_2657 : i32 to index
      %swap3A_2659 = arith.constant 0 : index
      %swap3A_2660 = tpu.vector_load %arg6[%swap3A_2658, %swap3A_2659] {strides = array<i32>} : memref<128x32xf32, #tpu.memory_space<vmem>>, vector<1x16xf32>,
      %swap3A_2661 = vector.shape_cast %swap3A_2660 : vector<1x16xf32> to vector<16xf32>
      %swap3A_2662 = vector.shape_cast %mul3A_2656 : vector<16xf32> to vector<1x16xf32>
      tpu.vector_store %arg6[%swap3A_2658, %swap3A_2659], %swap3A_2662 {strides = array<i32>} : memref<128x32xf32, #tpu.memory_space<vmem>>, vector<1x16xf32>,
      %get3A_2663 = arith.constant 94 : i32
      %get3A_2664 = arith.index_cast %get3A_2663 : i32 to index
      %get3A_2665 = arith.constant 16 : index
      %get3A_2666 = tpu.vector_load %arg6[%get3A_2664, %get3A_2665] {strides = array<i32>} : memref<128x32xf32, #tpu.memory_space<vmem>>, vector<1x16xf32>,
      %get3A_2667 = vector.shape_cast %get3A_2666 : vector<1x16xf32> to vector<16xf32>
      %mul3A_2668 = arith.constant 5.65685415 : f32
      %mul3A_2669 = vector.broadcast %mul3A_2668 : f32 to vector<16xf32>
      %mul3A_2670 = arith.mulf %get3A_2667, %mul3A_2669 : vector<16xf32>
      %swap3A_2671 = arith.constant 94 : i32
      %swap3A_2672 = arith.index_cast %swap3A_2671 : i32 to index
      %swap3A_2673 = arith.constant 16 : index
      %swap3A_2674 = tpu.vector_load %arg6[%swap3A_2672, %swap3A_2673] {strides = array<i32>} : memref<128x32xf32, #tpu.memory_space<vmem>>, vector<1x16xf32>,
      %swap3A_2675 = vector.shape_cast %swap3A_2674 : vector<1x16xf32> to vector<16xf32>
      %swap3A_2676 = vector.shape_cast %mul3A_2670 : vector<16xf32> to vector<1x16xf32>
      tpu.vector_store %arg6[%swap3A_2672, %swap3A_2673], %swap3A_2676 {strides = array<i32>} : memref<128x32xf32, #tpu.memory_space<vmem>>, vector<1x16xf32>,
      %get3A_2677 = arith.constant 95 : i32
      %get3A_2678 = arith.index_cast %get3A_2677 : i32 to index
      %get3A_2679 = arith.constant 0 : index
      %get3A_2680 = tpu.vector_load %arg6[%get3A_2678, %get3A_2679] {strides = array<i32>} : memref<128x32xf32, #tpu.memory_space<vmem>>, vector<1x16xf32>,
      %get3A_2681 = vector.shape_cast %get3A_2680 : vector<1x16xf32> to vector<16xf32>
      %mul3A_2682 = arith.constant 5.65685415 : f32
      %mul3A_2683 = vector.broadcast %mul3A_2682 : f32 to vector<16xf32>
      %mul3A_2684 = arith.mulf %get3A_2681, %mul3A_2683 : vector<16xf32>
      %swap3A_2685 = arith.constant 95 : i32
      %swap3A_2686 = arith.index_cast %swap3A_2685 : i32 to index
      %swap3A_2687 = arith.constant 0 : index
      %swap3A_2688 = tpu.vector_load %arg6[%swap3A_2686, %swap3A_2687] {strides = array<i32>} : memref<128x32xf32, #tpu.memory_space<vmem>>, vector<1x16xf32>,
      %swap3A_2689 = vector.shape_cast %swap3A_2688 : vector<1x16xf32> to vector<16xf32>
      %swap3A_2690 = vector.shape_cast %mul3A_2684 : vector<16xf32> to vector<1x16xf32>
      tpu.vector_store %arg6[%swap3A_2686, %swap3A_2687], %swap3A_2690 {strides = array<i32>} : memref<128x32xf32, #tpu.memory_space<vmem>>, vector<1x16xf32>,
      %get3A_2691 = arith.constant 95 : i32
      %get3A_2692 = arith.index_cast %get3A_2691 : i32 to index
      %get3A_2693 = arith.constant 16 : index
      %get3A_2694 = tpu.vector_load %arg6[%get3A_2692, %get3A_2693] {strides = array<i32>} : memref<128x32xf32, #tpu.memory_space<vmem>>, vector<1x16xf32>,
      %get3A_2695 = vector.shape_cast %get3A_2694 : vector<1x16xf32> to vector<16xf32>
      %mul3A_2696 = arith.constant 5.65685415 : f32
      %mul3A_2697 = vector.broadcast %mul3A_2696 : f32 to vector<16xf32>
      %mul3A_2698 = arith.mulf %get3A_2695, %mul3A_2697 : vector<16xf32>
      %swap3A_2699 = arith.constant 95 : i32
      %swap3A_2700 = arith.index_cast %swap3A_2699 : i32 to index
      %swap3A_2701 = arith.constant 16 : index
      %swap3A_2702 = tpu.vector_load %arg6[%swap3A_2700, %swap3A_2701] {strides = array<i32>} : memref<128x32xf32, #tpu.memory_space<vmem>>, vector<1x16xf32>,
      %swap3A_2703 = vector.shape_cast %swap3A_2702 : vector<1x16xf32> to vector<16xf32>
      %swap3A_2704 = vector.shape_cast %mul3A_2698 : vector<16xf32> to vector<1x16xf32>
      tpu.vector_store %arg6[%swap3A_2700, %swap3A_2701], %swap3A_2704 {strides = array<i32>} : memref<128x32xf32, #tpu.memory_space<vmem>>, vector<1x16xf32>,
      %get3A_2705 = arith.constant 96 : i32
      %get3A_2706 = arith.index_cast %get3A_2705 : i32 to index
      %get3A_2707 = arith.constant 0 : index
      %get3A_2708 = tpu.vector_load %arg6[%get3A_2706, %get3A_2707] {strides = array<i32>} : memref<128x32xf32, #tpu.memory_space<vmem>>, vector<1x16xf32>,
      %get3A_2709 = vector.shape_cast %get3A_2708 : vector<1x16xf32> to vector<16xf32>
      %mul3A_2710 = arith.constant 5.65685415 : f32
      %mul3A_2711 = vector.broadcast %mul3A_2710 : f32 to vector<16xf32>
      %mul3A_2712 = arith.mulf %get3A_2709, %mul3A_2711 : vector<16xf32>
      %swap3A_2713 = arith.constant 96 : i32
      %swap3A_2714 = arith.index_cast %swap3A_2713 : i32 to index
      %swap3A_2715 = arith.constant 0 : index
      %swap3A_2716 = tpu.vector_load %arg6[%swap3A_2714, %swap3A_2715] {strides = array<i32>} : memref<128x32xf32, #tpu.memory_space<vmem>>, vector<1x16xf32>,
      %swap3A_2717 = vector.shape_cast %swap3A_2716 : vector<1x16xf32> to vector<16xf32>
      %swap3A_2718 = vector.shape_cast %mul3A_2712 : vector<16xf32> to vector<1x16xf32>
      tpu.vector_store %arg6[%swap3A_2714, %swap3A_2715], %swap3A_2718 {strides = array<i32>} : memref<128x32xf32, #tpu.memory_space<vmem>>, vector<1x16xf32>,
      %get3A_2719 = arith.constant 96 : i32
      %get3A_2720 = arith.index_cast %get3A_2719 : i32 to index
      %get3A_2721 = arith.constant 16 : index
      %get3A_2722 = tpu.vector_load %arg6[%get3A_2720, %get3A_2721] {strides = array<i32>} : memref<128x32xf32, #tpu.memory_space<vmem>>, vector<1x16xf32>,
      %get3A_2723 = vector.shape_cast %get3A_2722 : vector<1x16xf32> to vector<16xf32>
      %mul3A_2724 = arith.constant 5.65685415 : f32
      %mul3A_2725 = vector.broadcast %mul3A_2724 : f32 to vector<16xf32>
      %mul3A_2726 = arith.mulf %get3A_2723, %mul3A_2725 : vector<16xf32>
      %swap3A_2727 = arith.constant 96 : i32
      %swap3A_2728 = arith.index_cast %swap3A_2727 : i32 to index
      %swap3A_2729 = arith.constant 16 : index
      %swap3A_2730 = tpu.vector_load %arg6[%swap3A_2728, %swap3A_2729] {strides = array<i32>} : memref<128x32xf32, #tpu.memory_space<vmem>>, vector<1x16xf32>,
      %swap3A_2731 = vector.shape_cast %swap3A_2730 : vector<1x16xf32> to vector<16xf32>
      %swap3A_2732 = vector.shape_cast %mul3A_2726 : vector<16xf32> to vector<1x16xf32>
      tpu.vector_store %arg6[%swap3A_2728, %swap3A_2729], %swap3A_2732 {strides = array<i32>} : memref<128x32xf32, #tpu.memory_space<vmem>>, vector<1x16xf32>,
      %get3A_2733 = arith.constant 97 : i32
      %get3A_2734 = arith.index_cast %get3A_2733 : i32 to index
      %get3A_2735 = arith.constant 0 : index
      %get3A_2736 = tpu.vector_load %arg6[%get3A_2734, %get3A_2735] {strides = array<i32>} : memref<128x32xf32, #tpu.memory_space<vmem>>, vector<1x16xf32>,
      %get3A_2737 = vector.shape_cast %get3A_2736 : vector<1x16xf32> to vector<16xf32>
      %mul3A_2738 = arith.constant 5.65685415 : f32
      %mul3A_2739 = vector.broadcast %mul3A_2738 : f32 to vector<16xf32>
      %mul3A_2740 = arith.mulf %get3A_2737, %mul3A_2739 : vector<16xf32>
      %swap3A_2741 = arith.constant 97 : i32
      %swap3A_2742 = arith.index_cast %swap3A_2741 : i32 to index
      %swap3A_2743 = arith.constant 0 : index
      %swap3A_2744 = tpu.vector_load %arg6[%swap3A_2742, %swap3A_2743] {strides = array<i32>} : memref<128x32xf32, #tpu.memory_space<vmem>>, vector<1x16xf32>,
      %swap3A_2745 = vector.shape_cast %swap3A_2744 : vector<1x16xf32> to vector<16xf32>
      %swap3A_2746 = vector.shape_cast %mul3A_2740 : vector<16xf32> to vector<1x16xf32>
      tpu.vector_store %arg6[%swap3A_2742, %swap3A_2743], %swap3A_2746 {strides = array<i32>} : memref<128x32xf32, #tpu.memory_space<vmem>>, vector<1x16xf32>,
      %get3A_2747 = arith.constant 97 : i32
      %get3A_2748 = arith.index_cast %get3A_2747 : i32 to index
      %get3A_2749 = arith.constant 16 : index
      %get3A_2750 = tpu.vector_load %arg6[%get3A_2748, %get3A_2749] {strides = array<i32>} : memref<128x32xf32, #tpu.memory_space<vmem>>, vector<1x16xf32>,
      %get3A_2751 = vector.shape_cast %get3A_2750 : vector<1x16xf32> to vector<16xf32>
      %mul3A_2752 = arith.constant 5.65685415 : f32
      %mul3A_2753 = vector.broadcast %mul3A_2752 : f32 to vector<16xf32>
      %mul3A_2754 = arith.mulf %get3A_2751, %mul3A_2753 : vector<16xf32>
      %swap3A_2755 = arith.constant 97 : i32
      %swap3A_2756 = arith.index_cast %swap3A_2755 : i32 to index
      %swap3A_2757 = arith.constant 16 : index
      %swap3A_2758 = tpu.vector_load %arg6[%swap3A_2756, %swap3A_2757] {strides = array<i32>} : memref<128x32xf32, #tpu.memory_space<vmem>>, vector<1x16xf32>,
      %swap3A_2759 = vector.shape_cast %swap3A_2758 : vector<1x16xf32> to vector<16xf32>
      %swap3A_2760 = vector.shape_cast %mul3A_2754 : vector<16xf32> to vector<1x16xf32>
      tpu.vector_store %arg6[%swap3A_2756, %swap3A_2757], %swap3A_2760 {strides = array<i32>} : memref<128x32xf32, #tpu.memory_space<vmem>>, vector<1x16xf32>,
      %get3A_2761 = arith.constant 98 : i32
      %get3A_2762 = arith.index_cast %get3A_2761 : i32 to index
      %get3A_2763 = arith.constant 0 : index
      %get3A_2764 = tpu.vector_load %arg6[%get3A_2762, %get3A_2763] {strides = array<i32>} : memref<128x32xf32, #tpu.memory_space<vmem>>, vector<1x16xf32>,
      %get3A_2765 = vector.shape_cast %get3A_2764 : vector<1x16xf32> to vector<16xf32>
      %mul3A_2766 = arith.constant 5.65685415 : f32
      %mul3A_2767 = vector.broadcast %mul3A_2766 : f32 to vector<16xf32>
      %mul3A_2768 = arith.mulf %get3A_2765, %mul3A_2767 : vector<16xf32>
      %swap3A_2769 = arith.constant 98 : i32
      %swap3A_2770 = arith.index_cast %swap3A_2769 : i32 to index
      %swap3A_2771 = arith.constant 0 : index
      %swap3A_2772 = tpu.vector_load %arg6[%swap3A_2770, %swap3A_2771] {strides = array<i32>} : memref<128x32xf32, #tpu.memory_space<vmem>>, vector<1x16xf32>,
      %swap3A_2773 = vector.shape_cast %swap3A_2772 : vector<1x16xf32> to vector<16xf32>
      %swap3A_2774 = vector.shape_cast %mul3A_2768 : vector<16xf32> to vector<1x16xf32>
      tpu.vector_store %arg6[%swap3A_2770, %swap3A_2771], %swap3A_2774 {strides = array<i32>} : memref<128x32xf32, #tpu.memory_space<vmem>>, vector<1x16xf32>,
      %get3A_2775 = arith.constant 98 : i32
      %get3A_2776 = arith.index_cast %get3A_2775 : i32 to index
      %get3A_2777 = arith.constant 16 : index
      %get3A_2778 = tpu.vector_load %arg6[%get3A_2776, %get3A_2777] {strides = array<i32>} : memref<128x32xf32, #tpu.memory_space<vmem>>, vector<1x16xf32>,
      %get3A_2779 = vector.shape_cast %get3A_2778 : vector<1x16xf32> to vector<16xf32>
      %mul3A_2780 = arith.constant 5.65685415 : f32
      %mul3A_2781 = vector.broadcast %mul3A_2780 : f32 to vector<16xf32>
      %mul3A_2782 = arith.mulf %get3A_2779, %mul3A_2781 : vector<16xf32>
      %swap3A_2783 = arith.constant 98 : i32
      %swap3A_2784 = arith.index_cast %swap3A_2783 : i32 to index
      %swap3A_2785 = arith.constant 16 : index
      %swap3A_2786 = tpu.vector_load %arg6[%swap3A_2784, %swap3A_2785] {strides = array<i32>} : memref<128x32xf32, #tpu.memory_space<vmem>>, vector<1x16xf32>,
      %swap3A_2787 = vector.shape_cast %swap3A_2786 : vector<1x16xf32> to vector<16xf32>
      %swap3A_2788 = vector.shape_cast %mul3A_2782 : vector<16xf32> to vector<1x16xf32>
      tpu.vector_store %arg6[%swap3A_2784, %swap3A_2785], %swap3A_2788 {strides = array<i32>} : memref<128x32xf32, #tpu.memory_space<vmem>>, vector<1x16xf32>,
      %get3A_2789 = arith.constant 99 : i32
      %get3A_2790 = arith.index_cast %get3A_2789 : i32 to index
      %get3A_2791 = arith.constant 0 : index
      %get3A_2792 = tpu.vector_load %arg6[%get3A_2790, %get3A_2791] {strides = array<i32>} : memref<128x32xf32, #tpu.memory_space<vmem>>, vector<1x16xf32>,
      %get3A_2793 = vector.shape_cast %get3A_2792 : vector<1x16xf32> to vector<16xf32>
      %mul3A_2794 = arith.constant 5.65685415 : f32
      %mul3A_2795 = vector.broadcast %mul3A_2794 : f32 to vector<16xf32>
      %mul3A_2796 = arith.mulf %get3A_2793, %mul3A_2795 : vector<16xf32>
      %swap3A_2797 = arith.constant 99 : i32
      %swap3A_2798 = arith.index_cast %swap3A_2797 : i32 to index
      %swap3A_2799 = arith.constant 0 : index
      %swap3A_2800 = tpu.vector_load %arg6[%swap3A_2798, %swap3A_2799] {strides = array<i32>} : memref<128x32xf32, #tpu.memory_space<vmem>>, vector<1x16xf32>,
      %swap3A_2801 = vector.shape_cast %swap3A_2800 : vector<1x16xf32> to vector<16xf32>
      %swap3A_2802 = vector.shape_cast %mul3A_2796 : vector<16xf32> to vector<1x16xf32>
      tpu.vector_store %arg6[%swap3A_2798, %swap3A_2799], %swap3A_2802 {strides = array<i32>} : memref<128x32xf32, #tpu.memory_space<vmem>>, vector<1x16xf32>,
      %get3A_2803 = arith.constant 99 : i32
      %get3A_2804 = arith.index_cast %get3A_2803 : i32 to index
      %get3A_2805 = arith.constant 16 : index
      %get3A_2806 = tpu.vector_load %arg6[%get3A_2804, %get3A_2805] {strides = array<i32>} : memref<128x32xf32, #tpu.memory_space<vmem>>, vector<1x16xf32>,
      %get3A_2807 = vector.shape_cast %get3A_2806 : vector<1x16xf32> to vector<16xf32>
      %mul3A_2808 = arith.constant 5.65685415 : f32
      %mul3A_2809 = vector.broadcast %mul3A_2808 : f32 to vector<16xf32>
      %mul3A_2810 = arith.mulf %get3A_2807, %mul3A_2809 : vector<16xf32>
      %swap3A_2811 = arith.constant 99 : i32
      %swap3A_2812 = arith.index_cast %swap3A_2811 : i32 to index
      %swap3A_2813 = arith.constant 16 : index
      %swap3A_2814 = tpu.vector_load %arg6[%swap3A_2812, %swap3A_2813] {strides = array<i32>} : memref<128x32xf32, #tpu.memory_space<vmem>>, vector<1x16xf32>,
      %swap3A_2815 = vector.shape_cast %swap3A_2814 : vector<1x16xf32> to vector<16xf32>
      %swap3A_2816 = vector.shape_cast %mul3A_2810 : vector<16xf32> to vector<1x16xf32>
      tpu.vector_store %arg6[%swap3A_2812, %swap3A_2813], %swap3A_2816 {strides = array<i32>} : memref<128x32xf32, #tpu.memory_space<vmem>>, vector<1x16xf32>,
      %get3A_2817 = arith.constant 100 : i32
      %get3A_2818 = arith.index_cast %get3A_2817 : i32 to index
      %get3A_2819 = arith.constant 0 : index
      %get3A_2820 = tpu.vector_load %arg6[%get3A_2818, %get3A_2819] {strides = array<i32>} : memref<128x32xf32, #tpu.memory_space<vmem>>, vector<1x16xf32>,
      %get3A_2821 = vector.shape_cast %get3A_2820 : vector<1x16xf32> to vector<16xf32>
      %mul3A_2822 = arith.constant 5.65685415 : f32
      %mul3A_2823 = vector.broadcast %mul3A_2822 : f32 to vector<16xf32>
      %mul3A_2824 = arith.mulf %get3A_2821, %mul3A_2823 : vector<16xf32>
      %swap3A_2825 = arith.constant 100 : i32
      %swap3A_2826 = arith.index_cast %swap3A_2825 : i32 to index
      %swap3A_2827 = arith.constant 0 : index
      %swap3A_2828 = tpu.vector_load %arg6[%swap3A_2826, %swap3A_2827] {strides = array<i32>} : memref<128x32xf32, #tpu.memory_space<vmem>>, vector<1x16xf32>,
      %swap3A_2829 = vector.shape_cast %swap3A_2828 : vector<1x16xf32> to vector<16xf32>
      %swap3A_2830 = vector.shape_cast %mul3A_2824 : vector<16xf32> to vector<1x16xf32>
      tpu.vector_store %arg6[%swap3A_2826, %swap3A_2827], %swap3A_2830 {strides = array<i32>} : memref<128x32xf32, #tpu.memory_space<vmem>>, vector<1x16xf32>,
      %get3A_2831 = arith.constant 100 : i32
      %get3A_2832 = arith.index_cast %get3A_2831 : i32 to index
      %get3A_2833 = arith.constant 16 : index
      %get3A_2834 = tpu.vector_load %arg6[%get3A_2832, %get3A_2833] {strides = array<i32>} : memref<128x32xf32, #tpu.memory_space<vmem>>, vector<1x16xf32>,
      %get3A_2835 = vector.shape_cast %get3A_2834 : vector<1x16xf32> to vector<16xf32>
      %mul3A_2836 = arith.constant 5.65685415 : f32
      %mul3A_2837 = vector.broadcast %mul3A_2836 : f32 to vector<16xf32>
      %mul3A_2838 = arith.mulf %get3A_2835, %mul3A_2837 : vector<16xf32>
      %swap3A_2839 = arith.constant 100 : i32
      %swap3A_2840 = arith.index_cast %swap3A_2839 : i32 to index
      %swap3A_2841 = arith.constant 16 : index
      %swap3A_2842 = tpu.vector_load %arg6[%swap3A_2840, %swap3A_2841] {strides = array<i32>} : memref<128x32xf32, #tpu.memory_space<vmem>>, vector<1x16xf32>,
      %swap3A_2843 = vector.shape_cast %swap3A_2842 : vector<1x16xf32> to vector<16xf32>
      %swap3A_2844 = vector.shape_cast %mul3A_2838 : vector<16xf32> to vector<1x16xf32>
      tpu.vector_store %arg6[%swap3A_2840, %swap3A_2841], %swap3A_2844 {strides = array<i32>} : memref<128x32xf32, #tpu.memory_space<vmem>>, vector<1x16xf32>,
      %get3A_2845 = arith.constant 101 : i32
      %get3A_2846 = arith.index_cast %get3A_2845 : i32 to index
      %get3A_2847 = arith.constant 0 : index
      %get3A_2848 = tpu.vector_load %arg6[%get3A_2846, %get3A_2847] {strides = array<i32>} : memref<128x32xf32, #tpu.memory_space<vmem>>, vector<1x16xf32>,
      %get3A_2849 = vector.shape_cast %get3A_2848 : vector<1x16xf32> to vector<16xf32>
      %mul3A_2850 = arith.constant 5.65685415 : f32
      %mul3A_2851 = vector.broadcast %mul3A_2850 : f32 to vector<16xf32>
      %mul3A_2852 = arith.mulf %get3A_2849, %mul3A_2851 : vector<16xf32>
      %swap3A_2853 = arith.constant 101 : i32
      %swap3A_2854 = arith.index_cast %swap3A_2853 : i32 to index
      %swap3A_2855 = arith.constant 0 : index
      %swap3A_2856 = tpu.vector_load %arg6[%swap3A_2854, %swap3A_2855] {strides = array<i32>} : memref<128x32xf32, #tpu.memory_space<vmem>>, vector<1x16xf32>,
      %swap3A_2857 = vector.shape_cast %swap3A_2856 : vector<1x16xf32> to vector<16xf32>
      %swap3A_2858 = vector.shape_cast %mul3A_2852 : vector<16xf32> to vector<1x16xf32>
      tpu.vector_store %arg6[%swap3A_2854, %swap3A_2855], %swap3A_2858 {strides = array<i32>} : memref<128x32xf32, #tpu.memory_space<vmem>>, vector<1x16xf32>,
      %get3A_2859 = arith.constant 101 : i32
      %get3A_2860 = arith.index_cast %get3A_2859 : i32 to index
      %get3A_2861 = arith.constant 16 : index
      %get3A_2862 = tpu.vector_load %arg6[%get3A_2860, %get3A_2861] {strides = array<i32>} : memref<128x32xf32, #tpu.memory_space<vmem>>, vector<1x16xf32>,
      %get3A_2863 = vector.shape_cast %get3A_2862 : vector<1x16xf32> to vector<16xf32>
      %mul3A_2864 = arith.constant 5.65685415 : f32
      %mul3A_2865 = vector.broadcast %mul3A_2864 : f32 to vector<16xf32>
      %mul3A_2866 = arith.mulf %get3A_2863, %mul3A_2865 : vector<16xf32>
      %swap3A_2867 = arith.constant 101 : i32
      %swap3A_2868 = arith.index_cast %swap3A_2867 : i32 to index
      %swap3A_2869 = arith.constant 16 : index
      %swap3A_2870 = tpu.vector_load %arg6[%swap3A_2868, %swap3A_2869] {strides = array<i32>} : memref<128x32xf32, #tpu.memory_space<vmem>>, vector<1x16xf32>,
      %swap3A_2871 = vector.shape_cast %swap3A_2870 : vector<1x16xf32> to vector<16xf32>
      %swap3A_2872 = vector.shape_cast %mul3A_2866 : vector<16xf32> to vector<1x16xf32>
      tpu.vector_store %arg6[%swap3A_2868, %swap3A_2869], %swap3A_2872 {strides = array<i32>} : memref<128x32xf32, #tpu.memory_space<vmem>>, vector<1x16xf32>,
      %get3A_2873 = arith.constant 102 : i32
      %get3A_2874 = arith.index_cast %get3A_2873 : i32 to index
      %get3A_2875 = arith.constant 0 : index
      %get3A_2876 = tpu.vector_load %arg6[%get3A_2874, %get3A_2875] {strides = array<i32>} : memref<128x32xf32, #tpu.memory_space<vmem>>, vector<1x16xf32>,
      %get3A_2877 = vector.shape_cast %get3A_2876 : vector<1x16xf32> to vector<16xf32>
      %mul3A_2878 = arith.constant 5.65685415 : f32
      %mul3A_2879 = vector.broadcast %mul3A_2878 : f32 to vector<16xf32>
      %mul3A_2880 = arith.mulf %get3A_2877, %mul3A_2879 : vector<16xf32>
      %swap3A_2881 = arith.constant 102 : i32
      %swap3A_2882 = arith.index_cast %swap3A_2881 : i32 to index
      %swap3A_2883 = arith.constant 0 : index
      %swap3A_2884 = tpu.vector_load %arg6[%swap3A_2882, %swap3A_2883] {strides = array<i32>} : memref<128x32xf32, #tpu.memory_space<vmem>>, vector<1x16xf32>,
      %swap3A_2885 = vector.shape_cast %swap3A_2884 : vector<1x16xf32> to vector<16xf32>
      %swap3A_2886 = vector.shape_cast %mul3A_2880 : vector<16xf32> to vector<1x16xf32>
      tpu.vector_store %arg6[%swap3A_2882, %swap3A_2883], %swap3A_2886 {strides = array<i32>} : memref<128x32xf32, #tpu.memory_space<vmem>>, vector<1x16xf32>,
      %get3A_2887 = arith.constant 102 : i32
      %get3A_2888 = arith.index_cast %get3A_2887 : i32 to index
      %get3A_2889 = arith.constant 16 : index
      %get3A_2890 = tpu.vector_load %arg6[%get3A_2888, %get3A_2889] {strides = array<i32>} : memref<128x32xf32, #tpu.memory_space<vmem>>, vector<1x16xf32>,
      %get3A_2891 = vector.shape_cast %get3A_2890 : vector<1x16xf32> to vector<16xf32>
      %mul3A_2892 = arith.constant 5.65685415 : f32
      %mul3A_2893 = vector.broadcast %mul3A_2892 : f32 to vector<16xf32>
      %mul3A_2894 = arith.mulf %get3A_2891, %mul3A_2893 : vector<16xf32>
      %swap3A_2895 = arith.constant 102 : i32
      %swap3A_2896 = arith.index_cast %swap3A_2895 : i32 to index
      %swap3A_2897 = arith.constant 16 : index
      %swap3A_2898 = tpu.vector_load %arg6[%swap3A_2896, %swap3A_2897] {strides = array<i32>} : memref<128x32xf32, #tpu.memory_space<vmem>>, vector<1x16xf32>,
      %swap3A_2899 = vector.shape_cast %swap3A_2898 : vector<1x16xf32> to vector<16xf32>
      %swap3A_2900 = vector.shape_cast %mul3A_2894 : vector<16xf32> to vector<1x16xf32>
      tpu.vector_store %arg6[%swap3A_2896, %swap3A_2897], %swap3A_2900 {strides = array<i32>} : memref<128x32xf32, #tpu.memory_space<vmem>>, vector<1x16xf32>,
      %get3A_2901 = arith.constant 103 : i32
      %get3A_2902 = arith.index_cast %get3A_2901 : i32 to index
      %get3A_2903 = arith.constant 0 : index
      %get3A_2904 = tpu.vector_load %arg6[%get3A_2902, %get3A_2903] {strides = array<i32>} : memref<128x32xf32, #tpu.memory_space<vmem>>, vector<1x16xf32>,
      %get3A_2905 = vector.shape_cast %get3A_2904 : vector<1x16xf32> to vector<16xf32>
      %mul3A_2906 = arith.constant 5.65685415 : f32
      %mul3A_2907 = vector.broadcast %mul3A_2906 : f32 to vector<16xf32>
      %mul3A_2908 = arith.mulf %get3A_2905, %mul3A_2907 : vector<16xf32>
      %swap3A_2909 = arith.constant 103 : i32
      %swap3A_2910 = arith.index_cast %swap3A_2909 : i32 to index
      %swap3A_2911 = arith.constant 0 : index
      %swap3A_2912 = tpu.vector_load %arg6[%swap3A_2910, %swap3A_2911] {strides = array<i32>} : memref<128x32xf32, #tpu.memory_space<vmem>>, vector<1x16xf32>,
      %swap3A_2913 = vector.shape_cast %swap3A_2912 : vector<1x16xf32> to vector<16xf32>
      %swap3A_2914 = vector.shape_cast %mul3A_2908 : vector<16xf32> to vector<1x16xf32>
      tpu.vector_store %arg6[%swap3A_2910, %swap3A_2911], %swap3A_2914 {strides = array<i32>} : memref<128x32xf32, #tpu.memory_space<vmem>>, vector<1x16xf32>,
      %get3A_2915 = arith.constant 103 : i32
      %get3A_2916 = arith.index_cast %get3A_2915 : i32 to index
      %get3A_2917 = arith.constant 16 : index
      %get3A_2918 = tpu.vector_load %arg6[%get3A_2916, %get3A_2917] {strides = array<i32>} : memref<128x32xf32, #tpu.memory_space<vmem>>, vector<1x16xf32>,
      %get3A_2919 = vector.shape_cast %get3A_2918 : vector<1x16xf32> to vector<16xf32>
      %mul3A_2920 = arith.constant 5.65685415 : f32
      %mul3A_2921 = vector.broadcast %mul3A_2920 : f32 to vector<16xf32>
      %mul3A_2922 = arith.mulf %get3A_2919, %mul3A_2921 : vector<16xf32>
      %swap3A_2923 = arith.constant 103 : i32
      %swap3A_2924 = arith.index_cast %swap3A_2923 : i32 to index
      %swap3A_2925 = arith.constant 16 : index
      %swap3A_2926 = tpu.vector_load %arg6[%swap3A_2924, %swap3A_2925] {strides = array<i32>} : memref<128x32xf32, #tpu.memory_space<vmem>>, vector<1x16xf32>,
      %swap3A_2927 = vector.shape_cast %swap3A_2926 : vector<1x16xf32> to vector<16xf32>
      %swap3A_2928 = vector.shape_cast %mul3A_2922 : vector<16xf32> to vector<1x16xf32>
      tpu.vector_store %arg6[%swap3A_2924, %swap3A_2925], %swap3A_2928 {strides = array<i32>} : memref<128x32xf32, #tpu.memory_space<vmem>>, vector<1x16xf32>,
      %get3A_2929 = arith.constant 104 : i32
      %get3A_2930 = arith.index_cast %get3A_2929 : i32 to index
      %get3A_2931 = arith.constant 0 : index
      %get3A_2932 = tpu.vector_load %arg6[%get3A_2930, %get3A_2931] {strides = array<i32>} : memref<128x32xf32, #tpu.memory_space<vmem>>, vector<1x16xf32>,
      %get3A_2933 = vector.shape_cast %get3A_2932 : vector<1x16xf32> to vector<16xf32>
      %mul3A_2934 = arith.constant 5.65685415 : f32
      %mul3A_2935 = vector.broadcast %mul3A_2934 : f32 to vector<16xf32>
      %mul3A_2936 = arith.mulf %get3A_2933, %mul3A_2935 : vector<16xf32>
      %swap3A_2937 = arith.constant 104 : i32
      %swap3A_2938 = arith.index_cast %swap3A_2937 : i32 to index
      %swap3A_2939 = arith.constant 0 : index
      %swap3A_2940 = tpu.vector_load %arg6[%swap3A_2938, %swap3A_2939] {strides = array<i32>} : memref<128x32xf32, #tpu.memory_space<vmem>>, vector<1x16xf32>,
      %swap3A_2941 = vector.shape_cast %swap3A_2940 : vector<1x16xf32> to vector<16xf32>
      %swap3A_2942 = vector.shape_cast %mul3A_2936 : vector<16xf32> to vector<1x16xf32>
      tpu.vector_store %arg6[%swap3A_2938, %swap3A_2939], %swap3A_2942 {strides = array<i32>} : memref<128x32xf32, #tpu.memory_space<vmem>>, vector<1x16xf32>,
      %get3A_2943 = arith.constant 104 : i32
      %get3A_2944 = arith.index_cast %get3A_2943 : i32 to index
      %get3A_2945 = arith.constant 16 : index
      %get3A_2946 = tpu.vector_load %arg6[%get3A_2944, %get3A_2945] {strides = array<i32>} : memref<128x32xf32, #tpu.memory_space<vmem>>, vector<1x16xf32>,
      %get3A_2947 = vector.shape_cast %get3A_2946 : vector<1x16xf32> to vector<16xf32>
      %mul3A_2948 = arith.constant 5.65685415 : f32
      %mul3A_2949 = vector.broadcast %mul3A_2948 : f32 to vector<16xf32>
      %mul3A_2950 = arith.mulf %get3A_2947, %mul3A_2949 : vector<16xf32>
      %swap3A_2951 = arith.constant 104 : i32
      %swap3A_2952 = arith.index_cast %swap3A_2951 : i32 to index
      %swap3A_2953 = arith.constant 16 : index
      %swap3A_2954 = tpu.vector_load %arg6[%swap3A_2952, %swap3A_2953] {strides = array<i32>} : memref<128x32xf32, #tpu.memory_space<vmem>>, vector<1x16xf32>,
      %swap3A_2955 = vector.shape_cast %swap3A_2954 : vector<1x16xf32> to vector<16xf32>
      %swap3A_2956 = vector.shape_cast %mul3A_2950 : vector<16xf32> to vector<1x16xf32>
      tpu.vector_store %arg6[%swap3A_2952, %swap3A_2953], %swap3A_2956 {strides = array<i32>} : memref<128x32xf32, #tpu.memory_space<vmem>>, vector<1x16xf32>,
      %get3A_2957 = arith.constant 105 : i32
      %get3A_2958 = arith.index_cast %get3A_2957 : i32 to index
      %get3A_2959 = arith.constant 0 : index
      %get3A_2960 = tpu.vector_load %arg6[%get3A_2958, %get3A_2959] {strides = array<i32>} : memref<128x32xf32, #tpu.memory_space<vmem>>, vector<1x16xf32>,
      %get3A_2961 = vector.shape_cast %get3A_2960 : vector<1x16xf32> to vector<16xf32>
      %mul3A_2962 = arith.constant 5.65685415 : f32
      %mul3A_2963 = vector.broadcast %mul3A_2962 : f32 to vector<16xf32>
      %mul3A_2964 = arith.mulf %get3A_2961, %mul3A_2963 : vector<16xf32>
      %swap3A_2965 = arith.constant 105 : i32
      %swap3A_2966 = arith.index_cast %swap3A_2965 : i32 to index
      %swap3A_2967 = arith.constant 0 : index
      %swap3A_2968 = tpu.vector_load %arg6[%swap3A_2966, %swap3A_2967] {strides = array<i32>} : memref<128x32xf32, #tpu.memory_space<vmem>>, vector<1x16xf32>,
      %swap3A_2969 = vector.shape_cast %swap3A_2968 : vector<1x16xf32> to vector<16xf32>
      %swap3A_2970 = vector.shape_cast %mul3A_2964 : vector<16xf32> to vector<1x16xf32>
      tpu.vector_store %arg6[%swap3A_2966, %swap3A_2967], %swap3A_2970 {strides = array<i32>} : memref<128x32xf32, #tpu.memory_space<vmem>>, vector<1x16xf32>,
      %get3A_2971 = arith.constant 105 : i32
      %get3A_2972 = arith.index_cast %get3A_2971 : i32 to index
      %get3A_2973 = arith.constant 16 : index
      %get3A_2974 = tpu.vector_load %arg6[%get3A_2972, %get3A_2973] {strides = array<i32>} : memref<128x32xf32, #tpu.memory_space<vmem>>, vector<1x16xf32>,
      %get3A_2975 = vector.shape_cast %get3A_2974 : vector<1x16xf32> to vector<16xf32>
      %mul3A_2976 = arith.constant 5.65685415 : f32
      %mul3A_2977 = vector.broadcast %mul3A_2976 : f32 to vector<16xf32>
      %mul3A_2978 = arith.mulf %get3A_2975, %mul3A_2977 : vector<16xf32>
      %swap3A_2979 = arith.constant 105 : i32
      %swap3A_2980 = arith.index_cast %swap3A_2979 : i32 to index
      %swap3A_2981 = arith.constant 16 : index
      %swap3A_2982 = tpu.vector_load %arg6[%swap3A_2980, %swap3A_2981] {strides = array<i32>} : memref<128x32xf32, #tpu.memory_space<vmem>>, vector<1x16xf32>,
      %swap3A_2983 = vector.shape_cast %swap3A_2982 : vector<1x16xf32> to vector<16xf32>
      %swap3A_2984 = vector.shape_cast %mul3A_2978 : vector<16xf32> to vector<1x16xf32>
      tpu.vector_store %arg6[%swap3A_2980, %swap3A_2981], %swap3A_2984 {strides = array<i32>} : memref<128x32xf32, #tpu.memory_space<vmem>>, vector<1x16xf32>,
      %get3A_2985 = arith.constant 106 : i32
      %get3A_2986 = arith.index_cast %get3A_2985 : i32 to index
      %get3A_2987 = arith.constant 0 : index
      %get3A_2988 = tpu.vector_load %arg6[%get3A_2986, %get3A_2987] {strides = array<i32>} : memref<128x32xf32, #tpu.memory_space<vmem>>, vector<1x16xf32>,
      %get3A_2989 = vector.shape_cast %get3A_2988 : vector<1x16xf32> to vector<16xf32>
      %mul3A_2990 = arith.constant 5.65685415 : f32
      %mul3A_2991 = vector.broadcast %mul3A_2990 : f32 to vector<16xf32>
      %mul3A_2992 = arith.mulf %get3A_2989, %mul3A_2991 : vector<16xf32>
      %swap3A_2993 = arith.constant 106 : i32
      %swap3A_2994 = arith.index_cast %swap3A_2993 : i32 to index
      %swap3A_2995 = arith.constant 0 : index
      %swap3A_2996 = tpu.vector_load %arg6[%swap3A_2994, %swap3A_2995] {strides = array<i32>} : memref<128x32xf32, #tpu.memory_space<vmem>>, vector<1x16xf32>,
      %swap3A_2997 = vector.shape_cast %swap3A_2996 : vector<1x16xf32> to vector<16xf32>
      %swap3A_2998 = vector.shape_cast %mul3A_2992 : vector<16xf32> to vector<1x16xf32>
      tpu.vector_store %arg6[%swap3A_2994, %swap3A_2995], %swap3A_2998 {strides = array<i32>} : memref<128x32xf32, #tpu.memory_space<vmem>>, vector<1x16xf32>,
      %get3A_2999 = arith.constant 106 : i32
      %get3A_3000 = arith.index_cast %get3A_2999 : i32 to index
      %get3A_3001 = arith.constant 16 : index
      %get3A_3002 = tpu.vector_load %arg6[%get3A_3000, %get3A_3001] {strides = array<i32>} : memref<128x32xf32, #tpu.memory_space<vmem>>, vector<1x16xf32>,
      %get3A_3003 = vector.shape_cast %get3A_3002 : vector<1x16xf32> to vector<16xf32>
      %mul3A_3004 = arith.constant 5.65685415 : f32
      %mul3A_3005 = vector.broadcast %mul3A_3004 : f32 to vector<16xf32>
      %mul3A_3006 = arith.mulf %get3A_3003, %mul3A_3005 : vector<16xf32>
      %swap3A_3007 = arith.constant 106 : i32
      %swap3A_3008 = arith.index_cast %swap3A_3007 : i32 to index
      %swap3A_3009 = arith.constant 16 : index
      %swap3A_3010 = tpu.vector_load %arg6[%swap3A_3008, %swap3A_3009] {strides = array<i32>} : memref<128x32xf32, #tpu.memory_space<vmem>>, vector<1x16xf32>,
      %swap3A_3011 = vector.shape_cast %swap3A_3010 : vector<1x16xf32> to vector<16xf32>
      %swap3A_3012 = vector.shape_cast %mul3A_3006 : vector<16xf32> to vector<1x16xf32>
      tpu.vector_store %arg6[%swap3A_3008, %swap3A_3009], %swap3A_3012 {strides = array<i32>} : memref<128x32xf32, #tpu.memory_space<vmem>>, vector<1x16xf32>,
      %get3A_3013 = arith.constant 107 : i32
      %get3A_3014 = arith.index_cast %get3A_3013 : i32 to index
      %get3A_3015 = arith.constant 0 : index
      %get3A_3016 = tpu.vector_load %arg6[%get3A_3014, %get3A_3015] {strides = array<i32>} : memref<128x32xf32, #tpu.memory_space<vmem>>, vector<1x16xf32>,
      %get3A_3017 = vector.shape_cast %get3A_3016 : vector<1x16xf32> to vector<16xf32>
      %mul3A_3018 = arith.constant 5.65685415 : f32
      %mul3A_3019 = vector.broadcast %mul3A_3018 : f32 to vector<16xf32>
      %mul3A_3020 = arith.mulf %get3A_3017, %mul3A_3019 : vector<16xf32>
      %swap3A_3021 = arith.constant 107 : i32
      %swap3A_3022 = arith.index_cast %swap3A_3021 : i32 to index
      %swap3A_3023 = arith.constant 0 : index
      %swap3A_3024 = tpu.vector_load %arg6[%swap3A_3022, %swap3A_3023] {strides = array<i32>} : memref<128x32xf32, #tpu.memory_space<vmem>>, vector<1x16xf32>,
      %swap3A_3025 = vector.shape_cast %swap3A_3024 : vector<1x16xf32> to vector<16xf32>
      %swap3A_3026 = vector.shape_cast %mul3A_3020 : vector<16xf32> to vector<1x16xf32>
      tpu.vector_store %arg6[%swap3A_3022, %swap3A_3023], %swap3A_3026 {strides = array<i32>} : memref<128x32xf32, #tpu.memory_space<vmem>>, vector<1x16xf32>,
      %get3A_3027 = arith.constant 107 : i32
      %get3A_3028 = arith.index_cast %get3A_3027 : i32 to index
      %get3A_3029 = arith.constant 16 : index
      %get3A_3030 = tpu.vector_load %arg6[%get3A_3028, %get3A_3029] {strides = array<i32>} : memref<128x32xf32, #tpu.memory_space<vmem>>, vector<1x16xf32>,
      %get3A_3031 = vector.shape_cast %get3A_3030 : vector<1x16xf32> to vector<16xf32>
      %mul3A_3032 = arith.constant 5.65685415 : f32
      %mul3A_3033 = vector.broadcast %mul3A_3032 : f32 to vector<16xf32>
      %mul3A_3034 = arith.mulf %get3A_3031, %mul3A_3033 : vector<16xf32>
      %swap3A_3035 = arith.constant 107 : i32
      %swap3A_3036 = arith.index_cast %swap3A_3035 : i32 to index
      %swap3A_3037 = arith.constant 16 : index
      %swap3A_3038 = tpu.vector_load %arg6[%swap3A_3036, %swap3A_3037] {strides = array<i32>} : memref<128x32xf32, #tpu.memory_space<vmem>>, vector<1x16xf32>,
      %swap3A_3039 = vector.shape_cast %swap3A_3038 : vector<1x16xf32> to vector<16xf32>
      %swap3A_3040 = vector.shape_cast %mul3A_3034 : vector<16xf32> to vector<1x16xf32>
      tpu.vector_store %arg6[%swap3A_3036, %swap3A_3037], %swap3A_3040 {strides = array<i32>} : memref<128x32xf32, #tpu.memory_space<vmem>>, vector<1x16xf32>,
      %get3A_3041 = arith.constant 108 : i32
      %get3A_3042 = arith.index_cast %get3A_3041 : i32 to index
      %get3A_3043 = arith.constant 0 : index
      %get3A_3044 = tpu.vector_load %arg6[%get3A_3042, %get3A_3043] {strides = array<i32>} : memref<128x32xf32, #tpu.memory_space<vmem>>, vector<1x16xf32>,
      %get3A_3045 = vector.shape_cast %get3A_3044 : vector<1x16xf32> to vector<16xf32>
      %mul3A_3046 = arith.constant 5.65685415 : f32
      %mul3A_3047 = vector.broadcast %mul3A_3046 : f32 to vector<16xf32>
      %mul3A_3048 = arith.mulf %get3A_3045, %mul3A_3047 : vector<16xf32>
      %swap3A_3049 = arith.constant 108 : i32
      %swap3A_3050 = arith.index_cast %swap3A_3049 : i32 to index
      %swap3A_3051 = arith.constant 0 : index
      %swap3A_3052 = tpu.vector_load %arg6[%swap3A_3050, %swap3A_3051] {strides = array<i32>} : memref<128x32xf32, #tpu.memory_space<vmem>>, vector<1x16xf32>,
      %swap3A_3053 = vector.shape_cast %swap3A_3052 : vector<1x16xf32> to vector<16xf32>
      %swap3A_3054 = vector.shape_cast %mul3A_3048 : vector<16xf32> to vector<1x16xf32>
      tpu.vector_store %arg6[%swap3A_3050, %swap3A_3051], %swap3A_3054 {strides = array<i32>} : memref<128x32xf32, #tpu.memory_space<vmem>>, vector<1x16xf32>,
      %get3A_3055 = arith.constant 108 : i32
      %get3A_3056 = arith.index_cast %get3A_3055 : i32 to index
      %get3A_3057 = arith.constant 16 : index
      %get3A_3058 = tpu.vector_load %arg6[%get3A_3056, %get3A_3057] {strides = array<i32>} : memref<128x32xf32, #tpu.memory_space<vmem>>, vector<1x16xf32>,
      %get3A_3059 = vector.shape_cast %get3A_3058 : vector<1x16xf32> to vector<16xf32>
      %mul3A_3060 = arith.constant 5.65685415 : f32
      %mul3A_3061 = vector.broadcast %mul3A_3060 : f32 to vector<16xf32>
      %mul3A_3062 = arith.mulf %get3A_3059, %mul3A_3061 : vector<16xf32>
      %swap3A_3063 = arith.constant 108 : i32
      %swap3A_3064 = arith.index_cast %swap3A_3063 : i32 to index
      %swap3A_3065 = arith.constant 16 : index
      %swap3A_3066 = tpu.vector_load %arg6[%swap3A_3064, %swap3A_3065] {strides = array<i32>} : memref<128x32xf32, #tpu.memory_space<vmem>>, vector<1x16xf32>,
      %swap3A_3067 = vector.shape_cast %swap3A_3066 : vector<1x16xf32> to vector<16xf32>
      %swap3A_3068 = vector.shape_cast %mul3A_3062 : vector<16xf32> to vector<1x16xf32>
      tpu.vector_store %arg6[%swap3A_3064, %swap3A_3065], %swap3A_3068 {strides = array<i32>} : memref<128x32xf32, #tpu.memory_space<vmem>>, vector<1x16xf32>,
      %get3A_3069 = arith.constant 109 : i32
      %get3A_3070 = arith.index_cast %get3A_3069 : i32 to index
      %get3A_3071 = arith.constant 0 : index
      %get3A_3072 = tpu.vector_load %arg6[%get3A_3070, %get3A_3071] {strides = array<i32>} : memref<128x32xf32, #tpu.memory_space<vmem>>, vector<1x16xf32>,
      %get3A_3073 = vector.shape_cast %get3A_3072 : vector<1x16xf32> to vector<16xf32>
      %mul3A_3074 = arith.constant 5.65685415 : f32
      %mul3A_3075 = vector.broadcast %mul3A_3074 : f32 to vector<16xf32>
      %mul3A_3076 = arith.mulf %get3A_3073, %mul3A_3075 : vector<16xf32>
      %swap3A_3077 = arith.constant 109 : i32
      %swap3A_3078 = arith.index_cast %swap3A_3077 : i32 to index
      %swap3A_3079 = arith.constant 0 : index
      %swap3A_3080 = tpu.vector_load %arg6[%swap3A_3078, %swap3A_3079] {strides = array<i32>} : memref<128x32xf32, #tpu.memory_space<vmem>>, vector<1x16xf32>,
      %swap3A_3081 = vector.shape_cast %swap3A_3080 : vector<1x16xf32> to vector<16xf32>
      %swap3A_3082 = vector.shape_cast %mul3A_3076 : vector<16xf32> to vector<1x16xf32>
      tpu.vector_store %arg6[%swap3A_3078, %swap3A_3079], %swap3A_3082 {strides = array<i32>} : memref<128x32xf32, #tpu.memory_space<vmem>>, vector<1x16xf32>,
      %get3A_3083 = arith.constant 109 : i32
      %get3A_3084 = arith.index_cast %get3A_3083 : i32 to index
      %get3A_3085 = arith.constant 16 : index
      %get3A_3086 = tpu.vector_load %arg6[%get3A_3084, %get3A_3085] {strides = array<i32>} : memref<128x32xf32, #tpu.memory_space<vmem>>, vector<1x16xf32>,
      %get3A_3087 = vector.shape_cast %get3A_3086 : vector<1x16xf32> to vector<16xf32>
      %mul3A_3088 = arith.constant 5.65685415 : f32
      %mul3A_3089 = vector.broadcast %mul3A_3088 : f32 to vector<16xf32>
      %mul3A_3090 = arith.mulf %get3A_3087, %mul3A_3089 : vector<16xf32>
      %swap3A_3091 = arith.constant 109 : i32
      %swap3A_3092 = arith.index_cast %swap3A_3091 : i32 to index
      %swap3A_3093 = arith.constant 16 : index
      %swap3A_3094 = tpu.vector_load %arg6[%swap3A_3092, %swap3A_3093] {strides = array<i32>} : memref<128x32xf32, #tpu.memory_space<vmem>>, vector<1x16xf32>,
      %swap3A_3095 = vector.shape_cast %swap3A_3094 : vector<1x16xf32> to vector<16xf32>
      %swap3A_3096 = vector.shape_cast %mul3A_3090 : vector<16xf32> to vector<1x16xf32>
      tpu.vector_store %arg6[%swap3A_3092, %swap3A_3093], %swap3A_3096 {strides = array<i32>} : memref<128x32xf32, #tpu.memory_space<vmem>>, vector<1x16xf32>,
      %get3A_3097 = arith.constant 110 : i32
      %get3A_3098 = arith.index_cast %get3A_3097 : i32 to index
      %get3A_3099 = arith.constant 0 : index
      %get3A_3100 = tpu.vector_load %arg6[%get3A_3098, %get3A_3099] {strides = array<i32>} : memref<128x32xf32, #tpu.memory_space<vmem>>, vector<1x16xf32>,
      %get3A_3101 = vector.shape_cast %get3A_3100 : vector<1x16xf32> to vector<16xf32>
      %mul3A_3102 = arith.constant 5.65685415 : f32
      %mul3A_3103 = vector.broadcast %mul3A_3102 : f32 to vector<16xf32>
      %mul3A_3104 = arith.mulf %get3A_3101, %mul3A_3103 : vector<16xf32>
      %swap3A_3105 = arith.constant 110 : i32
      %swap3A_3106 = arith.index_cast %swap3A_3105 : i32 to index
      %swap3A_3107 = arith.constant 0 : index
      %swap3A_3108 = tpu.vector_load %arg6[%swap3A_3106, %swap3A_3107] {strides = array<i32>} : memref<128x32xf32, #tpu.memory_space<vmem>>, vector<1x16xf32>,
      %swap3A_3109 = vector.shape_cast %swap3A_3108 : vector<1x16xf32> to vector<16xf32>
      %swap3A_3110 = vector.shape_cast %mul3A_3104 : vector<16xf32> to vector<1x16xf32>
      tpu.vector_store %arg6[%swap3A_3106, %swap3A_3107], %swap3A_3110 {strides = array<i32>} : memref<128x32xf32, #tpu.memory_space<vmem>>, vector<1x16xf32>,
      %get3A_3111 = arith.constant 110 : i32
      %get3A_3112 = arith.index_cast %get3A_3111 : i32 to index
      %get3A_3113 = arith.constant 16 : index
      %get3A_3114 = tpu.vector_load %arg6[%get3A_3112, %get3A_3113] {strides = array<i32>} : memref<128x32xf32, #tpu.memory_space<vmem>>, vector<1x16xf32>,
      %get3A_3115 = vector.shape_cast %get3A_3114 : vector<1x16xf32> to vector<16xf32>
      %mul3A_3116 = arith.constant 5.65685415 : f32
      %mul3A_3117 = vector.broadcast %mul3A_3116 : f32 to vector<16xf32>
      %mul3A_3118 = arith.mulf %get3A_3115, %mul3A_3117 : vector<16xf32>
      %swap3A_3119 = arith.constant 110 : i32
      %swap3A_3120 = arith.index_cast %swap3A_3119 : i32 to index
      %swap3A_3121 = arith.constant 16 : index
      %swap3A_3122 = tpu.vector_load %arg6[%swap3A_3120, %swap3A_3121] {strides = array<i32>} : memref<128x32xf32, #tpu.memory_space<vmem>>, vector<1x16xf32>,
      %swap3A_3123 = vector.shape_cast %swap3A_3122 : vector<1x16xf32> to vector<16xf32>
      %swap3A_3124 = vector.shape_cast %mul3A_3118 : vector<16xf32> to vector<1x16xf32>
      tpu.vector_store %arg6[%swap3A_3120, %swap3A_3121], %swap3A_3124 {strides = array<i32>} : memref<128x32xf32, #tpu.memory_space<vmem>>, vector<1x16xf32>,
      %get3A_3125 = arith.constant 111 : i32
      %get3A_3126 = arith.index_cast %get3A_3125 : i32 to index
      %get3A_3127 = arith.constant 0 : index
      %get3A_3128 = tpu.vector_load %arg6[%get3A_3126, %get3A_3127] {strides = array<i32>} : memref<128x32xf32, #tpu.memory_space<vmem>>, vector<1x16xf32>,
      %get3A_3129 = vector.shape_cast %get3A_3128 : vector<1x16xf32> to vector<16xf32>
      %mul3A_3130 = arith.constant 5.65685415 : f32
      %mul3A_3131 = vector.broadcast %mul3A_3130 : f32 to vector<16xf32>
      %mul3A_3132 = arith.mulf %get3A_3129, %mul3A_3131 : vector<16xf32>
      %swap3A_3133 = arith.constant 111 : i32
      %swap3A_3134 = arith.index_cast %swap3A_3133 : i32 to index
      %swap3A_3135 = arith.constant 0 : index
      %swap3A_3136 = tpu.vector_load %arg6[%swap3A_3134, %swap3A_3135] {strides = array<i32>} : memref<128x32xf32, #tpu.memory_space<vmem>>, vector<1x16xf32>,
      %swap3A_3137 = vector.shape_cast %swap3A_3136 : vector<1x16xf32> to vector<16xf32>
      %swap3A_3138 = vector.shape_cast %mul3A_3132 : vector<16xf32> to vector<1x16xf32>
      tpu.vector_store %arg6[%swap3A_3134, %swap3A_3135], %swap3A_3138 {strides = array<i32>} : memref<128x32xf32, #tpu.memory_space<vmem>>, vector<1x16xf32>,
      %get3A_3139 = arith.constant 111 : i32
      %get3A_3140 = arith.index_cast %get3A_3139 : i32 to index
      %get3A_3141 = arith.constant 16 : index
      %get3A_3142 = tpu.vector_load %arg6[%get3A_3140, %get3A_3141] {strides = array<i32>} : memref<128x32xf32, #tpu.memory_space<vmem>>, vector<1x16xf32>,
      %get3A_3143 = vector.shape_cast %get3A_3142 : vector<1x16xf32> to vector<16xf32>
      %mul3A_3144 = arith.constant 5.65685415 : f32
      %mul3A_3145 = vector.broadcast %mul3A_3144 : f32 to vector<16xf32>
      %mul3A_3146 = arith.mulf %get3A_3143, %mul3A_3145 : vector<16xf32>
      %swap3A_3147 = arith.constant 111 : i32
      %swap3A_3148 = arith.index_cast %swap3A_3147 : i32 to index
      %swap3A_3149 = arith.constant 16 : index
      %swap3A_3150 = tpu.vector_load %arg6[%swap3A_3148, %swap3A_3149] {strides = array<i32>} : memref<128x32xf32, #tpu.memory_space<vmem>>, vector<1x16xf32>,
      %swap3A_3151 = vector.shape_cast %swap3A_3150 : vector<1x16xf32> to vector<16xf32>
      %swap3A_3152 = vector.shape_cast %mul3A_3146 : vector<16xf32> to vector<1x16xf32>
      tpu.vector_store %arg6[%swap3A_3148, %swap3A_3149], %swap3A_3152 {strides = array<i32>} : memref<128x32xf32, #tpu.memory_space<vmem>>, vector<1x16xf32>,
      %get3A_3153 = arith.constant 112 : i32
      %get3A_3154 = arith.index_cast %get3A_3153 : i32 to index
      %get3A_3155 = arith.constant 0 : index
      %get3A_3156 = tpu.vector_load %arg6[%get3A_3154, %get3A_3155] {strides = array<i32>} : memref<128x32xf32, #tpu.memory_space<vmem>>, vector<1x16xf32>,
      %get3A_3157 = vector.shape_cast %get3A_3156 : vector<1x16xf32> to vector<16xf32>
      %mul3A_3158 = arith.constant 5.65685415 : f32
      %mul3A_3159 = vector.broadcast %mul3A_3158 : f32 to vector<16xf32>
      %mul3A_3160 = arith.mulf %get3A_3157, %mul3A_3159 : vector<16xf32>
      %swap3A_3161 = arith.constant 112 : i32
      %swap3A_3162 = arith.index_cast %swap3A_3161 : i32 to index
      %swap3A_3163 = arith.constant 0 : index
      %swap3A_3164 = tpu.vector_load %arg6[%swap3A_3162, %swap3A_3163] {strides = array<i32>} : memref<128x32xf32, #tpu.memory_space<vmem>>, vector<1x16xf32>,
      %swap3A_3165 = vector.shape_cast %swap3A_3164 : vector<1x16xf32> to vector<16xf32>
      %swap3A_3166 = vector.shape_cast %mul3A_3160 : vector<16xf32> to vector<1x16xf32>
      tpu.vector_store %arg6[%swap3A_3162, %swap3A_3163], %swap3A_3166 {strides = array<i32>} : memref<128x32xf32, #tpu.memory_space<vmem>>, vector<1x16xf32>,
      %get3A_3167 = arith.constant 112 : i32
      %get3A_3168 = arith.index_cast %get3A_3167 : i32 to index
      %get3A_3169 = arith.constant 16 : index
      %get3A_3170 = tpu.vector_load %arg6[%get3A_3168, %get3A_3169] {strides = array<i32>} : memref<128x32xf32, #tpu.memory_space<vmem>>, vector<1x16xf32>,
      %get3A_3171 = vector.shape_cast %get3A_3170 : vector<1x16xf32> to vector<16xf32>
      %mul3A_3172 = arith.constant 5.65685415 : f32
      %mul3A_3173 = vector.broadcast %mul3A_3172 : f32 to vector<16xf32>
      %mul3A_3174 = arith.mulf %get3A_3171, %mul3A_3173 : vector<16xf32>
      %swap3A_3175 = arith.constant 112 : i32
      %swap3A_3176 = arith.index_cast %swap3A_3175 : i32 to index
      %swap3A_3177 = arith.constant 16 : index
      %swap3A_3178 = tpu.vector_load %arg6[%swap3A_3176, %swap3A_3177] {strides = array<i32>} : memref<128x32xf32, #tpu.memory_space<vmem>>, vector<1x16xf32>,
      %swap3A_3179 = vector.shape_cast %swap3A_3178 : vector<1x16xf32> to vector<16xf32>
      %swap3A_3180 = vector.shape_cast %mul3A_3174 : vector<16xf32> to vector<1x16xf32>
      tpu.vector_store %arg6[%swap3A_3176, %swap3A_3177], %swap3A_3180 {strides = array<i32>} : memref<128x32xf32, #tpu.memory_space<vmem>>, vector<1x16xf32>,
      %get3A_3181 = arith.constant 113 : i32
      %get3A_3182 = arith.index_cast %get3A_3181 : i32 to index
      %get3A_3183 = arith.constant 0 : index
      %get3A_3184 = tpu.vector_load %arg6[%get3A_3182, %get3A_3183] {strides = array<i32>} : memref<128x32xf32, #tpu.memory_space<vmem>>, vector<1x16xf32>,
      %get3A_3185 = vector.shape_cast %get3A_3184 : vector<1x16xf32> to vector<16xf32>
      %mul3A_3186 = arith.constant 5.65685415 : f32
      %mul3A_3187 = vector.broadcast %mul3A_3186 : f32 to vector<16xf32>
      %mul3A_3188 = arith.mulf %get3A_3185, %mul3A_3187 : vector<16xf32>
      %swap3A_3189 = arith.constant 113 : i32
      %swap3A_3190 = arith.index_cast %swap3A_3189 : i32 to index
      %swap3A_3191 = arith.constant 0 : index
      %swap3A_3192 = tpu.vector_load %arg6[%swap3A_3190, %swap3A_3191] {strides = array<i32>} : memref<128x32xf32, #tpu.memory_space<vmem>>, vector<1x16xf32>,
      %swap3A_3193 = vector.shape_cast %swap3A_3192 : vector<1x16xf32> to vector<16xf32>
      %swap3A_3194 = vector.shape_cast %mul3A_3188 : vector<16xf32> to vector<1x16xf32>
      tpu.vector_store %arg6[%swap3A_3190, %swap3A_3191], %swap3A_3194 {strides = array<i32>} : memref<128x32xf32, #tpu.memory_space<vmem>>, vector<1x16xf32>,
      %get3A_3195 = arith.constant 113 : i32
      %get3A_3196 = arith.index_cast %get3A_3195 : i32 to index
      %get3A_3197 = arith.constant 16 : index
      %get3A_3198 = tpu.vector_load %arg6[%get3A_3196, %get3A_3197] {strides = array<i32>} : memref<128x32xf32, #tpu.memory_space<vmem>>, vector<1x16xf32>,
      %get3A_3199 = vector.shape_cast %get3A_3198 : vector<1x16xf32> to vector<16xf32>
      %mul3A_3200 = arith.constant 5.65685415 : f32
      %mul3A_3201 = vector.broadcast %mul3A_3200 : f32 to vector<16xf32>
      %mul3A_3202 = arith.mulf %get3A_3199, %mul3A_3201 : vector<16xf32>
      %swap3A_3203 = arith.constant 113 : i32
      %swap3A_3204 = arith.index_cast %swap3A_3203 : i32 to index
      %swap3A_3205 = arith.constant 16 : index
      %swap3A_3206 = tpu.vector_load %arg6[%swap3A_3204, %swap3A_3205] {strides = array<i32>} : memref<128x32xf32, #tpu.memory_space<vmem>>, vector<1x16xf32>,
      %swap3A_3207 = vector.shape_cast %swap3A_3206 : vector<1x16xf32> to vector<16xf32>
      %swap3A_3208 = vector.shape_cast %mul3A_3202 : vector<16xf32> to vector<1x16xf32>
      tpu.vector_store %arg6[%swap3A_3204, %swap3A_3205], %swap3A_3208 {strides = array<i32>} : memref<128x32xf32, #tpu.memory_space<vmem>>, vector<1x16xf32>,
      %get3A_3209 = arith.constant 114 : i32
      %get3A_3210 = arith.index_cast %get3A_3209 : i32 to index
      %get3A_3211 = arith.constant 0 : index
      %get3A_3212 = tpu.vector_load %arg6[%get3A_3210, %get3A_3211] {strides = array<i32>} : memref<128x32xf32, #tpu.memory_space<vmem>>, vector<1x16xf32>,
      %get3A_3213 = vector.shape_cast %get3A_3212 : vector<1x16xf32> to vector<16xf32>
      %mul3A_3214 = arith.constant 5.65685415 : f32
      %mul3A_3215 = vector.broadcast %mul3A_3214 : f32 to vector<16xf32>
      %mul3A_3216 = arith.mulf %get3A_3213, %mul3A_3215 : vector<16xf32>
      %swap3A_3217 = arith.constant 114 : i32
      %swap3A_3218 = arith.index_cast %swap3A_3217 : i32 to index
      %swap3A_3219 = arith.constant 0 : index
      %swap3A_3220 = tpu.vector_load %arg6[%swap3A_3218, %swap3A_3219] {strides = array<i32>} : memref<128x32xf32, #tpu.memory_space<vmem>>, vector<1x16xf32>,
      %swap3A_3221 = vector.shape_cast %swap3A_3220 : vector<1x16xf32> to vector<16xf32>
      %swap3A_3222 = vector.shape_cast %mul3A_3216 : vector<16xf32> to vector<1x16xf32>
      tpu.vector_store %arg6[%swap3A_3218, %swap3A_3219], %swap3A_3222 {strides = array<i32>} : memref<128x32xf32, #tpu.memory_space<vmem>>, vector<1x16xf32>,
      %get3A_3223 = arith.constant 114 : i32
      %get3A_3224 = arith.index_cast %get3A_3223 : i32 to index
      %get3A_3225 = arith.constant 16 : index
      %get3A_3226 = tpu.vector_load %arg6[%get3A_3224, %get3A_3225] {strides = array<i32>} : memref<128x32xf32, #tpu.memory_space<vmem>>, vector<1x16xf32>,
      %get3A_3227 = vector.shape_cast %get3A_3226 : vector<1x16xf32> to vector<16xf32>
      %mul3A_3228 = arith.constant 5.65685415 : f32
      %mul3A_3229 = vector.broadcast %mul3A_3228 : f32 to vector<16xf32>
      %mul3A_3230 = arith.mulf %get3A_3227, %mul3A_3229 : vector<16xf32>
      %swap3A_3231 = arith.constant 114 : i32
      %swap3A_3232 = arith.index_cast %swap3A_3231 : i32 to index
      %swap3A_3233 = arith.constant 16 : index
      %swap3A_3234 = tpu.vector_load %arg6[%swap3A_3232, %swap3A_3233] {strides = array<i32>} : memref<128x32xf32, #tpu.memory_space<vmem>>, vector<1x16xf32>,
      %swap3A_3235 = vector.shape_cast %swap3A_3234 : vector<1x16xf32> to vector<16xf32>
      %swap3A_3236 = vector.shape_cast %mul3A_3230 : vector<16xf32> to vector<1x16xf32>
      tpu.vector_store %arg6[%swap3A_3232, %swap3A_3233], %swap3A_3236 {strides = array<i32>} : memref<128x32xf32, #tpu.memory_space<vmem>>, vector<1x16xf32>,
      %get3A_3237 = arith.constant 115 : i32
      %get3A_3238 = arith.index_cast %get3A_3237 : i32 to index
      %get3A_3239 = arith.constant 0 : index
      %get3A_3240 = tpu.vector_load %arg6[%get3A_3238, %get3A_3239] {strides = array<i32>} : memref<128x32xf32, #tpu.memory_space<vmem>>, vector<1x16xf32>,
      %get3A_3241 = vector.shape_cast %get3A_3240 : vector<1x16xf32> to vector<16xf32>
      %mul3A_3242 = arith.constant 5.65685415 : f32
      %mul3A_3243 = vector.broadcast %mul3A_3242 : f32 to vector<16xf32>
      %mul3A_3244 = arith.mulf %get3A_3241, %mul3A_3243 : vector<16xf32>
      %swap3A_3245 = arith.constant 115 : i32
      %swap3A_3246 = arith.index_cast %swap3A_3245 : i32 to index
      %swap3A_3247 = arith.constant 0 : index
      %swap3A_3248 = tpu.vector_load %arg6[%swap3A_3246, %swap3A_3247] {strides = array<i32>} : memref<128x32xf32, #tpu.memory_space<vmem>>, vector<1x16xf32>,
      %swap3A_3249 = vector.shape_cast %swap3A_3248 : vector<1x16xf32> to vector<16xf32>
      %swap3A_3250 = vector.shape_cast %mul3A_3244 : vector<16xf32> to vector<1x16xf32>
      tpu.vector_store %arg6[%swap3A_3246, %swap3A_3247], %swap3A_3250 {strides = array<i32>} : memref<128x32xf32, #tpu.memory_space<vmem>>, vector<1x16xf32>,
      %get3A_3251 = arith.constant 115 : i32
      %get3A_3252 = arith.index_cast %get3A_3251 : i32 to index
      %get3A_3253 = arith.constant 16 : index
      %get3A_3254 = tpu.vector_load %arg6[%get3A_3252, %get3A_3253] {strides = array<i32>} : memref<128x32xf32, #tpu.memory_space<vmem>>, vector<1x16xf32>,
      %get3A_3255 = vector.shape_cast %get3A_3254 : vector<1x16xf32> to vector<16xf32>
      %mul3A_3256 = arith.constant 5.65685415 : f32
      %mul3A_3257 = vector.broadcast %mul3A_3256 : f32 to vector<16xf32>
      %mul3A_3258 = arith.mulf %get3A_3255, %mul3A_3257 : vector<16xf32>
      %swap3A_3259 = arith.constant 115 : i32
      %swap3A_3260 = arith.index_cast %swap3A_3259 : i32 to index
      %swap3A_3261 = arith.constant 16 : index
      %swap3A_3262 = tpu.vector_load %arg6[%swap3A_3260, %swap3A_3261] {strides = array<i32>} : memref<128x32xf32, #tpu.memory_space<vmem>>, vector<1x16xf32>,
      %swap3A_3263 = vector.shape_cast %swap3A_3262 : vector<1x16xf32> to vector<16xf32>
      %swap3A_3264 = vector.shape_cast %mul3A_3258 : vector<16xf32> to vector<1x16xf32>
      tpu.vector_store %arg6[%swap3A_3260, %swap3A_3261], %swap3A_3264 {strides = array<i32>} : memref<128x32xf32, #tpu.memory_space<vmem>>, vector<1x16xf32>,
      %get3A_3265 = arith.constant 116 : i32
      %get3A_3266 = arith.index_cast %get3A_3265 : i32 to index
      %get3A_3267 = arith.constant 0 : index
      %get3A_3268 = tpu.vector_load %arg6[%get3A_3266, %get3A_3267] {strides = array<i32>} : memref<128x32xf32, #tpu.memory_space<vmem>>, vector<1x16xf32>,
      %get3A_3269 = vector.shape_cast %get3A_3268 : vector<1x16xf32> to vector<16xf32>
      %mul3A_3270 = arith.constant 5.65685415 : f32
      %mul3A_3271 = vector.broadcast %mul3A_3270 : f32 to vector<16xf32>
      %mul3A_3272 = arith.mulf %get3A_3269, %mul3A_3271 : vector<16xf32>
      %swap3A_3273 = arith.constant 116 : i32
      %swap3A_3274 = arith.index_cast %swap3A_3273 : i32 to index
      %swap3A_3275 = arith.constant 0 : index
      %swap3A_3276 = tpu.vector_load %arg6[%swap3A_3274, %swap3A_3275] {strides = array<i32>} : memref<128x32xf32, #tpu.memory_space<vmem>>, vector<1x16xf32>,
      %swap3A_3277 = vector.shape_cast %swap3A_3276 : vector<1x16xf32> to vector<16xf32>
      %swap3A_3278 = vector.shape_cast %mul3A_3272 : vector<16xf32> to vector<1x16xf32>
      tpu.vector_store %arg6[%swap3A_3274, %swap3A_3275], %swap3A_3278 {strides = array<i32>} : memref<128x32xf32, #tpu.memory_space<vmem>>, vector<1x16xf32>,
      %get3A_3279 = arith.constant 116 : i32
      %get3A_3280 = arith.index_cast %get3A_3279 : i32 to index
      %get3A_3281 = arith.constant 16 : index
      %get3A_3282 = tpu.vector_load %arg6[%get3A_3280, %get3A_3281] {strides = array<i32>} : memref<128x32xf32, #tpu.memory_space<vmem>>, vector<1x16xf32>,
      %get3A_3283 = vector.shape_cast %get3A_3282 : vector<1x16xf32> to vector<16xf32>
      %mul3A_3284 = arith.constant 5.65685415 : f32
      %mul3A_3285 = vector.broadcast %mul3A_3284 : f32 to vector<16xf32>
      %mul3A_3286 = arith.mulf %get3A_3283, %mul3A_3285 : vector<16xf32>
      %swap3A_3287 = arith.constant 116 : i32
      %swap3A_3288 = arith.index_cast %swap3A_3287 : i32 to index
      %swap3A_3289 = arith.constant 16 : index
      %swap3A_3290 = tpu.vector_load %arg6[%swap3A_3288, %swap3A_3289] {strides = array<i32>} : memref<128x32xf32, #tpu.memory_space<vmem>>, vector<1x16xf32>,
      %swap3A_3291 = vector.shape_cast %swap3A_3290 : vector<1x16xf32> to vector<16xf32>
      %swap3A_3292 = vector.shape_cast %mul3A_3286 : vector<16xf32> to vector<1x16xf32>
      tpu.vector_store %arg6[%swap3A_3288, %swap3A_3289], %swap3A_3292 {strides = array<i32>} : memref<128x32xf32, #tpu.memory_space<vmem>>, vector<1x16xf32>,
      %get3A_3293 = arith.constant 117 : i32
      %get3A_3294 = arith.index_cast %get3A_3293 : i32 to index
      %get3A_3295 = arith.constant 0 : index
      %get3A_3296 = tpu.vector_load %arg6[%get3A_3294, %get3A_3295] {strides = array<i32>} : memref<128x32xf32, #tpu.memory_space<vmem>>, vector<1x16xf32>,
      %get3A_3297 = vector.shape_cast %get3A_3296 : vector<1x16xf32> to vector<16xf32>
      %mul3A_3298 = arith.constant 5.65685415 : f32
      %mul3A_3299 = vector.broadcast %mul3A_3298 : f32 to vector<16xf32>
      %mul3A_3300 = arith.mulf %get3A_3297, %mul3A_3299 : vector<16xf32>
      %swap3A_3301 = arith.constant 117 : i32
      %swap3A_3302 = arith.index_cast %swap3A_3301 : i32 to index
      %swap3A_3303 = arith.constant 0 : index
      %swap3A_3304 = tpu.vector_load %arg6[%swap3A_3302, %swap3A_3303] {strides = array<i32>} : memref<128x32xf32, #tpu.memory_space<vmem>>, vector<1x16xf32>,
      %swap3A_3305 = vector.shape_cast %swap3A_3304 : vector<1x16xf32> to vector<16xf32>
      %swap3A_3306 = vector.shape_cast %mul3A_3300 : vector<16xf32> to vector<1x16xf32>
      tpu.vector_store %arg6[%swap3A_3302, %swap3A_3303], %swap3A_3306 {strides = array<i32>} : memref<128x32xf32, #tpu.memory_space<vmem>>, vector<1x16xf32>,
      %get3A_3307 = arith.constant 117 : i32
      %get3A_3308 = arith.index_cast %get3A_3307 : i32 to index
      %get3A_3309 = arith.constant 16 : index
      %get3A_3310 = tpu.vector_load %arg6[%get3A_3308, %get3A_3309] {strides = array<i32>} : memref<128x32xf32, #tpu.memory_space<vmem>>, vector<1x16xf32>,
      %get3A_3311 = vector.shape_cast %get3A_3310 : vector<1x16xf32> to vector<16xf32>
      %mul3A_3312 = arith.constant 5.65685415 : f32
      %mul3A_3313 = vector.broadcast %mul3A_3312 : f32 to vector<16xf32>
      %mul3A_3314 = arith.mulf %get3A_3311, %mul3A_3313 : vector<16xf32>
      %swap3A_3315 = arith.constant 117 : i32
      %swap3A_3316 = arith.index_cast %swap3A_3315 : i32 to index
      %swap3A_3317 = arith.constant 16 : index
      %swap3A_3318 = tpu.vector_load %arg6[%swap3A_3316, %swap3A_3317] {strides = array<i32>} : memref<128x32xf32, #tpu.memory_space<vmem>>, vector<1x16xf32>,
      %swap3A_3319 = vector.shape_cast %swap3A_3318 : vector<1x16xf32> to vector<16xf32>
      %swap3A_3320 = vector.shape_cast %mul3A_3314 : vector<16xf32> to vector<1x16xf32>
      tpu.vector_store %arg6[%swap3A_3316, %swap3A_3317], %swap3A_3320 {strides = array<i32>} : memref<128x32xf32, #tpu.memory_space<vmem>>, vector<1x16xf32>,
      %get3A_3321 = arith.constant 118 : i32
      %get3A_3322 = arith.index_cast %get3A_3321 : i32 to index
      %get3A_3323 = arith.constant 0 : index
      %get3A_3324 = tpu.vector_load %arg6[%get3A_3322, %get3A_3323] {strides = array<i32>} : memref<128x32xf32, #tpu.memory_space<vmem>>, vector<1x16xf32>,
      %get3A_3325 = vector.shape_cast %get3A_3324 : vector<1x16xf32> to vector<16xf32>
      %mul3A_3326 = arith.constant 5.65685415 : f32
      %mul3A_3327 = vector.broadcast %mul3A_3326 : f32 to vector<16xf32>
      %mul3A_3328 = arith.mulf %get3A_3325, %mul3A_3327 : vector<16xf32>
      %swap3A_3329 = arith.constant 118 : i32
      %swap3A_3330 = arith.index_cast %swap3A_3329 : i32 to index
      %swap3A_3331 = arith.constant 0 : index
      %swap3A_3332 = tpu.vector_load %arg6[%swap3A_3330, %swap3A_3331] {strides = array<i32>} : memref<128x32xf32, #tpu.memory_space<vmem>>, vector<1x16xf32>,
      %swap3A_3333 = vector.shape_cast %swap3A_3332 : vector<1x16xf32> to vector<16xf32>
      %swap3A_3334 = vector.shape_cast %mul3A_3328 : vector<16xf32> to vector<1x16xf32>
      tpu.vector_store %arg6[%swap3A_3330, %swap3A_3331], %swap3A_3334 {strides = array<i32>} : memref<128x32xf32, #tpu.memory_space<vmem>>, vector<1x16xf32>,
      %get3A_3335 = arith.constant 118 : i32
      %get3A_3336 = arith.index_cast %get3A_3335 : i32 to index
      %get3A_3337 = arith.constant 16 : index
      %get3A_3338 = tpu.vector_load %arg6[%get3A_3336, %get3A_3337] {strides = array<i32>} : memref<128x32xf32, #tpu.memory_space<vmem>>, vector<1x16xf32>,
      %get3A_3339 = vector.shape_cast %get3A_3338 : vector<1x16xf32> to vector<16xf32>
      %mul3A_3340 = arith.constant 5.65685415 : f32
      %mul3A_3341 = vector.broadcast %mul3A_3340 : f32 to vector<16xf32>
      %mul3A_3342 = arith.mulf %get3A_3339, %mul3A_3341 : vector<16xf32>
      %swap3A_3343 = arith.constant 118 : i32
      %swap3A_3344 = arith.index_cast %swap3A_3343 : i32 to index
      %swap3A_3345 = arith.constant 16 : index
      %swap3A_3346 = tpu.vector_load %arg6[%swap3A_3344, %swap3A_3345] {strides = array<i32>} : memref<128x32xf32, #tpu.memory_space<vmem>>, vector<1x16xf32>,
      %swap3A_3347 = vector.shape_cast %swap3A_3346 : vector<1x16xf32> to vector<16xf32>
      %swap3A_3348 = vector.shape_cast %mul3A_3342 : vector<16xf32> to vector<1x16xf32>
      tpu.vector_store %arg6[%swap3A_3344, %swap3A_3345], %swap3A_3348 {strides = array<i32>} : memref<128x32xf32, #tpu.memory_space<vmem>>, vector<1x16xf32>,
      %get3A_3349 = arith.constant 119 : i32
      %get3A_3350 = arith.index_cast %get3A_3349 : i32 to index
      %get3A_3351 = arith.constant 0 : index
      %get3A_3352 = tpu.vector_load %arg6[%get3A_3350, %get3A_3351] {strides = array<i32>} : memref<128x32xf32, #tpu.memory_space<vmem>>, vector<1x16xf32>,
      %get3A_3353 = vector.shape_cast %get3A_3352 : vector<1x16xf32> to vector<16xf32>
      %mul3A_3354 = arith.constant 5.65685415 : f32
      %mul3A_3355 = vector.broadcast %mul3A_3354 : f32 to vector<16xf32>
      %mul3A_3356 = arith.mulf %get3A_3353, %mul3A_3355 : vector<16xf32>
      %swap3A_3357 = arith.constant 119 : i32
      %swap3A_3358 = arith.index_cast %swap3A_3357 : i32 to index
      %swap3A_3359 = arith.constant 0 : index
      %swap3A_3360 = tpu.vector_load %arg6[%swap3A_3358, %swap3A_3359] {strides = array<i32>} : memref<128x32xf32, #tpu.memory_space<vmem>>, vector<1x16xf32>,
      %swap3A_3361 = vector.shape_cast %swap3A_3360 : vector<1x16xf32> to vector<16xf32>
      %swap3A_3362 = vector.shape_cast %mul3A_3356 : vector<16xf32> to vector<1x16xf32>
      tpu.vector_store %arg6[%swap3A_3358, %swap3A_3359], %swap3A_3362 {strides = array<i32>} : memref<128x32xf32, #tpu.memory_space<vmem>>, vector<1x16xf32>,
      %get3A_3363 = arith.constant 119 : i32
      %get3A_3364 = arith.index_cast %get3A_3363 : i32 to index
      %get3A_3365 = arith.constant 16 : index
      %get3A_3366 = tpu.vector_load %arg6[%get3A_3364, %get3A_3365] {strides = array<i32>} : memref<128x32xf32, #tpu.memory_space<vmem>>, vector<1x16xf32>,
      %get3A_3367 = vector.shape_cast %get3A_3366 : vector<1x16xf32> to vector<16xf32>
      %mul3A_3368 = arith.constant 5.65685415 : f32
      %mul3A_3369 = vector.broadcast %mul3A_3368 : f32 to vector<16xf32>
      %mul3A_3370 = arith.mulf %get3A_3367, %mul3A_3369 : vector<16xf32>
      %swap3A_3371 = arith.constant 119 : i32
      %swap3A_3372 = arith.index_cast %swap3A_3371 : i32 to index
      %swap3A_3373 = arith.constant 16 : index
      %swap3A_3374 = tpu.vector_load %arg6[%swap3A_3372, %swap3A_3373] {strides = array<i32>} : memref<128x32xf32, #tpu.memory_space<vmem>>, vector<1x16xf32>,
      %swap3A_3375 = vector.shape_cast %swap3A_3374 : vector<1x16xf32> to vector<16xf32>
      %swap3A_3376 = vector.shape_cast %mul3A_3370 : vector<16xf32> to vector<1x16xf32>
      tpu.vector_store %arg6[%swap3A_3372, %swap3A_3373], %swap3A_3376 {strides = array<i32>} : memref<128x32xf32, #tpu.memory_space<vmem>>, vector<1x16xf32>,
      %get3A_3377 = arith.constant 120 : i32
      %get3A_3378 = arith.index_cast %get3A_3377 : i32 to index
      %get3A_3379 = arith.constant 0 : index
      %get3A_3380 = tpu.vector_load %arg6[%get3A_3378, %get3A_3379] {strides = array<i32>} : memref<128x32xf32, #tpu.memory_space<vmem>>, vector<1x16xf32>,
      %get3A_3381 = vector.shape_cast %get3A_3380 : vector<1x16xf32> to vector<16xf32>
      %mul3A_3382 = arith.constant 5.65685415 : f32
      %mul3A_3383 = vector.broadcast %mul3A_3382 : f32 to vector<16xf32>
      %mul3A_3384 = arith.mulf %get3A_3381, %mul3A_3383 : vector<16xf32>
      %swap3A_3385 = arith.constant 120 : i32
      %swap3A_3386 = arith.index_cast %swap3A_3385 : i32 to index
      %swap3A_3387 = arith.constant 0 : index
      %swap3A_3388 = tpu.vector_load %arg6[%swap3A_3386, %swap3A_3387] {strides = array<i32>} : memref<128x32xf32, #tpu.memory_space<vmem>>, vector<1x16xf32>,
      %swap3A_3389 = vector.shape_cast %swap3A_3388 : vector<1x16xf32> to vector<16xf32>
      %swap3A_3390 = vector.shape_cast %mul3A_3384 : vector<16xf32> to vector<1x16xf32>
      tpu.vector_store %arg6[%swap3A_3386, %swap3A_3387], %swap3A_3390 {strides = array<i32>} : memref<128x32xf32, #tpu.memory_space<vmem>>, vector<1x16xf32>,
      %get3A_3391 = arith.constant 120 : i32
      %get3A_3392 = arith.index_cast %get3A_3391 : i32 to index
      %get3A_3393 = arith.constant 16 : index
      %get3A_3394 = tpu.vector_load %arg6[%get3A_3392, %get3A_3393] {strides = array<i32>} : memref<128x32xf32, #tpu.memory_space<vmem>>, vector<1x16xf32>,
      %get3A_3395 = vector.shape_cast %get3A_3394 : vector<1x16xf32> to vector<16xf32>
      %mul3A_3396 = arith.constant 5.65685415 : f32
      %mul3A_3397 = vector.broadcast %mul3A_3396 : f32 to vector<16xf32>
      %mul3A_3398 = arith.mulf %get3A_3395, %mul3A_3397 : vector<16xf32>
      %swap3A_3399 = arith.constant 120 : i32
      %swap3A_3400 = arith.index_cast %swap3A_3399 : i32 to index
      %swap3A_3401 = arith.constant 16 : index
      %swap3A_3402 = tpu.vector_load %arg6[%swap3A_3400, %swap3A_3401] {strides = array<i32>} : memref<128x32xf32, #tpu.memory_space<vmem>>, vector<1x16xf32>,
      %swap3A_3403 = vector.shape_cast %swap3A_3402 : vector<1x16xf32> to vector<16xf32>
      %swap3A_3404 = vector.shape_cast %mul3A_3398 : vector<16xf32> to vector<1x16xf32>
      tpu.vector_store %arg6[%swap3A_3400, %swap3A_3401], %swap3A_3404 {strides = array<i32>} : memref<128x32xf32, #tpu.memory_space<vmem>>, vector<1x16xf32>,
      %get3A_3405 = arith.constant 121 : i32
      %get3A_3406 = arith.index_cast %get3A_3405 : i32 to index
      %get3A_3407 = arith.constant 0 : index
      %get3A_3408 = tpu.vector_load %arg6[%get3A_3406, %get3A_3407] {strides = array<i32>} : memref<128x32xf32, #tpu.memory_space<vmem>>, vector<1x16xf32>,
      %get3A_3409 = vector.shape_cast %get3A_3408 : vector<1x16xf32> to vector<16xf32>
      %mul3A_3410 = arith.constant 5.65685415 : f32
      %mul3A_3411 = vector.broadcast %mul3A_3410 : f32 to vector<16xf32>
      %mul3A_3412 = arith.mulf %get3A_3409, %mul3A_3411 : vector<16xf32>
      %swap3A_3413 = arith.constant 121 : i32
      %swap3A_3414 = arith.index_cast %swap3A_3413 : i32 to index
      %swap3A_3415 = arith.constant 0 : index
      %swap3A_3416 = tpu.vector_load %arg6[%swap3A_3414, %swap3A_3415] {strides = array<i32>} : memref<128x32xf32, #tpu.memory_space<vmem>>, vector<1x16xf32>,
      %swap3A_3417 = vector.shape_cast %swap3A_3416 : vector<1x16xf32> to vector<16xf32>
      %swap3A_3418 = vector.shape_cast %mul3A_3412 : vector<16xf32> to vector<1x16xf32>
      tpu.vector_store %arg6[%swap3A_3414, %swap3A_3415], %swap3A_3418 {strides = array<i32>} : memref<128x32xf32, #tpu.memory_space<vmem>>, vector<1x16xf32>,
      %get3A_3419 = arith.constant 121 : i32
      %get3A_3420 = arith.index_cast %get3A_3419 : i32 to index
      %get3A_3421 = arith.constant 16 : index
      %get3A_3422 = tpu.vector_load %arg6[%get3A_3420, %get3A_3421] {strides = array<i32>} : memref<128x32xf32, #tpu.memory_space<vmem>>, vector<1x16xf32>,
      %get3A_3423 = vector.shape_cast %get3A_3422 : vector<1x16xf32> to vector<16xf32>
      %mul3A_3424 = arith.constant 5.65685415 : f32
      %mul3A_3425 = vector.broadcast %mul3A_3424 : f32 to vector<16xf32>
      %mul3A_3426 = arith.mulf %get3A_3423, %mul3A_3425 : vector<16xf32>
      %swap3A_3427 = arith.constant 121 : i32
      %swap3A_3428 = arith.index_cast %swap3A_3427 : i32 to index
      %swap3A_3429 = arith.constant 16 : index
      %swap3A_3430 = tpu.vector_load %arg6[%swap3A_3428, %swap3A_3429] {strides = array<i32>} : memref<128x32xf32, #tpu.memory_space<vmem>>, vector<1x16xf32>,
      %swap3A_3431 = vector.shape_cast %swap3A_3430 : vector<1x16xf32> to vector<16xf32>
      %swap3A_3432 = vector.shape_cast %mul3A_3426 : vector<16xf32> to vector<1x16xf32>
      tpu.vector_store %arg6[%swap3A_3428, %swap3A_3429], %swap3A_3432 {strides = array<i32>} : memref<128x32xf32, #tpu.memory_space<vmem>>, vector<1x16xf32>,
      %get3A_3433 = arith.constant 122 : i32
      %get3A_3434 = arith.index_cast %get3A_3433 : i32 to index
      %get3A_3435 = arith.constant 0 : index
      %get3A_3436 = tpu.vector_load %arg6[%get3A_3434, %get3A_3435] {strides = array<i32>} : memref<128x32xf32, #tpu.memory_space<vmem>>, vector<1x16xf32>,
      %get3A_3437 = vector.shape_cast %get3A_3436 : vector<1x16xf32> to vector<16xf32>
      %mul3A_3438 = arith.constant 5.65685415 : f32
      %mul3A_3439 = vector.broadcast %mul3A_3438 : f32 to vector<16xf32>
      %mul3A_3440 = arith.mulf %get3A_3437, %mul3A_3439 : vector<16xf32>
      %swap3A_3441 = arith.constant 122 : i32
      %swap3A_3442 = arith.index_cast %swap3A_3441 : i32 to index
      %swap3A_3443 = arith.constant 0 : index
      %swap3A_3444 = tpu.vector_load %arg6[%swap3A_3442, %swap3A_3443] {strides = array<i32>} : memref<128x32xf32, #tpu.memory_space<vmem>>, vector<1x16xf32>,
      %swap3A_3445 = vector.shape_cast %swap3A_3444 : vector<1x16xf32> to vector<16xf32>
      %swap3A_3446 = vector.shape_cast %mul3A_3440 : vector<16xf32> to vector<1x16xf32>
      tpu.vector_store %arg6[%swap3A_3442, %swap3A_3443], %swap3A_3446 {strides = array<i32>} : memref<128x32xf32, #tpu.memory_space<vmem>>, vector<1x16xf32>,
      %get3A_3447 = arith.constant 122 : i32
      %get3A_3448 = arith.index_cast %get3A_3447 : i32 to index
      %get3A_3449 = arith.constant 16 : index
      %get3A_3450 = tpu.vector_load %arg6[%get3A_3448, %get3A_3449] {strides = array<i32>} : memref<128x32xf32, #tpu.memory_space<vmem>>, vector<1x16xf32>,
      %get3A_3451 = vector.shape_cast %get3A_3450 : vector<1x16xf32> to vector<16xf32>
      %mul3A_3452 = arith.constant 5.65685415 : f32
      %mul3A_3453 = vector.broadcast %mul3A_3452 : f32 to vector<16xf32>
      %mul3A_3454 = arith.mulf %get3A_3451, %mul3A_3453 : vector<16xf32>
      %swap3A_3455 = arith.constant 122 : i32
      %swap3A_3456 = arith.index_cast %swap3A_3455 : i32 to index
      %swap3A_3457 = arith.constant 16 : index
      %swap3A_3458 = tpu.vector_load %arg6[%swap3A_3456, %swap3A_3457] {strides = array<i32>} : memref<128x32xf32, #tpu.memory_space<vmem>>, vector<1x16xf32>,
      %swap3A_3459 = vector.shape_cast %swap3A_3458 : vector<1x16xf32> to vector<16xf32>
      %swap3A_3460 = vector.shape_cast %mul3A_3454 : vector<16xf32> to vector<1x16xf32>
      tpu.vector_store %arg6[%swap3A_3456, %swap3A_3457], %swap3A_3460 {strides = array<i32>} : memref<128x32xf32, #tpu.memory_space<vmem>>, vector<1x16xf32>,
      %get3A_3461 = arith.constant 123 : i32
      %get3A_3462 = arith.index_cast %get3A_3461 : i32 to index
      %get3A_3463 = arith.constant 0 : index
      %get3A_3464 = tpu.vector_load %arg6[%get3A_3462, %get3A_3463] {strides = array<i32>} : memref<128x32xf32, #tpu.memory_space<vmem>>, vector<1x16xf32>,
      %get3A_3465 = vector.shape_cast %get3A_3464 : vector<1x16xf32> to vector<16xf32>
      %mul3A_3466 = arith.constant 5.65685415 : f32
      %mul3A_3467 = vector.broadcast %mul3A_3466 : f32 to vector<16xf32>
      %mul3A_3468 = arith.mulf %get3A_3465, %mul3A_3467 : vector<16xf32>
      %swap3A_3469 = arith.constant 123 : i32
      %swap3A_3470 = arith.index_cast %swap3A_3469 : i32 to index
      %swap3A_3471 = arith.constant 0 : index
      %swap3A_3472 = tpu.vector_load %arg6[%swap3A_3470, %swap3A_3471] {strides = array<i32>} : memref<128x32xf32, #tpu.memory_space<vmem>>, vector<1x16xf32>,
      %swap3A_3473 = vector.shape_cast %swap3A_3472 : vector<1x16xf32> to vector<16xf32>
      %swap3A_3474 = vector.shape_cast %mul3A_3468 : vector<16xf32> to vector<1x16xf32>
      tpu.vector_store %arg6[%swap3A_3470, %swap3A_3471], %swap3A_3474 {strides = array<i32>} : memref<128x32xf32, #tpu.memory_space<vmem>>, vector<1x16xf32>,
      %get3A_3475 = arith.constant 123 : i32
      %get3A_3476 = arith.index_cast %get3A_3475 : i32 to index
      %get3A_3477 = arith.constant 16 : index
      %get3A_3478 = tpu.vector_load %arg6[%get3A_3476, %get3A_3477] {strides = array<i32>} : memref<128x32xf32, #tpu.memory_space<vmem>>, vector<1x16xf32>,
      %get3A_3479 = vector.shape_cast %get3A_3478 : vector<1x16xf32> to vector<16xf32>
      %mul3A_3480 = arith.constant 5.65685415 : f32
      %mul3A_3481 = vector.broadcast %mul3A_3480 : f32 to vector<16xf32>
      %mul3A_3482 = arith.mulf %get3A_3479, %mul3A_3481 : vector<16xf32>
      %swap3A_3483 = arith.constant 123 : i32
      %swap3A_3484 = arith.index_cast %swap3A_3483 : i32 to index
      %swap3A_3485 = arith.constant 16 : index
      %swap3A_3486 = tpu.vector_load %arg6[%swap3A_3484, %swap3A_3485] {strides = array<i32>} : memref<128x32xf32, #tpu.memory_space<vmem>>, vector<1x16xf32>,
      %swap3A_3487 = vector.shape_cast %swap3A_3486 : vector<1x16xf32> to vector<16xf32>
      %swap3A_3488 = vector.shape_cast %mul3A_3482 : vector<16xf32> to vector<1x16xf32>
      tpu.vector_store %arg6[%swap3A_3484, %swap3A_3485], %swap3A_3488 {strides = array<i32>} : memref<128x32xf32, #tpu.memory_space<vmem>>, vector<1x16xf32>,
      %get3A_3489 = arith.constant 124 : i32
      %get3A_3490 = arith.index_cast %get3A_3489 : i32 to index
      %get3A_3491 = arith.constant 0 : index
      %get3A_3492 = tpu.vector_load %arg6[%get3A_3490, %get3A_3491] {strides = array<i32>} : memref<128x32xf32, #tpu.memory_space<vmem>>, vector<1x16xf32>,
      %get3A_3493 = vector.shape_cast %get3A_3492 : vector<1x16xf32> to vector<16xf32>
      %mul3A_3494 = arith.constant 5.65685415 : f32
      %mul3A_3495 = vector.broadcast %mul3A_3494 : f32 to vector<16xf32>
      %mul3A_3496 = arith.mulf %get3A_3493, %mul3A_3495 : vector<16xf32>
      %swap3A_3497 = arith.constant 124 : i32
      %swap3A_3498 = arith.index_cast %swap3A_3497 : i32 to index
      %swap3A_3499 = arith.constant 0 : index
      %swap3A_3500 = tpu.vector_load %arg6[%swap3A_3498, %swap3A_3499] {strides = array<i32>} : memref<128x32xf32, #tpu.memory_space<vmem>>, vector<1x16xf32>,
      %swap3A_3501 = vector.shape_cast %swap3A_3500 : vector<1x16xf32> to vector<16xf32>
      %swap3A_3502 = vector.shape_cast %mul3A_3496 : vector<16xf32> to vector<1x16xf32>
      tpu.vector_store %arg6[%swap3A_3498, %swap3A_3499], %swap3A_3502 {strides = array<i32>} : memref<128x32xf32, #tpu.memory_space<vmem>>, vector<1x16xf32>,
      %get3A_3503 = arith.constant 124 : i32
      %get3A_3504 = arith.index_cast %get3A_3503 : i32 to index
      %get3A_3505 = arith.constant 16 : index
      %get3A_3506 = tpu.vector_load %arg6[%get3A_3504, %get3A_3505] {strides = array<i32>} : memref<128x32xf32, #tpu.memory_space<vmem>>, vector<1x16xf32>,
      %get3A_3507 = vector.shape_cast %get3A_3506 : vector<1x16xf32> to vector<16xf32>
      %mul3A_3508 = arith.constant 5.65685415 : f32
      %mul3A_3509 = vector.broadcast %mul3A_3508 : f32 to vector<16xf32>
      %mul3A_3510 = arith.mulf %get3A_3507, %mul3A_3509 : vector<16xf32>
      %swap3A_3511 = arith.constant 124 : i32
      %swap3A_3512 = arith.index_cast %swap3A_3511 : i32 to index
      %swap3A_3513 = arith.constant 16 : index
      %swap3A_3514 = tpu.vector_load %arg6[%swap3A_3512, %swap3A_3513] {strides = array<i32>} : memref<128x32xf32, #tpu.memory_space<vmem>>, vector<1x16xf32>,
      %swap3A_3515 = vector.shape_cast %swap3A_3514 : vector<1x16xf32> to vector<16xf32>
      %swap3A_3516 = vector.shape_cast %mul3A_3510 : vector<16xf32> to vector<1x16xf32>
      tpu.vector_store %arg6[%swap3A_3512, %swap3A_3513], %swap3A_3516 {strides = array<i32>} : memref<128x32xf32, #tpu.memory_space<vmem>>, vector<1x16xf32>,
      %get3A_3517 = arith.constant 125 : i32
      %get3A_3518 = arith.index_cast %get3A_3517 : i32 to index
      %get3A_3519 = arith.constant 0 : index
      %get3A_3520 = tpu.vector_load %arg6[%get3A_3518, %get3A_3519] {strides = array<i32>} : memref<128x32xf32, #tpu.memory_space<vmem>>, vector<1x16xf32>,
      %get3A_3521 = vector.shape_cast %get3A_3520 : vector<1x16xf32> to vector<16xf32>
      %mul3A_3522 = arith.constant 5.65685415 : f32
      %mul3A_3523 = vector.broadcast %mul3A_3522 : f32 to vector<16xf32>
      %mul3A_3524 = arith.mulf %get3A_3521, %mul3A_3523 : vector<16xf32>
      %swap3A_3525 = arith.constant 125 : i32
      %swap3A_3526 = arith.index_cast %swap3A_3525 : i32 to index
      %swap3A_3527 = arith.constant 0 : index
      %swap3A_3528 = tpu.vector_load %arg6[%swap3A_3526, %swap3A_3527] {strides = array<i32>} : memref<128x32xf32, #tpu.memory_space<vmem>>, vector<1x16xf32>,
      %swap3A_3529 = vector.shape_cast %swap3A_3528 : vector<1x16xf32> to vector<16xf32>
      %swap3A_3530 = vector.shape_cast %mul3A_3524 : vector<16xf32> to vector<1x16xf32>
      tpu.vector_store %arg6[%swap3A_3526, %swap3A_3527], %swap3A_3530 {strides = array<i32>} : memref<128x32xf32, #tpu.memory_space<vmem>>, vector<1x16xf32>,
      %get3A_3531 = arith.constant 125 : i32
      %get3A_3532 = arith.index_cast %get3A_3531 : i32 to index
      %get3A_3533 = arith.constant 16 : index
      %get3A_3534 = tpu.vector_load %arg6[%get3A_3532, %get3A_3533] {strides = array<i32>} : memref<128x32xf32, #tpu.memory_space<vmem>>, vector<1x16xf32>,
      %get3A_3535 = vector.shape_cast %get3A_3534 : vector<1x16xf32> to vector<16xf32>
      %mul3A_3536 = arith.constant 5.65685415 : f32
      %mul3A_3537 = vector.broadcast %mul3A_3536 : f32 to vector<16xf32>
      %mul3A_3538 = arith.mulf %get3A_3535, %mul3A_3537 : vector<16xf32>
      %swap3A_3539 = arith.constant 125 : i32
      %swap3A_3540 = arith.index_cast %swap3A_3539 : i32 to index
      %swap3A_3541 = arith.constant 16 : index
      %swap3A_3542 = tpu.vector_load %arg6[%swap3A_3540, %swap3A_3541] {strides = array<i32>} : memref<128x32xf32, #tpu.memory_space<vmem>>, vector<1x16xf32>,
      %swap3A_3543 = vector.shape_cast %swap3A_3542 : vector<1x16xf32> to vector<16xf32>
      %swap3A_3544 = vector.shape_cast %mul3A_3538 : vector<16xf32> to vector<1x16xf32>
      tpu.vector_store %arg6[%swap3A_3540, %swap3A_3541], %swap3A_3544 {strides = array<i32>} : memref<128x32xf32, #tpu.memory_space<vmem>>, vector<1x16xf32>,
      %get3A_3545 = arith.constant 126 : i32
      %get3A_3546 = arith.index_cast %get3A_3545 : i32 to index
      %get3A_3547 = arith.constant 0 : index
      %get3A_3548 = tpu.vector_load %arg6[%get3A_3546, %get3A_3547] {strides = array<i32>} : memref<128x32xf32, #tpu.memory_space<vmem>>, vector<1x16xf32>,
      %get3A_3549 = vector.shape_cast %get3A_3548 : vector<1x16xf32> to vector<16xf32>
      %mul3A_3550 = arith.constant 5.65685415 : f32
      %mul3A_3551 = vector.broadcast %mul3A_3550 : f32 to vector<16xf32>
      %mul3A_3552 = arith.mulf %get3A_3549, %mul3A_3551 : vector<16xf32>
      %swap3A_3553 = arith.constant 126 : i32
      %swap3A_3554 = arith.index_cast %swap3A_3553 : i32 to index
      %swap3A_3555 = arith.constant 0 : index
      %swap3A_3556 = tpu.vector_load %arg6[%swap3A_3554, %swap3A_3555] {strides = array<i32>} : memref<128x32xf32, #tpu.memory_space<vmem>>, vector<1x16xf32>,
      %swap3A_3557 = vector.shape_cast %swap3A_3556 : vector<1x16xf32> to vector<16xf32>
      %swap3A_3558 = vector.shape_cast %mul3A_3552 : vector<16xf32> to vector<1x16xf32>
      tpu.vector_store %arg6[%swap3A_3554, %swap3A_3555], %swap3A_3558 {strides = array<i32>} : memref<128x32xf32, #tpu.memory_space<vmem>>, vector<1x16xf32>,
      %get3A_3559 = arith.constant 126 : i32
      %get3A_3560 = arith.index_cast %get3A_3559 : i32 to index
      %get3A_3561 = arith.constant 16 : index
      %get3A_3562 = tpu.vector_load %arg6[%get3A_3560, %get3A_3561] {strides = array<i32>} : memref<128x32xf32, #tpu.memory_space<vmem>>, vector<1x16xf32>,
      %get3A_3563 = vector.shape_cast %get3A_3562 : vector<1x16xf32> to vector<16xf32>
      %mul3A_3564 = arith.constant 5.65685415 : f32
      %mul3A_3565 = vector.broadcast %mul3A_3564 : f32 to vector<16xf32>
      %mul3A_3566 = arith.mulf %get3A_3563, %mul3A_3565 : vector<16xf32>
      %swap3A_3567 = arith.constant 126 : i32
      %swap3A_3568 = arith.index_cast %swap3A_3567 : i32 to index
      %swap3A_3569 = arith.constant 16 : index
      %swap3A_3570 = tpu.vector_load %arg6[%swap3A_3568, %swap3A_3569] {strides = array<i32>} : memref<128x32xf32, #tpu.memory_space<vmem>>, vector<1x16xf32>,
      %swap3A_3571 = vector.shape_cast %swap3A_3570 : vector<1x16xf32> to vector<16xf32>
      %swap3A_3572 = vector.shape_cast %mul3A_3566 : vector<16xf32> to vector<1x16xf32>
      tpu.vector_store %arg6[%swap3A_3568, %swap3A_3569], %swap3A_3572 {strides = array<i32>} : memref<128x32xf32, #tpu.memory_space<vmem>>, vector<1x16xf32>,
      %get3A_3573 = arith.constant 127 : i32
      %get3A_3574 = arith.index_cast %get3A_3573 : i32 to index
      %get3A_3575 = arith.constant 0 : index
      %get3A_3576 = tpu.vector_load %arg6[%get3A_3574, %get3A_3575] {strides = array<i32>} : memref<128x32xf32, #tpu.memory_space<vmem>>, vector<1x16xf32>,
      %get3A_3577 = vector.shape_cast %get3A_3576 : vector<1x16xf32> to vector<16xf32>
      %mul3A_3578 = arith.constant 5.65685415 : f32
      %mul3A_3579 = vector.broadcast %mul3A_3578 : f32 to vector<16xf32>
      %mul3A_3580 = arith.mulf %get3A_3577, %mul3A_3579 : vector<16xf32>
      %swap3A_3581 = arith.constant 127 : i32
      %swap3A_3582 = arith.index_cast %swap3A_3581 : i32 to index
      %swap3A_3583 = arith.constant 0 : index
      %swap3A_3584 = tpu.vector_load %arg6[%swap3A_3582, %swap3A_3583] {strides = array<i32>} : memref<128x32xf32, #tpu.memory_space<vmem>>, vector<1x16xf32>,
      %swap3A_3585 = vector.shape_cast %swap3A_3584 : vector<1x16xf32> to vector<16xf32>
      %swap3A_3586 = vector.shape_cast %mul3A_3580 : vector<16xf32> to vector<1x16xf32>
      tpu.vector_store %arg6[%swap3A_3582, %swap3A_3583], %swap3A_3586 {strides = array<i32>} : memref<128x32xf32, #tpu.memory_space<vmem>>, vector<1x16xf32>,
      %get3A_3587 = arith.constant 127 : i32
      %get3A_3588 = arith.index_cast %get3A_3587 : i32 to index
      %get3A_3589 = arith.constant 16 : index
      %get3A_3590 = tpu.vector_load %arg6[%get3A_3588, %get3A_3589] {strides = array<i32>} : memref<128x32xf32, #tpu.memory_space<vmem>>, vector<1x16xf32>,
      %get3A_3591 = vector.shape_cast %get3A_3590 : vector<1x16xf32> to vector<16xf32>
      %mul3A_3592 = arith.constant 5.65685415 : f32
      %mul3A_3593 = vector.broadcast %mul3A_3592 : f32 to vector<16xf32>
      %mul3A_3594 = arith.mulf %get3A_3591, %mul3A_3593 : vector<16xf32>
      %swap3A_3595 = arith.constant 127 : i32
      %swap3A_3596 = arith.index_cast %swap3A_3595 : i32 to index
      %swap3A_3597 = arith.constant 16 : index
      %swap3A_3598 = tpu.vector_load %arg6[%swap3A_3596, %swap3A_3597] {strides = array<i32>} : memref<128x32xf32, #tpu.memory_space<vmem>>, vector<1x16xf32>,
      %swap3A_3599 = vector.shape_cast %swap3A_3598 : vector<1x16xf32> to vector<16xf32>
      %swap3A_3600 = vector.shape_cast %mul3A_3594 : vector<16xf32> to vector<1x16xf32>
      tpu.vector_store %arg6[%swap3A_3596, %swap3A_3597], %swap3A_3600 {strides = array<i32>} : memref<128x32xf32, #tpu.memory_space<vmem>>, vector<1x16xf32>,
      %mul3A_3601 = arith.constant 200 : i32
      %mul3A_3602 = arith.muli %add3A, %mul3A_3601 : i32
      %add3A_3603 = arith.addi %mul3A_3602, %scan3A_8 : i32
      %mul3A_3604 = arith.constant 128 : i32
      %mul3A_3605 = arith.muli %add3A_3603, %mul3A_3604 : i32
      %dma_start3A_3606 = arith.constant 0 : i32
      %dma_start3A_3607 = tpu.memref_slice %arg4[%mul3A_3605, %dma_start3A_3606] : memref<819200x32xf32, #tpu.memory_space<hbm>> -> memref<128x32xf32, #tpu.memory_space<hbm>>
      %dma_start3A_3608 = arith.constant 0 : i32
      %dma_start3A_3609 = tpu.memref_slice %arg4[%mul3A_3605, %dma_start3A_3608] : memref<819200x32xf32, #tpu.memory_space<hbm>> -> memref<128x32xf32, #tpu.memory_space<hbm>>
      tpu.enqueue_dma source(%arg6 : memref<128x32xf32, #tpu.memory_space<vmem>>) target(%dma_start3A_3609 : memref<128x32xf32, #tpu.memory_space<hbm>>) target_semaphore(%arg8 : memref<!tpu.dma_semaphore, #tpu.memory_space<semaphore_mem>>)
      %dma_wait3A_3610 = arith.constant 0 : i32
      %dma_wait3A_3611 = tpu.memref_slice %arg4[%mul3A_3605, %dma_wait3A_3610] : memref<819200x32xf32, #tpu.memory_space<hbm>> -> memref<128x32xf32, #tpu.memory_space<hbm>>
      %dma_wait3A_3612 = arith.constant 0 : i32
      %dma_wait3A_3613 = tpu.memref_slice %arg4[%mul3A_3605, %dma_wait3A_3612] : memref<819200x32xf32, #tpu.memory_space<hbm>> -> memref<128x32xf32, #tpu.memory_space<hbm>>
      tpu.wait_dma2 semaphore(%arg8 : memref<!tpu.dma_semaphore, #tpu.memory_space<semaphore_mem>>) src(%arg6 : memref<128x32xf32, #tpu.memory_space<vmem>>) dst(%dma_wait3A_3613 : memref<128x32xf32, #tpu.memory_space<hbm>>)
    }
    %scan3A_7 = arith.constant 200 : i32
    return
  }
}

</mosaic_0001>

<sc_bundles>
// kernel: kernel.3.cloned.1.call-start
scs
__scs_entry_jumppad:
0x0: {  	(pc) =	sbr.rel $0x88, $3  }
0x1: {  	(tag) =	ssettag $0x0;
	lr =	simm.s32 $0x1  }
0x2: {  	[smem:$0x3F9F] =	sst lr;
	_ =	strace $0xD0000000  }
0x3: {  	_ = 	snop  }
0x4: {  	_ = 	snop  }
0x5: {  	_ = 	snop  }
0x6: {  	_ = 	snop  }
0x7: {  	_ = 	snop  }
__scs_overlays_trampoline_lowered:
0x8: {  	[smem:$0x3FAE] =	sst s0  }
0x9: {  	[smem:$0x3FAF] =	sst s1  }
0xa: {  	[smem:$0x3FB0] =	sst s2  }
0xb: {  	[smem:$0x3FB1] =	sst s3  }
0xc: {  	[smem:$0x3FB2] =	sst s4  }
0xd: {  	[smem:$0x3FB3] =	sst s5  }
0xe: {  	[smem:$0x3FB4] =	sst s6  }
0xf: {  	[smem:$0x3FB5] =	sst s7  }
0x10: {  	[smem:$0x3FB6] =	sst s8  }
0x11: {  	[smem:$0x3FB7] =	sst s9;
	s0 =	simm.s32 @!p0 $0x0  }
0x12: {  	s1 =	sld [smem:$0x3F9D];
	s0 =	simm.s32 @p0 $0x1  }
0x13: {  	[smem:$0x3FB8] =	sst s0;
	s0 =	simm.s32 @!p1 $0x0  }
0x14: {  	s2 =	sld [smem:$0x3F9C];
	s0 =	simm.s32 @p1 $0x1  }
0x15: {  	[smem:$0x3FB9] =	sst s0;
	s0 =	simm.s32 @!p2 $0x0  }
0x16: {  	s3 =	sld [smem:$0x3FDB];
	s0 =	simm.s32 @p2 $0x1  }
0x17: {  	s4 =	simm.s32 $0x1BF5;
	[smem:$0x3FBB] =	sst s0  }
0x18: {  	s0 =	sld [smem:$0x3F9E];
	_ =	swait.ge [sflag:s4], $0x0  }
0x19: {  	s7 =	sld [smem:$0x3F9F]  }
0x1a: {  	s8 =	sadd.s32 $0xFFFFE003, lr  }
0x1b: {  	s9 =	sadd.s32 $0xFFFFFEF7, lr;
	s5 =	simm.s32 $0xFFFFFFFF;
	p2 =	slt.u32 s8, $0xFFFFF086  }
0x1c: {  	p1 =	slt.u32 s9, $0xF7A;
	s5 =	simm.s32 @!p2 $0x0  }
0x1d: {  	s5 =	simm.s32 @p1 $0x1;
	p0 =	seq.s32 s7, s2  }
0x1e: {  	s7 =	smul.u32 @!p0 $0xF7A, s2;
	p2 =	seq.s32 @!p0 s5, $0x0  }
0x1f: {  	s9 =	smul.u32 $0xF7A, s1;
	s8 =	simm.s32 @!p0 $0x1BF5;
	p2 =	por !p2, p0  }
0x20: {  	[sflag:s8] =	ssyncset.s32 @!p0 $0xFFFFF086;
	s6 =	sadd.s32 @!p0 s3, s7;
	s7 =	simm.s32 @!p0 $0x108  }
0x21: {  	s3 =	sadd.s32 s3, s9;
	s6 =	sadd.s32 @!p0 $0x88, s6;
	s7 =	simm.s32 @p2 $0x1082  }
0x22: {  	[simem:s7], [sflag:s8] =	dma.local @!p0 [hbm:s6], $0xF7A  }
0x23: {  	s9 =	sor.u32 $0xD0000000, s2;
	s6 =	simm.s32 $0x108;
	_ =	swait.ge @!p0 [sflag:s8], $0x0  }
0x24: {  	s3 =	sadd.s32 $0x88, s3;
	s6 =	simm.s32 @!p1 $0x1082;
	[sflag:s4] =	ssyncset.s32 $0xFFFFF086  }
0x25: {  	[simem:s6], [sflag:s4] =	dma.local [hbm:s3], $0xF7A  }
0x26: {  	[smem:$0x3F9F] =	sst s1;
	(tag) =	ssettag s2;
	_ =	strace s9  }
0x27: {  	s1 =	sld [smem:$0x3FAF]  }
0x28: {  	s2 =	sld [smem:$0x3FB0]  }
0x29: {  	s4 =	sld [smem:$0x3FB2]  }
0x2a: {  	p0 =	seq.s32 s5, $0x0;
	s5 =	sld [smem:$0x3FB3]  }
0x2b: {  	s6 =	sld [smem:$0x3FB4]  }
0x2c: {  	s7 =	sld [smem:$0x3FB5]  }
0x2d: {  	s3 =	simm.s32 $0x108;
	s8 =	sld [smem:$0x3FB6]  }
0x2e: {  	s3 =	simm.s32 @!p0 $0x1082;
	s9 =	sld [smem:$0x3FB7]  }
0x2f: {  	lr =	sadd.s32 s0, s3;
	s0 =	sld [smem:$0x3FAE]  }
0x30: {  	s3 =	sld [smem:$0x3FB1]  }
0x31: {  	[smem:$0x3FBA] =	sst s10  }
0x32: {  	s10 =	sld [smem:$0x3FB8];
	_ =	sdelay $0x3  }
0x33: {  	p0 =	seq.s32 s10, $0x1;
	s10 =	sld [smem:$0x3FBA];
	_ =	sdelay $0x3  }
0x34: {  	[smem:$0x3FBA] =	sst s10  }
0x35: {  	s10 =	sld [smem:$0x3FB9];
	_ =	sdelay $0x3  }
0x36: {  	p1 =	seq.s32 s10, $0x1;
	s10 =	sld [smem:$0x3FBA];
	_ =	sdelay $0x3  }
0x37: {  	[smem:$0x3FBA] =	sst s10  }
0x38: {  	s10 =	sld [smem:$0x3FBB]  }
0x39: {  	_ = 	snop;
	(pc) =	sbr.ind lr, $3  }
0x3a: {  	_ = 	snop  }
0x3b: {  	_ = 	snop  }
0x3c: {  	p2 =	seq.s32 s10, $0x1;
	s10 =	sld [smem:$0x3FBA]  }
0x3d: {  	_ =	shalt  }
0x3e: {  	_ =	shalt  }
0x3f: {  	_ =	shalt  }
0x40: {  	_ =	shalt  }
0x41: {  	_ =	shalt  }
0x42: {  	_ =	shalt  }
0x43: {  	_ =	shalt  }
0x44: {  	_ =	shalt  }
0x45: {  	_ =	shalt  }
0x46: {  	_ =	shalt  }
0x47: {  	_ =	shalt  }
0x48: {  	_ =	shalt  }
0x49: {  	_ =	shalt  }
0x4a: {  	_ =	shalt  }
0x4b: {  	_ =	shalt  }
0x4c: {  	_ =	shalt  }
0x4d: {  	_ =	shalt  }
0x4e: {  	_ =	shalt  }
0x4f: {  	_ =	shalt  }
0x50: {  	_ =	shalt  }
0x51: {  	_ =	shalt  }
0x52: {  	_ =	shalt  }
0x53: {  	_ =	shalt  }
0x54: {  	_ =	shalt  }
0x55: {  	_ =	shalt  }
0x56: {  	_ =	shalt  }
0x57: {  	_ =	shalt  }
0x58: {  	_ =	shalt  }
0x59: {  	_ =	shalt  }
0x5a: {  	_ =	shalt  }
0x5b: {  	_ =	shalt  }
0x5c: {  	_ =	shalt  }
0x5d: {  	_ =	shalt  }
0x5e: {  	_ =	shalt  }
0x5f: {  	_ =	shalt  }
0x60: {  	_ =	shalt  }
0x61: {  	_ =	shalt  }
0x62: {  	_ =	shalt  }
0x63: {  	_ =	shalt  }
0x64: {  	_ =	shalt  }
0x65: {  	_ =	shalt  }
0x66: {  	_ =	shalt  }
0x67: {  	_ =	shalt  }
0x68: {  	_ =	shalt  }
0x69: {  	_ =	shalt  }
0x6a: {  	_ =	shalt  }
0x6b: {  	_ =	shalt  }
0x6c: {  	_ =	shalt  }
0x6d: {  	_ =	shalt  }
0x6e: {  	_ =	shalt  }
0x6f: {  	_ =	shalt  }
0x70: {  	_ =	shalt  }
0x71: {  	_ =	shalt  }
0x72: {  	_ =	shalt  }
0x73: {  	_ =	shalt  }
0x74: {  	_ =	shalt  }
0x75: {  	_ =	shalt  }
0x76: {  	_ =	shalt  }
0x77: {  	_ =	shalt  }
0x78: {  	_ =	shalt  }
0x79: {  	_ =	shalt  }
0x7a: {  	_ =	shalt  }
0x7b: {  	_ =	shalt  }
0x7c: {  	_ =	shalt  }
0x7d: {  	_ =	shalt  }
0x7e: {  	_ =	shalt  }
0x7f: {  	_ =	shalt  }
0x80: {  	_ =	shalt  }
0x81: {  	_ =	shalt  }
0x82: {  	_ =	shalt  }
0x83: {  	_ =	shalt  }
0x84: {  	_ =	shalt  }
0x85: {  	_ =	shalt  }
0x86: {  	_ =	shalt  }
0x87: {  	_ =	shalt  }
.Lfunc_end0:
.L_simem_size_0:
called_computation.2_lowered:
.L_overlay_start_0:
0x88: {  	s2 =	sld [smem:$0x3FD9]  }
0x89: {  	s3 =	sld [smem:$0x3FFE];
	_ =	sdelay $0x1  }
0x8a: {  	s1 =	srdreg.scid  }
0x8b: {  	s0 =	sand.u32 $0x1, s1  }
0x8c: {  	s17 =	sshll.u32 s0, $0xA;
	s2 =	sadd.s32 s3, s2  }
0x8d: {  	s2 =	sadd.s32 s2, s17  }
0x8e: {  	[smem:$0x3FC6] =	sst s2  }
0x8f: {  	_ = 	snop  }
0x90: {  	s2 =	sld [smem:$0x3FD0];
	(tm) =	ssettm $0x1  }
0x91: {  	s18 =	sld [smem:$0x3FFB];
	_ =	sdelay $0x3  }
0x92: {  	_ =	strace s18  }
0x93: {  	s3 =	sld [smem:$0x3FFC];
	_ =	sdelay $0x3  }
0x94: {  	_ =	strace s3  }
0x95: {  	s3 =	sld [smem:$0x3FFD];
	_ =	sdelay $0x3  }
0x96: {  	_ =	strace s3  }
0x97: {  	_ =	strace $0x8FFFFFFF  }
0x98: {  	s19 =	sld [smem:$0x3FDB];
	_ =	sdelay $0x1  }
0x99: {  	s4 =	simm.s32 $_scs_section_size  }
0x9a: {  	s5 =	simm.s32 $_size__tile_overlayer_lowered;
	s6 =	simm.s32 $_tile_overlayer_lowered  }
0x9b: {  	s22 =	simm.s32 $0x1BFF;
	s21 =	sshll.u32 s6, $0x1;
	s3 =	sadd.s32 s4, s19  }
0x9c: {  	s7 =	simm.s32 $0x0;
	s20 =	sshll.u32 s5, $0x1;
	s5 =	sadd.s32 s21, s3  }
0x9d: {  	[timem:s7], [sflag:s22] =	dma.local [hbm:s5], s20  }
0x9e: {  	_ =	swait.ge [sflag:s22], s20  }
0x9f: {  	s4 =	ssub.s32 $0x0, s20;
	[sflag:s22] =	ssyncset.done $0x0  }
0xa0: {  	[sflag:s22] =	ssyncadd.s32 s4;
	_ =	sdelay $0x1  }
0xa1: {  	s23 =	simm.s32 $0x1B8B  }
0xa2: {  	_ =	swait.ge [sflag:s23], $0x1  }
0xa3: {  	[sflag:s23] =	ssyncset.done $0x0  }
0xa4: {  	s25 =	simm.s32 $0x1B8E;
	s24 =	sld [smem:$0x3FFE];
	[sflag:s23] =	ssyncadd.s32 $0xFFFFFFFF  }
0xa5: {  	s26 =	simm.s32 $execute0_lowered;
	[smem:$0x3FD2] =	sst s25  }
0xa6: {  	s5 =	sshll.u32 s26, $0x1;
	_ =	strace $0x80000046;
	[dreg:$0x1] =	wrdreg $0xFFFFFFFF  }
0xa7: {  	s28 =	simm.s32 $_size_execute0_lowered;
	s3 =	sadd.s32 s3, s5;
	[dreg:$0x0] =	wrdreg $0x0  }
0xa8: {  	s5 =	sshll.u32 s28, $0x1;
	[dreg:$0x2] =	wrdreg s3  }
0xa9: {  	[dreg:$0x3] =	wrdreg s5  }
0xaa: {  	[dreg:$0x4] =	wrdreg $0xC0  }
0xab: {  	_ =	task [dreg:s7], $0x5FFFF  }
0xac: {  	[dreg:$0x1] =	wrdreg $0xFFFFFFFF  }
0xad: {  	[dreg:$0x0] =	wrdreg $0x60  }
0xae: {  	[dreg:$0x2] =	wrdreg s24  }
0xaf: {  	[dreg:$0x3] =	wrdreg s2  }
0xb0: {  	[dreg:$0x4] =	wrdreg $0x9  }
0xb1: {  	_ =	task.clear_ibuf [dreg:s7], $0x5FFFF;
	_ =	strace $0x90000046  }
0xb2: {  	s29 =	simm.s32 $0x9;
	_ =	strace $0x80000048  }
0xb3: {  	_ =	swait.ge [sflag:s29], $0x1  }
0xb4: {  	[sflag:s29] =	ssyncadd.s32 $0xFFFFFFFF  }
0xb5: {  	_ =	strace $0x90000048  }
0xb6: {  	_ =	sfence  }
0xb7: {  	s30 =	sld [smem:$0x0];
	_ =	sdelay $0x2  }
0xb8: {  	s31 =	sshll.u32 s1, $0xD;
	s1 =	sshrl.u32 s1, $0x2  }
0xb9: {  	s3 =	sand.u32 $0x4000, s31;
	s1 =	sadd.s32 s1, s30  }
0xba: {  	s0 =	sor.u32 s3, s0;
	s1 =	sshll.u32 s1, $0x11  }
0xbb: {  	s0 =	sor.u32 s1, s0  }
0xbc: {  	s0 =	sadd.s32 $0x8F2B, s0  }
0xbd: {  	[sflag:s0] =	ssyncadd.remote.s32 $0x1  }
0xbe: {  	_ =	sfence.sel $0xFFFF  }
0xbf: {  	[dreg:$0x0] =	wrdreg $0xFFFFFFFF;
	(pc) =	sbr.abs _section_cstart, $3  }
0xc0: {  	[dreg:$0x1] =	wrdreg $0xFFFFFFFF  }
0xc1: {  	_ =	task.clear_ibuf [dreg:s7], $0x2FFFF;
	_ =	strace $0x9FFFFFFF  }
0xc2: {  	(tm) =	ssettm $0x7FFFFFFF  }
0xc3: {  	_ =	shalt  }
tec
execute0_lowered:
.L_overlay_start_1:
0x0: {  	(tag) =	ssettag $0x1  }
0x1: {  	s4 =	rddreg [dreg:$0x0];
	s1 =	srdreg.scid  }
0x2: {  	s0 =	stileid.u32;
	s5 =	rddreg [dreg:$0x1];
	s2 =	simm.s32 $0x0  }
0x3: {  	s11 =	simm.s32 $0x2;
	s12 =	simm.s32 $0x0;
	s6 =	sand.u32 $0x1, s1  }
0x4: {  	s3 =	sshll.u32 s0, $0x1;
	[smem:$0x7FF] =	sst s2;
	s9 =	smul.u32 $0x32000, s0  }
0x5: {  	s3 =	sor.u32 s6, s3;
	s8 =	ssub.s32 $0x2, s6;
	s6 =	smul.u32 $0x19000, s6  }
0x6: {  	s1 =	rddreg [dreg:$0x2];
	_ =	strace $0x80000047;
	s7 =	smul.u32 $0xC80, s3  }
0x7: {  	s3 =	sadd.s32 $0xF43200, s4;
	s10 =	sshrl.u32 s8, $0x1;
	s31 =	sadd.s32 s9, s5  }
0x8: {  	s9 =	simm.s32 $0x6400;
	s30 =	ssub.s32 s8, s10;
	s6 =	sadd.s32 s6, s31  }
0x9: {  	s8 =	simm.s32 $0x80;
	s10 =	simm.s32 $0x1;
	s4 =	sadd.s32 s7, s4  }
0xa: {  	s5 =	smax.u32 s30, $0x1;
	s7 =	simm.s32 $0x3;
	s4 =	sadd.s32 $0xE00, s4  }
.LBB2_1:
0xb: {  	[tilespmem:s2], [sflag:$0x3] =	stream.linear.gather [hbm4b:s4+s2], $0x6400, $0x38;
	[tilespmem:$0x7400] =	vst v63  }
0xc: {  	_ =	swait.ge [sflag:s7], $0x6400  }
0xd: {  	[sflag:s7] =	ssyncset.done $0x0  }
0xe: {  	s13 =	simm.s32 $0x0;
	[sflag:s7] =	ssyncadd.s32 $0xFFFF9C00  }
.LBB2_2:
0xf: {  	s14 =	sshra.s32 s13, $0x2  }
0x10: {  	[tilespmem:s9], [sflag:$0x1] =	stream.indirect.gather [hbm4b:s3+s8], $0x20, s14, s8, $0xb8;
	[tilespmem:$0x7400] =	vst v63  }
0x11: {  	_ =	swait.ge [sflag:s10], $0x1000  }
0x12: {  	[sflag:s10] =	ssyncset.done $0x0  }
0x13: {  	[sflag:s10] =	ssyncadd.s32 $0xFFFFF000  }
0x14: {  	v0 =	vld [tilespmem:$0x6400]  }
0x15: {  	v1 =	vld [tilespmem:$0x6410]  }
0x16: {  	v2 =	vld [tilespmem:$0x6420]  }
0x17: {  	v3 =	vld [tilespmem:$0x6430]  }
0x18: {  	v4 =	vld [tilespmem:$0x6440]  }
0x19: {  	v5 =	vld [tilespmem:$0x6450];
	v0 =	vmul.f32 $5.656854150e+00, v0  }
0x1a: {  	v6 =	vld [tilespmem:$0x6460];
	v1 =	vmul.f32 $5.656854150e+00, v1  }
0x1b: {  	v62 =	vld [tilespmem:$0x6470];
	v61 =	vmul.f32 $5.656854150e+00, v2;
	[tilespmem:$0x6400] =	vst v0  }
0x1c: {  	v63 =	vmul.f32 $5.656854150e+00, v3;
	[tilespmem:$0x6410] =	vst v1  }
0x1d: {  	v7 =	vmul.f32 $5.656854150e+00, v4;
	[tilespmem:$0x6420] =	vst v61  }
0x1e: {  	v8 =	vmul.f32 $5.656854150e+00, v5;
	[tilespmem:$0x6430] =	vst v63  }
0x1f: {  	v9 =	vmul.f32 $5.656854150e+00, v6;
	[tilespmem:$0x6440] =	vst v7  }
0x20: {  	v10 =	vmul.f32 $5.656854150e+00, v62;
	[tilespmem:$0x6450] =	vst v8  }
0x21: {  	[tilespmem:$0x6460] =	vst v9  }
0x22: {  	[tilespmem:$0x6470] =	vst v10  }
0x23: {  	v11 =	vld [tilespmem:$0x6480]  }
0x24: {  	v1 =	vld [tilespmem:$0x6490]  }
0x25: {  	v12 =	vld [tilespmem:$0x64A0]  }
0x26: {  	v13 =	vld [tilespmem:$0x64B0]  }
0x27: {  	v14 =	vld [tilespmem:$0x64C0]  }
0x28: {  	v15 =	vld [tilespmem:$0x64D0];
	v0 =	vmul.f32 $5.656854150e+00, v11  }
0x29: {  	v16 =	vld [tilespmem:$0x64E0];
	v1 =	vmul.f32 $5.656854150e+00, v1  }
0x2a: {  	v18 =	vld [tilespmem:$0x64F0];
	v17 =	vmul.f32 $5.656854150e+00, v12;
	[tilespmem:$0x6480] =	vst v0  }
0x2b: {  	v20 =	vld [tilespmem:$0x6500];
	v19 =	vmul.f32 $5.656854150e+00, v13;
	[tilespmem:$0x6490] =	vst v1  }
0x2c: {  	v22 =	vld [tilespmem:$0x6510];
	v21 =	vmul.f32 $5.656854150e+00, v14;
	[tilespmem:$0x64A0] =	vst v17  }
0x2d: {  	v24 =	vld [tilespmem:$0x6520];
	v23 =	vmul.f32 $5.656854150e+00, v15;
	[tilespmem:$0x64B0] =	vst v19  }
0x2e: {  	v26 =	vld [tilespmem:$0x6530];
	v25 =	vmul.f32 $5.656854150e+00, v16;
	[tilespmem:$0x64C0] =	vst v21  }
0x2f: {  	v28 =	vld [tilespmem:$0x6540];
	v27 =	vmul.f32 $5.656854150e+00, v18;
	[tilespmem:$0x64D0] =	vst v23  }
0x30: {  	v30 =	vld [tilespmem:$0x6550];
	v29 =	vmul.f32 $5.656854150e+00, v20;
	[tilespmem:$0x64E0] =	vst v25  }
0x31: {  	v32 =	vld [tilespmem:$0x6560];
	v31 =	vmul.f32 $5.656854150e+00, v22;
	[tilespmem:$0x64F0] =	vst v27  }
0x32: {  	v34 =	vld [tilespmem:$0x6570];
	v33 =	vmul.f32 $5.656854150e+00, v24;
	[tilespmem:$0x6500] =	vst v29  }
0x33: {  	v36 =	vld [tilespmem:$0x6580];
	v35 =	vmul.f32 $5.656854150e+00, v26;
	[tilespmem:$0x6510] =	vst v31  }
0x34: {  	v38 =	vld [tilespmem:$0x6590];
	v37 =	vmul.f32 $5.656854150e+00, v28;
	[tilespmem:$0x6520] =	vst v33  }
0x35: {  	v40 =	vld [tilespmem:$0x65A0];
	v39 =	vmul.f32 $5.656854150e+00, v30;
	[tilespmem:$0x6530] =	vst v35  }
0x36: {  	v42 =	vld [tilespmem:$0x65B0];
	v41 =	vmul.f32 $5.656854150e+00, v32;
	[tilespmem:$0x6540] =	vst v37  }
0x37: {  	v44 =	vld [tilespmem:$0x65C0];
	v43 =	vmul.f32 $5.656854150e+00, v34;
	[tilespmem:$0x6550] =	vst v39  }
0x38: {  	v46 =	vld [tilespmem:$0x65D0];
	v45 =	vmul.f32 $5.656854150e+00, v36;
	[tilespmem:$0x6560] =	vst v41  }
0x39: {  	v48 =	vld [tilespmem:$0x65E0];
	v47 =	vmul.f32 $5.656854150e+00, v38;
	[tilespmem:$0x6570] =	vst v43  }
0x3a: {  	v50 =	vld [tilespmem:$0x65F0];
	v49 =	vmul.f32 $5.656854150e+00, v40;
	[tilespmem:$0x6580] =	vst v45  }
0x3b: {  	v52 =	vld [tilespmem:$0x6600];
	v51 =	vmul.f32 $5.656854150e+00, v42;
	[tilespmem:$0x6590] =	vst v47  }
0x3c: {  	v54 =	vld [tilespmem:$0x6610];
	v53 =	vmul.f32 $5.656854150e+00, v44;
	[tilespmem:$0x65A0] =	vst v49  }
0x3d: {  	v56 =	vld [tilespmem:$0x6620];
	v55 =	vmul.f32 $5.656854150e+00, v46;
	[tilespmem:$0x65B0] =	vst v51  }
0x3e: {  	v58 =	vld [tilespmem:$0x6630];
	v57 =	vmul.f32 $5.656854150e+00, v48;
	[tilespmem:$0x65C0] =	vst v53  }
0x3f: {  	v60 =	vld [tilespmem:$0x6640];
	v59 =	vmul.f32 $5.656854150e+00, v50;
	[tilespmem:$0x65D0] =	vst v55  }
0x40: {  	v62 =	vld [tilespmem:$0x6650];
	v61 =	vmul.f32 $5.656854150e+00, v52;
	[tilespmem:$0x65E0] =	vst v57  }
0x41: {  	v9 =	vld [tilespmem:$0x6660];
	v63 =	vmul.f32 $5.656854150e+00, v54;
	[tilespmem:$0x65F0] =	vst v59  }
0x42: {  	v10 =	vmul.f32 $5.656854150e+00, v56;
	v11 =	vld [tilespmem:$0x6670];
	[tilespmem:$0x6600] =	vst v61  }
0x43: {  	v12 =	vmul.f32 $5.656854150e+00, v58;
	v13 =	vld [tilespmem:$0x6680];
	[tilespmem:$0x6610] =	vst v63  }
0x44: {  	v14 =	vmul.f32 $5.656854150e+00, v60;
	v15 =	vld [tilespmem:$0x6690];
	[tilespmem:$0x6620] =	vst v10  }
0x45: {  	v16 =	vmul.f32 $5.656854150e+00, v62;
	[tilespmem:$0x6630] =	vst v12;
	v17 =	vld [tilespmem:$0x66A0]  }
0x46: {  	v18 =	vmul.f32 $5.656854150e+00, v9;
	[tilespmem:$0x6640] =	vst v14;
	v19 =	vld [tilespmem:$0x66B0]  }
0x47: {  	[tilespmem:$0x6650] =	vst v16;
	v21 =	vld [tilespmem:$0x66C0];
	v20 =	vmul.f32 $5.656854150e+00, v11  }
0x48: {  	[tilespmem:$0x6660] =	vst v18;
	v23 =	vld [tilespmem:$0x66D0];
	v22 =	vmul.f32 $5.656854150e+00, v13  }
0x49: {  	v25 =	vld [tilespmem:$0x66E0];
	v24 =	vmul.f32 $5.656854150e+00, v15;
	[tilespmem:$0x6670] =	vst v20  }
0x4a: {  	v27 =	vld [tilespmem:$0x66F0];
	[tilespmem:$0x6680] =	vst v22;
	v26 =	vmul.f32 $5.656854150e+00, v17  }
0x4b: {  	v29 =	vld [tilespmem:$0x6700];
	[tilespmem:$0x6690] =	vst v24;
	v28 =	vmul.f32 $5.656854150e+00, v19  }
0x4c: {  	v31 =	vld [tilespmem:$0x6710];
	v30 =	vmul.f32 $5.656854150e+00, v21;
	[tilespmem:$0x66A0] =	vst v26  }
0x4d: {  	v33 =	vld [tilespmem:$0x6720];
	v32 =	vmul.f32 $5.656854150e+00, v23;
	[tilespmem:$0x66B0] =	vst v28  }
0x4e: {  	v35 =	vld [tilespmem:$0x6730];
	v34 =	vmul.f32 $5.656854150e+00, v25;
	[tilespmem:$0x66C0] =	vst v30  }
0x4f: {  	v37 =	vld [tilespmem:$0x6740];
	v36 =	vmul.f32 $5.656854150e+00, v27;
	[tilespmem:$0x66D0] =	vst v32  }
0x50: {  	v39 =	vld [tilespmem:$0x6750];
	v38 =	vmul.f32 $5.656854150e+00, v29;
	[tilespmem:$0x66E0] =	vst v34  }
0x51: {  	v41 =	vld [tilespmem:$0x6760];
	v40 =	vmul.f32 $5.656854150e+00, v31;
	[tilespmem:$0x66F0] =	vst v36  }
0x52: {  	v43 =	vld [tilespmem:$0x6770];
	v42 =	vmul.f32 $5.656854150e+00, v33;
	[tilespmem:$0x6700] =	vst v38  }
0x53: {  	v45 =	vld [tilespmem:$0x6780];
	v44 =	vmul.f32 $5.656854150e+00, v35;
	[tilespmem:$0x6710] =	vst v40  }
0x54: {  	v47 =	vld [tilespmem:$0x6790];
	v46 =	vmul.f32 $5.656854150e+00, v37;
	[tilespmem:$0x6720] =	vst v42  }
0x55: {  	v49 =	vld [tilespmem:$0x67A0];
	v48 =	vmul.f32 $5.656854150e+00, v39;
	[tilespmem:$0x6730] =	vst v44  }
0x56: {  	v51 =	vld [tilespmem:$0x67B0];
	v50 =	vmul.f32 $5.656854150e+00, v41;
	[tilespmem:$0x6740] =	vst v46  }
0x57: {  	v53 =	vld [tilespmem:$0x67C0];
	v52 =	vmul.f32 $5.656854150e+00, v43;
	[tilespmem:$0x6750] =	vst v48  }
0x58: {  	v55 =	vld [tilespmem:$0x67D0];
	v54 =	vmul.f32 $5.656854150e+00, v45;
	[tilespmem:$0x6760] =	vst v50  }
0x59: {  	v57 =	vld [tilespmem:$0x67E0];
	v56 =	vmul.f32 $5.656854150e+00, v47;
	[tilespmem:$0x6770] =	vst v52  }
0x5a: {  	v59 =	vld [tilespmem:$0x67F0];
	v58 =	vmul.f32 $5.656854150e+00, v49;
	[tilespmem:$0x6780] =	vst v54  }
0x5b: {  	v61 =	vld [tilespmem:$0x6800];
	v60 =	vmul.f32 $5.656854150e+00, v51;
	[tilespmem:$0x6790] =	vst v56  }
0x5c: {  	v63 =	vld [tilespmem:$0x6810];
	v62 =	vmul.f32 $5.656854150e+00, v53;
	[tilespmem:$0x67A0] =	vst v58  }
0x5d: {  	v10 =	vld [tilespmem:$0x6820];
	v9 =	vmul.f32 $5.656854150e+00, v55;
	[tilespmem:$0x67B0] =	vst v60  }
0x5e: {  	v12 =	vld [tilespmem:$0x6830];
	v11 =	vmul.f32 $5.656854150e+00, v57;
	[tilespmem:$0x67C0] =	vst v62  }
0x5f: {  	v14 =	vld [tilespmem:$0x6840];
	v13 =	vmul.f32 $5.656854150e+00, v59;
	[tilespmem:$0x67D0] =	vst v9  }
0x60: {  	v16 =	vld [tilespmem:$0x6850];
	v15 =	vmul.f32 $5.656854150e+00, v61;
	[tilespmem:$0x67E0] =	vst v11  }
0x61: {  	v18 =	vld [tilespmem:$0x6860];
	v17 =	vmul.f32 $5.656854150e+00, v63;
	[tilespmem:$0x67F0] =	vst v13  }
0x62: {  	v19 =	vmul.f32 $5.656854150e+00, v10;
	v20 =	vld [tilespmem:$0x6870];
	[tilespmem:$0x6800] =	vst v15  }
0x63: {  	v21 =	vmul.f32 $5.656854150e+00, v12;
	v22 =	vld [tilespmem:$0x6880];
	[tilespmem:$0x6810] =	vst v17  }
0x64: {  	v23 =	vmul.f32 $5.656854150e+00, v14;
	v24 =	vld [tilespmem:$0x6890];
	[tilespmem:$0x6820] =	vst v19  }
0x65: {  	v25 =	vmul.f32 $5.656854150e+00, v16;
	[tilespmem:$0x6830] =	vst v21;
	v26 =	vld [tilespmem:$0x68A0]  }
0x66: {  	v27 =	vmul.f32 $5.656854150e+00, v18;
	[tilespmem:$0x6840] =	vst v23;
	v28 =	vld [tilespmem:$0x68B0]  }
0x67: {  	[tilespmem:$0x6850] =	vst v25;
	v30 =	vld [tilespmem:$0x68C0];
	v29 =	vmul.f32 $5.656854150e+00, v20  }
0x68: {  	[tilespmem:$0x6860] =	vst v27;
	v32 =	vld [tilespmem:$0x68D0];
	v31 =	vmul.f32 $5.656854150e+00, v22  }
0x69: {  	v34 =	vld [tilespmem:$0x68E0];
	v33 =	vmul.f32 $5.656854150e+00, v24;
	[tilespmem:$0x6870] =	vst v29  }
0x6a: {  	v36 =	vld [tilespmem:$0x68F0];
	[tilespmem:$0x6880] =	vst v31;
	v35 =	vmul.f32 $5.656854150e+00, v26  }
0x6b: {  	v38 =	vld [tilespmem:$0x6900];
	[tilespmem:$0x6890] =	vst v33;
	v37 =	vmul.f32 $5.656854150e+00, v28  }
0x6c: {  	v40 =	vld [tilespmem:$0x6910];
	v39 =	vmul.f32 $5.656854150e+00, v30;
	[tilespmem:$0x68A0] =	vst v35  }
0x6d: {  	v42 =	vld [tilespmem:$0x6920];
	v41 =	vmul.f32 $5.656854150e+00, v32;
	[tilespmem:$0x68B0] =	vst v37  }
0x6e: {  	v44 =	vld [tilespmem:$0x6930];
	v43 =	vmul.f32 $5.656854150e+00, v34;
	[tilespmem:$0x68C0] =	vst v39  }
0x6f: {  	v46 =	vld [tilespmem:$0x6940];
	v45 =	vmul.f32 $5.656854150e+00, v36;
	[tilespmem:$0x68D0] =	vst v41  }
0x70: {  	v48 =	vld [tilespmem:$0x6950];
	v47 =	vmul.f32 $5.656854150e+00, v38;
	[tilespmem:$0x68E0] =	vst v43  }
0x71: {  	v50 =	vld [tilespmem:$0x6960];
	v49 =	vmul.f32 $5.656854150e+00, v40;
	[tilespmem:$0x68F0] =	vst v45  }
0x72: {  	v52 =	vld [tilespmem:$0x6970];
	v51 =	vmul.f32 $5.656854150e+00, v42;
	[tilespmem:$0x6900] =	vst v47  }
0x73: {  	v54 =	vld [tilespmem:$0x6980];
	v53 =	vmul.f32 $5.656854150e+00, v44;
	[tilespmem:$0x6910] =	vst v49  }
0x74: {  	v56 =	vld [tilespmem:$0x6990];
	v55 =	vmul.f32 $5.656854150e+00, v46;
	[tilespmem:$0x6920] =	vst v51  }
0x75: {  	v58 =	vld [tilespmem:$0x69A0];
	v57 =	vmul.f32 $5.656854150e+00, v48;
	[tilespmem:$0x6930] =	vst v53  }
0x76: {  	v60 =	vld [tilespmem:$0x69B0];
	v59 =	vmul.f32 $5.656854150e+00, v50;
	[tilespmem:$0x6940] =	vst v55  }
0x77: {  	v62 =	vld [tilespmem:$0x69C0];
	v61 =	vmul.f32 $5.656854150e+00, v52;
	[tilespmem:$0x6950] =	vst v57  }
0x78: {  	v9 =	vld [tilespmem:$0x69D0];
	v63 =	vmul.f32 $5.656854150e+00, v54;
	[tilespmem:$0x6960] =	vst v59  }
0x79: {  	v11 =	vld [tilespmem:$0x69E0];
	v10 =	vmul.f32 $5.656854150e+00, v56;
	[tilespmem:$0x6970] =	vst v61  }
0x7a: {  	v13 =	vld [tilespmem:$0x69F0];
	v12 =	vmul.f32 $5.656854150e+00, v58;
	[tilespmem:$0x6980] =	vst v63  }
0x7b: {  	v15 =	vld [tilespmem:$0x6A00];
	v14 =	vmul.f32 $5.656854150e+00, v60;
	[tilespmem:$0x6990] =	vst v10  }
0x7c: {  	v17 =	vld [tilespmem:$0x6A10];
	v16 =	vmul.f32 $5.656854150e+00, v62;
	[tilespmem:$0x69A0] =	vst v12  }
0x7d: {  	v19 =	vld [tilespmem:$0x6A20];
	v18 =	vmul.f32 $5.656854150e+00, v9;
	[tilespmem:$0x69B0] =	vst v14  }
0x7e: {  	v21 =	vld [tilespmem:$0x6A30];
	v20 =	vmul.f32 $5.656854150e+00, v11;
	[tilespmem:$0x69C0] =	vst v16  }
0x7f: {  	v23 =	vld [tilespmem:$0x6A40];
	v22 =	vmul.f32 $5.656854150e+00, v13;
	[tilespmem:$0x69D0] =	vst v18  }
0x80: {  	v25 =	vld [tilespmem:$0x6A50];
	v24 =	vmul.f32 $5.656854150e+00, v15;
	[tilespmem:$0x69E0] =	vst v20  }
0x81: {  	v27 =	vld [tilespmem:$0x6A60];
	v26 =	vmul.f32 $5.656854150e+00, v17;
	[tilespmem:$0x69F0] =	vst v22  }
0x82: {  	v28 =	vmul.f32 $5.656854150e+00, v19;
	v29 =	vld [tilespmem:$0x6A70];
	[tilespmem:$0x6A00] =	vst v24  }
0x83: {  	v30 =	vmul.f32 $5.656854150e+00, v21;
	v31 =	vld [tilespmem:$0x6A80];
	[tilespmem:$0x6A10] =	vst v26  }
0x84: {  	v32 =	vmul.f32 $5.656854150e+00, v23;
	v33 =	vld [tilespmem:$0x6A90];
	[tilespmem:$0x6A20] =	vst v28  }
0x85: {  	v34 =	vmul.f32 $5.656854150e+00, v25;
	[tilespmem:$0x6A30] =	vst v30;
	v35 =	vld [tilespmem:$0x6AA0]  }
0x86: {  	v36 =	vmul.f32 $5.656854150e+00, v27;
	[tilespmem:$0x6A40] =	vst v32;
	v37 =	vld [tilespmem:$0x6AB0]  }
0x87: {  	[tilespmem:$0x6A50] =	vst v34;
	v39 =	vld [tilespmem:$0x6AC0];
	v38 =	vmul.f32 $5.656854150e+00, v29  }
0x88: {  	[tilespmem:$0x6A60] =	vst v36;
	v41 =	vld [tilespmem:$0x6AD0];
	v40 =	vmul.f32 $5.656854150e+00, v31  }
0x89: {  	v43 =	vld [tilespmem:$0x6AE0];
	v42 =	vmul.f32 $5.656854150e+00, v33;
	[tilespmem:$0x6A70] =	vst v38  }
0x8a: {  	v45 =	vld [tilespmem:$0x6AF0];
	[tilespmem:$0x6A80] =	vst v40;
	v44 =	vmul.f32 $5.656854150e+00, v35  }
0x8b: {  	v47 =	vld [tilespmem:$0x6B00];
	[tilespmem:$0x6A90] =	vst v42;
	v46 =	vmul.f32 $5.656854150e+00, v37  }
0x8c: {  	v49 =	vld [tilespmem:$0x6B10];
	v48 =	vmul.f32 $5.656854150e+00, v39;
	[tilespmem:$0x6AA0] =	vst v44  }
0x8d: {  	v51 =	vld [tilespmem:$0x6B20];
	v50 =	vmul.f32 $5.656854150e+00, v41;
	[tilespmem:$0x6AB0] =	vst v46  }
0x8e: {  	v53 =	vld [tilespmem:$0x6B30];
	v52 =	vmul.f32 $5.656854150e+00, v43;
	[tilespmem:$0x6AC0] =	vst v48  }
0x8f: {  	v55 =	vld [tilespmem:$0x6B40];
	v54 =	vmul.f32 $5.656854150e+00, v45;
	[tilespmem:$0x6AD0] =	vst v50  }
0x90: {  	v57 =	vld [tilespmem:$0x6B50];
	v56 =	vmul.f32 $5.656854150e+00, v47;
	[tilespmem:$0x6AE0] =	vst v52  }
0x91: {  	v59 =	vld [tilespmem:$0x6B60];
	v58 =	vmul.f32 $5.656854150e+00, v49;
	[tilespmem:$0x6AF0] =	vst v54  }
0x92: {  	v61 =	vld [tilespmem:$0x6B70];
	v60 =	vmul.f32 $5.656854150e+00, v51;
	[tilespmem:$0x6B00] =	vst v56  }
0x93: {  	v63 =	vld [tilespmem:$0x6B80];
	v62 =	vmul.f32 $5.656854150e+00, v53;
	[tilespmem:$0x6B10] =	vst v58  }
0x94: {  	v10 =	vld [tilespmem:$0x6B90];
	v9 =	vmul.f32 $5.656854150e+00, v55;
	[tilespmem:$0x6B20] =	vst v60  }
0x95: {  	v12 =	vld [tilespmem:$0x6BA0];
	v11 =	vmul.f32 $5.656854150e+00, v57;
	[tilespmem:$0x6B30] =	vst v62  }
0x96: {  	v14 =	vld [tilespmem:$0x6BB0];
	v13 =	vmul.f32 $5.656854150e+00, v59;
	[tilespmem:$0x6B40] =	vst v9  }
0x97: {  	v16 =	vld [tilespmem:$0x6BC0];
	v15 =	vmul.f32 $5.656854150e+00, v61;
	[tilespmem:$0x6B50] =	vst v11  }
0x98: {  	v18 =	vld [tilespmem:$0x6BD0];
	v17 =	vmul.f32 $5.656854150e+00, v63;
	[tilespmem:$0x6B60] =	vst v13  }
0x99: {  	v20 =	vld [tilespmem:$0x6BE0];
	v19 =	vmul.f32 $5.656854150e+00, v10;
	[tilespmem:$0x6B70] =	vst v15  }
0x9a: {  	v22 =	vld [tilespmem:$0x6BF0];
	v21 =	vmul.f32 $5.656854150e+00, v12;
	[tilespmem:$0x6B80] =	vst v17  }
0x9b: {  	v24 =	vld [tilespmem:$0x6C00];
	v23 =	vmul.f32 $5.656854150e+00, v14;
	[tilespmem:$0x6B90] =	vst v19  }
0x9c: {  	v26 =	vld [tilespmem:$0x6C10];
	v25 =	vmul.f32 $5.656854150e+00, v16;
	[tilespmem:$0x6BA0] =	vst v21  }
0x9d: {  	v28 =	vld [tilespmem:$0x6C20];
	v27 =	vmul.f32 $5.656854150e+00, v18;
	[tilespmem:$0x6BB0] =	vst v23  }
0x9e: {  	v30 =	vld [tilespmem:$0x6C30];
	v29 =	vmul.f32 $5.656854150e+00, v20;
	[tilespmem:$0x6BC0] =	vst v25  }
0x9f: {  	v32 =	vld [tilespmem:$0x6C40];
	v31 =	vmul.f32 $5.656854150e+00, v22;
	[tilespmem:$0x6BD0] =	vst v27  }
0xa0: {  	v34 =	vld [tilespmem:$0x6C50];
	v33 =	vmul.f32 $5.656854150e+00, v24;
	[tilespmem:$0x6BE0] =	vst v29  }
0xa1: {  	v36 =	vld [tilespmem:$0x6C60];
	v35 =	vmul.f32 $5.656854150e+00, v26;
	[tilespmem:$0x6BF0] =	vst v31  }
0xa2: {  	v37 =	vmul.f32 $5.656854150e+00, v28;
	v38 =	vld [tilespmem:$0x6C70];
	[tilespmem:$0x6C00] =	vst v33  }
0xa3: {  	v39 =	vmul.f32 $5.656854150e+00, v30;
	v40 =	vld [tilespmem:$0x6C80];
	[tilespmem:$0x6C10] =	vst v35  }
0xa4: {  	v41 =	vmul.f32 $5.656854150e+00, v32;
	v42 =	vld [tilespmem:$0x6C90];
	[tilespmem:$0x6C20] =	vst v37  }
0xa5: {  	v43 =	vmul.f32 $5.656854150e+00, v34;
	[tilespmem:$0x6C30] =	vst v39;
	v44 =	vld [tilespmem:$0x6CA0]  }
0xa6: {  	v45 =	vmul.f32 $5.656854150e+00, v36;
	[tilespmem:$0x6C40] =	vst v41;
	v46 =	vld [tilespmem:$0x6CB0]  }
0xa7: {  	[tilespmem:$0x6C50] =	vst v43;
	v48 =	vld [tilespmem:$0x6CC0];
	v47 =	vmul.f32 $5.656854150e+00, v38  }
0xa8: {  	[tilespmem:$0x6C60] =	vst v45;
	v50 =	vld [tilespmem:$0x6CD0];
	v49 =	vmul.f32 $5.656854150e+00, v40  }
0xa9: {  	v52 =	vld [tilespmem:$0x6CE0];
	v51 =	vmul.f32 $5.656854150e+00, v42;
	[tilespmem:$0x6C70] =	vst v47  }
0xaa: {  	v54 =	vld [tilespmem:$0x6CF0];
	[tilespmem:$0x6C80] =	vst v49;
	v53 =	vmul.f32 $5.656854150e+00, v44  }
0xab: {  	v56 =	vld [tilespmem:$0x6D00];
	[tilespmem:$0x6C90] =	vst v51;
	v55 =	vmul.f32 $5.656854150e+00, v46  }
0xac: {  	v58 =	vld [tilespmem:$0x6D10];
	v57 =	vmul.f32 $5.656854150e+00, v48;
	[tilespmem:$0x6CA0] =	vst v53  }
0xad: {  	v60 =	vld [tilespmem:$0x6D20];
	v59 =	vmul.f32 $5.656854150e+00, v50;
	[tilespmem:$0x6CB0] =	vst v55  }
0xae: {  	v62 =	vld [tilespmem:$0x6D30];
	v61 =	vmul.f32 $5.656854150e+00, v52;
	[tilespmem:$0x6CC0] =	vst v57  }
0xaf: {  	v9 =	vld [tilespmem:$0x6D40];
	v63 =	vmul.f32 $5.656854150e+00, v54;
	[tilespmem:$0x6CD0] =	vst v59  }
0xb0: {  	v11 =	vld [tilespmem:$0x6D50];
	v10 =	vmul.f32 $5.656854150e+00, v56;
	[tilespmem:$0x6CE0] =	vst v61  }
0xb1: {  	v13 =	vld [tilespmem:$0x6D60];
	v12 =	vmul.f32 $5.656854150e+00, v58;
	[tilespmem:$0x6CF0] =	vst v63  }
0xb2: {  	v15 =	vld [tilespmem:$0x6D70];
	v14 =	vmul.f32 $5.656854150e+00, v60;
	[tilespmem:$0x6D00] =	vst v10  }
0xb3: {  	v17 =	vld [tilespmem:$0x6D80];
	v16 =	vmul.f32 $5.656854150e+00, v62;
	[tilespmem:$0x6D10] =	vst v12  }
0xb4: {  	v19 =	vld [tilespmem:$0x6D90];
	v18 =	vmul.f32 $5.656854150e+00, v9;
	[tilespmem:$0x6D20] =	vst v14  }
0xb5: {  	v21 =	vld [tilespmem:$0x6DA0];
	v20 =	vmul.f32 $5.656854150e+00, v11;
	[tilespmem:$0x6D30] =	vst v16  }
0xb6: {  	v23 =	vld [tilespmem:$0x6DB0];
	v22 =	vmul.f32 $5.656854150e+00, v13;
	[tilespmem:$0x6D40] =	vst v18  }
0xb7: {  	v25 =	vld [tilespmem:$0x6DC0];
	v24 =	vmul.f32 $5.656854150e+00, v15;
	[tilespmem:$0x6D50] =	vst v20  }
0xb8: {  	v27 =	vld [tilespmem:$0x6DD0];
	v26 =	vmul.f32 $5.656854150e+00, v17;
	[tilespmem:$0x6D60] =	vst v22  }
0xb9: {  	v29 =	vld [tilespmem:$0x6DE0];
	v28 =	vmul.f32 $5.656854150e+00, v19;
	[tilespmem:$0x6D70] =	vst v24  }
0xba: {  	v31 =	vld [tilespmem:$0x6DF0];
	v30 =	vmul.f32 $5.656854150e+00, v21;
	[tilespmem:$0x6D80] =	vst v26  }
0xbb: {  	v33 =	vld [tilespmem:$0x6E00];
	v32 =	vmul.f32 $5.656854150e+00, v23;
	[tilespmem:$0x6D90] =	vst v28  }
0xbc: {  	v35 =	vld [tilespmem:$0x6E10];
	v34 =	vmul.f32 $5.656854150e+00, v25;
	[tilespmem:$0x6DA0] =	vst v30  }
0xbd: {  	v37 =	vld [tilespmem:$0x6E20];
	v36 =	vmul.f32 $5.656854150e+00, v27;
	[tilespmem:$0x6DB0] =	vst v32  }
0xbe: {  	v39 =	vld [tilespmem:$0x6E30];
	v38 =	vmul.f32 $5.656854150e+00, v29;
	[tilespmem:$0x6DC0] =	vst v34  }
0xbf: {  	v41 =	vld [tilespmem:$0x6E40];
	v40 =	vmul.f32 $5.656854150e+00, v31;
	[tilespmem:$0x6DD0] =	vst v36  }
0xc0: {  	v43 =	vld [tilespmem:$0x6E50];
	v42 =	vmul.f32 $5.656854150e+00, v33;
	[tilespmem:$0x6DE0] =	vst v38  }
0xc1: {  	v45 =	vld [tilespmem:$0x6E60];
	v44 =	vmul.f32 $5.656854150e+00, v35;
	[tilespmem:$0x6DF0] =	vst v40  }
0xc2: {  	v46 =	vmul.f32 $5.656854150e+00, v37;
	v47 =	vld [tilespmem:$0x6E70];
	[tilespmem:$0x6E00] =	vst v42  }
0xc3: {  	v48 =	vmul.f32 $5.656854150e+00, v39;
	v49 =	vld [tilespmem:$0x6E80];
	[tilespmem:$0x6E10] =	vst v44  }
0xc4: {  	v50 =	vmul.f32 $5.656854150e+00, v41;
	v51 =	vld [tilespmem:$0x6E90];
	[tilespmem:$0x6E20] =	vst v46  }
0xc5: {  	v52 =	vmul.f32 $5.656854150e+00, v43;
	[tilespmem:$0x6E30] =	vst v48;
	v53 =	vld [tilespmem:$0x6EA0]  }
0xc6: {  	v54 =	vmul.f32 $5.656854150e+00, v45;
	[tilespmem:$0x6E40] =	vst v50;
	v55 =	vld [tilespmem:$0x6EB0]  }
0xc7: {  	[tilespmem:$0x6E50] =	vst v52;
	v57 =	vld [tilespmem:$0x6EC0];
	v56 =	vmul.f32 $5.656854150e+00, v47  }
0xc8: {  	[tilespmem:$0x6E60] =	vst v54;
	v59 =	vld [tilespmem:$0x6ED0];
	v58 =	vmul.f32 $5.656854150e+00, v49  }
0xc9: {  	v61 =	vld [tilespmem:$0x6EE0];
	v60 =	vmul.f32 $5.656854150e+00, v51;
	[tilespmem:$0x6E70] =	vst v56  }
0xca: {  	v63 =	vld [tilespmem:$0x6EF0];
	[tilespmem:$0x6E80] =	vst v58;
	v62 =	vmul.f32 $5.656854150e+00, v53  }
0xcb: {  	v10 =	vld [tilespmem:$0x6F00];
	[tilespmem:$0x6E90] =	vst v60;
	v9 =	vmul.f32 $5.656854150e+00, v55  }
0xcc: {  	v12 =	vld [tilespmem:$0x6F10];
	v11 =	vmul.f32 $5.656854150e+00, v57;
	[tilespmem:$0x6EA0] =	vst v62  }
0xcd: {  	v14 =	vld [tilespmem:$0x6F20];
	v13 =	vmul.f32 $5.656854150e+00, v59;
	[tilespmem:$0x6EB0] =	vst v9  }
0xce: {  	v16 =	vld [tilespmem:$0x6F30];
	v15 =	vmul.f32 $5.656854150e+00, v61;
	[tilespmem:$0x6EC0] =	vst v11  }
0xcf: {  	v18 =	vld [tilespmem:$0x6F40];
	v17 =	vmul.f32 $5.656854150e+00, v63;
	[tilespmem:$0x6ED0] =	vst v13  }
0xd0: {  	v20 =	vld [tilespmem:$0x6F50];
	v19 =	vmul.f32 $5.656854150e+00, v10;
	[tilespmem:$0x6EE0] =	vst v15  }
0xd1: {  	v22 =	vld [tilespmem:$0x6F60];
	v21 =	vmul.f32 $5.656854150e+00, v12;
	[tilespmem:$0x6EF0] =	vst v17  }
0xd2: {  	v24 =	vld [tilespmem:$0x6F70];
	v23 =	vmul.f32 $5.656854150e+00, v14;
	[tilespmem:$0x6F00] =	vst v19  }
0xd3: {  	v26 =	vld [tilespmem:$0x6F80];
	v25 =	vmul.f32 $5.656854150e+00, v16;
	[tilespmem:$0x6F10] =	vst v21  }
0xd4: {  	v28 =	vld [tilespmem:$0x6F90];
	v27 =	vmul.f32 $5.656854150e+00, v18;
	[tilespmem:$0x6F20] =	vst v23  }
0xd5: {  	v30 =	vld [tilespmem:$0x6FA0];
	v29 =	vmul.f32 $5.656854150e+00, v20;
	[tilespmem:$0x6F30] =	vst v25  }
0xd6: {  	v32 =	vld [tilespmem:$0x6FB0];
	v31 =	vmul.f32 $5.656854150e+00, v22;
	[tilespmem:$0x6F40] =	vst v27  }
0xd7: {  	v34 =	vld [tilespmem:$0x6FC0];
	v33 =	vmul.f32 $5.656854150e+00, v24;
	[tilespmem:$0x6F50] =	vst v29  }
0xd8: {  	v36 =	vld [tilespmem:$0x6FD0];
	v35 =	vmul.f32 $5.656854150e+00, v26;
	[tilespmem:$0x6F60] =	vst v31  }
0xd9: {  	v38 =	vld [tilespmem:$0x6FE0];
	v37 =	vmul.f32 $5.656854150e+00, v28;
	[tilespmem:$0x6F70] =	vst v33  }
0xda: {  	v40 =	vld [tilespmem:$0x6FF0];
	v39 =	vmul.f32 $5.656854150e+00, v30;
	[tilespmem:$0x6F80] =	vst v35  }
0xdb: {  	v42 =	vld [tilespmem:$0x7000];
	v41 =	vmul.f32 $5.656854150e+00, v32;
	[tilespmem:$0x6F90] =	vst v37  }
0xdc: {  	v44 =	vld [tilespmem:$0x7010];
	v43 =	vmul.f32 $5.656854150e+00, v34;
	[tilespmem:$0x6FA0] =	vst v39  }
0xdd: {  	v46 =	vld [tilespmem:$0x7020];
	v45 =	vmul.f32 $5.656854150e+00, v36;
	[tilespmem:$0x6FB0] =	vst v41  }
0xde: {  	v48 =	vld [tilespmem:$0x7030];
	v47 =	vmul.f32 $5.656854150e+00, v38;
	[tilespmem:$0x6FC0] =	vst v43  }
0xdf: {  	v50 =	vld [tilespmem:$0x7040];
	v49 =	vmul.f32 $5.656854150e+00, v40;
	[tilespmem:$0x6FD0] =	vst v45  }
0xe0: {  	v52 =	vld [tilespmem:$0x7050];
	v51 =	vmul.f32 $5.656854150e+00, v42;
	[tilespmem:$0x6FE0] =	vst v47  }
0xe1: {  	v54 =	vld [tilespmem:$0x7060];
	v53 =	vmul.f32 $5.656854150e+00, v44;
	[tilespmem:$0x6FF0] =	vst v49  }
0xe2: {  	v55 =	vmul.f32 $5.656854150e+00, v46;
	v56 =	vld [tilespmem:$0x7070];
	[tilespmem:$0x7000] =	vst v51  }
0xe3: {  	v57 =	vmul.f32 $5.656854150e+00, v48;
	v58 =	vld [tilespmem:$0x7080];
	[tilespmem:$0x7010] =	vst v53  }
0xe4: {  	v59 =	vmul.f32 $5.656854150e+00, v50;
	v60 =	vld [tilespmem:$0x7090];
	[tilespmem:$0x7020] =	vst v55  }
0xe5: {  	v61 =	vmul.f32 $5.656854150e+00, v52;
	[tilespmem:$0x7030] =	vst v57;
	v62 =	vld [tilespmem:$0x70A0]  }
0xe6: {  	v63 =	vmul.f32 $5.656854150e+00, v54;
	[tilespmem:$0x7040] =	vst v59;
	v9 =	vld [tilespmem:$0x70B0]  }
0xe7: {  	[tilespmem:$0x7050] =	vst v61;
	v11 =	vld [tilespmem:$0x70C0];
	v10 =	vmul.f32 $5.656854150e+00, v56  }
0xe8: {  	[tilespmem:$0x7060] =	vst v63;
	v13 =	vld [tilespmem:$0x70D0];
	v12 =	vmul.f32 $5.656854150e+00, v58  }
0xe9: {  	v15 =	vld [tilespmem:$0x70E0];
	v14 =	vmul.f32 $5.656854150e+00, v60;
	[tilespmem:$0x7070] =	vst v10  }
0xea: {  	v17 =	vld [tilespmem:$0x70F0];
	[tilespmem:$0x7080] =	vst v12;
	v16 =	vmul.f32 $5.656854150e+00, v62  }
0xeb: {  	v19 =	vld [tilespmem:$0x7100];
	[tilespmem:$0x7090] =	vst v14;
	v18 =	vmul.f32 $5.656854150e+00, v9  }
0xec: {  	v21 =	vld [tilespmem:$0x7110];
	v20 =	vmul.f32 $5.656854150e+00, v11;
	[tilespmem:$0x70A0] =	vst v16  }
0xed: {  	v23 =	vld [tilespmem:$0x7120];
	v22 =	vmul.f32 $5.656854150e+00, v13;
	[tilespmem:$0x70B0] =	vst v18  }
0xee: {  	v25 =	vld [tilespmem:$0x7130];
	v24 =	vmul.f32 $5.656854150e+00, v15;
	[tilespmem:$0x70C0] =	vst v20  }
0xef: {  	v27 =	vld [tilespmem:$0x7140];
	v26 =	vmul.f32 $5.656854150e+00, v17;
	[tilespmem:$0x70D0] =	vst v22  }
0xf0: {  	v29 =	vld [tilespmem:$0x7150];
	v28 =	vmul.f32 $5.656854150e+00, v19;
	[tilespmem:$0x70E0] =	vst v24  }
0xf1: {  	v31 =	vld [tilespmem:$0x7160];
	v30 =	vmul.f32 $5.656854150e+00, v21;
	[tilespmem:$0x70F0] =	vst v26  }
0xf2: {  	v33 =	vld [tilespmem:$0x7170];
	v32 =	vmul.f32 $5.656854150e+00, v23;
	[tilespmem:$0x7100] =	vst v28  }
0xf3: {  	v35 =	vld [tilespmem:$0x7180];
	v34 =	vmul.f32 $5.656854150e+00, v25;
	[tilespmem:$0x7110] =	vst v30  }
0xf4: {  	v37 =	vld [tilespmem:$0x7190];
	v36 =	vmul.f32 $5.656854150e+00, v27;
	[tilespmem:$0x7120] =	vst v32  }
0xf5: {  	v39 =	vld [tilespmem:$0x71A0];
	v38 =	vmul.f32 $5.656854150e+00, v29;
	[tilespmem:$0x7130] =	vst v34  }
0xf6: {  	v41 =	vld [tilespmem:$0x71B0];
	v40 =	vmul.f32 $5.656854150e+00, v31;
	[tilespmem:$0x7140] =	vst v36  }
0xf7: {  	v43 =	vld [tilespmem:$0x71C0];
	v42 =	vmul.f32 $5.656854150e+00, v33;
	[tilespmem:$0x7150] =	vst v38  }
0xf8: {  	v45 =	vld [tilespmem:$0x71D0];
	v44 =	vmul.f32 $5.656854150e+00, v35;
	[tilespmem:$0x7160] =	vst v40  }
0xf9: {  	v47 =	vld [tilespmem:$0x71E0];
	v46 =	vmul.f32 $5.656854150e+00, v37;
	[tilespmem:$0x7170] =	vst v42  }
0xfa: {  	v49 =	vld [tilespmem:$0x71F0];
	v48 =	vmul.f32 $5.656854150e+00, v39;
	[tilespmem:$0x7180] =	vst v44  }
0xfb: {  	v51 =	vld [tilespmem:$0x7200];
	v50 =	vmul.f32 $5.656854150e+00, v41;
	[tilespmem:$0x7190] =	vst v46  }
0xfc: {  	v53 =	vld [tilespmem:$0x7210];
	v52 =	vmul.f32 $5.656854150e+00, v43;
	[tilespmem:$0x71A0] =	vst v48  }
0xfd: {  	v55 =	vld [tilespmem:$0x7220];
	v54 =	vmul.f32 $5.656854150e+00, v45;
	[tilespmem:$0x71B0] =	vst v50  }
0xfe: {  	v57 =	vld [tilespmem:$0x7230];
	v56 =	vmul.f32 $5.656854150e+00, v47;
	[tilespmem:$0x71C0] =	vst v52  }
0xff: {  	v59 =	vld [tilespmem:$0x7240];
	v58 =	vmul.f32 $5.656854150e+00, v49;
	[tilespmem:$0x71D0] =	vst v54  }
0x100: {  	v61 =	vld [tilespmem:$0x7250];
	v60 =	vmul.f32 $5.656854150e+00, v51;
	[tilespmem:$0x71E0] =	vst v56  }
0x101: {  	v63 =	vld [tilespmem:$0x7260];
	v62 =	vmul.f32 $5.656854150e+00, v53;
	[tilespmem:$0x71F0] =	vst v58  }
0x102: {  	v9 =	vmul.f32 $5.656854150e+00, v55;
	v10 =	vld [tilespmem:$0x7270];
	[tilespmem:$0x7200] =	vst v60  }
0x103: {  	v11 =	vmul.f32 $5.656854150e+00, v57;
	v12 =	vld [tilespmem:$0x7280];
	[tilespmem:$0x7210] =	vst v62  }
0x104: {  	v13 =	vmul.f32 $5.656854150e+00, v59;
	v14 =	vld [tilespmem:$0x7290];
	[tilespmem:$0x7220] =	vst v9  }
0x105: {  	v15 =	vmul.f32 $5.656854150e+00, v61;
	[tilespmem:$0x7230] =	vst v11;
	v16 =	vld [tilespmem:$0x72A0]  }
0x106: {  	v17 =	vmul.f32 $5.656854150e+00, v63;
	[tilespmem:$0x7240] =	vst v13;
	v18 =	vld [tilespmem:$0x72B0]  }
0x107: {  	[tilespmem:$0x7250] =	vst v15;
	v20 =	vld [tilespmem:$0x72C0];
	v19 =	vmul.f32 $5.656854150e+00, v10  }
0x108: {  	[tilespmem:$0x7260] =	vst v17;
	v22 =	vld [tilespmem:$0x72D0];
	v21 =	vmul.f32 $5.656854150e+00, v12  }
0x109: {  	v24 =	vld [tilespmem:$0x72E0];
	v23 =	vmul.f32 $5.656854150e+00, v14;
	[tilespmem:$0x7270] =	vst v19  }
0x10a: {  	v26 =	vld [tilespmem:$0x72F0];
	[tilespmem:$0x7280] =	vst v21;
	v25 =	vmul.f32 $5.656854150e+00, v16  }
0x10b: {  	v28 =	vld [tilespmem:$0x7300];
	[tilespmem:$0x7290] =	vst v23;
	v27 =	vmul.f32 $5.656854150e+00, v18  }
0x10c: {  	v30 =	vld [tilespmem:$0x7310];
	v29 =	vmul.f32 $5.656854150e+00, v20;
	[tilespmem:$0x72A0] =	vst v25  }
0x10d: {  	v32 =	vld [tilespmem:$0x7320];
	v31 =	vmul.f32 $5.656854150e+00, v22;
	[tilespmem:$0x72B0] =	vst v27  }
0x10e: {  	v34 =	vld [tilespmem:$0x7330];
	v33 =	vmul.f32 $5.656854150e+00, v24;
	[tilespmem:$0x72C0] =	vst v29  }
0x10f: {  	v36 =	vld [tilespmem:$0x7340];
	v35 =	vmul.f32 $5.656854150e+00, v26;
	[tilespmem:$0x72D0] =	vst v31  }
0x110: {  	v38 =	vld [tilespmem:$0x7350];
	v37 =	vmul.f32 $5.656854150e+00, v28;
	[tilespmem:$0x72E0] =	vst v33  }
0x111: {  	v40 =	vld [tilespmem:$0x7360];
	v39 =	vmul.f32 $5.656854150e+00, v30;
	[tilespmem:$0x72F0] =	vst v35  }
0x112: {  	v42 =	vld [tilespmem:$0x7370];
	v41 =	vmul.f32 $5.656854150e+00, v32;
	[tilespmem:$0x7300] =	vst v37  }
0x113: {  	v44 =	vld [tilespmem:$0x7380];
	v43 =	vmul.f32 $5.656854150e+00, v34;
	[tilespmem:$0x7310] =	vst v39  }
0x114: {  	v46 =	vld [tilespmem:$0x7390];
	v45 =	vmul.f32 $5.656854150e+00, v36;
	[tilespmem:$0x7320] =	vst v41  }
0x115: {  	v48 =	vld [tilespmem:$0x73A0];
	v47 =	vmul.f32 $5.656854150e+00, v38;
	[tilespmem:$0x7330] =	vst v43  }
0x116: {  	v50 =	vld [tilespmem:$0x73B0];
	v49 =	vmul.f32 $5.656854150e+00, v40;
	[tilespmem:$0x7340] =	vst v45  }
0x117: {  	v52 =	vld [tilespmem:$0x73C0];
	v51 =	vmul.f32 $5.656854150e+00, v42;
	[tilespmem:$0x7350] =	vst v47  }
0x118: {  	v54 =	vld [tilespmem:$0x73D0];
	v53 =	vmul.f32 $5.656854150e+00, v44;
	[tilespmem:$0x7360] =	vst v49  }
0x119: {  	v56 =	vld [tilespmem:$0x73E0];
	v55 =	vmul.f32 $5.656854150e+00, v46;
	[tilespmem:$0x7370] =	vst v51  }
0x11a: {  	v58 =	vld [tilespmem:$0x73F0];
	v57 =	vmul.f32 $5.656854150e+00, v48;
	[tilespmem:$0x7380] =	vst v53  }
0x11b: {  	v59 =	vmul.f32 $5.656854150e+00, v50;
	[tilespmem:$0x7390] =	vst v55  }
0x11c: {  	v60 =	vmul.f32 $5.656854150e+00, v52;
	[tilespmem:$0x73A0] =	vst v57  }
0x11d: {  	v61 =	vmul.f32 $5.656854150e+00, v54;
	[tilespmem:$0x73B0] =	vst v59  }
0x11e: {  	v62 =	vmul.f32 $5.656854150e+00, v56;
	[tilespmem:$0x73C0] =	vst v60  }
0x11f: {  	v63 =	vmul.f32 $5.656854150e+00, v58;
	[tilespmem:$0x73D0] =	vst v61  }
0x120: {  	p0 =	sne.s32 s13, $0x18E00;
	[tilespmem:$0x73E0] =	vst v62  }
.Ltmp0:
0x121: {  	s31 =	sadd.s32 s13, s6;
	[tilespmem:$0x73F0] =	vst v63;
	(pc) =	sbr.rel @p0 .LBB2_2-.Ltmp0, $4  }
0x122: {  	[hbm4b:s31+s2] =	stream.linear.scatter [tilespmem:s9], [sflag:$0x2], $0x1000, $0x38;
	[tilespmem:$0x7400] =	vst v63  }
0x123: {  	_ =	swait.ge [sflag:s11], $0x1000  }
0x124: {  	[sflag:s11] =	ssyncset.done $0x0  }
0x125: {  	s13 =	sadd.s32 $0x200, s13;
	[sflag:s11] =	ssyncadd.s32 $0xFFFFF000  }
0x126: {  	s12 =	sadd.s32 $0x1, s12  }
0x127: {  	p0 =	sne.s32 s12, s5  }
.Ltmp1:
0x128: {  	_ = 	snop;
	(pc) =	sbr.rel @p0 .LBB2_1-.Ltmp1, $1  }
0x129: {  	_ =	sdelay $0x3  }
0x12a: {  	_ =	sfence.sel $0x180000  }
0x12b: {  	[bflag:$0x0] =	sbarrier.arrive $0xFFFF  }
0x12c: {  	p0 =	sne.s32 s0, $0x0;
	_ =	strace $0x90000047  }
0x12d: {  	s0 =	sadd.s32 @!p0 $0x100000, s1;
	[bflag:$0x2] =	sbarrier.arrive $0xFFFF  }
0x12e: {  	[sflag:s0] =	ssyncadd.tile.s32 @!p0 $0x1;
	_ =	shalt  }
.Lfunc_end2:
_tile_overlayer_lowered:
.L_overlay_start_2:
0x12f: {  	(tag) =	ssettag $0x2  }
0x130: {  	s0 =	rddreg [dreg:$0x0];
	s2 =	stileid.u32  }
0x131: {  	s1 =	rddreg [dreg:$0x1];
	p0 =	sne.s32 s2, $0x0  }
0x132: {  	s3 =	rddreg [dreg:$0x2];
	[bflag:$0x3] =	sbarrier.arrive $0xFFFF;
	s2 =	simm.s32 @!p0 $0x1C03  }
0x133: {  	[timem:s3], [sflag:s2] =	dma.local @!p0 [hbm:s0], s1  }
0x134: {  	s0 =	simm.s32 @!p0 $0x3  }
0x135: {  	_ =	swait.ge @!p0 [sflag:s0], s1  }
0x136: {  	s1 =	ssub.s32 @!p0 $0x0, s1;
	[sflag:s0] =	ssyncset.done @!p0 $0x0  }
0x137: {  	[sflag:s0] =	ssyncadd.s32 @!p0 s1  }
0x138: {  	[bflag:$0x3] =	sbarrier.arrive $0xFFFF  }
0x139: {  	_ =	shalt  }

// kernel: sparse-core-data-format-call.1.cloned.1.call-start
scs
called_computation.1_lowered:
.L_overlay_start_0:
0x0: {  	s2 =	sld [smem:$0x3FD9]  }
0x1: {  	s3 =	sld [smem:$0x3FFE];
	_ =	sdelay $0x1  }
0x2: {  	s1 =	srdreg.scid  }
0x3: {  	s0 =	sand.u32 $0x1, s1  }
0x4: {  	s18 =	sshll.u32 s0, $0xA;
	s2 =	sadd.s32 s3, s2  }
0x5: {  	s2 =	sadd.s32 s2, s18  }
0x6: {  	[smem:$0x3FC6] =	sst s2  }
0x7: {  	_ = 	snop  }
0x8: {  	s2 =	sld [smem:$0x3FD0];
	(tm) =	ssettm $0x1  }
0x9: {  	s19 =	sld [smem:$0x3FFB];
	_ =	sdelay $0x3  }
0xa: {  	_ =	strace s19  }
0xb: {  	s3 =	sld [smem:$0x3FFC];
	_ =	sdelay $0x3  }
0xc: {  	_ =	strace s3  }
0xd: {  	s3 =	sld [smem:$0x3FFD];
	_ =	sdelay $0x3  }
0xe: {  	_ =	strace s3  }
0xf: {  	_ =	strace $0x8FFFFFFF  }
0x10: {  	s20 =	sld [smem:$0x3FDB];
	_ =	sdelay $0x1  }
0x11: {  	s4 =	simm.s32 $_scs_section_size  }
0x12: {  	s5 =	simm.s32 $_size__tile_overlayer_lowered;
	s6 =	simm.s32 $_tile_overlayer_lowered  }
0x13: {  	s23 =	simm.s32 $0x1BFF;
	s22 =	sshll.u32 s6, $0x1;
	s3 =	sadd.s32 s4, s20  }
0x14: {  	s7 =	simm.s32 $0x0;
	s21 =	sshll.u32 s5, $0x1;
	s5 =	sadd.s32 s22, s3  }
0x15: {  	[timem:s7], [sflag:s23] =	dma.local [hbm:s5], s21  }
0x16: {  	_ =	swait.ge [sflag:s23], s21  }
0x17: {  	s4 =	ssub.s32 $0x0, s21;
	[sflag:s23] =	ssyncset.done $0x0  }
0x18: {  	[sflag:s23] =	ssyncadd.s32 s4;
	_ =	sdelay $0x1  }
0x19: {  	s24 =	simm.s32 $0x1B8B  }
0x1a: {  	_ =	swait.ge [sflag:s24], $0x1  }
0x1b: {  	[sflag:s24] =	ssyncset.done $0x0  }
0x1c: {  	s26 =	simm.s32 $0x1B8E;
	s25 =	sld [smem:$0x3FFE];
	[sflag:s24] =	ssyncadd.s32 $0xFFFFFFFF  }
0x1d: {  	s27 =	simm.s32 $execute0_lowered;
	[smem:$0x3FD2] =	sst s26  }
0x1e: {  	s5 =	sshll.u32 s27, $0x1;
	_ =	strace $0x80000049;
	[dreg:$0x1] =	wrdreg $0xFFFFFFFF  }
0x1f: {  	s28 =	simm.s32 $_size_execute0_lowered;
	s3 =	sadd.s32 s3, s5;
	[dreg:$0x0] =	wrdreg $0x0  }
0x20: {  	s5 =	sshll.u32 s28, $0x1;
	[dreg:$0x2] =	wrdreg s3  }
0x21: {  	[dreg:$0x3] =	wrdreg s5  }
0x22: {  	[dreg:$0x4] =	wrdreg $0xC0  }
0x23: {  	_ =	task [dreg:s7], $0x5FFFF  }
0x24: {  	[dreg:$0x1] =	wrdreg $0xFFFFFFFF  }
0x25: {  	[dreg:$0x0] =	wrdreg $0x60  }
0x26: {  	[dreg:$0x2] =	wrdreg s25  }
0x27: {  	[dreg:$0x3] =	wrdreg s2  }
0x28: {  	[dreg:$0x4] =	wrdreg $0x9  }
0x29: {  	_ =	task.clear_ibuf [dreg:s7], $0x5FFFF;
	_ =	strace $0x90000049  }
0x2a: {  	s29 =	simm.s32 $0x9;
	_ =	strace $0x8000004B  }
0x2b: {  	_ =	swait.ge [sflag:s29], $0x1  }
0x2c: {  	[sflag:s29] =	ssyncadd.s32 $0xFFFFFFFF  }
0x2d: {  	_ =	strace $0x9000004B  }
0x2e: {  	_ =	sfence  }
0x2f: {  	s30 =	sld [smem:$0x0];
	_ =	sdelay $0x2  }
0x30: {  	s31 =	sshll.u32 s1, $0xD;
	s1 =	sshrl.u32 s1, $0x2  }
0x31: {  	s3 =	sand.u32 $0x4000, s31;
	s1 =	sadd.s32 s1, s30  }
0x32: {  	s0 =	sor.u32 s3, s0;
	s1 =	sshll.u32 s1, $0x11  }
0x33: {  	s0 =	sor.u32 s1, s0  }
0x34: {  	s0 =	sadd.s32 $0x8F2B, s0  }
0x35: {  	[sflag:s0] =	ssyncadd.remote.s32 $0x1  }
0x36: {  	_ =	sfence.sel $0xFFFF  }
0x37: {  	[dreg:$0x0] =	wrdreg $0xFFFFFFFF;
	(pc) =	sbr.abs _section_cstart, $3  }
0x38: {  	[dreg:$0x1] =	wrdreg $0xFFFFFFFF  }
0x39: {  	_ =	task.clear_ibuf [dreg:s7], $0x2FFFF;
	_ =	strace $0x9FFFFFFF  }
0x3a: {  	(tm) =	ssettm $0x7FFFFFFF  }
0x3b: {  	_ =	shalt  }
tec
execute0_lowered:
.L_overlay_start_1:
0x0: {  	(tag) =	ssettag $0x1  }
0x1: {  	s0 =	srdreg.scid  }
0x2: {  	s1 =	sshll.u32 s0, $0x4  }
0x3: {  	s4 =	rddreg [dreg:$0x0];
	s0 =	stileid.u32;
	s1 =	sand.u32 $0x10, s1  }
0x4: {  	s2 =	rddreg [dreg:$0x1];
	s7 =	simm.s32 $0x1;
	s1 =	sor.u32 s0, s1  }
0x5: {  	s8 =	simm.s32 $0x2;
	s11 =	simm.s32 $0x0;
	s3 =	sshll.u32 s1, $0x7  }
0x6: {  	s10 =	simm.s32 $0x0;
	s4 =	sadd.s32 $0xE00, s4;
	s6 =	ssub.s32 $0xC8000, s3  }
.Ltmp0:
0x7: {  	s1 =	rddreg [dreg:$0x2];
	s5 =	sand.u32 $0xF80, s6;
	(pc) =	sbr.rel .LBB1_1-.Ltmp0, $4  }
0x8: {  	_ =	strace $0x8000004A;
	s9 =	smov.u32 s3;
	p0 =	sne.s32 s5, $0x0  }
0x9: {  	s6 =	sshrl.u32 s6, $0xC;
	s5 =	simm.s32 $0x1;
	s7 =	simm.s32 @!p0 $0x0  }
0xa: {  	[sflag:s5] =	ssyncpa.u1 $0x0;
	p0 =	por $0x0, $0x0;
	s6 =	sadd.s32 s7, s6  }
0xb: {  	[sflag:s8] =	ssyncpa.u1 $0x0;
	s8 =	simm.s32 $0x640000;
	s7 =	sadd.s32 $0x1, s6  }
.LBB1_4:
0xc: {  	s14 =	sshll.u32 s11, $0x3  }
0xd: {  	s30 =	sand.u32 $0x7F, s11;
	s15 =	sand.u32 $0xFFFFFC00, s14  }
0xe: {  	s11 =	sor.u32 s30, s15  }
0xf: {  	s15 =	smulhi.u32 $0x51EB851F, s11  }
0x10: {  	s14 =	smulhi.u32 $0x51EB851F, s14  }
0x11: {  	s15 =	sshrl.u32 s15, $0x12  }
0x12: {  	s14 =	sshrl.u32 s14, $0x12;
	s15 =	smul.u32 $0xC8000, s15  }
0x13: {  	s14 =	sand.u32 $0x1F, s14  }
0x14: {  	s14 =	smul.u32 $0x19000, s14;
	s11 =	ssub.s32 s11, s15  }
0x15: {  	s15 =	sand.u32 $0x7, s11  }
0x16: {  	s14 =	sadd.s32 s2, s14;
	s11 =	sshrl.u32 s11, $0x3;
	s15 =	sshll.u32 s15, $0x12  }
0x17: {  	[tilespmem:s13+$0x0 ss:$0x81] =	vst.msk $0xffff, v0;
	s11 =	sadd.s32 s11, s14;
	s31 =	sor.u32 $0x400, s15  }
0x18: {  	[hbm4b:s11+s31] =	stream.strided.scatter [tilespmem:s12], [sflag:$0x2], $0x1000, s8, s31, $0x20;
	[tilespmem:$0x4040] =	vst v63  }
.LBB1_5:
0x19: {  	s13 =	sadd.s32 $0x1000, s9  }
0x1a: {  	p2 =	sgt.s32 s13, $0xC7FFF  }
0x1b: {  	s13 =	smov.u32 @p2 s3;
	p2 =	sne.s32 s10, s7  }
.Ltmp1:
0x1c: {  	p1 =	slt.u32 s10, $0x2;
	(pc) =	sbr.rel @!p2 .LBB1_6-.Ltmp1, $4  }
0x1d: {  	s12 =	simm.s32 @!p1 $0x2  }
0x1e: {  	s14 =	sadd.s32 $0x1, s10;
	_ =	swait.ge @!p1 [sflag:s12], $0x1000  }
0x1f: {  	s11 =	smov.u32 s9;
	p0 =	por !p0, !p0;
	[sflag:s12] =	ssyncset.done @!p1 $0x0  }
0x20: {  	s10 =	smov.u32 s14;
	s9 =	smov.u32 s13;
	[sflag:s12] =	ssyncadd.s32 @!p1 $0xFFFFF000  }
.LBB1_1:
0x21: {  	p1 =	sge.u32 s10, s6  }
0x22: {  	s12 =	sand.u32 @!p1 $0x1FFFFFF, s9  }
0x23: {  	s13 =	smulhi.u32 @!p1 $0x147AE15, s12;
	_ =	sdelay $0x1  }
0x24: {  	s13 =	sshrl.u32 @!p1 s13, $0xC  }
0x25: {  	s13 =	smul.u32 @!p1 $0xC8000, s13;
	_ =	sdelay $0x1  }
0x26: {  	s31 =	sadd.s32 $0xFFFFFFFF, s10;
	s14 =	sxor.u32 @!p1 $0xFFFFFFFF, s10;
	s12 =	ssub.s32 @!p1 s12, s13  }
0x27: {  	s15 =	simm.s32 @!p1 $0x80;
	s14 =	sshll.u32 @!p1 s14, $0xC;
	s12 =	sshll.u32 @!p1 s12, $0x4  }
0x28: {  	s13 =	sand.u32 @!p1 $0x1000, s14;
	s14 =	simm.s32 @!p1 $0x20;
	s12 =	sadd.s32 @!p1 s4, s12  }
0x29: {  	[tilespmem:s13], [sflag:$0x1] =	stream.strided.gather @!p1 [hbm4b:s12+s14], $0x1000, s15, s14, $0x38;
	[tilespmem:$0x4040] =	vst v63  }
0x2a: {  	p1 =	sge.u32 s31, s6  }
.Ltmp2:
0x2b: {  	_ = 	snop;
	(pc) =	sbr.rel @p1 .LBB1_5-.Ltmp2, $1  }
0x2c: {  	_ =	sdelay $0x3  }
0x2d: {  	s12 =	simm.s32 $0x1  }
0x2e: {  	_ =	swait.ge [sflag:s5], $0x1000;
	s12 =	simm.s32 @!p0 $0x0  }
0x2f: {  	[sflag:s5] =	ssyncset.done $0x0;
	s13 =	sshll.u32 s12, $0xC  }
0x30: {  	[sflag:s5] =	ssyncadd.s32 $0xFFFFF000;
	s16 =	sor.u32 $0x10, s13  }
0x31: {  	s12 =	smul.u32 $0x4080, s12;
	v1 =	vld [tilespmem:s16+$0x0]  }
0x32: {  	s30 =	sand.u32 $0x1, s10;
	v0 =	vld [tilespmem:s16+$0xFFFFFFF0]  }
0x33: {  	s13 =	smul.u32 $0x4080, s30;
	s12 =	sshrl.u32 s12, $0x2  }
0x34: {  	s14 =	sor.u32 $0x2000, s12  }
0x35: {  	s31 =	sshrl.u32 s13, $0x2;
	s13 =	sadd.s32 $0x0, s14  }
0x36: {  	s15 =	simm.s32 $0x4;
	s16 =	sadd.s32 $0x20, s16;
	s12 =	sor.u32 $0x2000, s31;
	[tilespmem:s13+$0x810 ss:$0x81] =	vst.msk $0xffff, v1  }
.LBB1_3:
0x37: {  	v1 =	vld [tilespmem:s16+$0x0];
	p1 =	sne.s32 s15, $0x1FC;
	[tilespmem:s13+$0x0 ss:$0x81] =	vst.msk $0xffff, v0;
	s13 =	smov.u32 s15;
	s15 =	sadd.s32 $0x4, s15  }
.Ltmp3:
0x38: {  	v0 =	vld [tilespmem:s16+$0xFFFFFFF0];
	(pc) =	sbr.rel @p1 .LBB1_3-.Ltmp3, $4  }
0x39: {  	_ = 	snop  }
0x3a: {  	s13 =	sshra.s32 s13, $0x2  }
0x3b: {  	s13 =	sadd.s32 s13, s14  }
0x3c: {  	s16 =	sadd.s32 $0x20, s16;
	[tilespmem:s13+$0x810 ss:$0x81] =	vst.msk $0xffff, v1  }
.Ltmp4:
0x3d: {  	_ = 	snop;
	(pc) =	sbr.rel .LBB1_4-.Ltmp4, $1  }
0x3e: {  	_ =	sdelay $0x3  }
.LBB1_6:
0x3f: {  	_ =	sfence.sel $0x180000  }
0x40: {  	s2 =	simm.s32 $0x1;
	[bflag:$0x0] =	sbarrier.arrive $0xFFFF  }
0x41: {  	s31 =	simm.s32 $0x2;
	[sflag:s2] =	ssyncpa.u1 $0x1  }
0x42: {  	[sflag:s31] =	ssyncpa.u1 $0x1  }
0x43: {  	p0 =	sne.s32 s0, $0x0;
	_ =	strace $0x9000004A  }
0x44: {  	s0 =	sadd.s32 @!p0 $0x100000, s1;
	[bflag:$0x2] =	sbarrier.arrive $0xFFFF  }
0x45: {  	[sflag:s0] =	ssyncadd.tile.s32 @!p0 $0x1;
	_ =	shalt  }
.Lfunc_end1:
_tile_overlayer_lowered:
.L_overlay_start_2:
0x46: {  	(tag) =	ssettag $0x2  }
0x47: {  	s0 =	rddreg [dreg:$0x0];
	s2 =	stileid.u32  }
0x48: {  	s1 =	rddreg [dreg:$0x1];
	p0 =	sne.s32 s2, $0x0  }
0x49: {  	s3 =	rddreg [dreg:$0x2];
	[bflag:$0x3] =	sbarrier.arrive $0xFFFF;
	s2 =	simm.s32 @!p0 $0x1C01  }
0x4a: {  	[timem:s3], [sflag:s2] =	dma.local @!p0 [hbm:s0], s1  }
0x4b: {  	s0 =	simm.s32 @!p0 $0x1  }
0x4c: {  	_ =	swait.ge @!p0 [sflag:s0], s1  }
0x4d: {  	s1 =	ssub.s32 @!p0 $0x0, s1;
	[sflag:s0] =	ssyncset.done @!p0 $0x0  }
0x4e: {  	[sflag:s0] =	ssyncadd.s32 @!p0 s1  }
0x4f: {  	[bflag:$0x3] =	sbarrier.arrive $0xFFFF  }
0x50: {  	_ =	shalt  }

// kernel: sparse-core-data-format-call.cloned.1.call-start
scs
called_computation_lowered:
.L_overlay_start_0:
0x0: {  	s2 =	sld [smem:$0x3FD9]  }
0x1: {  	s3 =	sld [smem:$0x3FFE];
	_ =	sdelay $0x1  }
0x2: {  	s1 =	srdreg.scid  }
0x3: {  	s0 =	sand.u32 $0x1, s1  }
0x4: {  	s18 =	sshll.u32 s0, $0xA;
	s2 =	sadd.s32 s3, s2  }
0x5: {  	s2 =	sadd.s32 s2, s18  }
0x6: {  	[smem:$0x3FC6] =	sst s2  }
0x7: {  	_ = 	snop  }
0x8: {  	s2 =	sld [smem:$0x3FD0];
	(tm) =	ssettm $0x1  }
0x9: {  	s19 =	sld [smem:$0x3FFB];
	_ =	sdelay $0x3  }
0xa: {  	_ =	strace s19  }
0xb: {  	s3 =	sld [smem:$0x3FFC];
	_ =	sdelay $0x3  }
0xc: {  	_ =	strace s3  }
0xd: {  	s3 =	sld [smem:$0x3FFD];
	_ =	sdelay $0x3  }
0xe: {  	_ =	strace s3  }
0xf: {  	_ =	strace $0x8FFFFFFF  }
0x10: {  	s20 =	sld [smem:$0x3FDB];
	_ =	sdelay $0x1  }
0x11: {  	s4 =	simm.s32 $_scs_section_size  }
0x12: {  	s5 =	simm.s32 $_size__tile_overlayer_lowered;
	s6 =	simm.s32 $_tile_overlayer_lowered  }
0x13: {  	s23 =	simm.s32 $0x1BFF;
	s22 =	sshll.u32 s6, $0x1;
	s3 =	sadd.s32 s4, s20  }
0x14: {  	s7 =	simm.s32 $0x0;
	s21 =	sshll.u32 s5, $0x1;
	s5 =	sadd.s32 s22, s3  }
0x15: {  	[timem:s7], [sflag:s23] =	dma.local [hbm:s5], s21  }
0x16: {  	_ =	swait.ge [sflag:s23], s21  }
0x17: {  	s4 =	ssub.s32 $0x0, s21;
	[sflag:s23] =	ssyncset.done $0x0  }
0x18: {  	[sflag:s23] =	ssyncadd.s32 s4;
	_ =	sdelay $0x1  }
0x19: {  	s24 =	simm.s32 $0x1B8B  }
0x1a: {  	_ =	swait.ge [sflag:s24], $0x1  }
0x1b: {  	[sflag:s24] =	ssyncset.done $0x0  }
0x1c: {  	s26 =	simm.s32 $0x1B8E;
	s25 =	sld [smem:$0x3FFE];
	[sflag:s24] =	ssyncadd.s32 $0xFFFFFFFF  }
0x1d: {  	s27 =	simm.s32 $execute0_lowered;
	[smem:$0x3FD2] =	sst s26  }
0x1e: {  	s5 =	sshll.u32 s27, $0x1;
	_ =	strace $0x8000004C;
	[dreg:$0x1] =	wrdreg $0xFFFFFFFF  }
0x1f: {  	s28 =	simm.s32 $_size_execute0_lowered;
	s3 =	sadd.s32 s3, s5;
	[dreg:$0x0] =	wrdreg $0x0  }
0x20: {  	s5 =	sshll.u32 s28, $0x1;
	[dreg:$0x2] =	wrdreg s3  }
0x21: {  	[dreg:$0x3] =	wrdreg s5  }
0x22: {  	[dreg:$0x4] =	wrdreg $0xC0  }
0x23: {  	_ =	task [dreg:s7], $0x5FFFF  }
0x24: {  	[dreg:$0x1] =	wrdreg $0xFFFFFFFF  }
0x25: {  	[dreg:$0x0] =	wrdreg $0x60  }
0x26: {  	[dreg:$0x2] =	wrdreg s25  }
0x27: {  	[dreg:$0x3] =	wrdreg s2  }
0x28: {  	[dreg:$0x4] =	wrdreg $0x9  }
0x29: {  	_ =	task.clear_ibuf [dreg:s7], $0x5FFFF;
	_ =	strace $0x9000004C  }
0x2a: {  	s29 =	simm.s32 $0x9;
	_ =	strace $0x8000004E  }
0x2b: {  	_ =	swait.ge [sflag:s29], $0x1  }
0x2c: {  	[sflag:s29] =	ssyncadd.s32 $0xFFFFFFFF  }
0x2d: {  	_ =	strace $0x9000004E  }
0x2e: {  	_ =	sfence  }
0x2f: {  	s30 =	sld [smem:$0x0];
	_ =	sdelay $0x2  }
0x30: {  	s31 =	sshll.u32 s1, $0xD;
	s1 =	sshrl.u32 s1, $0x2  }
0x31: {  	s3 =	sand.u32 $0x4000, s31;
	s1 =	sadd.s32 s1, s30  }
0x32: {  	s0 =	sor.u32 s3, s0;
	s1 =	sshll.u32 s1, $0x11  }
0x33: {  	s0 =	sor.u32 s1, s0  }
0x34: {  	s0 =	sadd.s32 $0x8F2B, s0  }
0x35: {  	[sflag:s0] =	ssyncadd.remote.s32 $0x1  }
0x36: {  	_ =	sfence.sel $0xFFFF  }
0x37: {  	[dreg:$0x0] =	wrdreg $0xFFFFFFFF;
	(pc) =	sbr.abs _section_cstart, $3  }
0x38: {  	[dreg:$0x1] =	wrdreg $0xFFFFFFFF  }
0x39: {  	_ =	task.clear_ibuf [dreg:s7], $0x2FFFF;
	_ =	strace $0x9FFFFFFF  }
0x3a: {  	(tm) =	ssettm $0x7FFFFFFF  }
0x3b: {  	_ =	shalt  }
tec
execute0_lowered:
.L_overlay_start_1:
0x0: {  	(tag) =	ssettag $0x1  }
0x1: {  	s8 =	rddreg [dreg:$0x0]  }
0x2: {  	s2 =	rddreg [dreg:$0x1];
	s1 =	stileid.u32  }
0x3: {  	s4 =	srdreg.scid;
	s0 =	rddreg [dreg:$0x2];
	_ =	strace $0x8000004D  }
0x4: {  	s9 =	simm.s32 $0x1;
	s31 =	simm.s32 $0x2;
	s16 =	simm.s32 $0x0  }
0x5: {  	s17 =	simm.s32 $0x0;
	s11 =	simm.s32 $0x0;
	s12 =	simm.s32 $0x0  }
0x6: {  	s15 =	simm.s32 $0x0;
	s3 =	sshll.u32 s1, $0x1;
	s4 =	sshll.u32 s4, $0x7  }
0x7: {  	s4 =	sand.u32 $0x80, s4;
	s5 =	ssub.s32 $0x20, s3;
	s14 =	smov.u32 s3  }
0x8: {  	s6 =	sshrl.u32 s5, $0x5;
	s5 =	sand.u32 $0x1E, s5;
	s7 =	ssub.s32 $0x4000, s4  }
0x9: {  	p0 =	sne.s32 s5, $0x0;
	s30 =	sshrl.u32 s7, $0x7;
	s7 =	sshrl.u32 s7, $0x8  }
.Ltmp0:
0xa: {  	s9 =	simm.s32 @!p0 $0x0;
	s10 =	sand.u32 $0x1, s30;
	(pc) =	sbr.rel .LBB1_1-.Ltmp0, $4  }
0xb: {  	s5 =	simm.s32 $0x1;
	s6 =	sadd.s32 s9, s6;
	s7 =	sadd.s32 s7, s10  }
0xc: {  	s13 =	smov.u32 s4;
	[sflag:s5] =	ssyncpa.u1 $0x0;
	s6 =	smul.u32 s6, s7  }
0xd: {  	p0 =	por $0x0, $0x0;
	[sflag:s31] =	ssyncpa.u1 $0x0;
	s10 =	simm.s32 $0x80000  }
0xe: {  	s7 =	sadd.s32 $0xE00, s8;
	s8 =	sadd.s32 $0x40E00, s8;
	s9 =	sadd.s32 $0x1, s6  }
.LBB1_7:
0xf: {  	p1 =	slt.u32 s15, $0x2  }
0x10: {  	s19 =	smov.u32 s17;
	p2 =	sgt.s32 @!p1 s17, $0x1E;
	s18 =	sshra.s32 @!p1 s17, $0x1F  }
0x11: {  	p3 =	sgt.s32 @!p1 s16, $0x3F80;
	s20 =	sshra.s32 @!p1 s16, $0x1F;
	p2 =	por !p2, p1  }
0x12: {  	s17 =	sand.u32 @!p1 s18, s17;
	p3 =	por !p3, p1;
	s18 =	smov.u32 s16  }
0x13: {  	s16 =	sand.u32 @!p1 s20, s16;
	s19 =	simm.s32 @p2 $0x1E;
	s18 =	simm.s32 @p3 $0x3F80  }
0x14: {  	s20 =	smov.u32 s14;
	s17 =	ssub.s32 @!p1 s19, s17;
	s16 =	ssub.s32 @!p1 s18, s16  }
0x15: {  	s18 =	sadd.s32 @!p1 $0xFFFFFFE2, s17;
	s17 =	ssub.s32 @!p1 $0x20, s17;
	s19 =	sadd.s32 @!p1 $0xFFFFC080, s16  }
0x16: {  	p2 =	sgt.s32 @!p1 s18, $0x1;
	s17 =	smul.u32 @!p1 $0x32, s17;
	p3 =	sgt.s32 @!p1 s19, $0x7F  }
0x17: {  	s16 =	ssub.s32 @!p1 $0x4000, s16;
	p2 =	por !p2, p1;
	p3 =	por !p3, p1  }
0x18: {  	s18 =	sadd.s32 $0x100, s13;
	s17 =	simm.s32 @!p2 $0x0;
	s16 =	simm.s32 @!p3 $0x0  }
0x19: {  	p2 =	sgt.s32 s18, $0x3FFF;
	s16 =	smul.u32 @!p1 s16, s17;
	s17 =	sadd.s32 $0x20, s14  }
0x1a: {  	s20 =	smov.u32 @p2 s17  }
0x1b: {  	s18 =	smov.u32 @p2 s4;
	p2 =	sgt.s32 s20, $0x1F  }
0x1c: {  	s20 =	smov.u32 @p2 s3;
	p2 =	sne.s32 s15, s9  }
.Ltmp1:
0x1d: {  	p0 =	por !p0, !p0;
	s19 =	simm.s32 @!p1 $0x2;
	(pc) =	sbr.rel @!p2 .LBB1_8-.Ltmp1, $4  }
0x1e: {  	s17 =	smov.u32 s12;
	s12 =	smov.u32 s14;
	s16 =	sand.u32 @!p1 $0x3FFFFFFE, s16  }
0x1f: {  	_ =	swait.ge @!p1 [sflag:s19], s16;
	s21 =	ssub.s32 @!p1 $0x0, s16;
	s16 =	smov.u32 s11  }
0x20: {  	s15 =	sadd.s32 $0x1, s15;
	s11 =	smov.u32 s13;
	[sflag:s19] =	ssyncset.done @!p1 $0x0  }
0x21: {  	s13 =	smov.u32 s18;
	s14 =	smov.u32 s20;
	[sflag:s19] =	ssyncadd.s32 @!p1 s21  }
.LBB1_1:
0x22: {  	p1 =	sge.u32 s15, s6  }
0x23: {  	s18 =	sxor.u32 @!p1 $0xFFFFFFFF, s15;
	s19 =	sshll.u32 @!p1 s14, $0x12  }
0x24: {  	s20 =	sshll.u32 @!p1 s13, $0x4;
	s22 =	simm.s32 @!p1 $0x40;
	s23 =	simm.s32 @!p1 $0x80  }
0x25: {  	s18 =	sshll.u32 @!p1 s18, $0xE;
	s20 =	sand.u32 @!p1 $0x3FFF0, s20;
	s21 =	sadd.s32 @!p1 s7, s19  }
0x26: {  	s19 =	sadd.s32 @!p1 s19, s8;
	s18 =	sand.u32 @!p1 $0x4000, s18;
	s21 =	sadd.s32 @!p1 s20, s21  }
0x27: {  	[tilespmem:s18], [sflag:$0x1] =	stream.strided.gather @!p1 [hbm4b:s21+s22], $0x2000, s23, s22, $0x38;
	[tilespmem:$0x10100] =	vst v63  }
0x28: {  	s31 =	sadd.s32 $0xFFFFFFFF, s15;
	s19 =	sadd.s32 @!p1 s20, s19;
	s18 =	sor.u32 @!p1 $0x2000, s18  }
0x29: {  	[tilespmem:s18], [sflag:$0x1] =	stream.strided.gather @!p1 [hbm4b:s19+s22], $0x2000, s23, s22, $0x38;
	[tilespmem:$0x10100] =	vst v63  }
0x2a: {  	p1 =	sge.u32 s31, s6  }
.Ltmp2:
0x2b: {  	_ = 	snop;
	(pc) =	sbr.rel @p1 .LBB1_7-.Ltmp2, $1  }
0x2c: {  	_ =	sdelay $0x3  }
0x2d: {  	s18 =	simm.s32 $0x1;
	s20 =	sand.u32 $0x1, s15  }
0x2e: {  	_ =	swait.ge [sflag:s5], $0x4000;
	s18 =	simm.s32 @!p0 $0x0;
	s20 =	smul.u32 $0x10200, s20  }
0x2f: {  	p2 =	por $0x1, $0x1;
	[sflag:s5] =	ssyncset.done $0x0;
	s19 =	smul.u32 $0x10200, s18  }
0x30: {  	s21 =	sshll.u32 s18, $0x10;
	[sflag:s5] =	ssyncadd.s32 $0xFFFFC000;
	s30 =	sshrl.u32 s20, $0x2  }
0x31: {  	s31 =	sshrl.u32 s21, $0x2;
	s21 =	simm.s32 $0x0;
	s19 =	sshrl.u32 s19, $0x2  }
0x32: {  	s18 =	sor.u32 $0x8000, s30;
	s20 =	sadd.s32 $0x20, s31;
	s19 =	sor.u32 $0x8000, s19  }
.LBB1_3:
0x33: {  	s22 =	sshll.u32 s21, $0xD  }
0x34: {  	s22 =	sand.u32 $0x3FFFE000, s22  }
0x35: {  	s24 =	sadd.s32 s22, s20  }
0x36: {  	s31 =	smul.u32 $0x204, s21;
	v3 =	vld [tilespmem:s24+$0x10]  }
0x37: {  	v1 =	vld [tilespmem:s24+$0xFFFFFFF0]  }
0x38: {  	s21 =	sshra.s32 s31, $0x2;
	v0 =	vld [tilespmem:s24+$0x0]  }
0x39: {  	s21 =	sadd.s32 s21, s19;
	v2 =	vld [tilespmem:s24+$0xFFFFFFE0]  }
0x3a: {  	s22 =	sadd.s32 $0x0, s21  }
0x3b: {  	p1 =	por p2, p2;
	s23 =	simm.s32 $0x4;
	s24 =	sadd.s32 $0x40, s24;
	[tilespmem:s22+$0x3060 ss:$0x102] =	vst.msk $0xffff, v3  }
.LBB1_4:
0x3c: {  	v3 =	vld [tilespmem:s24+$0x10];
	p2 =	sne.s32 s23, $0x1FC;
	[tilespmem:s22+$0x1020 ss:$0x102] =	vst.msk $0xffff, v1;
	s25 =	smov.u32 s23;
	s23 =	sadd.s32 $0x4, s23  }
.Ltmp3:
0x3d: {  	v1 =	vld [tilespmem:s24+$0xFFFFFFF0];
	[tilespmem:s22+$0x2040 ss:$0x102] =	vst.msk $0xffff, v0;
	(pc) =	sbr.rel @p2 .LBB1_4-.Ltmp3, $4  }
0x3e: {  	v0 =	vld [tilespmem:s24+$0x0];
	[tilespmem:s22+$0x0 ss:$0x102] =	vst.msk $0xffff, v2  }
0x3f: {  	s22 =	sshra.s32 s25, $0x2;
	v2 =	vld [tilespmem:s24+$0xFFFFFFE0]  }
0x40: {  	s22 =	sadd.s32 s22, s21  }
0x41: {  	s24 =	sadd.s32 $0x40, s24;
	[tilespmem:s22+$0x3060 ss:$0x102] =	vst.msk $0xffff, v3  }
.Ltmp4:
0x42: {  	(pc) =	sbr.rel @p1 .LBB1_3-.Ltmp4, $4  }
0x43: {  	_ = 	snop  }
0x44: {  	[tilespmem:s22+$0x1020 ss:$0x102] =	vst.msk $0xffff, v1  }
0x45: {  	[tilespmem:s22+$0x2040 ss:$0x102] =	vst.msk $0xffff, v0  }
0x46: {  	s21 =	simm.s32 $0x1;
	p2 =	por $0x0, $0x0;
	[tilespmem:s22+$0x0 ss:$0x102] =	vst.msk $0xffff, v2  }
0x47: {  	s19 =	sand.u32 $0x78, s11;
	p1 =	sgt.s32 s12, $0x1E;
	s20 =	smov.u32 s12  }
0x48: {  	s21 =	sshra.s32 s12, $0x1F;
	s22 =	sshll.u32 s12, $0xE;
	s23 =	sshll.u32 s11, $0x3  }
0x49: {  	s30 =	sshra.s32 s11, $0x1F;
	s25 =	sshll.u32 s12, $0x7;
	s20 =	simm.s32 @!p1 $0x1E  }
0x4a: {  	s21 =	sand.u32 s21, s12;
	s22 =	sand.u32 $0x60000, s22;
	p1 =	sgt.s32 s11, $0x3F80  }
0x4b: {  	s25 =	sand.u32 $0x380, s25;
	s20 =	ssub.s32 s20, s21;
	s21 =	smov.u32 s11  }
0x4c: {  	s22 =	sadd.s32 s22, s23;
	s24 =	sadd.s32 $0xFFFFFFE2, s20;
	s21 =	simm.s32 @!p1 $0x3F80  }
0x4d: {  	s20 =	ssub.s32 $0x20, s20;
	p1 =	sgt.s32 s24, $0x1;
	s24 =	sand.u32 s30, s11  }
0x4e: {  	s23 =	sand.u32 $0x3C00, s23;
	s20 =	smul.u32 $0x32, s20;
	s21 =	ssub.s32 s21, s24  }
0x4f: {  	s19 =	sor.u32 s25, s19;
	s22 =	sand.u32 $0x7C000, s22;
	s24 =	sadd.s32 $0xFFFFC080, s21  }
0x50: {  	s20 =	simm.s32 @p1 $0x0;
	s21 =	ssub.s32 $0x4000, s21;
	p1 =	sgt.s32 s24, $0x7F  }
.Ltmp5:
0x51: {  	s19 =	sor.u32 s23, s19;
	s21 =	simm.s32 @p1 $0x0;
	(pc) =	sbr.rel .LBB1_7-.Ltmp5, $4  }
0x52: {  	s31 =	sand.u32 $0x7, s11;
	s19 =	sor.u32 s22, s19;
	s20 =	smul.u32 s21, s20  }
0x53: {  	s19 =	sshrl.u32 s19, $0x3;
	s21 =	sshll.u32 s31, $0x12  }
0x54: {  	s19 =	sadd.s32 s2, s19;
	s21 =	sor.u32 $0x100, s21;
	s20 =	sand.u32 $0x3FFFFFFE, s20  }
0x55: {  	[hbm4b:s19+s21] =	stream.strided.scatter [tilespmem:s18], [sflag:$0x2], s20, s10, s21, $0x20;
	[tilespmem:$0x10100] =	vst v63  }
.LBB1_8:
0x56: {  	_ =	sfence.sel $0x180000  }
0x57: {  	s2 =	simm.s32 $0x1;
	[bflag:$0x0] =	sbarrier.arrive $0xFFFF  }
0x58: {  	s31 =	simm.s32 $0x2;
	[sflag:s2] =	ssyncpa.u1 $0x1  }
0x59: {  	[sflag:s31] =	ssyncpa.u1 $0x1  }
0x5a: {  	p0 =	sne.s32 s1, $0x0;
	_ =	strace $0x9000004D  }
0x5b: {  	s0 =	sadd.s32 @!p0 $0x100000, s0;
	[bflag:$0x2] =	sbarrier.arrive $0xFFFF  }
0x5c: {  	[sflag:s0] =	ssyncadd.tile.s32 @!p0 $0x1;
	_ =	shalt  }
.Lfunc_end1:
_tile_overlayer_lowered:
.L_overlay_start_2:
0x5d: {  	(tag) =	ssettag $0x2  }
0x5e: {  	s0 =	rddreg [dreg:$0x0];
	s2 =	stileid.u32  }
0x5f: {  	s1 =	rddreg [dreg:$0x1];
	p0 =	sne.s32 s2, $0x0  }
0x60: {  	s3 =	rddreg [dreg:$0x2];
	[bflag:$0x3] =	sbarrier.arrive $0xFFFF;
	s2 =	simm.s32 @!p0 $0x1C01  }
0x61: {  	[timem:s3], [sflag:s2] =	dma.local @!p0 [hbm:s0], s1  }
0x62: {  	s0 =	simm.s32 @!p0 $0x1  }
0x63: {  	_ =	swait.ge @!p0 [sflag:s0], s1  }
0x64: {  	s1 =	ssub.s32 @!p0 $0x0, s1;
	[sflag:s0] =	ssyncset.done @!p0 $0x0  }
0x65: {  	[sflag:s0] =	ssyncadd.s32 @!p0 s1  }
0x66: {  	[bflag:$0x3] =	sbarrier.arrive $0xFFFF  }
0x67: {  	_ =	shalt  }

</sc_bundles>
